<compile_context>
chip_gen: v7x
topology: tpu7x:2x2x1
jax: 0.10.2.dev20260603
libtpu: 0.0.44.dev20260713+nightly
codegen_flags: <defaults>
</compile_context>

<pallas_src>
import functools

import jax
import jax.numpy as jnp
from jax import lax
from jax.experimental import pallas as pl
from jax.experimental.pallas import tpu as pltpu
from jax.experimental.pallas import tpu_sc as plsc

N = 10000
E = 320000
D = 128

NC = 2
NS = 16
NW = NC * NS
CHUNK = 128
ITERS = 80
G = 8
GROUPS = ITERS // G
NCHUNKS = NW * ITERS
EPAD = NCHUNKS * CHUNK
NPAD = 10240
ROWS_PER_SUB = NPAD // NS
SWEEP = ROWS_PER_SUB // CHUNK
DUMMY_ROW = NPAD - 1

_MESH = dict(core_axis_name="c", subcore_axis_name="s",
             num_cores=NC, num_subcores=NS)


def _ids():
  cid = lax.axis_index("c")
  sid = lax.axis_index("s")
  return cid, sid, sid * NC + cid, sid * ROWS_PER_SUB


def _zero_acc(zrows_hbm, rows_v, acc_sh, row0):
  pltpu.sync_copy(zrows_hbm, rows_v)
  for k in range(SWEEP):
    pltpu.sync_copy(rows_v, acc_sh.at[pl.ds(row0 + k * CHUNK, CHUNK)])


def _write_back(acc_sh, rows_v, out_hbm, cid, row0):
  for k in range(SWEEP):
    r = row0 + k * CHUNK
    pltpu.sync_copy(acc_sh.at[pl.ds(r, CHUNK)], rows_v)
    pltpu.sync_copy(rows_v, out_hbm.at[cid, pl.ds(r, CHUNK)])


@functools.lru_cache(maxsize=None)
def _make_sc_agg():
  out_type = [jax.ShapeDtypeStruct((NC, NPAD, D), jnp.float32)]
  scratch = [
      pltpu.VMEM((G, CHUNK), jnp.int32),
      pltpu.VMEM((G, CHUNK), jnp.int32),
      pltpu.VMEM((CHUNK, D), jnp.float32),
      pltpu.VMEM((CHUNK, D), jnp.float32),
      pltpu.SemaphoreType.DMA,
      pltpu.SemaphoreType.DMA,
      pltpu.SemaphoreType.DMA,
      pltpu.SemaphoreType.DMA,
      pltpu.SemaphoreType.DMA,
      pltpu.SemaphoreType.DMA,
      pltpu.VMEM_SHARED((NPAD, D), jnp.float32),
  ]

  def body(h_hbm, src_hbm, dst_hbm, zrows_hbm, agg_hbm,
           sblk, dblk, rows0, rows1, si, di, gt0, gt1, st0, st1, acc_sh):
    cid, sid, wid, row0 = _ids()
    _zero_acc(zrows_hbm, rows0, acc_sh, row0)
    plsc.subcore_barrier()

    rows = (rows0, rows1)
    gt = (gt0, gt1)
    st = (st0, st1)
    base = wid * ITERS

    def idx_fetch(i):
      off = base + i * G
      pltpu.async_copy(src_hbm.at[pl.ds(off, G)], sblk, si)
      pltpu.async_copy(dst_hbm.at[pl.ds(off, G)], dblk, di)

    def idx_wait(i):
      off = base + i * G
      pltpu.make_async_copy(src_hbm.at[pl.ds(off, G)], sblk, si).wait()
      pltpu.make_async_copy(dst_hbm.at[pl.ds(off, G)], dblk, di).wait()

    def gather(g, b):
      pltpu.async_copy(h_hbm.at[sblk.at[g]], rows[b], gt[b])

    def gather_wait(g, b):
      pltpu.make_async_copy(h_hbm.at[sblk.at[g]], rows[b], gt[b]).wait()

    def scatter(g, b):
      pltpu.async_copy(rows[b], acc_sh.at[dblk.at[g]], st[b], add=True)

    def scatter_wait(g, b):
      pltpu.make_async_copy(rows[b], acc_sh.at[dblk.at[g]], st[b]).wait()

    def do_group(i, fetch_next):
      idx_wait(i)
      gather(0, 0)
      gather(1, 1)
      for g in range(G):
        b = g % 2
        gather_wait(g, b)
        scatter(g, b)
        if g + 2 < G:
          scatter_wait(g, b)
          gather(g + 2, b)
      scatter_wait(G - 2, 0)
      scatter_wait(G - 1, 1)
      if fetch_next:
        idx_fetch(i + 1)

    idx_fetch(0)

    def grp_step(i, carry):
      do_group(i, True)
      return carry

    lax.fori_loop(0, GROUPS - 1, grp_step, 0)
    do_group(GROUPS - 1, False)

    plsc.subcore_barrier()
    _write_back(acc_sh, rows0, agg_hbm, cid, row0)

  return pl.kernel(body, out_type=out_type,
                   mesh=plsc.VectorSubcoreMesh(**_MESH),
                   scratch_types=scratch)


@functools.lru_cache(maxsize=None)
def _make_sc_deg():
  out_type = [jax.ShapeDtypeStruct((NC, NPAD, D), jnp.float32)]
  scratch = [
      pltpu.VMEM((G, CHUNK), jnp.int32),
      pltpu.VMEM((CHUNK, D), jnp.float32),
      pltpu.SemaphoreType.DMA,
      pltpu.SemaphoreType.DMA,
      pltpu.VMEM_SHARED((NPAD, D), jnp.float32),
  ]

  def body(dst_hbm, zrows_hbm, ones_hbm, deg_hbm,
           dblk, rows_v, di, st, acc_sh):
    cid, sid, wid, row0 = _ids()
    _zero_acc(zrows_hbm, rows_v, acc_sh, row0)
    plsc.subcore_barrier()
    pltpu.sync_copy(ones_hbm, rows_v)
    base = wid * ITERS

    def idx_fetch(i):
      off = base + i * G
      pltpu.async_copy(dst_hbm.at[pl.ds(off, G)], dblk, di)

    def idx_wait(i):
      off = base + i * G
      pltpu.make_async_copy(dst_hbm.at[pl.ds(off, G)], dblk, di).wait()

    def do_group(i, fetch_next):
      idx_wait(i)
      for g in range(G):
        pltpu.async_copy(rows_v, acc_sh.at[dblk.at[g]], st, add=True)
      for g in range(G):
        pltpu.make_async_copy(rows_v, acc_sh.at[dblk.at[g]], st).wait()
      if fetch_next:
        idx_fetch(i + 1)

    idx_fetch(0)

    def grp_step(i, carry):
      do_group(i, True)
      return carry

    lax.fori_loop(0, GROUPS - 1, grp_step, 0)
    do_group(GROUPS - 1, False)

    plsc.subcore_barrier()
    _write_back(acc_sh, rows_v, deg_hbm, cid, row0)

  return pl.kernel(body, out_type=out_type,
                   mesh=plsc.VectorSubcoreMesh(**_MESH),
                   scratch_types=scratch)


_TC_R = 512


def _tc_layer_body(h_ref, p0_ref, p1_ref, d0_ref, d1_ref, w_ref,
                   b_ref, o_ref):
  inv = 1.0 / (d0_ref[:, 0:1] + d1_ref[:, 0:1] + 1.0)
  s = (h_ref[...] + p0_ref[...] + p1_ref[...]) * inv
  o = jnp.dot(s, w_ref[...], preferred_element_type=jnp.float32) + b_ref[...]
  o_ref[...] = jnp.maximum(o, 0.0)


def _tc_layer(h, p0, p1, d0, d1, W, b2d):
  return pl.pallas_call(
      _tc_layer_body,
      grid=(NPAD // _TC_R,),
      in_specs=[
          pl.BlockSpec((_TC_R, D), lambda i: (i, 0)),
          pl.BlockSpec((_TC_R, D), lambda i: (i, 0)),
          pl.BlockSpec((_TC_R, D), lambda i: (i, 0)),
          pl.BlockSpec((_TC_R, D), lambda i: (i, 0)),
          pl.BlockSpec((_TC_R, D), lambda i: (i, 0)),
          pl.BlockSpec((D, D), lambda i: (0, 0)),
          pl.BlockSpec((1, D), lambda i: (0, 0)),
      ],
      out_specs=pl.BlockSpec((_TC_R, D), lambda i: (i, 0)),
      out_shape=jax.ShapeDtypeStruct((N, D), jnp.float32),
  )(h, p0, p1, d0, d1, W, b2d)


def kernel(x, edge_index, W1, b1, W2, b2):
  npad = EPAD - E
  src = jnp.concatenate(
      [edge_index[0].astype(jnp.int32), jnp.zeros((npad,), jnp.int32)])
  dst = jnp.concatenate(
      [edge_index[1].astype(jnp.int32),
       jnp.full((npad,), DUMMY_ROW, jnp.int32)])
  src = src.reshape(NCHUNKS, CHUNK)
  dst = dst.reshape(NCHUNKS, CHUNK)
  zrows = jnp.zeros((CHUNK, D), jnp.float32)
  ones = jnp.ones((CHUNK, D), jnp.float32)

  (deg,) = _make_sc_deg()(dst, zrows, ones)
  sc_agg = _make_sc_agg()
  (agg1,) = sc_agg(x, src, dst, zrows)
  h1 = _tc_layer(x, agg1[0], agg1[1], deg[0], deg[1], W1, b1.reshape(1, D))
  (agg2,) = sc_agg(h1, src, dst, zrows)
  h2 = _tc_layer(h1, agg2[0], agg2[1], deg[0], deg[1], W2, b2.reshape(1, D))
  return h2

# --- scband reference (transcript-rebuilt; emitter-appended) ---
"""Pipeline reference for scband-multi-layer-gnn-3513283248903 (READ-ONLY COPY).

The authoritative reference and input builder live on the scoring server;
editing this copy changes nothing except your own understanding.
"""

import jax, jax.numpy as jnp
import numpy as np

N = 10000
E = 320000
D = 128

def setup_inputs(seed: int = 0) -> dict:
    key = jax.random.key(seed)
    k1, k2, k3, k4 = jax.random.split(key, 4)
    x = jax.random.normal(k1, (N, D), dtype=jnp.float32)
    edge_index = jax.random.randint(k2, (2, E), 0, N, dtype=jnp.int64)
    scale = 1.0 / np.sqrt(D)
    W1 = jax.random.normal(k3, (D, D), dtype=jnp.float32) * scale
    b1 = jnp.zeros((D,), dtype=jnp.float32)
    W2 = jax.random.normal(k4, (D, D), dtype=jnp.float32) * scale
    b2 = jnp.zeros((D,), dtype=jnp.float32)
    return {"x": x, "edge_index": edge_index, "W1": W1, "b1": b1, "W2": W2, "b2": b2}

def _sage_gcn_layer(h, edge_index, W, b):
    # DGL SAGEConv with aggregator_type='gcn':
    # h_neigh(v) = (sum_{u in N(v)} h_u + h_v) / (in_deg(v) + 1); out = relu(fc_neigh(h_neigh))
    n = h.shape[0]
    src = edge_index[0]
    dst = edge_index[1]
    agg = jax.ops.segment_sum(h[src], dst, num_segments=n)
    deg = jax.ops.segment_sum(jnp.ones((src.shape[0],), dtype=h.dtype), dst, num_segments=n)
    h_neigh = (agg + h) / (deg[:, None] + 1.0)
    return jax.nn.relu(h_neigh @ W + b)

def reference(x, edge_index, W1, b1, W2, b2):
    h = _sage_gcn_layer(x, edge_index, W1, b1)
    h = _sage_gcn_layer(h, edge_index, W2, b2)
    return h

if __name__ == "__main__":
    import jax
    _d = setup_inputs()
    print(jax.jit(kernel)(*tuple(_d.values())))

</pallas_src>

<mosaic_0001>
#map = affine_map<(d0, d1) -> (0, 0)>
#map1 = affine_map<(d0, d1) -> (0, 0, 0)>
module attributes {stable_mosaic.version = 14 : i64} {
  func.func @body(%arg0: i32, %arg1: i32, %arg2: memref<10000x128xf32, #tpu.memory_space<hbm>>, %arg3: memref<2560x128xi32, #tpu.memory_space<hbm>>, %arg4: memref<2560x128xi32, #tpu.memory_space<hbm>>, %arg5: memref<128x128xf32, #tpu.memory_space<hbm>>, %arg6: memref<2x10240x128xf32, #tpu.memory_space<hbm>>, %arg7: memref<8x128xi32, #tpu.memory_space<vmem>>, %arg8: memref<8x128xi32, #tpu.memory_space<vmem>>, %arg9: memref<128x128xf32, #tpu.memory_space<vmem>>, %arg10: memref<128x128xf32, #tpu.memory_space<vmem>>, %arg11: memref<!tpu.dma_semaphore, #tpu.memory_space<semaphore_mem>>, %arg12: memref<!tpu.dma_semaphore, #tpu.memory_space<semaphore_mem>>, %arg13: memref<!tpu.dma_semaphore, #tpu.memory_space<semaphore_mem>>, %arg14: memref<!tpu.dma_semaphore, #tpu.memory_space<semaphore_mem>>, %arg15: memref<!tpu.dma_semaphore, #tpu.memory_space<semaphore_mem>>, %arg16: memref<!tpu.dma_semaphore, #tpu.memory_space<semaphore_mem>>, %arg17: memref<10240x128xf32, #tpu.memory_space<vmem_shared>>) attributes {dimension_semantics = [#tpu.dimension_semantics<core_parallel>, #tpu.dimension_semantics<subcore_parallel>], iteration_bounds = array<i64: 2, 16>, scalar_prefetch = 0 : i64, scratch_operands = 11 : i64, tpu.core_type = #tpu.core_type<sc_vector_subcore>, window_params = [{transform_indices = #map}, {transform_indices = #map}, {transform_indices = #map}, {transform_indices = #map}, {transform_indices = #map1}]} {
    %mul3A = arith.constant 2 : i32
    %mul3A_0 = arith.muli %arg1, %mul3A : i32
    %add3A = arith.addi %mul3A_0, %arg0 : i32
    %mul3A_1 = arith.constant 640 : i32
    %mul3A_2 = arith.muli %arg1, %mul3A_1 : i32
    "tpu.region"() ({
      %run_scoped3A = tpu.sem_alloc : memref<!tpu.dma_semaphore, #tpu.memory_space<semaphore_mem>>
      tpu.enqueue_dma source(%arg5 : memref<128x128xf32, #tpu.memory_space<hbm>>) target(%arg9 : memref<128x128xf32, #tpu.memory_space<vmem>>) target_semaphore(%run_scoped3A : memref<!tpu.dma_semaphore, #tpu.memory_space<semaphore_mem>>)
      tpu.wait_dma2 semaphore(%run_scoped3A : memref<!tpu.dma_semaphore, #tpu.memory_space<semaphore_mem>>) src(%arg5 : memref<128x128xf32, #tpu.memory_space<hbm>>) dst(%arg9 : memref<128x128xf32, #tpu.memory_space<vmem>>)
      tpu.yield
    }) : () -> ()
    %add3A_3 = arith.constant 0 : i32
    %add3A_4 = arith.addi %mul3A_2, %add3A_3 : i32
    "tpu.region"() ({
      %run_scoped3A = tpu.sem_alloc : memref<!tpu.dma_semaphore, #tpu.memory_space<semaphore_mem>>
      %dma_start3A_273 = arith.constant 0 : i32
      %dma_start3A_274 = tpu.memref_slice %arg17[%add3A_4, %dma_start3A_273] : memref<10240x128xf32, #tpu.memory_space<vmem_shared>> -> memref<128x128xf32, #tpu.memory_space<vmem_shared>>
      %dma_start3A_275 = arith.constant 0 : i32
      %dma_start3A_276 = tpu.memref_slice %arg17[%add3A_4, %dma_start3A_275] : memref<10240x128xf32, #tpu.memory_space<vmem_shared>> -> memref<128x128xf32, #tpu.memory_space<vmem_shared>>
      tpu.enqueue_dma source(%arg9 : memref<128x128xf32, #tpu.memory_space<vmem>>) target(%dma_start3A_276 : memref<128x128xf32, #tpu.memory_space<vmem_shared>>) target_semaphore(%run_scoped3A : memref<!tpu.dma_semaphore, #tpu.memory_space<semaphore_mem>>)
      %dma_wait3A_277 = arith.constant 0 : i32
      %dma_wait3A_278 = tpu.memref_slice %arg17[%add3A_4, %dma_wait3A_277] : memref<10240x128xf32, #tpu.memory_space<vmem_shared>> -> memref<128x128xf32, #tpu.memory_space<vmem_shared>>
      %dma_wait3A_279 = arith.constant 0 : i32
      %dma_wait3A_280 = tpu.memref_slice %arg17[%add3A_4, %dma_wait3A_279] : memref<10240x128xf32, #tpu.memory_space<vmem_shared>> -> memref<128x128xf32, #tpu.memory_space<vmem_shared>>
      tpu.wait_dma2 semaphore(%run_scoped3A : memref<!tpu.dma_semaphore, #tpu.memory_space<semaphore_mem>>) src(%arg9 : memref<128x128xf32, #tpu.memory_space<vmem>>) dst(%dma_wait3A_280 : memref<128x128xf32, #tpu.memory_space<vmem_shared>>)
      tpu.yield
    }) : () -> ()
    %add3A_5 = arith.constant 128 : i32
    %add3A_6 = arith.addi %mul3A_2, %add3A_5 : i32
    "tpu.region"() ({
      %run_scoped3A = tpu.sem_alloc : memref<!tpu.dma_semaphore, #tpu.memory_space<semaphore_mem>>
      %dma_start3A_273 = arith.constant 0 : i32
      %dma_start3A_274 = tpu.memref_slice %arg17[%add3A_6, %dma_start3A_273] : memref<10240x128xf32, #tpu.memory_space<vmem_shared>> -> memref<128x128xf32, #tpu.memory_space<vmem_shared>>
      %dma_start3A_275 = arith.constant 0 : i32
      %dma_start3A_276 = tpu.memref_slice %arg17[%add3A_6, %dma_start3A_275] : memref<10240x128xf32, #tpu.memory_space<vmem_shared>> -> memref<128x128xf32, #tpu.memory_space<vmem_shared>>
      tpu.enqueue_dma source(%arg9 : memref<128x128xf32, #tpu.memory_space<vmem>>) target(%dma_start3A_276 : memref<128x128xf32, #tpu.memory_space<vmem_shared>>) target_semaphore(%run_scoped3A : memref<!tpu.dma_semaphore, #tpu.memory_space<semaphore_mem>>)
      %dma_wait3A_277 = arith.constant 0 : i32
      %dma_wait3A_278 = tpu.memref_slice %arg17[%add3A_6, %dma_wait3A_277] : memref<10240x128xf32, #tpu.memory_space<vmem_shared>> -> memref<128x128xf32, #tpu.memory_space<vmem_shared>>
      %dma_wait3A_279 = arith.constant 0 : i32
      %dma_wait3A_280 = tpu.memref_slice %arg17[%add3A_6, %dma_wait3A_279] : memref<10240x128xf32, #tpu.memory_space<vmem_shared>> -> memref<128x128xf32, #tpu.memory_space<vmem_shared>>
      tpu.wait_dma2 semaphore(%run_scoped3A : memref<!tpu.dma_semaphore, #tpu.memory_space<semaphore_mem>>) src(%arg9 : memref<128x128xf32, #tpu.memory_space<vmem>>) dst(%dma_wait3A_280 : memref<128x128xf32, #tpu.memory_space<vmem_shared>>)
      tpu.yield
    }) : () -> ()
    %add3A_7 = arith.constant 256 : i32
    %add3A_8 = arith.addi %mul3A_2, %add3A_7 : i32
    "tpu.region"() ({
      %run_scoped3A = tpu.sem_alloc : memref<!tpu.dma_semaphore, #tpu.memory_space<semaphore_mem>>
      %dma_start3A_273 = arith.constant 0 : i32
      %dma_start3A_274 = tpu.memref_slice %arg17[%add3A_8, %dma_start3A_273] : memref<10240x128xf32, #tpu.memory_space<vmem_shared>> -> memref<128x128xf32, #tpu.memory_space<vmem_shared>>
      %dma_start3A_275 = arith.constant 0 : i32
      %dma_start3A_276 = tpu.memref_slice %arg17[%add3A_8, %dma_start3A_275] : memref<10240x128xf32, #tpu.memory_space<vmem_shared>> -> memref<128x128xf32, #tpu.memory_space<vmem_shared>>
      tpu.enqueue_dma source(%arg9 : memref<128x128xf32, #tpu.memory_space<vmem>>) target(%dma_start3A_276 : memref<128x128xf32, #tpu.memory_space<vmem_shared>>) target_semaphore(%run_scoped3A : memref<!tpu.dma_semaphore, #tpu.memory_space<semaphore_mem>>)
      %dma_wait3A_277 = arith.constant 0 : i32
      %dma_wait3A_278 = tpu.memref_slice %arg17[%add3A_8, %dma_wait3A_277] : memref<10240x128xf32, #tpu.memory_space<vmem_shared>> -> memref<128x128xf32, #tpu.memory_space<vmem_shared>>
      %dma_wait3A_279 = arith.constant 0 : i32
      %dma_wait3A_280 = tpu.memref_slice %arg17[%add3A_8, %dma_wait3A_279] : memref<10240x128xf32, #tpu.memory_space<vmem_shared>> -> memref<128x128xf32, #tpu.memory_space<vmem_shared>>
      tpu.wait_dma2 semaphore(%run_scoped3A : memref<!tpu.dma_semaphore, #tpu.memory_space<semaphore_mem>>) src(%arg9 : memref<128x128xf32, #tpu.memory_space<vmem>>) dst(%dma_wait3A_280 : memref<128x128xf32, #tpu.memory_space<vmem_shared>>)
      tpu.yield
    }) : () -> ()
    %add3A_9 = arith.constant 384 : i32
    %add3A_10 = arith.addi %mul3A_2, %add3A_9 : i32
    "tpu.region"() ({
      %run_scoped3A = tpu.sem_alloc : memref<!tpu.dma_semaphore, #tpu.memory_space<semaphore_mem>>
      %dma_start3A_273 = arith.constant 0 : i32
      %dma_start3A_274 = tpu.memref_slice %arg17[%add3A_10, %dma_start3A_273] : memref<10240x128xf32, #tpu.memory_space<vmem_shared>> -> memref<128x128xf32, #tpu.memory_space<vmem_shared>>
      %dma_start3A_275 = arith.constant 0 : i32
      %dma_start3A_276 = tpu.memref_slice %arg17[%add3A_10, %dma_start3A_275] : memref<10240x128xf32, #tpu.memory_space<vmem_shared>> -> memref<128x128xf32, #tpu.memory_space<vmem_shared>>
      tpu.enqueue_dma source(%arg9 : memref<128x128xf32, #tpu.memory_space<vmem>>) target(%dma_start3A_276 : memref<128x128xf32, #tpu.memory_space<vmem_shared>>) target_semaphore(%run_scoped3A : memref<!tpu.dma_semaphore, #tpu.memory_space<semaphore_mem>>)
      %dma_wait3A_277 = arith.constant 0 : i32
      %dma_wait3A_278 = tpu.memref_slice %arg17[%add3A_10, %dma_wait3A_277] : memref<10240x128xf32, #tpu.memory_space<vmem_shared>> -> memref<128x128xf32, #tpu.memory_space<vmem_shared>>
      %dma_wait3A_279 = arith.constant 0 : i32
      %dma_wait3A_280 = tpu.memref_slice %arg17[%add3A_10, %dma_wait3A_279] : memref<10240x128xf32, #tpu.memory_space<vmem_shared>> -> memref<128x128xf32, #tpu.memory_space<vmem_shared>>
      tpu.wait_dma2 semaphore(%run_scoped3A : memref<!tpu.dma_semaphore, #tpu.memory_space<semaphore_mem>>) src(%arg9 : memref<128x128xf32, #tpu.memory_space<vmem>>) dst(%dma_wait3A_280 : memref<128x128xf32, #tpu.memory_space<vmem_shared>>)
      tpu.yield
    }) : () -> ()
    %add3A_11 = arith.constant 512 : i32
    %add3A_12 = arith.addi %mul3A_2, %add3A_11 : i32
    "tpu.region"() ({
      %run_scoped3A = tpu.sem_alloc : memref<!tpu.dma_semaphore, #tpu.memory_space<semaphore_mem>>
      %dma_start3A_273 = arith.constant 0 : i32
      %dma_start3A_274 = tpu.memref_slice %arg17[%add3A_12, %dma_start3A_273] : memref<10240x128xf32, #tpu.memory_space<vmem_shared>> -> memref<128x128xf32, #tpu.memory_space<vmem_shared>>
      %dma_start3A_275 = arith.constant 0 : i32
      %dma_start3A_276 = tpu.memref_slice %arg17[%add3A_12, %dma_start3A_275] : memref<10240x128xf32, #tpu.memory_space<vmem_shared>> -> memref<128x128xf32, #tpu.memory_space<vmem_shared>>
      tpu.enqueue_dma source(%arg9 : memref<128x128xf32, #tpu.memory_space<vmem>>) target(%dma_start3A_276 : memref<128x128xf32, #tpu.memory_space<vmem_shared>>) target_semaphore(%run_scoped3A : memref<!tpu.dma_semaphore, #tpu.memory_space<semaphore_mem>>)
      %dma_wait3A_277 = arith.constant 0 : i32
      %dma_wait3A_278 = tpu.memref_slice %arg17[%add3A_12, %dma_wait3A_277] : memref<10240x128xf32, #tpu.memory_space<vmem_shared>> -> memref<128x128xf32, #tpu.memory_space<vmem_shared>>
      %dma_wait3A_279 = arith.constant 0 : i32
      %dma_wait3A_280 = tpu.memref_slice %arg17[%add3A_12, %dma_wait3A_279] : memref<10240x128xf32, #tpu.memory_space<vmem_shared>> -> memref<128x128xf32, #tpu.memory_space<vmem_shared>>
      tpu.wait_dma2 semaphore(%run_scoped3A : memref<!tpu.dma_semaphore, #tpu.memory_space<semaphore_mem>>) src(%arg9 : memref<128x128xf32, #tpu.memory_space<vmem>>) dst(%dma_wait3A_280 : memref<128x128xf32, #tpu.memory_space<vmem_shared>>)
      tpu.yield
    }) : () -> ()
    %barrier3A = arith.constant 0 : index
    tpu.barrier barrier_id(%barrier3A)
    %mul3A_13 = arith.constant 80 : i32
    %mul3A_14 = arith.muli %add3A, %mul3A_13 : i32
    %add3A_15 = arith.constant 0 : i32
    %add3A_16 = arith.addi %mul3A_14, %add3A_15 : i32
    %dma_start3A = arith.constant 0 : i32
    %dma_start3A_17 = tpu.memref_slice %arg3[%add3A_16, %dma_start3A] : memref<2560x128xi32, #tpu.memory_space<hbm>> -> memref<8x128xi32, #tpu.memory_space<hbm>>
    %dma_start3A_18 = arith.constant 0 : i32
    %dma_start3A_19 = tpu.memref_slice %arg3[%add3A_16, %dma_start3A_18] : memref<2560x128xi32, #tpu.memory_space<hbm>> -> memref<8x128xi32, #tpu.memory_space<hbm>>
    tpu.enqueue_dma source(%dma_start3A_19 : memref<8x128xi32, #tpu.memory_space<hbm>>) target(%arg7 : memref<8x128xi32, #tpu.memory_space<vmem>>) target_semaphore(%arg11 : memref<!tpu.dma_semaphore, #tpu.memory_space<semaphore_mem>>)
    %dma_start3A_20 = arith.constant 0 : i32
    %dma_start3A_21 = tpu.memref_slice %arg4[%add3A_16, %dma_start3A_20] : memref<2560x128xi32, #tpu.memory_space<hbm>> -> memref<8x128xi32, #tpu.memory_space<hbm>>
    %dma_start3A_22 = arith.constant 0 : i32
    %dma_start3A_23 = tpu.memref_slice %arg4[%add3A_16, %dma_start3A_22] : memref<2560x128xi32, #tpu.memory_space<hbm>> -> memref<8x128xi32, #tpu.memory_space<hbm>>
    tpu.enqueue_dma source(%dma_start3A_23 : memref<8x128xi32, #tpu.memory_space<hbm>>) target(%arg8 : memref<8x128xi32, #tpu.memory_space<vmem>>) target_semaphore(%arg12 : memref<!tpu.dma_semaphore, #tpu.memory_space<semaphore_mem>>)
    %scan3A = arith.constant 0 : i32
    %scan3A_24 = arith.constant 0 : i32
    %scan3A_25 = arith.constant 9 : i32
    %scan3A_26 = arith.addi %scan3A_24, %scan3A_25 : i32
    %scan3A_27 = arith.constant 1 : i32
    scf.for %scan3A_273 = %scan3A_24 to %scan3A_26 step %scan3A_27  : i32 {
      %mul3A_274 = arith.constant 8 : i32
      %mul3A_275 = arith.muli %scan3A_273, %mul3A_274 : i32
      %add3A_276 = arith.addi %mul3A_14, %mul3A_275 : i32
      %dma_wait3A_277 = arith.constant 0 : i32
      %dma_wait3A_278 = tpu.memref_slice %arg3[%add3A_276, %dma_wait3A_277] : memref<2560x128xi32, #tpu.memory_space<hbm>> -> memref<8x128xi32, #tpu.memory_space<hbm>>
      %dma_wait3A_279 = arith.constant 0 : i32
      %dma_wait3A_280 = tpu.memref_slice %arg3[%add3A_276, %dma_wait3A_279] : memref<2560x128xi32, #tpu.memory_space<hbm>> -> memref<8x128xi32, #tpu.memory_space<hbm>>
      tpu.wait_dma2 semaphore(%arg11 : memref<!tpu.dma_semaphore, #tpu.memory_space<semaphore_mem>>) src(%dma_wait3A_280 : memref<8x128xi32, #tpu.memory_space<hbm>>) dst(%arg7 : memref<8x128xi32, #tpu.memory_space<vmem>>)
      %dma_wait3A_281 = arith.constant 0 : i32
      %dma_wait3A_282 = tpu.memref_slice %arg4[%add3A_276, %dma_wait3A_281] : memref<2560x128xi32, #tpu.memory_space<hbm>> -> memref<8x128xi32, #tpu.memory_space<hbm>>
      %dma_wait3A_283 = arith.constant 0 : i32
      %dma_wait3A_284 = tpu.memref_slice %arg4[%add3A_276, %dma_wait3A_283] : memref<2560x128xi32, #tpu.memory_space<hbm>> -> memref<8x128xi32, #tpu.memory_space<hbm>>
      tpu.wait_dma2 semaphore(%arg12 : memref<!tpu.dma_semaphore, #tpu.memory_space<semaphore_mem>>) src(%dma_wait3A_284 : memref<8x128xi32, #tpu.memory_space<hbm>>) dst(%arg8 : memref<8x128xi32, #tpu.memory_space<vmem>>)
      %dma_start3A_285 = arith.constant 0 : i32
      %dma_start3A_286 = arith.constant 0 : i32
      %dma_start3A_287 = tpu.memref_slice %arg7[%dma_start3A_285, %dma_start3A_286] : memref<8x128xi32, #tpu.memory_space<vmem>> -> memref<1x128xi32, #tpu.memory_space<vmem>>
      %dma_start3A_288 = tpu.memref_squeeze %dma_start3A_287 : memref<1x128xi32, #tpu.memory_space<vmem>> -> memref<128xi32, #tpu.memory_space<vmem>>
      %dma_start3A_289 = arith.constant 0 : i32
      %dma_start3A_290 = arith.constant 0 : i32
      %dma_start3A_291 = tpu.memref_slice %arg2[%dma_start3A_289, %dma_start3A_290] : memref<10000x128xf32, #tpu.memory_space<hbm>> -> memref<10000x128xf32, #tpu.memory_space<hbm>>
      tpu.enqueue_indirect_dma source(%dma_start3A_291 : memref<10000x128xf32, #tpu.memory_space<hbm>>) target(%arg9 : memref<128x128xf32, #tpu.memory_space<vmem>>) offsets(%dma_start3A_288 : memref<128xi32, #tpu.memory_space<vmem>>) semaphore(%arg13 : memref<!tpu.dma_semaphore, #tpu.memory_space<semaphore_mem>>)
      %dma_start3A_292 = arith.constant 1 : i32
      %dma_start3A_293 = arith.constant 0 : i32
      %dma_start3A_294 = tpu.memref_slice %arg7[%dma_start3A_292, %dma_start3A_293] : memref<8x128xi32, #tpu.memory_space<vmem>> -> memref<1x128xi32, #tpu.memory_space<vmem>>
      %dma_start3A_295 = tpu.memref_squeeze %dma_start3A_294 : memref<1x128xi32, #tpu.memory_space<vmem>> -> memref<128xi32, #tpu.memory_space<vmem>>
      %dma_start3A_296 = arith.constant 0 : i32
      %dma_start3A_297 = arith.constant 0 : i32
      %dma_start3A_298 = tpu.memref_slice %arg2[%dma_start3A_296, %dma_start3A_297] : memref<10000x128xf32, #tpu.memory_space<hbm>> -> memref<10000x128xf32, #tpu.memory_space<hbm>>
      tpu.enqueue_indirect_dma source(%dma_start3A_298 : memref<10000x128xf32, #tpu.memory_space<hbm>>) target(%arg10 : memref<128x128xf32, #tpu.memory_space<vmem>>) offsets(%dma_start3A_295 : memref<128xi32, #tpu.memory_space<vmem>>) semaphore(%arg14 : memref<!tpu.dma_semaphore, #tpu.memory_space<semaphore_mem>>)
      %dma_wait3A_299 = arith.constant 0 : i32
      %dma_wait3A_300 = arith.constant 0 : i32
      %dma_wait3A_301 = tpu.memref_slice %arg7[%dma_wait3A_299, %dma_wait3A_300] : memref<8x128xi32, #tpu.memory_space<vmem>> -> memref<1x128xi32, #tpu.memory_space<vmem>>
      %dma_wait3A_302 = tpu.memref_squeeze %dma_wait3A_301 : memref<1x128xi32, #tpu.memory_space<vmem>> -> memref<128xi32, #tpu.memory_space<vmem>>
      %dma_wait3A_303 = arith.constant 0 : i32
      %dma_wait3A_304 = arith.constant 0 : i32
      %dma_wait3A_305 = tpu.memref_slice %arg2[%dma_wait3A_303, %dma_wait3A_304] : memref<10000x128xf32, #tpu.memory_space<hbm>> -> memref<10000x128xf32, #tpu.memory_space<hbm>>
      tpu.wait_indirect_dma semaphore(%arg13 : memref<!tpu.dma_semaphore, #tpu.memory_space<semaphore_mem>>) src(%dma_wait3A_305 : memref<10000x128xf32, #tpu.memory_space<hbm>>) dst(%arg9 : memref<128x128xf32, #tpu.memory_space<vmem>>)
      %dma_start3A_306 = arith.constant 0 : i32
      %dma_start3A_307 = arith.constant 0 : i32
      %dma_start3A_308 = tpu.memref_slice %arg8[%dma_start3A_306, %dma_start3A_307] : memref<8x128xi32, #tpu.memory_space<vmem>> -> memref<1x128xi32, #tpu.memory_space<vmem>>
      %dma_start3A_309 = tpu.memref_squeeze %dma_start3A_308 : memref<1x128xi32, #tpu.memory_space<vmem>> -> memref<128xi32, #tpu.memory_space<vmem>>
      %dma_start3A_310 = arith.constant 0 : i32
      %dma_start3A_311 = arith.constant 0 : i32
      %dma_start3A_312 = tpu.memref_slice %arg17[%dma_start3A_310, %dma_start3A_311] : memref<10240x128xf32, #tpu.memory_space<vmem_shared>> -> memref<10240x128xf32, #tpu.memory_space<vmem_shared>>
      tpu.enqueue_indirect_dma source(%arg9 : memref<128x128xf32, #tpu.memory_space<vmem>>) target(%dma_start3A_312 : memref<10240x128xf32, #tpu.memory_space<vmem_shared>>) offsets(%dma_start3A_309 : memref<128xi32, #tpu.memory_space<vmem>>) semaphore(%arg15 : memref<!tpu.dma_semaphore, #tpu.memory_space<semaphore_mem>>) {add = true}
      %dma_wait3A_313 = arith.constant 0 : i32
      %dma_wait3A_314 = arith.constant 0 : i32
      %dma_wait3A_315 = tpu.memref_slice %arg8[%dma_wait3A_313, %dma_wait3A_314] : memref<8x128xi32, #tpu.memory_space<vmem>> -> memref<1x128xi32, #tpu.memory_space<vmem>>
      %dma_wait3A_316 = tpu.memref_squeeze %dma_wait3A_315 : memref<1x128xi32, #tpu.memory_space<vmem>> -> memref<128xi32, #tpu.memory_space<vmem>>
      %dma_wait3A_317 = arith.constant 0 : i32
      %dma_wait3A_318 = arith.constant 0 : i32
      %dma_wait3A_319 = tpu.memref_slice %arg17[%dma_wait3A_317, %dma_wait3A_318] : memref<10240x128xf32, #tpu.memory_space<vmem_shared>> -> memref<10240x128xf32, #tpu.memory_space<vmem_shared>>
      tpu.wait_indirect_dma semaphore(%arg15 : memref<!tpu.dma_semaphore, #tpu.memory_space<semaphore_mem>>) src(%arg9 : memref<128x128xf32, #tpu.memory_space<vmem>>) dst(%dma_wait3A_319 : memref<10240x128xf32, #tpu.memory_space<vmem_shared>>)
      %dma_start3A_320 = arith.constant 2 : i32
      %dma_start3A_321 = arith.constant 0 : i32
      %dma_start3A_322 = tpu.memref_slice %arg7[%dma_start3A_320, %dma_start3A_321] : memref<8x128xi32, #tpu.memory_space<vmem>> -> memref<1x128xi32, #tpu.memory_space<vmem>>
      %dma_start3A_323 = tpu.memref_squeeze %dma_start3A_322 : memref<1x128xi32, #tpu.memory_space<vmem>> -> memref<128xi32, #tpu.memory_space<vmem>>
      %dma_start3A_324 = arith.constant 0 : i32
      %dma_start3A_325 = arith.constant 0 : i32
      %dma_start3A_326 = tpu.memref_slice %arg2[%dma_start3A_324, %dma_start3A_325] : memref<10000x128xf32, #tpu.memory_space<hbm>> -> memref<10000x128xf32, #tpu.memory_space<hbm>>
      tpu.enqueue_indirect_dma source(%dma_start3A_326 : memref<10000x128xf32, #tpu.memory_space<hbm>>) target(%arg9 : memref<128x128xf32, #tpu.memory_space<vmem>>) offsets(%dma_start3A_323 : memref<128xi32, #tpu.memory_space<vmem>>) semaphore(%arg13 : memref<!tpu.dma_semaphore, #tpu.memory_space<semaphore_mem>>)
      %dma_wait3A_327 = arith.constant 1 : i32
      %dma_wait3A_328 = arith.constant 0 : i32
      %dma_wait3A_329 = tpu.memref_slice %arg7[%dma_wait3A_327, %dma_wait3A_328] : memref<8x128xi32, #tpu.memory_space<vmem>> -> memref<1x128xi32, #tpu.memory_space<vmem>>
      %dma_wait3A_330 = tpu.memref_squeeze %dma_wait3A_329 : memref<1x128xi32, #tpu.memory_space<vmem>> -> memref<128xi32, #tpu.memory_space<vmem>>
      %dma_wait3A_331 = arith.constant 0 : i32
      %dma_wait3A_332 = arith.constant 0 : i32
      %dma_wait3A_333 = tpu.memref_slice %arg2[%dma_wait3A_331, %dma_wait3A_332] : memref<10000x128xf32, #tpu.memory_space<hbm>> -> memref<10000x128xf32, #tpu.memory_space<hbm>>
      tpu.wait_indirect_dma semaphore(%arg14 : memref<!tpu.dma_semaphore, #tpu.memory_space<semaphore_mem>>) src(%dma_wait3A_333 : memref<10000x128xf32, #tpu.memory_space<hbm>>) dst(%arg10 : memref<128x128xf32, #tpu.memory_space<vmem>>)
      %dma_start3A_334 = arith.constant 1 : i32
      %dma_start3A_335 = arith.constant 0 : i32
      %dma_start3A_336 = tpu.memref_slice %arg8[%dma_start3A_334, %dma_start3A_335] : memref<8x128xi32, #tpu.memory_space<vmem>> -> memref<1x128xi32, #tpu.memory_space<vmem>>
      %dma_start3A_337 = tpu.memref_squeeze %dma_start3A_336 : memref<1x128xi32, #tpu.memory_space<vmem>> -> memref<128xi32, #tpu.memory_space<vmem>>
      %dma_start3A_338 = arith.constant 0 : i32
      %dma_start3A_339 = arith.constant 0 : i32
      %dma_start3A_340 = tpu.memref_slice %arg17[%dma_start3A_338, %dma_start3A_339] : memref<10240x128xf32, #tpu.memory_space<vmem_shared>> -> memref<10240x128xf32, #tpu.memory_space<vmem_shared>>
      tpu.enqueue_indirect_dma source(%arg10 : memref<128x128xf32, #tpu.memory_space<vmem>>) target(%dma_start3A_340 : memref<10240x128xf32, #tpu.memory_space<vmem_shared>>) offsets(%dma_start3A_337 : memref<128xi32, #tpu.memory_space<vmem>>) semaphore(%arg16 : memref<!tpu.dma_semaphore, #tpu.memory_space<semaphore_mem>>) {add = true}
      %dma_wait3A_341 = arith.constant 1 : i32
      %dma_wait3A_342 = arith.constant 0 : i32
      %dma_wait3A_343 = tpu.memref_slice %arg8[%dma_wait3A_341, %dma_wait3A_342] : memref<8x128xi32, #tpu.memory_space<vmem>> -> memref<1x128xi32, #tpu.memory_space<vmem>>
      %dma_wait3A_344 = tpu.memref_squeeze %dma_wait3A_343 : memref<1x128xi32, #tpu.memory_space<vmem>> -> memref<128xi32, #tpu.memory_space<vmem>>
      %dma_wait3A_345 = arith.constant 0 : i32
      %dma_wait3A_346 = arith.constant 0 : i32
      %dma_wait3A_347 = tpu.memref_slice %arg17[%dma_wait3A_345, %dma_wait3A_346] : memref<10240x128xf32, #tpu.memory_space<vmem_shared>> -> memref<10240x128xf32, #tpu.memory_space<vmem_shared>>
      tpu.wait_indirect_dma semaphore(%arg16 : memref<!tpu.dma_semaphore, #tpu.memory_space<semaphore_mem>>) src(%arg10 : memref<128x128xf32, #tpu.memory_space<vmem>>) dst(%dma_wait3A_347 : memref<10240x128xf32, #tpu.memory_space<vmem_shared>>)
      %dma_start3A_348 = arith.constant 3 : i32
      %dma_start3A_349 = arith.constant 0 : i32
      %dma_start3A_350 = tpu.memref_slice %arg7[%dma_start3A_348, %dma_start3A_349] : memref<8x128xi32, #tpu.memory_space<vmem>> -> memref<1x128xi32, #tpu.memory_space<vmem>>
      %dma_start3A_351 = tpu.memref_squeeze %dma_start3A_350 : memref<1x128xi32, #tpu.memory_space<vmem>> -> memref<128xi32, #tpu.memory_space<vmem>>
      %dma_start3A_352 = arith.constant 0 : i32
      %dma_start3A_353 = arith.constant 0 : i32
      %dma_start3A_354 = tpu.memref_slice %arg2[%dma_start3A_352, %dma_start3A_353] : memref<10000x128xf32, #tpu.memory_space<hbm>> -> memref<10000x128xf32, #tpu.memory_space<hbm>>
      tpu.enqueue_indirect_dma source(%dma_start3A_354 : memref<10000x128xf32, #tpu.memory_space<hbm>>) target(%arg10 : memref<128x128xf32, #tpu.memory_space<vmem>>) offsets(%dma_start3A_351 : memref<128xi32, #tpu.memory_space<vmem>>) semaphore(%arg14 : memref<!tpu.dma_semaphore, #tpu.memory_space<semaphore_mem>>)
      %dma_wait3A_355 = arith.constant 2 : i32
      %dma_wait3A_356 = arith.constant 0 : i32
      %dma_wait3A_357 = tpu.memref_slice %arg7[%dma_wait3A_355, %dma_wait3A_356] : memref<8x128xi32, #tpu.memory_space<vmem>> -> memref<1x128xi32, #tpu.memory_space<vmem>>
      %dma_wait3A_358 = tpu.memref_squeeze %dma_wait3A_357 : memref<1x128xi32, #tpu.memory_space<vmem>> -> memref<128xi32, #tpu.memory_space<vmem>>
      %dma_wait3A_359 = arith.constant 0 : i32
      %dma_wait3A_360 = arith.constant 0 : i32
      %dma_wait3A_361 = tpu.memref_slice %arg2[%dma_wait3A_359, %dma_wait3A_360] : memref<10000x128xf32, #tpu.memory_space<hbm>> -> memref<10000x128xf32, #tpu.memory_space<hbm>>
      tpu.wait_indirect_dma semaphore(%arg13 : memref<!tpu.dma_semaphore, #tpu.memory_space<semaphore_mem>>) src(%dma_wait3A_361 : memref<10000x128xf32, #tpu.memory_space<hbm>>) dst(%arg9 : memref<128x128xf32, #tpu.memory_space<vmem>>)
      %dma_start3A_362 = arith.constant 2 : i32
      %dma_start3A_363 = arith.constant 0 : i32
      %dma_start3A_364 = tpu.memref_slice %arg8[%dma_start3A_362, %dma_start3A_363] : memref<8x128xi32, #tpu.memory_space<vmem>> -> memref<1x128xi32, #tpu.memory_space<vmem>>
      %dma_start3A_365 = tpu.memref_squeeze %dma_start3A_364 : memref<1x128xi32, #tpu.memory_space<vmem>> -> memref<128xi32, #tpu.memory_space<vmem>>
      %dma_start3A_366 = arith.constant 0 : i32
      %dma_start3A_367 = arith.constant 0 : i32
      %dma_start3A_368 = tpu.memref_slice %arg17[%dma_start3A_366, %dma_start3A_367] : memref<10240x128xf32, #tpu.memory_space<vmem_shared>> -> memref<10240x128xf32, #tpu.memory_space<vmem_shared>>
      tpu.enqueue_indirect_dma source(%arg9 : memref<128x128xf32, #tpu.memory_space<vmem>>) target(%dma_start3A_368 : memref<10240x128xf32, #tpu.memory_space<vmem_shared>>) offsets(%dma_start3A_365 : memref<128xi32, #tpu.memory_space<vmem>>) semaphore(%arg15 : memref<!tpu.dma_semaphore, #tpu.memory_space<semaphore_mem>>) {add = true}
      %dma_wait3A_369 = arith.constant 2 : i32
      %dma_wait3A_370 = arith.constant 0 : i32
      %dma_wait3A_371 = tpu.memref_slice %arg8[%dma_wait3A_369, %dma_wait3A_370] : memref<8x128xi32, #tpu.memory_space<vmem>> -> memref<1x128xi32, #tpu.memory_space<vmem>>
      %dma_wait3A_372 = tpu.memref_squeeze %dma_wait3A_371 : memref<1x128xi32, #tpu.memory_space<vmem>> -> memref<128xi32, #tpu.memory_space<vmem>>
      %dma_wait3A_373 = arith.constant 0 : i32
      %dma_wait3A_374 = arith.constant 0 : i32
      %dma_wait3A_375 = tpu.memref_slice %arg17[%dma_wait3A_373, %dma_wait3A_374] : memref<10240x128xf32, #tpu.memory_space<vmem_shared>> -> memref<10240x128xf32, #tpu.memory_space<vmem_shared>>
      tpu.wait_indirect_dma semaphore(%arg15 : memref<!tpu.dma_semaphore, #tpu.memory_space<semaphore_mem>>) src(%arg9 : memref<128x128xf32, #tpu.memory_space<vmem>>) dst(%dma_wait3A_375 : memref<10240x128xf32, #tpu.memory_space<vmem_shared>>)
      %dma_start3A_376 = arith.constant 4 : i32
      %dma_start3A_377 = arith.constant 0 : i32
      %dma_start3A_378 = tpu.memref_slice %arg7[%dma_start3A_376, %dma_start3A_377] : memref<8x128xi32, #tpu.memory_space<vmem>> -> memref<1x128xi32, #tpu.memory_space<vmem>>
      %dma_start3A_379 = tpu.memref_squeeze %dma_start3A_378 : memref<1x128xi32, #tpu.memory_space<vmem>> -> memref<128xi32, #tpu.memory_space<vmem>>
      %dma_start3A_380 = arith.constant 0 : i32
      %dma_start3A_381 = arith.constant 0 : i32
      %dma_start3A_382 = tpu.memref_slice %arg2[%dma_start3A_380, %dma_start3A_381] : memref<10000x128xf32, #tpu.memory_space<hbm>> -> memref<10000x128xf32, #tpu.memory_space<hbm>>
      tpu.enqueue_indirect_dma source(%dma_start3A_382 : memref<10000x128xf32, #tpu.memory_space<hbm>>) target(%arg9 : memref<128x128xf32, #tpu.memory_space<vmem>>) offsets(%dma_start3A_379 : memref<128xi32, #tpu.memory_space<vmem>>) semaphore(%arg13 : memref<!tpu.dma_semaphore, #tpu.memory_space<semaphore_mem>>)
      %dma_wait3A_383 = arith.constant 3 : i32
      %dma_wait3A_384 = arith.constant 0 : i32
      %dma_wait3A_385 = tpu.memref_slice %arg7[%dma_wait3A_383, %dma_wait3A_384] : memref<8x128xi32, #tpu.memory_space<vmem>> -> memref<1x128xi32, #tpu.memory_space<vmem>>
      %dma_wait3A_386 = tpu.memref_squeeze %dma_wait3A_385 : memref<1x128xi32, #tpu.memory_space<vmem>> -> memref<128xi32, #tpu.memory_space<vmem>>
      %dma_wait3A_387 = arith.constant 0 : i32
      %dma_wait3A_388 = arith.constant 0 : i32
      %dma_wait3A_389 = tpu.memref_slice %arg2[%dma_wait3A_387, %dma_wait3A_388] : memref<10000x128xf32, #tpu.memory_space<hbm>> -> memref<10000x128xf32, #tpu.memory_space<hbm>>
      tpu.wait_indirect_dma semaphore(%arg14 : memref<!tpu.dma_semaphore, #tpu.memory_space<semaphore_mem>>) src(%dma_wait3A_389 : memref<10000x128xf32, #tpu.memory_space<hbm>>) dst(%arg10 : memref<128x128xf32, #tpu.memory_space<vmem>>)
      %dma_start3A_390 = arith.constant 3 : i32
      %dma_start3A_391 = arith.constant 0 : i32
      %dma_start3A_392 = tpu.memref_slice %arg8[%dma_start3A_390, %dma_start3A_391] : memref<8x128xi32, #tpu.memory_space<vmem>> -> memref<1x128xi32, #tpu.memory_space<vmem>>
      %dma_start3A_393 = tpu.memref_squeeze %dma_start3A_392 : memref<1x128xi32, #tpu.memory_space<vmem>> -> memref<128xi32, #tpu.memory_space<vmem>>
      %dma_start3A_394 = arith.constant 0 : i32
      %dma_start3A_395 = arith.constant 0 : i32
      %dma_start3A_396 = tpu.memref_slice %arg17[%dma_start3A_394, %dma_start3A_395] : memref<10240x128xf32, #tpu.memory_space<vmem_shared>> -> memref<10240x128xf32, #tpu.memory_space<vmem_shared>>
      tpu.enqueue_indirect_dma source(%arg10 : memref<128x128xf32, #tpu.memory_space<vmem>>) target(%dma_start3A_396 : memref<10240x128xf32, #tpu.memory_space<vmem_shared>>) offsets(%dma_start3A_393 : memref<128xi32, #tpu.memory_space<vmem>>) semaphore(%arg16 : memref<!tpu.dma_semaphore, #tpu.memory_space<semaphore_mem>>) {add = true}
      %dma_wait3A_397 = arith.constant 3 : i32
      %dma_wait3A_398 = arith.constant 0 : i32
      %dma_wait3A_399 = tpu.memref_slice %arg8[%dma_wait3A_397, %dma_wait3A_398] : memref<8x128xi32, #tpu.memory_space<vmem>> -> memref<1x128xi32, #tpu.memory_space<vmem>>
      %dma_wait3A_400 = tpu.memref_squeeze %dma_wait3A_399 : memref<1x128xi32, #tpu.memory_space<vmem>> -> memref<128xi32, #tpu.memory_space<vmem>>
      %dma_wait3A_401 = arith.constant 0 : i32
      %dma_wait3A_402 = arith.constant 0 : i32
      %dma_wait3A_403 = tpu.memref_slice %arg17[%dma_wait3A_401, %dma_wait3A_402] : memref<10240x128xf32, #tpu.memory_space<vmem_shared>> -> memref<10240x128xf32, #tpu.memory_space<vmem_shared>>
      tpu.wait_indirect_dma semaphore(%arg16 : memref<!tpu.dma_semaphore, #tpu.memory_space<semaphore_mem>>) src(%arg10 : memref<128x128xf32, #tpu.memory_space<vmem>>) dst(%dma_wait3A_403 : memref<10240x128xf32, #tpu.memory_space<vmem_shared>>)
      %dma_start3A_404 = arith.constant 5 : i32
      %dma_start3A_405 = arith.constant 0 : i32
      %dma_start3A_406 = tpu.memref_slice %arg7[%dma_start3A_404, %dma_start3A_405] : memref<8x128xi32, #tpu.memory_space<vmem>> -> memref<1x128xi32, #tpu.memory_space<vmem>>
      %dma_start3A_407 = tpu.memref_squeeze %dma_start3A_406 : memref<1x128xi32, #tpu.memory_space<vmem>> -> memref<128xi32, #tpu.memory_space<vmem>>
      %dma_start3A_408 = arith.constant 0 : i32
      %dma_start3A_409 = arith.constant 0 : i32
      %dma_start3A_410 = tpu.memref_slice %arg2[%dma_start3A_408, %dma_start3A_409] : memref<10000x128xf32, #tpu.memory_space<hbm>> -> memref<10000x128xf32, #tpu.memory_space<hbm>>
      tpu.enqueue_indirect_dma source(%dma_start3A_410 : memref<10000x128xf32, #tpu.memory_space<hbm>>) target(%arg10 : memref<128x128xf32, #tpu.memory_space<vmem>>) offsets(%dma_start3A_407 : memref<128xi32, #tpu.memory_space<vmem>>) semaphore(%arg14 : memref<!tpu.dma_semaphore, #tpu.memory_space<semaphore_mem>>)
      %dma_wait3A_411 = arith.constant 4 : i32
      %dma_wait3A_412 = arith.constant 0 : i32
      %dma_wait3A_413 = tpu.memref_slice %arg7[%dma_wait3A_411, %dma_wait3A_412] : memref<8x128xi32, #tpu.memory_space<vmem>> -> memref<1x128xi32, #tpu.memory_space<vmem>>
      %dma_wait3A_414 = tpu.memref_squeeze %dma_wait3A_413 : memref<1x128xi32, #tpu.memory_space<vmem>> -> memref<128xi32, #tpu.memory_space<vmem>>
      %dma_wait3A_415 = arith.constant 0 : i32
      %dma_wait3A_416 = arith.constant 0 : i32
      %dma_wait3A_417 = tpu.memref_slice %arg2[%dma_wait3A_415, %dma_wait3A_416] : memref<10000x128xf32, #tpu.memory_space<hbm>> -> memref<10000x128xf32, #tpu.memory_space<hbm>>
      tpu.wait_indirect_dma semaphore(%arg13 : memref<!tpu.dma_semaphore, #tpu.memory_space<semaphore_mem>>) src(%dma_wait3A_417 : memref<10000x128xf32, #tpu.memory_space<hbm>>) dst(%arg9 : memref<128x128xf32, #tpu.memory_space<vmem>>)
      %dma_start3A_418 = arith.constant 4 : i32
      %dma_start3A_419 = arith.constant 0 : i32
      %dma_start3A_420 = tpu.memref_slice %arg8[%dma_start3A_418, %dma_start3A_419] : memref<8x128xi32, #tpu.memory_space<vmem>> -> memref<1x128xi32, #tpu.memory_space<vmem>>
      %dma_start3A_421 = tpu.memref_squeeze %dma_start3A_420 : memref<1x128xi32, #tpu.memory_space<vmem>> -> memref<128xi32, #tpu.memory_space<vmem>>
      %dma_start3A_422 = arith.constant 0 : i32
      %dma_start3A_423 = arith.constant 0 : i32
      %dma_start3A_424 = tpu.memref_slice %arg17[%dma_start3A_422, %dma_start3A_423] : memref<10240x128xf32, #tpu.memory_space<vmem_shared>> -> memref<10240x128xf32, #tpu.memory_space<vmem_shared>>
      tpu.enqueue_indirect_dma source(%arg9 : memref<128x128xf32, #tpu.memory_space<vmem>>) target(%dma_start3A_424 : memref<10240x128xf32, #tpu.memory_space<vmem_shared>>) offsets(%dma_start3A_421 : memref<128xi32, #tpu.memory_space<vmem>>) semaphore(%arg15 : memref<!tpu.dma_semaphore, #tpu.memory_space<semaphore_mem>>) {add = true}
      %dma_wait3A_425 = arith.constant 4 : i32
      %dma_wait3A_426 = arith.constant 0 : i32
      %dma_wait3A_427 = tpu.memref_slice %arg8[%dma_wait3A_425, %dma_wait3A_426] : memref<8x128xi32, #tpu.memory_space<vmem>> -> memref<1x128xi32, #tpu.memory_space<vmem>>
      %dma_wait3A_428 = tpu.memref_squeeze %dma_wait3A_427 : memref<1x128xi32, #tpu.memory_space<vmem>> -> memref<128xi32, #tpu.memory_space<vmem>>
      %dma_wait3A_429 = arith.constant 0 : i32
      %dma_wait3A_430 = arith.constant 0 : i32
      %dma_wait3A_431 = tpu.memref_slice %arg17[%dma_wait3A_429, %dma_wait3A_430] : memref<10240x128xf32, #tpu.memory_space<vmem_shared>> -> memref<10240x128xf32, #tpu.memory_space<vmem_shared>>
      tpu.wait_indirect_dma semaphore(%arg15 : memref<!tpu.dma_semaphore, #tpu.memory_space<semaphore_mem>>) src(%arg9 : memref<128x128xf32, #tpu.memory_space<vmem>>) dst(%dma_wait3A_431 : memref<10240x128xf32, #tpu.memory_space<vmem_shared>>)
      %dma_start3A_432 = arith.constant 6 : i32
      %dma_start3A_433 = arith.constant 0 : i32
      %dma_start3A_434 = tpu.memref_slice %arg7[%dma_start3A_432, %dma_start3A_433] : memref<8x128xi32, #tpu.memory_space<vmem>> -> memref<1x128xi32, #tpu.memory_space<vmem>>
      %dma_start3A_435 = tpu.memref_squeeze %dma_start3A_434 : memref<1x128xi32, #tpu.memory_space<vmem>> -> memref<128xi32, #tpu.memory_space<vmem>>
      %dma_start3A_436 = arith.constant 0 : i32
      %dma_start3A_437 = arith.constant 0 : i32
      %dma_start3A_438 = tpu.memref_slice %arg2[%dma_start3A_436, %dma_start3A_437] : memref<10000x128xf32, #tpu.memory_space<hbm>> -> memref<10000x128xf32, #tpu.memory_space<hbm>>
      tpu.enqueue_indirect_dma source(%dma_start3A_438 : memref<10000x128xf32, #tpu.memory_space<hbm>>) target(%arg9 : memref<128x128xf32, #tpu.memory_space<vmem>>) offsets(%dma_start3A_435 : memref<128xi32, #tpu.memory_space<vmem>>) semaphore(%arg13 : memref<!tpu.dma_semaphore, #tpu.memory_space<semaphore_mem>>)
      %dma_wait3A_439 = arith.constant 5 : i32
      %dma_wait3A_440 = arith.constant 0 : i32
      %dma_wait3A_441 = tpu.memref_slice %arg7[%dma_wait3A_439, %dma_wait3A_440] : memref<8x128xi32, #tpu.memory_space<vmem>> -> memref<1x128xi32, #tpu.memory_space<vmem>>
      %dma_wait3A_442 = tpu.memref_squeeze %dma_wait3A_441 : memref<1x128xi32, #tpu.memory_space<vmem>> -> memref<128xi32, #tpu.memory_space<vmem>>
      %dma_wait3A_443 = arith.constant 0 : i32
      %dma_wait3A_444 = arith.constant 0 : i32
      %dma_wait3A_445 = tpu.memref_slice %arg2[%dma_wait3A_443, %dma_wait3A_444] : memref<10000x128xf32, #tpu.memory_space<hbm>> -> memref<10000x128xf32, #tpu.memory_space<hbm>>
      tpu.wait_indirect_dma semaphore(%arg14 : memref<!tpu.dma_semaphore, #tpu.memory_space<semaphore_mem>>) src(%dma_wait3A_445 : memref<10000x128xf32, #tpu.memory_space<hbm>>) dst(%arg10 : memref<128x128xf32, #tpu.memory_space<vmem>>)
      %dma_start3A_446 = arith.constant 5 : i32
      %dma_start3A_447 = arith.constant 0 : i32
      %dma_start3A_448 = tpu.memref_slice %arg8[%dma_start3A_446, %dma_start3A_447] : memref<8x128xi32, #tpu.memory_space<vmem>> -> memref<1x128xi32, #tpu.memory_space<vmem>>
      %dma_start3A_449 = tpu.memref_squeeze %dma_start3A_448 : memref<1x128xi32, #tpu.memory_space<vmem>> -> memref<128xi32, #tpu.memory_space<vmem>>
      %dma_start3A_450 = arith.constant 0 : i32
      %dma_start3A_451 = arith.constant 0 : i32
      %dma_start3A_452 = tpu.memref_slice %arg17[%dma_start3A_450, %dma_start3A_451] : memref<10240x128xf32, #tpu.memory_space<vmem_shared>> -> memref<10240x128xf32, #tpu.memory_space<vmem_shared>>
      tpu.enqueue_indirect_dma source(%arg10 : memref<128x128xf32, #tpu.memory_space<vmem>>) target(%dma_start3A_452 : memref<10240x128xf32, #tpu.memory_space<vmem_shared>>) offsets(%dma_start3A_449 : memref<128xi32, #tpu.memory_space<vmem>>) semaphore(%arg16 : memref<!tpu.dma_semaphore, #tpu.memory_space<semaphore_mem>>) {add = true}
      %dma_wait3A_453 = arith.constant 5 : i32
      %dma_wait3A_454 = arith.constant 0 : i32
      %dma_wait3A_455 = tpu.memref_slice %arg8[%dma_wait3A_453, %dma_wait3A_454] : memref<8x128xi32, #tpu.memory_space<vmem>> -> memref<1x128xi32, #tpu.memory_space<vmem>>
      %dma_wait3A_456 = tpu.memref_squeeze %dma_wait3A_455 : memref<1x128xi32, #tpu.memory_space<vmem>> -> memref<128xi32, #tpu.memory_space<vmem>>
      %dma_wait3A_457 = arith.constant 0 : i32
      %dma_wait3A_458 = arith.constant 0 : i32
      %dma_wait3A_459 = tpu.memref_slice %arg17[%dma_wait3A_457, %dma_wait3A_458] : memref<10240x128xf32, #tpu.memory_space<vmem_shared>> -> memref<10240x128xf32, #tpu.memory_space<vmem_shared>>
      tpu.wait_indirect_dma semaphore(%arg16 : memref<!tpu.dma_semaphore, #tpu.memory_space<semaphore_mem>>) src(%arg10 : memref<128x128xf32, #tpu.memory_space<vmem>>) dst(%dma_wait3A_459 : memref<10240x128xf32, #tpu.memory_space<vmem_shared>>)
      %dma_start3A_460 = arith.constant 7 : i32
      %dma_start3A_461 = arith.constant 0 : i32
      %dma_start3A_462 = tpu.memref_slice %arg7[%dma_start3A_460, %dma_start3A_461] : memref<8x128xi32, #tpu.memory_space<vmem>> -> memref<1x128xi32, #tpu.memory_space<vmem>>
      %dma_start3A_463 = tpu.memref_squeeze %dma_start3A_462 : memref<1x128xi32, #tpu.memory_space<vmem>> -> memref<128xi32, #tpu.memory_space<vmem>>
      %dma_start3A_464 = arith.constant 0 : i32
      %dma_start3A_465 = arith.constant 0 : i32
      %dma_start3A_466 = tpu.memref_slice %arg2[%dma_start3A_464, %dma_start3A_465] : memref<10000x128xf32, #tpu.memory_space<hbm>> -> memref<10000x128xf32, #tpu.memory_space<hbm>>
      tpu.enqueue_indirect_dma source(%dma_start3A_466 : memref<10000x128xf32, #tpu.memory_space<hbm>>) target(%arg10 : memref<128x128xf32, #tpu.memory_space<vmem>>) offsets(%dma_start3A_463 : memref<128xi32, #tpu.memory_space<vmem>>) semaphore(%arg14 : memref<!tpu.dma_semaphore, #tpu.memory_space<semaphore_mem>>)
      %dma_wait3A_467 = arith.constant 6 : i32
      %dma_wait3A_468 = arith.constant 0 : i32
      %dma_wait3A_469 = tpu.memref_slice %arg7[%dma_wait3A_467, %dma_wait3A_468] : memref<8x128xi32, #tpu.memory_space<vmem>> -> memref<1x128xi32, #tpu.memory_space<vmem>>
      %dma_wait3A_470 = tpu.memref_squeeze %dma_wait3A_469 : memref<1x128xi32, #tpu.memory_space<vmem>> -> memref<128xi32, #tpu.memory_space<vmem>>
      %dma_wait3A_471 = arith.constant 0 : i32
      %dma_wait3A_472 = arith.constant 0 : i32
      %dma_wait3A_473 = tpu.memref_slice %arg2[%dma_wait3A_471, %dma_wait3A_472] : memref<10000x128xf32, #tpu.memory_space<hbm>> -> memref<10000x128xf32, #tpu.memory_space<hbm>>
      tpu.wait_indirect_dma semaphore(%arg13 : memref<!tpu.dma_semaphore, #tpu.memory_space<semaphore_mem>>) src(%dma_wait3A_473 : memref<10000x128xf32, #tpu.memory_space<hbm>>) dst(%arg9 : memref<128x128xf32, #tpu.memory_space<vmem>>)
      %dma_start3A_474 = arith.constant 6 : i32
      %dma_start3A_475 = arith.constant 0 : i32
      %dma_start3A_476 = tpu.memref_slice %arg8[%dma_start3A_474, %dma_start3A_475] : memref<8x128xi32, #tpu.memory_space<vmem>> -> memref<1x128xi32, #tpu.memory_space<vmem>>
      %dma_start3A_477 = tpu.memref_squeeze %dma_start3A_476 : memref<1x128xi32, #tpu.memory_space<vmem>> -> memref<128xi32, #tpu.memory_space<vmem>>
      %dma_start3A_478 = arith.constant 0 : i32
      %dma_start3A_479 = arith.constant 0 : i32
      %dma_start3A_480 = tpu.memref_slice %arg17[%dma_start3A_478, %dma_start3A_479] : memref<10240x128xf32, #tpu.memory_space<vmem_shared>> -> memref<10240x128xf32, #tpu.memory_space<vmem_shared>>
      tpu.enqueue_indirect_dma source(%arg9 : memref<128x128xf32, #tpu.memory_space<vmem>>) target(%dma_start3A_480 : memref<10240x128xf32, #tpu.memory_space<vmem_shared>>) offsets(%dma_start3A_477 : memref<128xi32, #tpu.memory_space<vmem>>) semaphore(%arg15 : memref<!tpu.dma_semaphore, #tpu.memory_space<semaphore_mem>>) {add = true}
      %dma_wait3A_481 = arith.constant 7 : i32
      %dma_wait3A_482 = arith.constant 0 : i32
      %dma_wait3A_483 = tpu.memref_slice %arg7[%dma_wait3A_481, %dma_wait3A_482] : memref<8x128xi32, #tpu.memory_space<vmem>> -> memref<1x128xi32, #tpu.memory_space<vmem>>
      %dma_wait3A_484 = tpu.memref_squeeze %dma_wait3A_483 : memref<1x128xi32, #tpu.memory_space<vmem>> -> memref<128xi32, #tpu.memory_space<vmem>>
      %dma_wait3A_485 = arith.constant 0 : i32
      %dma_wait3A_486 = arith.constant 0 : i32
      %dma_wait3A_487 = tpu.memref_slice %arg2[%dma_wait3A_485, %dma_wait3A_486] : memref<10000x128xf32, #tpu.memory_space<hbm>> -> memref<10000x128xf32, #tpu.memory_space<hbm>>
      tpu.wait_indirect_dma semaphore(%arg14 : memref<!tpu.dma_semaphore, #tpu.memory_space<semaphore_mem>>) src(%dma_wait3A_487 : memref<10000x128xf32, #tpu.memory_space<hbm>>) dst(%arg10 : memref<128x128xf32, #tpu.memory_space<vmem>>)
      %dma_start3A_488 = arith.constant 7 : i32
      %dma_start3A_489 = arith.constant 0 : i32
      %dma_start3A_490 = tpu.memref_slice %arg8[%dma_start3A_488, %dma_start3A_489] : memref<8x128xi32, #tpu.memory_space<vmem>> -> memref<1x128xi32, #tpu.memory_space<vmem>>
      %dma_start3A_491 = tpu.memref_squeeze %dma_start3A_490 : memref<1x128xi32, #tpu.memory_space<vmem>> -> memref<128xi32, #tpu.memory_space<vmem>>
      %dma_start3A_492 = arith.constant 0 : i32
      %dma_start3A_493 = arith.constant 0 : i32
      %dma_start3A_494 = tpu.memref_slice %arg17[%dma_start3A_492, %dma_start3A_493] : memref<10240x128xf32, #tpu.memory_space<vmem_shared>> -> memref<10240x128xf32, #tpu.memory_space<vmem_shared>>
      tpu.enqueue_indirect_dma source(%arg10 : memref<128x128xf32, #tpu.memory_space<vmem>>) target(%dma_start3A_494 : memref<10240x128xf32, #tpu.memory_space<vmem_shared>>) offsets(%dma_start3A_491 : memref<128xi32, #tpu.memory_space<vmem>>) semaphore(%arg16 : memref<!tpu.dma_semaphore, #tpu.memory_space<semaphore_mem>>) {add = true}
      %dma_wait3A_495 = arith.constant 6 : i32
      %dma_wait3A_496 = arith.constant 0 : i32
      %dma_wait3A_497 = tpu.memref_slice %arg8[%dma_wait3A_495, %dma_wait3A_496] : memref<8x128xi32, #tpu.memory_space<vmem>> -> memref<1x128xi32, #tpu.memory_space<vmem>>
      %dma_wait3A_498 = tpu.memref_squeeze %dma_wait3A_497 : memref<1x128xi32, #tpu.memory_space<vmem>> -> memref<128xi32, #tpu.memory_space<vmem>>
      %dma_wait3A_499 = arith.constant 0 : i32
      %dma_wait3A_500 = arith.constant 0 : i32
      %dma_wait3A_501 = tpu.memref_slice %arg17[%dma_wait3A_499, %dma_wait3A_500] : memref<10240x128xf32, #tpu.memory_space<vmem_shared>> -> memref<10240x128xf32, #tpu.memory_space<vmem_shared>>
      tpu.wait_indirect_dma semaphore(%arg15 : memref<!tpu.dma_semaphore, #tpu.memory_space<semaphore_mem>>) src(%arg9 : memref<128x128xf32, #tpu.memory_space<vmem>>) dst(%dma_wait3A_501 : memref<10240x128xf32, #tpu.memory_space<vmem_shared>>)
      %dma_wait3A_502 = arith.constant 7 : i32
      %dma_wait3A_503 = arith.constant 0 : i32
      %dma_wait3A_504 = tpu.memref_slice %arg8[%dma_wait3A_502, %dma_wait3A_503] : memref<8x128xi32, #tpu.memory_space<vmem>> -> memref<1x128xi32, #tpu.memory_space<vmem>>
      %dma_wait3A_505 = tpu.memref_squeeze %dma_wait3A_504 : memref<1x128xi32, #tpu.memory_space<vmem>> -> memref<128xi32, #tpu.memory_space<vmem>>
      %dma_wait3A_506 = arith.constant 0 : i32
      %dma_wait3A_507 = arith.constant 0 : i32
      %dma_wait3A_508 = tpu.memref_slice %arg17[%dma_wait3A_506, %dma_wait3A_507] : memref<10240x128xf32, #tpu.memory_space<vmem_shared>> -> memref<10240x128xf32, #tpu.memory_space<vmem_shared>>
      tpu.wait_indirect_dma semaphore(%arg16 : memref<!tpu.dma_semaphore, #tpu.memory_space<semaphore_mem>>) src(%arg10 : memref<128x128xf32, #tpu.memory_space<vmem>>) dst(%dma_wait3A_508 : memref<10240x128xf32, #tpu.memory_space<vmem_shared>>)
      %add3A_509 = arith.constant 1 : i32
      %add3A_510 = arith.addi %scan3A_273, %add3A_509 : i32
      %mul3A_511 = arith.constant 8 : i32
      %mul3A_512 = arith.muli %add3A_510, %mul3A_511 : i32
      %add3A_513 = arith.addi %mul3A_14, %mul3A_512 : i32
      %dma_start3A_514 = arith.constant 0 : i32
      %dma_start3A_515 = tpu.memref_slice %arg3[%add3A_513, %dma_start3A_514] : memref<2560x128xi32, #tpu.memory_space<hbm>> -> memref<8x128xi32, #tpu.memory_space<hbm>>
      %dma_start3A_516 = arith.constant 0 : i32
      %dma_start3A_517 = tpu.memref_slice %arg3[%add3A_513, %dma_start3A_516] : memref<2560x128xi32, #tpu.memory_space<hbm>> -> memref<8x128xi32, #tpu.memory_space<hbm>>
      tpu.enqueue_dma source(%dma_start3A_517 : memref<8x128xi32, #tpu.memory_space<hbm>>) target(%arg7 : memref<8x128xi32, #tpu.memory_space<vmem>>) target_semaphore(%arg11 : memref<!tpu.dma_semaphore, #tpu.memory_space<semaphore_mem>>)
      %dma_start3A_518 = arith.constant 0 : i32
      %dma_start3A_519 = tpu.memref_slice %arg4[%add3A_513, %dma_start3A_518] : memref<2560x128xi32, #tpu.memory_space<hbm>> -> memref<8x128xi32, #tpu.memory_space<hbm>>
      %dma_start3A_520 = arith.constant 0 : i32
      %dma_start3A_521 = tpu.memref_slice %arg4[%add3A_513, %dma_start3A_520] : memref<2560x128xi32, #tpu.memory_space<hbm>> -> memref<8x128xi32, #tpu.memory_space<hbm>>
      tpu.enqueue_dma source(%dma_start3A_521 : memref<8x128xi32, #tpu.memory_space<hbm>>) target(%arg8 : memref<8x128xi32, #tpu.memory_space<vmem>>) target_semaphore(%arg12 : memref<!tpu.dma_semaphore, #tpu.memory_space<semaphore_mem>>)
    }
    %scan3A_28 = arith.constant 9 : i32
    %add3A_29 = arith.constant 72 : i32
    %add3A_30 = arith.addi %mul3A_14, %add3A_29 : i32
    %dma_wait3A = arith.constant 0 : i32
    %dma_wait3A_31 = tpu.memref_slice %arg3[%add3A_30, %dma_wait3A] : memref<2560x128xi32, #tpu.memory_space<hbm>> -> memref<8x128xi32, #tpu.memory_space<hbm>>
    %dma_wait3A_32 = arith.constant 0 : i32
    %dma_wait3A_33 = tpu.memref_slice %arg3[%add3A_30, %dma_wait3A_32] : memref<2560x128xi32, #tpu.memory_space<hbm>> -> memref<8x128xi32, #tpu.memory_space<hbm>>
    tpu.wait_dma2 semaphore(%arg11 : memref<!tpu.dma_semaphore, #tpu.memory_space<semaphore_mem>>) src(%dma_wait3A_33 : memref<8x128xi32, #tpu.memory_space<hbm>>) dst(%arg7 : memref<8x128xi32, #tpu.memory_space<vmem>>)
    %dma_wait3A_34 = arith.constant 0 : i32
    %dma_wait3A_35 = tpu.memref_slice %arg4[%add3A_30, %dma_wait3A_34] : memref<2560x128xi32, #tpu.memory_space<hbm>> -> memref<8x128xi32, #tpu.memory_space<hbm>>
    %dma_wait3A_36 = arith.constant 0 : i32
    %dma_wait3A_37 = tpu.memref_slice %arg4[%add3A_30, %dma_wait3A_36] : memref<2560x128xi32, #tpu.memory_space<hbm>> -> memref<8x128xi32, #tpu.memory_space<hbm>>
    tpu.wait_dma2 semaphore(%arg12 : memref<!tpu.dma_semaphore, #tpu.memory_space<semaphore_mem>>) src(%dma_wait3A_37 : memref<8x128xi32, #tpu.memory_space<hbm>>) dst(%arg8 : memref<8x128xi32, #tpu.memory_space<vmem>>)
    %dma_start3A_38 = arith.constant 0 : i32
    %dma_start3A_39 = arith.constant 0 : i32
    %dma_start3A_40 = tpu.memref_slice %arg7[%dma_start3A_38, %dma_start3A_39] : memref<8x128xi32, #tpu.memory_space<vmem>> -> memref<1x128xi32, #tpu.memory_space<vmem>>
    %dma_start3A_41 = tpu.memref_squeeze %dma_start3A_40 : memref<1x128xi32, #tpu.memory_space<vmem>> -> memref<128xi32, #tpu.memory_space<vmem>>
    %dma_start3A_42 = arith.constant 0 : i32
    %dma_start3A_43 = arith.constant 0 : i32
    %dma_start3A_44 = tpu.memref_slice %arg2[%dma_start3A_42, %dma_start3A_43] : memref<10000x128xf32, #tpu.memory_space<hbm>> -> memref<10000x128xf32, #tpu.memory_space<hbm>>
    tpu.enqueue_indirect_dma source(%dma_start3A_44 : memref<10000x128xf32, #tpu.memory_space<hbm>>) target(%arg9 : memref<128x128xf32, #tpu.memory_space<vmem>>) offsets(%dma_start3A_41 : memref<128xi32, #tpu.memory_space<vmem>>) semaphore(%arg13 : memref<!tpu.dma_semaphore, #tpu.memory_space<semaphore_mem>>)
    %dma_start3A_45 = arith.constant 1 : i32
    %dma_start3A_46 = arith.constant 0 : i32
    %dma_start3A_47 = tpu.memref_slice %arg7[%dma_start3A_45, %dma_start3A_46] : memref<8x128xi32, #tpu.memory_space<vmem>> -> memref<1x128xi32, #tpu.memory_space<vmem>>
    %dma_start3A_48 = tpu.memref_squeeze %dma_start3A_47 : memref<1x128xi32, #tpu.memory_space<vmem>> -> memref<128xi32, #tpu.memory_space<vmem>>
    %dma_start3A_49 = arith.constant 0 : i32
    %dma_start3A_50 = arith.constant 0 : i32
    %dma_start3A_51 = tpu.memref_slice %arg2[%dma_start3A_49, %dma_start3A_50] : memref<10000x128xf32, #tpu.memory_space<hbm>> -> memref<10000x128xf32, #tpu.memory_space<hbm>>
    tpu.enqueue_indirect_dma source(%dma_start3A_51 : memref<10000x128xf32, #tpu.memory_space<hbm>>) target(%arg10 : memref<128x128xf32, #tpu.memory_space<vmem>>) offsets(%dma_start3A_48 : memref<128xi32, #tpu.memory_space<vmem>>) semaphore(%arg14 : memref<!tpu.dma_semaphore, #tpu.memory_space<semaphore_mem>>)
    %dma_wait3A_52 = arith.constant 0 : i32
    %dma_wait3A_53 = arith.constant 0 : i32
    %dma_wait3A_54 = tpu.memref_slice %arg7[%dma_wait3A_52, %dma_wait3A_53] : memref<8x128xi32, #tpu.memory_space<vmem>> -> memref<1x128xi32, #tpu.memory_space<vmem>>
    %dma_wait3A_55 = tpu.memref_squeeze %dma_wait3A_54 : memref<1x128xi32, #tpu.memory_space<vmem>> -> memref<128xi32, #tpu.memory_space<vmem>>
    %dma_wait3A_56 = arith.constant 0 : i32
    %dma_wait3A_57 = arith.constant 0 : i32
    %dma_wait3A_58 = tpu.memref_slice %arg2[%dma_wait3A_56, %dma_wait3A_57] : memref<10000x128xf32, #tpu.memory_space<hbm>> -> memref<10000x128xf32, #tpu.memory_space<hbm>>
    tpu.wait_indirect_dma semaphore(%arg13 : memref<!tpu.dma_semaphore, #tpu.memory_space<semaphore_mem>>) src(%dma_wait3A_58 : memref<10000x128xf32, #tpu.memory_space<hbm>>) dst(%arg9 : memref<128x128xf32, #tpu.memory_space<vmem>>)
    %dma_start3A_59 = arith.constant 0 : i32
    %dma_start3A_60 = arith.constant 0 : i32
    %dma_start3A_61 = tpu.memref_slice %arg8[%dma_start3A_59, %dma_start3A_60] : memref<8x128xi32, #tpu.memory_space<vmem>> -> memref<1x128xi32, #tpu.memory_space<vmem>>
    %dma_start3A_62 = tpu.memref_squeeze %dma_start3A_61 : memref<1x128xi32, #tpu.memory_space<vmem>> -> memref<128xi32, #tpu.memory_space<vmem>>
    %dma_start3A_63 = arith.constant 0 : i32
    %dma_start3A_64 = arith.constant 0 : i32
    %dma_start3A_65 = tpu.memref_slice %arg17[%dma_start3A_63, %dma_start3A_64] : memref<10240x128xf32, #tpu.memory_space<vmem_shared>> -> memref<10240x128xf32, #tpu.memory_space<vmem_shared>>
    tpu.enqueue_indirect_dma source(%arg9 : memref<128x128xf32, #tpu.memory_space<vmem>>) target(%dma_start3A_65 : memref<10240x128xf32, #tpu.memory_space<vmem_shared>>) offsets(%dma_start3A_62 : memref<128xi32, #tpu.memory_space<vmem>>) semaphore(%arg15 : memref<!tpu.dma_semaphore, #tpu.memory_space<semaphore_mem>>) {add = true}
    %dma_wait3A_66 = arith.constant 0 : i32
    %dma_wait3A_67 = arith.constant 0 : i32
    %dma_wait3A_68 = tpu.memref_slice %arg8[%dma_wait3A_66, %dma_wait3A_67] : memref<8x128xi32, #tpu.memory_space<vmem>> -> memref<1x128xi32, #tpu.memory_space<vmem>>
    %dma_wait3A_69 = tpu.memref_squeeze %dma_wait3A_68 : memref<1x128xi32, #tpu.memory_space<vmem>> -> memref<128xi32, #tpu.memory_space<vmem>>
    %dma_wait3A_70 = arith.constant 0 : i32
    %dma_wait3A_71 = arith.constant 0 : i32
    %dma_wait3A_72 = tpu.memref_slice %arg17[%dma_wait3A_70, %dma_wait3A_71] : memref<10240x128xf32, #tpu.memory_space<vmem_shared>> -> memref<10240x128xf32, #tpu.memory_space<vmem_shared>>
    tpu.wait_indirect_dma semaphore(%arg15 : memref<!tpu.dma_semaphore, #tpu.memory_space<semaphore_mem>>) src(%arg9 : memref<128x128xf32, #tpu.memory_space<vmem>>) dst(%dma_wait3A_72 : memref<10240x128xf32, #tpu.memory_space<vmem_shared>>)
    %dma_start3A_73 = arith.constant 2 : i32
    %dma_start3A_74 = arith.constant 0 : i32
    %dma_start3A_75 = tpu.memref_slice %arg7[%dma_start3A_73, %dma_start3A_74] : memref<8x128xi32, #tpu.memory_space<vmem>> -> memref<1x128xi32, #tpu.memory_space<vmem>>
    %dma_start3A_76 = tpu.memref_squeeze %dma_start3A_75 : memref<1x128xi32, #tpu.memory_space<vmem>> -> memref<128xi32, #tpu.memory_space<vmem>>
    %dma_start3A_77 = arith.constant 0 : i32
    %dma_start3A_78 = arith.constant 0 : i32
    %dma_start3A_79 = tpu.memref_slice %arg2[%dma_start3A_77, %dma_start3A_78] : memref<10000x128xf32, #tpu.memory_space<hbm>> -> memref<10000x128xf32, #tpu.memory_space<hbm>>
    tpu.enqueue_indirect_dma source(%dma_start3A_79 : memref<10000x128xf32, #tpu.memory_space<hbm>>) target(%arg9 : memref<128x128xf32, #tpu.memory_space<vmem>>) offsets(%dma_start3A_76 : memref<128xi32, #tpu.memory_space<vmem>>) semaphore(%arg13 : memref<!tpu.dma_semaphore, #tpu.memory_space<semaphore_mem>>)
    %dma_wait3A_80 = arith.constant 1 : i32
    %dma_wait3A_81 = arith.constant 0 : i32
    %dma_wait3A_82 = tpu.memref_slice %arg7[%dma_wait3A_80, %dma_wait3A_81] : memref<8x128xi32, #tpu.memory_space<vmem>> -> memref<1x128xi32, #tpu.memory_space<vmem>>
    %dma_wait3A_83 = tpu.memref_squeeze %dma_wait3A_82 : memref<1x128xi32, #tpu.memory_space<vmem>> -> memref<128xi32, #tpu.memory_space<vmem>>
    %dma_wait3A_84 = arith.constant 0 : i32
    %dma_wait3A_85 = arith.constant 0 : i32
    %dma_wait3A_86 = tpu.memref_slice %arg2[%dma_wait3A_84, %dma_wait3A_85] : memref<10000x128xf32, #tpu.memory_space<hbm>> -> memref<10000x128xf32, #tpu.memory_space<hbm>>
    tpu.wait_indirect_dma semaphore(%arg14 : memref<!tpu.dma_semaphore, #tpu.memory_space<semaphore_mem>>) src(%dma_wait3A_86 : memref<10000x128xf32, #tpu.memory_space<hbm>>) dst(%arg10 : memref<128x128xf32, #tpu.memory_space<vmem>>)
    %dma_start3A_87 = arith.constant 1 : i32
    %dma_start3A_88 = arith.constant 0 : i32
    %dma_start3A_89 = tpu.memref_slice %arg8[%dma_start3A_87, %dma_start3A_88] : memref<8x128xi32, #tpu.memory_space<vmem>> -> memref<1x128xi32, #tpu.memory_space<vmem>>
    %dma_start3A_90 = tpu.memref_squeeze %dma_start3A_89 : memref<1x128xi32, #tpu.memory_space<vmem>> -> memref<128xi32, #tpu.memory_space<vmem>>
    %dma_start3A_91 = arith.constant 0 : i32
    %dma_start3A_92 = arith.constant 0 : i32
    %dma_start3A_93 = tpu.memref_slice %arg17[%dma_start3A_91, %dma_start3A_92] : memref<10240x128xf32, #tpu.memory_space<vmem_shared>> -> memref<10240x128xf32, #tpu.memory_space<vmem_shared>>
    tpu.enqueue_indirect_dma source(%arg10 : memref<128x128xf32, #tpu.memory_space<vmem>>) target(%dma_start3A_93 : memref<10240x128xf32, #tpu.memory_space<vmem_shared>>) offsets(%dma_start3A_90 : memref<128xi32, #tpu.memory_space<vmem>>) semaphore(%arg16 : memref<!tpu.dma_semaphore, #tpu.memory_space<semaphore_mem>>) {add = true}
    %dma_wait3A_94 = arith.constant 1 : i32
    %dma_wait3A_95 = arith.constant 0 : i32
    %dma_wait3A_96 = tpu.memref_slice %arg8[%dma_wait3A_94, %dma_wait3A_95] : memref<8x128xi32, #tpu.memory_space<vmem>> -> memref<1x128xi32, #tpu.memory_space<vmem>>
    %dma_wait3A_97 = tpu.memref_squeeze %dma_wait3A_96 : memref<1x128xi32, #tpu.memory_space<vmem>> -> memref<128xi32, #tpu.memory_space<vmem>>
    %dma_wait3A_98 = arith.constant 0 : i32
    %dma_wait3A_99 = arith.constant 0 : i32
    %dma_wait3A_100 = tpu.memref_slice %arg17[%dma_wait3A_98, %dma_wait3A_99] : memref<10240x128xf32, #tpu.memory_space<vmem_shared>> -> memref<10240x128xf32, #tpu.memory_space<vmem_shared>>
    tpu.wait_indirect_dma semaphore(%arg16 : memref<!tpu.dma_semaphore, #tpu.memory_space<semaphore_mem>>) src(%arg10 : memref<128x128xf32, #tpu.memory_space<vmem>>) dst(%dma_wait3A_100 : memref<10240x128xf32, #tpu.memory_space<vmem_shared>>)
    %dma_start3A_101 = arith.constant 3 : i32
    %dma_start3A_102 = arith.constant 0 : i32
    %dma_start3A_103 = tpu.memref_slice %arg7[%dma_start3A_101, %dma_start3A_102] : memref<8x128xi32, #tpu.memory_space<vmem>> -> memref<1x128xi32, #tpu.memory_space<vmem>>
    %dma_start3A_104 = tpu.memref_squeeze %dma_start3A_103 : memref<1x128xi32, #tpu.memory_space<vmem>> -> memref<128xi32, #tpu.memory_space<vmem>>
    %dma_start3A_105 = arith.constant 0 : i32
    %dma_start3A_106 = arith.constant 0 : i32
    %dma_start3A_107 = tpu.memref_slice %arg2[%dma_start3A_105, %dma_start3A_106] : memref<10000x128xf32, #tpu.memory_space<hbm>> -> memref<10000x128xf32, #tpu.memory_space<hbm>>
    tpu.enqueue_indirect_dma source(%dma_start3A_107 : memref<10000x128xf32, #tpu.memory_space<hbm>>) target(%arg10 : memref<128x128xf32, #tpu.memory_space<vmem>>) offsets(%dma_start3A_104 : memref<128xi32, #tpu.memory_space<vmem>>) semaphore(%arg14 : memref<!tpu.dma_semaphore, #tpu.memory_space<semaphore_mem>>)
    %dma_wait3A_108 = arith.constant 2 : i32
    %dma_wait3A_109 = arith.constant 0 : i32
    %dma_wait3A_110 = tpu.memref_slice %arg7[%dma_wait3A_108, %dma_wait3A_109] : memref<8x128xi32, #tpu.memory_space<vmem>> -> memref<1x128xi32, #tpu.memory_space<vmem>>
    %dma_wait3A_111 = tpu.memref_squeeze %dma_wait3A_110 : memref<1x128xi32, #tpu.memory_space<vmem>> -> memref<128xi32, #tpu.memory_space<vmem>>
    %dma_wait3A_112 = arith.constant 0 : i32
    %dma_wait3A_113 = arith.constant 0 : i32
    %dma_wait3A_114 = tpu.memref_slice %arg2[%dma_wait3A_112, %dma_wait3A_113] : memref<10000x128xf32, #tpu.memory_space<hbm>> -> memref<10000x128xf32, #tpu.memory_space<hbm>>
    tpu.wait_indirect_dma semaphore(%arg13 : memref<!tpu.dma_semaphore, #tpu.memory_space<semaphore_mem>>) src(%dma_wait3A_114 : memref<10000x128xf32, #tpu.memory_space<hbm>>) dst(%arg9 : memref<128x128xf32, #tpu.memory_space<vmem>>)
    %dma_start3A_115 = arith.constant 2 : i32
    %dma_start3A_116 = arith.constant 0 : i32
    %dma_start3A_117 = tpu.memref_slice %arg8[%dma_start3A_115, %dma_start3A_116] : memref<8x128xi32, #tpu.memory_space<vmem>> -> memref<1x128xi32, #tpu.memory_space<vmem>>
    %dma_start3A_118 = tpu.memref_squeeze %dma_start3A_117 : memref<1x128xi32, #tpu.memory_space<vmem>> -> memref<128xi32, #tpu.memory_space<vmem>>
    %dma_start3A_119 = arith.constant 0 : i32
    %dma_start3A_120 = arith.constant 0 : i32
    %dma_start3A_121 = tpu.memref_slice %arg17[%dma_start3A_119, %dma_start3A_120] : memref<10240x128xf32, #tpu.memory_space<vmem_shared>> -> memref<10240x128xf32, #tpu.memory_space<vmem_shared>>
    tpu.enqueue_indirect_dma source(%arg9 : memref<128x128xf32, #tpu.memory_space<vmem>>) target(%dma_start3A_121 : memref<10240x128xf32, #tpu.memory_space<vmem_shared>>) offsets(%dma_start3A_118 : memref<128xi32, #tpu.memory_space<vmem>>) semaphore(%arg15 : memref<!tpu.dma_semaphore, #tpu.memory_space<semaphore_mem>>) {add = true}
    %dma_wait3A_122 = arith.constant 2 : i32
    %dma_wait3A_123 = arith.constant 0 : i32
    %dma_wait3A_124 = tpu.memref_slice %arg8[%dma_wait3A_122, %dma_wait3A_123] : memref<8x128xi32, #tpu.memory_space<vmem>> -> memref<1x128xi32, #tpu.memory_space<vmem>>
    %dma_wait3A_125 = tpu.memref_squeeze %dma_wait3A_124 : memref<1x128xi32, #tpu.memory_space<vmem>> -> memref<128xi32, #tpu.memory_space<vmem>>
    %dma_wait3A_126 = arith.constant 0 : i32
    %dma_wait3A_127 = arith.constant 0 : i32
    %dma_wait3A_128 = tpu.memref_slice %arg17[%dma_wait3A_126, %dma_wait3A_127] : memref<10240x128xf32, #tpu.memory_space<vmem_shared>> -> memref<10240x128xf32, #tpu.memory_space<vmem_shared>>
    tpu.wait_indirect_dma semaphore(%arg15 : memref<!tpu.dma_semaphore, #tpu.memory_space<semaphore_mem>>) src(%arg9 : memref<128x128xf32, #tpu.memory_space<vmem>>) dst(%dma_wait3A_128 : memref<10240x128xf32, #tpu.memory_space<vmem_shared>>)
    %dma_start3A_129 = arith.constant 4 : i32
    %dma_start3A_130 = arith.constant 0 : i32
    %dma_start3A_131 = tpu.memref_slice %arg7[%dma_start3A_129, %dma_start3A_130] : memref<8x128xi32, #tpu.memory_space<vmem>> -> memref<1x128xi32, #tpu.memory_space<vmem>>
    %dma_start3A_132 = tpu.memref_squeeze %dma_start3A_131 : memref<1x128xi32, #tpu.memory_space<vmem>> -> memref<128xi32, #tpu.memory_space<vmem>>
    %dma_start3A_133 = arith.constant 0 : i32
    %dma_start3A_134 = arith.constant 0 : i32
    %dma_start3A_135 = tpu.memref_slice %arg2[%dma_start3A_133, %dma_start3A_134] : memref<10000x128xf32, #tpu.memory_space<hbm>> -> memref<10000x128xf32, #tpu.memory_space<hbm>>
    tpu.enqueue_indirect_dma source(%dma_start3A_135 : memref<10000x128xf32, #tpu.memory_space<hbm>>) target(%arg9 : memref<128x128xf32, #tpu.memory_space<vmem>>) offsets(%dma_start3A_132 : memref<128xi32, #tpu.memory_space<vmem>>) semaphore(%arg13 : memref<!tpu.dma_semaphore, #tpu.memory_space<semaphore_mem>>)
    %dma_wait3A_136 = arith.constant 3 : i32
    %dma_wait3A_137 = arith.constant 0 : i32
    %dma_wait3A_138 = tpu.memref_slice %arg7[%dma_wait3A_136, %dma_wait3A_137] : memref<8x128xi32, #tpu.memory_space<vmem>> -> memref<1x128xi32, #tpu.memory_space<vmem>>
    %dma_wait3A_139 = tpu.memref_squeeze %dma_wait3A_138 : memref<1x128xi32, #tpu.memory_space<vmem>> -> memref<128xi32, #tpu.memory_space<vmem>>
    %dma_wait3A_140 = arith.constant 0 : i32
    %dma_wait3A_141 = arith.constant 0 : i32
    %dma_wait3A_142 = tpu.memref_slice %arg2[%dma_wait3A_140, %dma_wait3A_141] : memref<10000x128xf32, #tpu.memory_space<hbm>> -> memref<10000x128xf32, #tpu.memory_space<hbm>>
    tpu.wait_indirect_dma semaphore(%arg14 : memref<!tpu.dma_semaphore, #tpu.memory_space<semaphore_mem>>) src(%dma_wait3A_142 : memref<10000x128xf32, #tpu.memory_space<hbm>>) dst(%arg10 : memref<128x128xf32, #tpu.memory_space<vmem>>)
    %dma_start3A_143 = arith.constant 3 : i32
    %dma_start3A_144 = arith.constant 0 : i32
    %dma_start3A_145 = tpu.memref_slice %arg8[%dma_start3A_143, %dma_start3A_144] : memref<8x128xi32, #tpu.memory_space<vmem>> -> memref<1x128xi32, #tpu.memory_space<vmem>>
    %dma_start3A_146 = tpu.memref_squeeze %dma_start3A_145 : memref<1x128xi32, #tpu.memory_space<vmem>> -> memref<128xi32, #tpu.memory_space<vmem>>
    %dma_start3A_147 = arith.constant 0 : i32
    %dma_start3A_148 = arith.constant 0 : i32
    %dma_start3A_149 = tpu.memref_slice %arg17[%dma_start3A_147, %dma_start3A_148] : memref<10240x128xf32, #tpu.memory_space<vmem_shared>> -> memref<10240x128xf32, #tpu.memory_space<vmem_shared>>
    tpu.enqueue_indirect_dma source(%arg10 : memref<128x128xf32, #tpu.memory_space<vmem>>) target(%dma_start3A_149 : memref<10240x128xf32, #tpu.memory_space<vmem_shared>>) offsets(%dma_start3A_146 : memref<128xi32, #tpu.memory_space<vmem>>) semaphore(%arg16 : memref<!tpu.dma_semaphore, #tpu.memory_space<semaphore_mem>>) {add = true}
    %dma_wait3A_150 = arith.constant 3 : i32
    %dma_wait3A_151 = arith.constant 0 : i32
    %dma_wait3A_152 = tpu.memref_slice %arg8[%dma_wait3A_150, %dma_wait3A_151] : memref<8x128xi32, #tpu.memory_space<vmem>> -> memref<1x128xi32, #tpu.memory_space<vmem>>
    %dma_wait3A_153 = tpu.memref_squeeze %dma_wait3A_152 : memref<1x128xi32, #tpu.memory_space<vmem>> -> memref<128xi32, #tpu.memory_space<vmem>>
    %dma_wait3A_154 = arith.constant 0 : i32
    %dma_wait3A_155 = arith.constant 0 : i32
    %dma_wait3A_156 = tpu.memref_slice %arg17[%dma_wait3A_154, %dma_wait3A_155] : memref<10240x128xf32, #tpu.memory_space<vmem_shared>> -> memref<10240x128xf32, #tpu.memory_space<vmem_shared>>
    tpu.wait_indirect_dma semaphore(%arg16 : memref<!tpu.dma_semaphore, #tpu.memory_space<semaphore_mem>>) src(%arg10 : memref<128x128xf32, #tpu.memory_space<vmem>>) dst(%dma_wait3A_156 : memref<10240x128xf32, #tpu.memory_space<vmem_shared>>)
    %dma_start3A_157 = arith.constant 5 : i32
    %dma_start3A_158 = arith.constant 0 : i32
    %dma_start3A_159 = tpu.memref_slice %arg7[%dma_start3A_157, %dma_start3A_158] : memref<8x128xi32, #tpu.memory_space<vmem>> -> memref<1x128xi32, #tpu.memory_space<vmem>>
    %dma_start3A_160 = tpu.memref_squeeze %dma_start3A_159 : memref<1x128xi32, #tpu.memory_space<vmem>> -> memref<128xi32, #tpu.memory_space<vmem>>
    %dma_start3A_161 = arith.constant 0 : i32
    %dma_start3A_162 = arith.constant 0 : i32
    %dma_start3A_163 = tpu.memref_slice %arg2[%dma_start3A_161, %dma_start3A_162] : memref<10000x128xf32, #tpu.memory_space<hbm>> -> memref<10000x128xf32, #tpu.memory_space<hbm>>
    tpu.enqueue_indirect_dma source(%dma_start3A_163 : memref<10000x128xf32, #tpu.memory_space<hbm>>) target(%arg10 : memref<128x128xf32, #tpu.memory_space<vmem>>) offsets(%dma_start3A_160 : memref<128xi32, #tpu.memory_space<vmem>>) semaphore(%arg14 : memref<!tpu.dma_semaphore, #tpu.memory_space<semaphore_mem>>)
    %dma_wait3A_164 = arith.constant 4 : i32
    %dma_wait3A_165 = arith.constant 0 : i32
    %dma_wait3A_166 = tpu.memref_slice %arg7[%dma_wait3A_164, %dma_wait3A_165] : memref<8x128xi32, #tpu.memory_space<vmem>> -> memref<1x128xi32, #tpu.memory_space<vmem>>
    %dma_wait3A_167 = tpu.memref_squeeze %dma_wait3A_166 : memref<1x128xi32, #tpu.memory_space<vmem>> -> memref<128xi32, #tpu.memory_space<vmem>>
    %dma_wait3A_168 = arith.constant 0 : i32
    %dma_wait3A_169 = arith.constant 0 : i32
    %dma_wait3A_170 = tpu.memref_slice %arg2[%dma_wait3A_168, %dma_wait3A_169] : memref<10000x128xf32, #tpu.memory_space<hbm>> -> memref<10000x128xf32, #tpu.memory_space<hbm>>
    tpu.wait_indirect_dma semaphore(%arg13 : memref<!tpu.dma_semaphore, #tpu.memory_space<semaphore_mem>>) src(%dma_wait3A_170 : memref<10000x128xf32, #tpu.memory_space<hbm>>) dst(%arg9 : memref<128x128xf32, #tpu.memory_space<vmem>>)
    %dma_start3A_171 = arith.constant 4 : i32
    %dma_start3A_172 = arith.constant 0 : i32
    %dma_start3A_173 = tpu.memref_slice %arg8[%dma_start3A_171, %dma_start3A_172] : memref<8x128xi32, #tpu.memory_space<vmem>> -> memref<1x128xi32, #tpu.memory_space<vmem>>
    %dma_start3A_174 = tpu.memref_squeeze %dma_start3A_173 : memref<1x128xi32, #tpu.memory_space<vmem>> -> memref<128xi32, #tpu.memory_space<vmem>>
    %dma_start3A_175 = arith.constant 0 : i32
    %dma_start3A_176 = arith.constant 0 : i32
    %dma_start3A_177 = tpu.memref_slice %arg17[%dma_start3A_175, %dma_start3A_176] : memref<10240x128xf32, #tpu.memory_space<vmem_shared>> -> memref<10240x128xf32, #tpu.memory_space<vmem_shared>>
    tpu.enqueue_indirect_dma source(%arg9 : memref<128x128xf32, #tpu.memory_space<vmem>>) target(%dma_start3A_177 : memref<10240x128xf32, #tpu.memory_space<vmem_shared>>) offsets(%dma_start3A_174 : memref<128xi32, #tpu.memory_space<vmem>>) semaphore(%arg15 : memref<!tpu.dma_semaphore, #tpu.memory_space<semaphore_mem>>) {add = true}
    %dma_wait3A_178 = arith.constant 4 : i32
    %dma_wait3A_179 = arith.constant 0 : i32
    %dma_wait3A_180 = tpu.memref_slice %arg8[%dma_wait3A_178, %dma_wait3A_179] : memref<8x128xi32, #tpu.memory_space<vmem>> -> memref<1x128xi32, #tpu.memory_space<vmem>>
    %dma_wait3A_181 = tpu.memref_squeeze %dma_wait3A_180 : memref<1x128xi32, #tpu.memory_space<vmem>> -> memref<128xi32, #tpu.memory_space<vmem>>
    %dma_wait3A_182 = arith.constant 0 : i32
    %dma_wait3A_183 = arith.constant 0 : i32
    %dma_wait3A_184 = tpu.memref_slice %arg17[%dma_wait3A_182, %dma_wait3A_183] : memref<10240x128xf32, #tpu.memory_space<vmem_shared>> -> memref<10240x128xf32, #tpu.memory_space<vmem_shared>>
    tpu.wait_indirect_dma semaphore(%arg15 : memref<!tpu.dma_semaphore, #tpu.memory_space<semaphore_mem>>) src(%arg9 : memref<128x128xf32, #tpu.memory_space<vmem>>) dst(%dma_wait3A_184 : memref<10240x128xf32, #tpu.memory_space<vmem_shared>>)
    %dma_start3A_185 = arith.constant 6 : i32
    %dma_start3A_186 = arith.constant 0 : i32
    %dma_start3A_187 = tpu.memref_slice %arg7[%dma_start3A_185, %dma_start3A_186] : memref<8x128xi32, #tpu.memory_space<vmem>> -> memref<1x128xi32, #tpu.memory_space<vmem>>
    %dma_start3A_188 = tpu.memref_squeeze %dma_start3A_187 : memref<1x128xi32, #tpu.memory_space<vmem>> -> memref<128xi32, #tpu.memory_space<vmem>>
    %dma_start3A_189 = arith.constant 0 : i32
    %dma_start3A_190 = arith.constant 0 : i32
    %dma_start3A_191 = tpu.memref_slice %arg2[%dma_start3A_189, %dma_start3A_190] : memref<10000x128xf32, #tpu.memory_space<hbm>> -> memref<10000x128xf32, #tpu.memory_space<hbm>>
    tpu.enqueue_indirect_dma source(%dma_start3A_191 : memref<10000x128xf32, #tpu.memory_space<hbm>>) target(%arg9 : memref<128x128xf32, #tpu.memory_space<vmem>>) offsets(%dma_start3A_188 : memref<128xi32, #tpu.memory_space<vmem>>) semaphore(%arg13 : memref<!tpu.dma_semaphore, #tpu.memory_space<semaphore_mem>>)
    %dma_wait3A_192 = arith.constant 5 : i32
    %dma_wait3A_193 = arith.constant 0 : i32
    %dma_wait3A_194 = tpu.memref_slice %arg7[%dma_wait3A_192, %dma_wait3A_193] : memref<8x128xi32, #tpu.memory_space<vmem>> -> memref<1x128xi32, #tpu.memory_space<vmem>>
    %dma_wait3A_195 = tpu.memref_squeeze %dma_wait3A_194 : memref<1x128xi32, #tpu.memory_space<vmem>> -> memref<128xi32, #tpu.memory_space<vmem>>
    %dma_wait3A_196 = arith.constant 0 : i32
    %dma_wait3A_197 = arith.constant 0 : i32
    %dma_wait3A_198 = tpu.memref_slice %arg2[%dma_wait3A_196, %dma_wait3A_197] : memref<10000x128xf32, #tpu.memory_space<hbm>> -> memref<10000x128xf32, #tpu.memory_space<hbm>>
    tpu.wait_indirect_dma semaphore(%arg14 : memref<!tpu.dma_semaphore, #tpu.memory_space<semaphore_mem>>) src(%dma_wait3A_198 : memref<10000x128xf32, #tpu.memory_space<hbm>>) dst(%arg10 : memref<128x128xf32, #tpu.memory_space<vmem>>)
    %dma_start3A_199 = arith.constant 5 : i32
    %dma_start3A_200 = arith.constant 0 : i32
    %dma_start3A_201 = tpu.memref_slice %arg8[%dma_start3A_199, %dma_start3A_200] : memref<8x128xi32, #tpu.memory_space<vmem>> -> memref<1x128xi32, #tpu.memory_space<vmem>>
    %dma_start3A_202 = tpu.memref_squeeze %dma_start3A_201 : memref<1x128xi32, #tpu.memory_space<vmem>> -> memref<128xi32, #tpu.memory_space<vmem>>
    %dma_start3A_203 = arith.constant 0 : i32
    %dma_start3A_204 = arith.constant 0 : i32
    %dma_start3A_205 = tpu.memref_slice %arg17[%dma_start3A_203, %dma_start3A_204] : memref<10240x128xf32, #tpu.memory_space<vmem_shared>> -> memref<10240x128xf32, #tpu.memory_space<vmem_shared>>
    tpu.enqueue_indirect_dma source(%arg10 : memref<128x128xf32, #tpu.memory_space<vmem>>) target(%dma_start3A_205 : memref<10240x128xf32, #tpu.memory_space<vmem_shared>>) offsets(%dma_start3A_202 : memref<128xi32, #tpu.memory_space<vmem>>) semaphore(%arg16 : memref<!tpu.dma_semaphore, #tpu.memory_space<semaphore_mem>>) {add = true}
    %dma_wait3A_206 = arith.constant 5 : i32
    %dma_wait3A_207 = arith.constant 0 : i32
    %dma_wait3A_208 = tpu.memref_slice %arg8[%dma_wait3A_206, %dma_wait3A_207] : memref<8x128xi32, #tpu.memory_space<vmem>> -> memref<1x128xi32, #tpu.memory_space<vmem>>
    %dma_wait3A_209 = tpu.memref_squeeze %dma_wait3A_208 : memref<1x128xi32, #tpu.memory_space<vmem>> -> memref<128xi32, #tpu.memory_space<vmem>>
    %dma_wait3A_210 = arith.constant 0 : i32
    %dma_wait3A_211 = arith.constant 0 : i32
    %dma_wait3A_212 = tpu.memref_slice %arg17[%dma_wait3A_210, %dma_wait3A_211] : memref<10240x128xf32, #tpu.memory_space<vmem_shared>> -> memref<10240x128xf32, #tpu.memory_space<vmem_shared>>
    tpu.wait_indirect_dma semaphore(%arg16 : memref<!tpu.dma_semaphore, #tpu.memory_space<semaphore_mem>>) src(%arg10 : memref<128x128xf32, #tpu.memory_space<vmem>>) dst(%dma_wait3A_212 : memref<10240x128xf32, #tpu.memory_space<vmem_shared>>)
    %dma_start3A_213 = arith.constant 7 : i32
    %dma_start3A_214 = arith.constant 0 : i32
    %dma_start3A_215 = tpu.memref_slice %arg7[%dma_start3A_213, %dma_start3A_214] : memref<8x128xi32, #tpu.memory_space<vmem>> -> memref<1x128xi32, #tpu.memory_space<vmem>>
    %dma_start3A_216 = tpu.memref_squeeze %dma_start3A_215 : memref<1x128xi32, #tpu.memory_space<vmem>> -> memref<128xi32, #tpu.memory_space<vmem>>
    %dma_start3A_217 = arith.constant 0 : i32
    %dma_start3A_218 = arith.constant 0 : i32
    %dma_start3A_219 = tpu.memref_slice %arg2[%dma_start3A_217, %dma_start3A_218] : memref<10000x128xf32, #tpu.memory_space<hbm>> -> memref<10000x128xf32, #tpu.memory_space<hbm>>
    tpu.enqueue_indirect_dma source(%dma_start3A_219 : memref<10000x128xf32, #tpu.memory_space<hbm>>) target(%arg10 : memref<128x128xf32, #tpu.memory_space<vmem>>) offsets(%dma_start3A_216 : memref<128xi32, #tpu.memory_space<vmem>>) semaphore(%arg14 : memref<!tpu.dma_semaphore, #tpu.memory_space<semaphore_mem>>)
    %dma_wait3A_220 = arith.constant 6 : i32
    %dma_wait3A_221 = arith.constant 0 : i32
    %dma_wait3A_222 = tpu.memref_slice %arg7[%dma_wait3A_220, %dma_wait3A_221] : memref<8x128xi32, #tpu.memory_space<vmem>> -> memref<1x128xi32, #tpu.memory_space<vmem>>
    %dma_wait3A_223 = tpu.memref_squeeze %dma_wait3A_222 : memref<1x128xi32, #tpu.memory_space<vmem>> -> memref<128xi32, #tpu.memory_space<vmem>>
    %dma_wait3A_224 = arith.constant 0 : i32
    %dma_wait3A_225 = arith.constant 0 : i32
    %dma_wait3A_226 = tpu.memref_slice %arg2[%dma_wait3A_224, %dma_wait3A_225] : memref<10000x128xf32, #tpu.memory_space<hbm>> -> memref<10000x128xf32, #tpu.memory_space<hbm>>
    tpu.wait_indirect_dma semaphore(%arg13 : memref<!tpu.dma_semaphore, #tpu.memory_space<semaphore_mem>>) src(%dma_wait3A_226 : memref<10000x128xf32, #tpu.memory_space<hbm>>) dst(%arg9 : memref<128x128xf32, #tpu.memory_space<vmem>>)
    %dma_start3A_227 = arith.constant 6 : i32
    %dma_start3A_228 = arith.constant 0 : i32
    %dma_start3A_229 = tpu.memref_slice %arg8[%dma_start3A_227, %dma_start3A_228] : memref<8x128xi32, #tpu.memory_space<vmem>> -> memref<1x128xi32, #tpu.memory_space<vmem>>
    %dma_start3A_230 = tpu.memref_squeeze %dma_start3A_229 : memref<1x128xi32, #tpu.memory_space<vmem>> -> memref<128xi32, #tpu.memory_space<vmem>>
    %dma_start3A_231 = arith.constant 0 : i32
    %dma_start3A_232 = arith.constant 0 : i32
    %dma_start3A_233 = tpu.memref_slice %arg17[%dma_start3A_231, %dma_start3A_232] : memref<10240x128xf32, #tpu.memory_space<vmem_shared>> -> memref<10240x128xf32, #tpu.memory_space<vmem_shared>>
    tpu.enqueue_indirect_dma source(%arg9 : memref<128x128xf32, #tpu.memory_space<vmem>>) target(%dma_start3A_233 : memref<10240x128xf32, #tpu.memory_space<vmem_shared>>) offsets(%dma_start3A_230 : memref<128xi32, #tpu.memory_space<vmem>>) semaphore(%arg15 : memref<!tpu.dma_semaphore, #tpu.memory_space<semaphore_mem>>) {add = true}
    %dma_wait3A_234 = arith.constant 7 : i32
    %dma_wait3A_235 = arith.constant 0 : i32
    %dma_wait3A_236 = tpu.memref_slice %arg7[%dma_wait3A_234, %dma_wait3A_235] : memref<8x128xi32, #tpu.memory_space<vmem>> -> memref<1x128xi32, #tpu.memory_space<vmem>>
    %dma_wait3A_237 = tpu.memref_squeeze %dma_wait3A_236 : memref<1x128xi32, #tpu.memory_space<vmem>> -> memref<128xi32, #tpu.memory_space<vmem>>
    %dma_wait3A_238 = arith.constant 0 : i32
    %dma_wait3A_239 = arith.constant 0 : i32
    %dma_wait3A_240 = tpu.memref_slice %arg2[%dma_wait3A_238, %dma_wait3A_239] : memref<10000x128xf32, #tpu.memory_space<hbm>> -> memref<10000x128xf32, #tpu.memory_space<hbm>>
    tpu.wait_indirect_dma semaphore(%arg14 : memref<!tpu.dma_semaphore, #tpu.memory_space<semaphore_mem>>) src(%dma_wait3A_240 : memref<10000x128xf32, #tpu.memory_space<hbm>>) dst(%arg10 : memref<128x128xf32, #tpu.memory_space<vmem>>)
    %dma_start3A_241 = arith.constant 7 : i32
    %dma_start3A_242 = arith.constant 0 : i32
    %dma_start3A_243 = tpu.memref_slice %arg8[%dma_start3A_241, %dma_start3A_242] : memref<8x128xi32, #tpu.memory_space<vmem>> -> memref<1x128xi32, #tpu.memory_space<vmem>>
    %dma_start3A_244 = tpu.memref_squeeze %dma_start3A_243 : memref<1x128xi32, #tpu.memory_space<vmem>> -> memref<128xi32, #tpu.memory_space<vmem>>
    %dma_start3A_245 = arith.constant 0 : i32
    %dma_start3A_246 = arith.constant 0 : i32
    %dma_start3A_247 = tpu.memref_slice %arg17[%dma_start3A_245, %dma_start3A_246] : memref<10240x128xf32, #tpu.memory_space<vmem_shared>> -> memref<10240x128xf32, #tpu.memory_space<vmem_shared>>
    tpu.enqueue_indirect_dma source(%arg10 : memref<128x128xf32, #tpu.memory_space<vmem>>) target(%dma_start3A_247 : memref<10240x128xf32, #tpu.memory_space<vmem_shared>>) offsets(%dma_start3A_244 : memref<128xi32, #tpu.memory_space<vmem>>) semaphore(%arg16 : memref<!tpu.dma_semaphore, #tpu.memory_space<semaphore_mem>>) {add = true}
    %dma_wait3A_248 = arith.constant 6 : i32
    %dma_wait3A_249 = arith.constant 0 : i32
    %dma_wait3A_250 = tpu.memref_slice %arg8[%dma_wait3A_248, %dma_wait3A_249] : memref<8x128xi32, #tpu.memory_space<vmem>> -> memref<1x128xi32, #tpu.memory_space<vmem>>
    %dma_wait3A_251 = tpu.memref_squeeze %dma_wait3A_250 : memref<1x128xi32, #tpu.memory_space<vmem>> -> memref<128xi32, #tpu.memory_space<vmem>>
    %dma_wait3A_252 = arith.constant 0 : i32
    %dma_wait3A_253 = arith.constant 0 : i32
    %dma_wait3A_254 = tpu.memref_slice %arg17[%dma_wait3A_252, %dma_wait3A_253] : memref<10240x128xf32, #tpu.memory_space<vmem_shared>> -> memref<10240x128xf32, #tpu.memory_space<vmem_shared>>
    tpu.wait_indirect_dma semaphore(%arg15 : memref<!tpu.dma_semaphore, #tpu.memory_space<semaphore_mem>>) src(%arg9 : memref<128x128xf32, #tpu.memory_space<vmem>>) dst(%dma_wait3A_254 : memref<10240x128xf32, #tpu.memory_space<vmem_shared>>)
    %dma_wait3A_255 = arith.constant 7 : i32
    %dma_wait3A_256 = arith.constant 0 : i32
    %dma_wait3A_257 = tpu.memref_slice %arg8[%dma_wait3A_255, %dma_wait3A_256] : memref<8x128xi32, #tpu.memory_space<vmem>> -> memref<1x128xi32, #tpu.memory_space<vmem>>
    %dma_wait3A_258 = tpu.memref_squeeze %dma_wait3A_257 : memref<1x128xi32, #tpu.memory_space<vmem>> -> memref<128xi32, #tpu.memory_space<vmem>>
    %dma_wait3A_259 = arith.constant 0 : i32
    %dma_wait3A_260 = arith.constant 0 : i32
    %dma_wait3A_261 = tpu.memref_slice %arg17[%dma_wait3A_259, %dma_wait3A_260] : memref<10240x128xf32, #tpu.memory_space<vmem_shared>> -> memref<10240x128xf32, #tpu.memory_space<vmem_shared>>
    tpu.wait_indirect_dma semaphore(%arg16 : memref<!tpu.dma_semaphore, #tpu.memory_space<semaphore_mem>>) src(%arg10 : memref<128x128xf32, #tpu.memory_space<vmem>>) dst(%dma_wait3A_261 : memref<10240x128xf32, #tpu.memory_space<vmem_shared>>)
    %barrier3A_262 = arith.constant 0 : index
    tpu.barrier barrier_id(%barrier3A_262)
    %add3A_263 = arith.constant 0 : i32
    %add3A_264 = arith.addi %mul3A_2, %add3A_263 : i32
    "tpu.region"() ({
      %run_scoped3A = tpu.sem_alloc : memref<!tpu.dma_semaphore, #tpu.memory_space<semaphore_mem>>
      %dma_start3A_273 = arith.constant 0 : i32
      %dma_start3A_274 = tpu.memref_slice %arg17[%add3A_264, %dma_start3A_273] : memref<10240x128xf32, #tpu.memory_space<vmem_shared>> -> memref<128x128xf32, #tpu.memory_space<vmem_shared>>
      %dma_start3A_275 = arith.constant 0 : i32
      %dma_start3A_276 = tpu.memref_slice %arg17[%add3A_264, %dma_start3A_275] : memref<10240x128xf32, #tpu.memory_space<vmem_shared>> -> memref<128x128xf32, #tpu.memory_space<vmem_shared>>
      tpu.enqueue_dma source(%dma_start3A_276 : memref<128x128xf32, #tpu.memory_space<vmem_shared>>) target(%arg9 : memref<128x128xf32, #tpu.memory_space<vmem>>) target_semaphore(%run_scoped3A : memref<!tpu.dma_semaphore, #tpu.memory_space<semaphore_mem>>)
      %dma_wait3A_277 = arith.constant 0 : i32
      %dma_wait3A_278 = tpu.memref_slice %arg17[%add3A_264, %dma_wait3A_277] : memref<10240x128xf32, #tpu.memory_space<vmem_shared>> -> memref<128x128xf32, #tpu.memory_space<vmem_shared>>
      %dma_wait3A_279 = arith.constant 0 : i32
      %dma_wait3A_280 = tpu.memref_slice %arg17[%add3A_264, %dma_wait3A_279] : memref<10240x128xf32, #tpu.memory_space<vmem_shared>> -> memref<128x128xf32, #tpu.memory_space<vmem_shared>>
      tpu.wait_dma2 semaphore(%run_scoped3A : memref<!tpu.dma_semaphore, #tpu.memory_space<semaphore_mem>>) src(%dma_wait3A_280 : memref<128x128xf32, #tpu.memory_space<vmem_shared>>) dst(%arg9 : memref<128x128xf32, #tpu.memory_space<vmem>>)
      tpu.yield
    }) : () -> ()
    "tpu.region"() ({
      %run_scoped3A = tpu.sem_alloc : memref<!tpu.dma_semaphore, #tpu.memory_space<semaphore_mem>>
      %dma_start3A_273 = arith.constant 0 : i32
      %dma_start3A_274 = tpu.memref_slice %arg6[%arg0, %add3A_264, %dma_start3A_273] : memref<2x10240x128xf32, #tpu.memory_space<hbm>> -> memref<1x128x128xf32, #tpu.memory_space<hbm>>
      %dma_start3A_275 = tpu.memref_squeeze %dma_start3A_274 : memref<1x128x128xf32, #tpu.memory_space<hbm>> -> memref<128x128xf32, #tpu.memory_space<hbm>>
      %dma_start3A_276 = arith.constant 0 : i32
      %dma_start3A_277 = tpu.memref_slice %arg6[%arg0, %add3A_264, %dma_start3A_276] : memref<2x10240x128xf32, #tpu.memory_space<hbm>> -> memref<1x128x128xf32, #tpu.memory_space<hbm>>
      %dma_start3A_278 = tpu.memref_squeeze %dma_start3A_277 : memref<1x128x128xf32, #tpu.memory_space<hbm>> -> memref<128x128xf32, #tpu.memory_space<hbm>>
      tpu.enqueue_dma source(%arg9 : memref<128x128xf32, #tpu.memory_space<vmem>>) target(%dma_start3A_278 : memref<128x128xf32, #tpu.memory_space<hbm>>) target_semaphore(%run_scoped3A : memref<!tpu.dma_semaphore, #tpu.memory_space<semaphore_mem>>)
      %dma_wait3A_279 = arith.constant 0 : i32
      %dma_wait3A_280 = tpu.memref_slice %arg6[%arg0, %add3A_264, %dma_wait3A_279] : memref<2x10240x128xf32, #tpu.memory_space<hbm>> -> memref<1x128x128xf32, #tpu.memory_space<hbm>>
      %dma_wait3A_281 = tpu.memref_squeeze %dma_wait3A_280 : memref<1x128x128xf32, #tpu.memory_space<hbm>> -> memref<128x128xf32, #tpu.memory_space<hbm>>
      %dma_wait3A_282 = arith.constant 0 : i32
      %dma_wait3A_283 = tpu.memref_slice %arg6[%arg0, %add3A_264, %dma_wait3A_282] : memref<2x10240x128xf32, #tpu.memory_space<hbm>> -> memref<1x128x128xf32, #tpu.memory_space<hbm>>
      %dma_wait3A_284 = tpu.memref_squeeze %dma_wait3A_283 : memref<1x128x128xf32, #tpu.memory_space<hbm>> -> memref<128x128xf32, #tpu.memory_space<hbm>>
      tpu.wait_dma2 semaphore(%run_scoped3A : memref<!tpu.dma_semaphore, #tpu.memory_space<semaphore_mem>>) src(%arg9 : memref<128x128xf32, #tpu.memory_space<vmem>>) dst(%dma_wait3A_284 : memref<128x128xf32, #tpu.memory_space<hbm>>)
      tpu.yield
    }) : () -> ()
    %add3A_265 = arith.constant 128 : i32
    %add3A_266 = arith.addi %mul3A_2, %add3A_265 : i32
    "tpu.region"() ({
      %run_scoped3A = tpu.sem_alloc : memref<!tpu.dma_semaphore, #tpu.memory_space<semaphore_mem>>
      %dma_start3A_273 = arith.constant 0 : i32
      %dma_start3A_274 = tpu.memref_slice %arg17[%add3A_266, %dma_start3A_273] : memref<10240x128xf32, #tpu.memory_space<vmem_shared>> -> memref<128x128xf32, #tpu.memory_space<vmem_shared>>
      %dma_start3A_275 = arith.constant 0 : i32
      %dma_start3A_276 = tpu.memref_slice %arg17[%add3A_266, %dma_start3A_275] : memref<10240x128xf32, #tpu.memory_space<vmem_shared>> -> memref<128x128xf32, #tpu.memory_space<vmem_shared>>
      tpu.enqueue_dma source(%dma_start3A_276 : memref<128x128xf32, #tpu.memory_space<vmem_shared>>) target(%arg9 : memref<128x128xf32, #tpu.memory_space<vmem>>) target_semaphore(%run_scoped3A : memref<!tpu.dma_semaphore, #tpu.memory_space<semaphore_mem>>)
      %dma_wait3A_277 = arith.constant 0 : i32
      %dma_wait3A_278 = tpu.memref_slice %arg17[%add3A_266, %dma_wait3A_277] : memref<10240x128xf32, #tpu.memory_space<vmem_shared>> -> memref<128x128xf32, #tpu.memory_space<vmem_shared>>
      %dma_wait3A_279 = arith.constant 0 : i32
      %dma_wait3A_280 = tpu.memref_slice %arg17[%add3A_266, %dma_wait3A_279] : memref<10240x128xf32, #tpu.memory_space<vmem_shared>> -> memref<128x128xf32, #tpu.memory_space<vmem_shared>>
      tpu.wait_dma2 semaphore(%run_scoped3A : memref<!tpu.dma_semaphore, #tpu.memory_space<semaphore_mem>>) src(%dma_wait3A_280 : memref<128x128xf32, #tpu.memory_space<vmem_shared>>) dst(%arg9 : memref<128x128xf32, #tpu.memory_space<vmem>>)
      tpu.yield
    }) : () -> ()
    "tpu.region"() ({
      %run_scoped3A = tpu.sem_alloc : memref<!tpu.dma_semaphore, #tpu.memory_space<semaphore_mem>>
      %dma_start3A_273 = arith.constant 0 : i32
      %dma_start3A_274 = tpu.memref_slice %arg6[%arg0, %add3A_266, %dma_start3A_273] : memref<2x10240x128xf32, #tpu.memory_space<hbm>> -> memref<1x128x128xf32, #tpu.memory_space<hbm>>
      %dma_start3A_275 = tpu.memref_squeeze %dma_start3A_274 : memref<1x128x128xf32, #tpu.memory_space<hbm>> -> memref<128x128xf32, #tpu.memory_space<hbm>>
      %dma_start3A_276 = arith.constant 0 : i32
      %dma_start3A_277 = tpu.memref_slice %arg6[%arg0, %add3A_266, %dma_start3A_276] : memref<2x10240x128xf32, #tpu.memory_space<hbm>> -> memref<1x128x128xf32, #tpu.memory_space<hbm>>
      %dma_start3A_278 = tpu.memref_squeeze %dma_start3A_277 : memref<1x128x128xf32, #tpu.memory_space<hbm>> -> memref<128x128xf32, #tpu.memory_space<hbm>>
      tpu.enqueue_dma source(%arg9 : memref<128x128xf32, #tpu.memory_space<vmem>>) target(%dma_start3A_278 : memref<128x128xf32, #tpu.memory_space<hbm>>) target_semaphore(%run_scoped3A : memref<!tpu.dma_semaphore, #tpu.memory_space<semaphore_mem>>)
      %dma_wait3A_279 = arith.constant 0 : i32
      %dma_wait3A_280 = tpu.memref_slice %arg6[%arg0, %add3A_266, %dma_wait3A_279] : memref<2x10240x128xf32, #tpu.memory_space<hbm>> -> memref<1x128x128xf32, #tpu.memory_space<hbm>>
      %dma_wait3A_281 = tpu.memref_squeeze %dma_wait3A_280 : memref<1x128x128xf32, #tpu.memory_space<hbm>> -> memref<128x128xf32, #tpu.memory_space<hbm>>
      %dma_wait3A_282 = arith.constant 0 : i32
      %dma_wait3A_283 = tpu.memref_slice %arg6[%arg0, %add3A_266, %dma_wait3A_282] : memref<2x10240x128xf32, #tpu.memory_space<hbm>> -> memref<1x128x128xf32, #tpu.memory_space<hbm>>
      %dma_wait3A_284 = tpu.memref_squeeze %dma_wait3A_283 : memref<1x128x128xf32, #tpu.memory_space<hbm>> -> memref<128x128xf32, #tpu.memory_space<hbm>>
      tpu.wait_dma2 semaphore(%run_scoped3A : memref<!tpu.dma_semaphore, #tpu.memory_space<semaphore_mem>>) src(%arg9 : memref<128x128xf32, #tpu.memory_space<vmem>>) dst(%dma_wait3A_284 : memref<128x128xf32, #tpu.memory_space<hbm>>)
      tpu.yield
    }) : () -> ()
    %add3A_267 = arith.constant 256 : i32
    %add3A_268 = arith.addi %mul3A_2, %add3A_267 : i32
    "tpu.region"() ({
      %run_scoped3A = tpu.sem_alloc : memref<!tpu.dma_semaphore, #tpu.memory_space<semaphore_mem>>
      %dma_start3A_273 = arith.constant 0 : i32
      %dma_start3A_274 = tpu.memref_slice %arg17[%add3A_268, %dma_start3A_273] : memref<10240x128xf32, #tpu.memory_space<vmem_shared>> -> memref<128x128xf32, #tpu.memory_space<vmem_shared>>
      %dma_start3A_275 = arith.constant 0 : i32
      %dma_start3A_276 = tpu.memref_slice %arg17[%add3A_268, %dma_start3A_275] : memref<10240x128xf32, #tpu.memory_space<vmem_shared>> -> memref<128x128xf32, #tpu.memory_space<vmem_shared>>
      tpu.enqueue_dma source(%dma_start3A_276 : memref<128x128xf32, #tpu.memory_space<vmem_shared>>) target(%arg9 : memref<128x128xf32, #tpu.memory_space<vmem>>) target_semaphore(%run_scoped3A : memref<!tpu.dma_semaphore, #tpu.memory_space<semaphore_mem>>)
      %dma_wait3A_277 = arith.constant 0 : i32
      %dma_wait3A_278 = tpu.memref_slice %arg17[%add3A_268, %dma_wait3A_277] : memref<10240x128xf32, #tpu.memory_space<vmem_shared>> -> memref<128x128xf32, #tpu.memory_space<vmem_shared>>
      %dma_wait3A_279 = arith.constant 0 : i32
      %dma_wait3A_280 = tpu.memref_slice %arg17[%add3A_268, %dma_wait3A_279] : memref<10240x128xf32, #tpu.memory_space<vmem_shared>> -> memref<128x128xf32, #tpu.memory_space<vmem_shared>>
      tpu.wait_dma2 semaphore(%run_scoped3A : memref<!tpu.dma_semaphore, #tpu.memory_space<semaphore_mem>>) src(%dma_wait3A_280 : memref<128x128xf32, #tpu.memory_space<vmem_shared>>) dst(%arg9 : memref<128x128xf32, #tpu.memory_space<vmem>>)
      tpu.yield
    }) : () -> ()
    "tpu.region"() ({
      %run_scoped3A = tpu.sem_alloc : memref<!tpu.dma_semaphore, #tpu.memory_space<semaphore_mem>>
      %dma_start3A_273 = arith.constant 0 : i32
      %dma_start3A_274 = tpu.memref_slice %arg6[%arg0, %add3A_268, %dma_start3A_273] : memref<2x10240x128xf32, #tpu.memory_space<hbm>> -> memref<1x128x128xf32, #tpu.memory_space<hbm>>
      %dma_start3A_275 = tpu.memref_squeeze %dma_start3A_274 : memref<1x128x128xf32, #tpu.memory_space<hbm>> -> memref<128x128xf32, #tpu.memory_space<hbm>>
      %dma_start3A_276 = arith.constant 0 : i32
      %dma_start3A_277 = tpu.memref_slice %arg6[%arg0, %add3A_268, %dma_start3A_276] : memref<2x10240x128xf32, #tpu.memory_space<hbm>> -> memref<1x128x128xf32, #tpu.memory_space<hbm>>
      %dma_start3A_278 = tpu.memref_squeeze %dma_start3A_277 : memref<1x128x128xf32, #tpu.memory_space<hbm>> -> memref<128x128xf32, #tpu.memory_space<hbm>>
      tpu.enqueue_dma source(%arg9 : memref<128x128xf32, #tpu.memory_space<vmem>>) target(%dma_start3A_278 : memref<128x128xf32, #tpu.memory_space<hbm>>) target_semaphore(%run_scoped3A : memref<!tpu.dma_semaphore, #tpu.memory_space<semaphore_mem>>)
      %dma_wait3A_279 = arith.constant 0 : i32
      %dma_wait3A_280 = tpu.memref_slice %arg6[%arg0, %add3A_268, %dma_wait3A_279] : memref<2x10240x128xf32, #tpu.memory_space<hbm>> -> memref<1x128x128xf32, #tpu.memory_space<hbm>>
      %dma_wait3A_281 = tpu.memref_squeeze %dma_wait3A_280 : memref<1x128x128xf32, #tpu.memory_space<hbm>> -> memref<128x128xf32, #tpu.memory_space<hbm>>
      %dma_wait3A_282 = arith.constant 0 : i32
      %dma_wait3A_283 = tpu.memref_slice %arg6[%arg0, %add3A_268, %dma_wait3A_282] : memref<2x10240x128xf32, #tpu.memory_space<hbm>> -> memref<1x128x128xf32, #tpu.memory_space<hbm>>
      %dma_wait3A_284 = tpu.memref_squeeze %dma_wait3A_283 : memref<1x128x128xf32, #tpu.memory_space<hbm>> -> memref<128x128xf32, #tpu.memory_space<hbm>>
      tpu.wait_dma2 semaphore(%run_scoped3A : memref<!tpu.dma_semaphore, #tpu.memory_space<semaphore_mem>>) src(%arg9 : memref<128x128xf32, #tpu.memory_space<vmem>>) dst(%dma_wait3A_284 : memref<128x128xf32, #tpu.memory_space<hbm>>)
      tpu.yield
    }) : () -> ()
    %add3A_269 = arith.constant 384 : i32
    %add3A_270 = arith.addi %mul3A_2, %add3A_269 : i32
    "tpu.region"() ({
      %run_scoped3A = tpu.sem_alloc : memref<!tpu.dma_semaphore, #tpu.memory_space<semaphore_mem>>
      %dma_start3A_273 = arith.constant 0 : i32
      %dma_start3A_274 = tpu.memref_slice %arg17[%add3A_270, %dma_start3A_273] : memref<10240x128xf32, #tpu.memory_space<vmem_shared>> -> memref<128x128xf32, #tpu.memory_space<vmem_shared>>
      %dma_start3A_275 = arith.constant 0 : i32
      %dma_start3A_276 = tpu.memref_slice %arg17[%add3A_270, %dma_start3A_275] : memref<10240x128xf32, #tpu.memory_space<vmem_shared>> -> memref<128x128xf32, #tpu.memory_space<vmem_shared>>
      tpu.enqueue_dma source(%dma_start3A_276 : memref<128x128xf32, #tpu.memory_space<vmem_shared>>) target(%arg9 : memref<128x128xf32, #tpu.memory_space<vmem>>) target_semaphore(%run_scoped3A : memref<!tpu.dma_semaphore, #tpu.memory_space<semaphore_mem>>)
      %dma_wait3A_277 = arith.constant 0 : i32
      %dma_wait3A_278 = tpu.memref_slice %arg17[%add3A_270, %dma_wait3A_277] : memref<10240x128xf32, #tpu.memory_space<vmem_shared>> -> memref<128x128xf32, #tpu.memory_space<vmem_shared>>
      %dma_wait3A_279 = arith.constant 0 : i32
      %dma_wait3A_280 = tpu.memref_slice %arg17[%add3A_270, %dma_wait3A_279] : memref<10240x128xf32, #tpu.memory_space<vmem_shared>> -> memref<128x128xf32, #tpu.memory_space<vmem_shared>>
      tpu.wait_dma2 semaphore(%run_scoped3A : memref<!tpu.dma_semaphore, #tpu.memory_space<semaphore_mem>>) src(%dma_wait3A_280 : memref<128x128xf32, #tpu.memory_space<vmem_shared>>) dst(%arg9 : memref<128x128xf32, #tpu.memory_space<vmem>>)
      tpu.yield
    }) : () -> ()
    "tpu.region"() ({
      %run_scoped3A = tpu.sem_alloc : memref<!tpu.dma_semaphore, #tpu.memory_space<semaphore_mem>>
      %dma_start3A_273 = arith.constant 0 : i32
      %dma_start3A_274 = tpu.memref_slice %arg6[%arg0, %add3A_270, %dma_start3A_273] : memref<2x10240x128xf32, #tpu.memory_space<hbm>> -> memref<1x128x128xf32, #tpu.memory_space<hbm>>
      %dma_start3A_275 = tpu.memref_squeeze %dma_start3A_274 : memref<1x128x128xf32, #tpu.memory_space<hbm>> -> memref<128x128xf32, #tpu.memory_space<hbm>>
      %dma_start3A_276 = arith.constant 0 : i32
      %dma_start3A_277 = tpu.memref_slice %arg6[%arg0, %add3A_270, %dma_start3A_276] : memref<2x10240x128xf32, #tpu.memory_space<hbm>> -> memref<1x128x128xf32, #tpu.memory_space<hbm>>
      %dma_start3A_278 = tpu.memref_squeeze %dma_start3A_277 : memref<1x128x128xf32, #tpu.memory_space<hbm>> -> memref<128x128xf32, #tpu.memory_space<hbm>>
      tpu.enqueue_dma source(%arg9 : memref<128x128xf32, #tpu.memory_space<vmem>>) target(%dma_start3A_278 : memref<128x128xf32, #tpu.memory_space<hbm>>) target_semaphore(%run_scoped3A : memref<!tpu.dma_semaphore, #tpu.memory_space<semaphore_mem>>)
      %dma_wait3A_279 = arith.constant 0 : i32
      %dma_wait3A_280 = tpu.memref_slice %arg6[%arg0, %add3A_270, %dma_wait3A_279] : memref<2x10240x128xf32, #tpu.memory_space<hbm>> -> memref<1x128x128xf32, #tpu.memory_space<hbm>>
      %dma_wait3A_281 = tpu.memref_squeeze %dma_wait3A_280 : memref<1x128x128xf32, #tpu.memory_space<hbm>> -> memref<128x128xf32, #tpu.memory_space<hbm>>
      %dma_wait3A_282 = arith.constant 0 : i32
      %dma_wait3A_283 = tpu.memref_slice %arg6[%arg0, %add3A_270, %dma_wait3A_282] : memref<2x10240x128xf32, #tpu.memory_space<hbm>> -> memref<1x128x128xf32, #tpu.memory_space<hbm>>
      %dma_wait3A_284 = tpu.memref_squeeze %dma_wait3A_283 : memref<1x128x128xf32, #tpu.memory_space<hbm>> -> memref<128x128xf32, #tpu.memory_space<hbm>>
      tpu.wait_dma2 semaphore(%run_scoped3A : memref<!tpu.dma_semaphore, #tpu.memory_space<semaphore_mem>>) src(%arg9 : memref<128x128xf32, #tpu.memory_space<vmem>>) dst(%dma_wait3A_284 : memref<128x128xf32, #tpu.memory_space<hbm>>)
      tpu.yield
    }) : () -> ()
    %add3A_271 = arith.constant 512 : i32
    %add3A_272 = arith.addi %mul3A_2, %add3A_271 : i32
    "tpu.region"() ({
      %run_scoped3A = tpu.sem_alloc : memref<!tpu.dma_semaphore, #tpu.memory_space<semaphore_mem>>
      %dma_start3A_273 = arith.constant 0 : i32
      %dma_start3A_274 = tpu.memref_slice %arg17[%add3A_272, %dma_start3A_273] : memref<10240x128xf32, #tpu.memory_space<vmem_shared>> -> memref<128x128xf32, #tpu.memory_space<vmem_shared>>
      %dma_start3A_275 = arith.constant 0 : i32
      %dma_start3A_276 = tpu.memref_slice %arg17[%add3A_272, %dma_start3A_275] : memref<10240x128xf32, #tpu.memory_space<vmem_shared>> -> memref<128x128xf32, #tpu.memory_space<vmem_shared>>
      tpu.enqueue_dma source(%dma_start3A_276 : memref<128x128xf32, #tpu.memory_space<vmem_shared>>) target(%arg9 : memref<128x128xf32, #tpu.memory_space<vmem>>) target_semaphore(%run_scoped3A : memref<!tpu.dma_semaphore, #tpu.memory_space<semaphore_mem>>)
      %dma_wait3A_277 = arith.constant 0 : i32
      %dma_wait3A_278 = tpu.memref_slice %arg17[%add3A_272, %dma_wait3A_277] : memref<10240x128xf32, #tpu.memory_space<vmem_shared>> -> memref<128x128xf32, #tpu.memory_space<vmem_shared>>
      %dma_wait3A_279 = arith.constant 0 : i32
      %dma_wait3A_280 = tpu.memref_slice %arg17[%add3A_272, %dma_wait3A_279] : memref<10240x128xf32, #tpu.memory_space<vmem_shared>> -> memref<128x128xf32, #tpu.memory_space<vmem_shared>>
      tpu.wait_dma2 semaphore(%run_scoped3A : memref<!tpu.dma_semaphore, #tpu.memory_space<semaphore_mem>>) src(%dma_wait3A_280 : memref<128x128xf32, #tpu.memory_space<vmem_shared>>) dst(%arg9 : memref<128x128xf32, #tpu.memory_space<vmem>>)
      tpu.yield
    }) : () -> ()
    "tpu.region"() ({
      %run_scoped3A = tpu.sem_alloc : memref<!tpu.dma_semaphore, #tpu.memory_space<semaphore_mem>>
      %dma_start3A_273 = arith.constant 0 : i32
      %dma_start3A_274 = tpu.memref_slice %arg6[%arg0, %add3A_272, %dma_start3A_273] : memref<2x10240x128xf32, #tpu.memory_space<hbm>> -> memref<1x128x128xf32, #tpu.memory_space<hbm>>
      %dma_start3A_275 = tpu.memref_squeeze %dma_start3A_274 : memref<1x128x128xf32, #tpu.memory_space<hbm>> -> memref<128x128xf32, #tpu.memory_space<hbm>>
      %dma_start3A_276 = arith.constant 0 : i32
      %dma_start3A_277 = tpu.memref_slice %arg6[%arg0, %add3A_272, %dma_start3A_276] : memref<2x10240x128xf32, #tpu.memory_space<hbm>> -> memref<1x128x128xf32, #tpu.memory_space<hbm>>
      %dma_start3A_278 = tpu.memref_squeeze %dma_start3A_277 : memref<1x128x128xf32, #tpu.memory_space<hbm>> -> memref<128x128xf32, #tpu.memory_space<hbm>>
      tpu.enqueue_dma source(%arg9 : memref<128x128xf32, #tpu.memory_space<vmem>>) target(%dma_start3A_278 : memref<128x128xf32, #tpu.memory_space<hbm>>) target_semaphore(%run_scoped3A : memref<!tpu.dma_semaphore, #tpu.memory_space<semaphore_mem>>)
      %dma_wait3A_279 = arith.constant 0 : i32
      %dma_wait3A_280 = tpu.memref_slice %arg6[%arg0, %add3A_272, %dma_wait3A_279] : memref<2x10240x128xf32, #tpu.memory_space<hbm>> -> memref<1x128x128xf32, #tpu.memory_space<hbm>>
      %dma_wait3A_281 = tpu.memref_squeeze %dma_wait3A_280 : memref<1x128x128xf32, #tpu.memory_space<hbm>> -> memref<128x128xf32, #tpu.memory_space<hbm>>
      %dma_wait3A_282 = arith.constant 0 : i32
      %dma_wait3A_283 = tpu.memref_slice %arg6[%arg0, %add3A_272, %dma_wait3A_282] : memref<2x10240x128xf32, #tpu.memory_space<hbm>> -> memref<1x128x128xf32, #tpu.memory_space<hbm>>
      %dma_wait3A_284 = tpu.memref_squeeze %dma_wait3A_283 : memref<1x128x128xf32, #tpu.memory_space<hbm>> -> memref<128x128xf32, #tpu.memory_space<hbm>>
      tpu.wait_dma2 semaphore(%run_scoped3A : memref<!tpu.dma_semaphore, #tpu.memory_space<semaphore_mem>>) src(%arg9 : memref<128x128xf32, #tpu.memory_space<vmem>>) dst(%dma_wait3A_284 : memref<128x128xf32, #tpu.memory_space<hbm>>)
      tpu.yield
    }) : () -> ()
    return
  }
}

#map = affine_map<(d0, d1) -> (0, 0)>
#map1 = affine_map<(d0, d1) -> (0, 0, 0)>
module attributes {stable_mosaic.version = 14 : i64} {
  func.func @body(%arg0: i32, %arg1: i32, %arg2: memref<2560x128xi32, #tpu.memory_space<hbm>>, %arg3: memref<128x128xf32, #tpu.memory_space<hbm>>, %arg4: memref<128x128xf32, #tpu.memory_space<hbm>>, %arg5: memref<2x10240x128xf32, #tpu.memory_space<hbm>>, %arg6: memref<8x128xi32, #tpu.memory_space<vmem>>, %arg7: memref<128x128xf32, #tpu.memory_space<vmem>>, %arg8: memref<!tpu.dma_semaphore, #tpu.memory_space<semaphore_mem>>, %arg9: memref<!tpu.dma_semaphore, #tpu.memory_space<semaphore_mem>>, %arg10: memref<10240x128xf32, #tpu.memory_space<vmem_shared>>) attributes {dimension_semantics = [#tpu.dimension_semantics<core_parallel>, #tpu.dimension_semantics<subcore_parallel>], iteration_bounds = array<i64: 2, 16>, scalar_prefetch = 0 : i64, scratch_operands = 5 : i64, tpu.core_type = #tpu.core_type<sc_vector_subcore>, window_params = [{transform_indices = #map}, {transform_indices = #map}, {transform_indices = #map}, {transform_indices = #map1}]} {
    %mul3A = arith.constant 2 : i32
    %mul3A_0 = arith.muli %arg1, %mul3A : i32
    %add3A = arith.addi %mul3A_0, %arg0 : i32
    %mul3A_1 = arith.constant 640 : i32
    %mul3A_2 = arith.muli %arg1, %mul3A_1 : i32
    "tpu.region"() ({
      %run_scoped3A = tpu.sem_alloc : memref<!tpu.dma_semaphore, #tpu.memory_space<semaphore_mem>>
      tpu.enqueue_dma source(%arg3 : memref<128x128xf32, #tpu.memory_space<hbm>>) target(%arg7 : memref<128x128xf32, #tpu.memory_space<vmem>>) target_semaphore(%run_scoped3A : memref<!tpu.dma_semaphore, #tpu.memory_space<semaphore_mem>>)
      tpu.wait_dma2 semaphore(%run_scoped3A : memref<!tpu.dma_semaphore, #tpu.memory_space<semaphore_mem>>) src(%arg3 : memref<128x128xf32, #tpu.memory_space<hbm>>) dst(%arg7 : memref<128x128xf32, #tpu.memory_space<vmem>>)
      tpu.yield
    }) : () -> ()
    %add3A_3 = arith.constant 0 : i32
    %add3A_4 = arith.addi %mul3A_2, %add3A_3 : i32
    "tpu.region"() ({
      %run_scoped3A = tpu.sem_alloc : memref<!tpu.dma_semaphore, #tpu.memory_space<semaphore_mem>>
      %dma_start3A_153 = arith.constant 0 : i32
      %dma_start3A_154 = tpu.memref_slice %arg10[%add3A_4, %dma_start3A_153] : memref<10240x128xf32, #tpu.memory_space<vmem_shared>> -> memref<128x128xf32, #tpu.memory_space<vmem_shared>>
      %dma_start3A_155 = arith.constant 0 : i32
      %dma_start3A_156 = tpu.memref_slice %arg10[%add3A_4, %dma_start3A_155] : memref<10240x128xf32, #tpu.memory_space<vmem_shared>> -> memref<128x128xf32, #tpu.memory_space<vmem_shared>>
      tpu.enqueue_dma source(%arg7 : memref<128x128xf32, #tpu.memory_space<vmem>>) target(%dma_start3A_156 : memref<128x128xf32, #tpu.memory_space<vmem_shared>>) target_semaphore(%run_scoped3A : memref<!tpu.dma_semaphore, #tpu.memory_space<semaphore_mem>>)
      %dma_wait3A_157 = arith.constant 0 : i32
      %dma_wait3A_158 = tpu.memref_slice %arg10[%add3A_4, %dma_wait3A_157] : memref<10240x128xf32, #tpu.memory_space<vmem_shared>> -> memref<128x128xf32, #tpu.memory_space<vmem_shared>>
      %dma_wait3A_159 = arith.constant 0 : i32
      %dma_wait3A_160 = tpu.memref_slice %arg10[%add3A_4, %dma_wait3A_159] : memref<10240x128xf32, #tpu.memory_space<vmem_shared>> -> memref<128x128xf32, #tpu.memory_space<vmem_shared>>
      tpu.wait_dma2 semaphore(%run_scoped3A : memref<!tpu.dma_semaphore, #tpu.memory_space<semaphore_mem>>) src(%arg7 : memref<128x128xf32, #tpu.memory_space<vmem>>) dst(%dma_wait3A_160 : memref<128x128xf32, #tpu.memory_space<vmem_shared>>)
      tpu.yield
    }) : () -> ()
    %add3A_5 = arith.constant 128 : i32
    %add3A_6 = arith.addi %mul3A_2, %add3A_5 : i32
    "tpu.region"() ({
      %run_scoped3A = tpu.sem_alloc : memref<!tpu.dma_semaphore, #tpu.memory_space<semaphore_mem>>
      %dma_start3A_153 = arith.constant 0 : i32
      %dma_start3A_154 = tpu.memref_slice %arg10[%add3A_6, %dma_start3A_153] : memref<10240x128xf32, #tpu.memory_space<vmem_shared>> -> memref<128x128xf32, #tpu.memory_space<vmem_shared>>
      %dma_start3A_155 = arith.constant 0 : i32
      %dma_start3A_156 = tpu.memref_slice %arg10[%add3A_6, %dma_start3A_155] : memref<10240x128xf32, #tpu.memory_space<vmem_shared>> -> memref<128x128xf32, #tpu.memory_space<vmem_shared>>
      tpu.enqueue_dma source(%arg7 : memref<128x128xf32, #tpu.memory_space<vmem>>) target(%dma_start3A_156 : memref<128x128xf32, #tpu.memory_space<vmem_shared>>) target_semaphore(%run_scoped3A : memref<!tpu.dma_semaphore, #tpu.memory_space<semaphore_mem>>)
      %dma_wait3A_157 = arith.constant 0 : i32
      %dma_wait3A_158 = tpu.memref_slice %arg10[%add3A_6, %dma_wait3A_157] : memref<10240x128xf32, #tpu.memory_space<vmem_shared>> -> memref<128x128xf32, #tpu.memory_space<vmem_shared>>
      %dma_wait3A_159 = arith.constant 0 : i32
      %dma_wait3A_160 = tpu.memref_slice %arg10[%add3A_6, %dma_wait3A_159] : memref<10240x128xf32, #tpu.memory_space<vmem_shared>> -> memref<128x128xf32, #tpu.memory_space<vmem_shared>>
      tpu.wait_dma2 semaphore(%run_scoped3A : memref<!tpu.dma_semaphore, #tpu.memory_space<semaphore_mem>>) src(%arg7 : memref<128x128xf32, #tpu.memory_space<vmem>>) dst(%dma_wait3A_160 : memref<128x128xf32, #tpu.memory_space<vmem_shared>>)
      tpu.yield
    }) : () -> ()
    %add3A_7 = arith.constant 256 : i32
    %add3A_8 = arith.addi %mul3A_2, %add3A_7 : i32
    "tpu.region"() ({
      %run_scoped3A = tpu.sem_alloc : memref<!tpu.dma_semaphore, #tpu.memory_space<semaphore_mem>>
      %dma_start3A_153 = arith.constant 0 : i32
      %dma_start3A_154 = tpu.memref_slice %arg10[%add3A_8, %dma_start3A_153] : memref<10240x128xf32, #tpu.memory_space<vmem_shared>> -> memref<128x128xf32, #tpu.memory_space<vmem_shared>>
      %dma_start3A_155 = arith.constant 0 : i32
      %dma_start3A_156 = tpu.memref_slice %arg10[%add3A_8, %dma_start3A_155] : memref<10240x128xf32, #tpu.memory_space<vmem_shared>> -> memref<128x128xf32, #tpu.memory_space<vmem_shared>>
      tpu.enqueue_dma source(%arg7 : memref<128x128xf32, #tpu.memory_space<vmem>>) target(%dma_start3A_156 : memref<128x128xf32, #tpu.memory_space<vmem_shared>>) target_semaphore(%run_scoped3A : memref<!tpu.dma_semaphore, #tpu.memory_space<semaphore_mem>>)
      %dma_wait3A_157 = arith.constant 0 : i32
      %dma_wait3A_158 = tpu.memref_slice %arg10[%add3A_8, %dma_wait3A_157] : memref<10240x128xf32, #tpu.memory_space<vmem_shared>> -> memref<128x128xf32, #tpu.memory_space<vmem_shared>>
      %dma_wait3A_159 = arith.constant 0 : i32
      %dma_wait3A_160 = tpu.memref_slice %arg10[%add3A_8, %dma_wait3A_159] : memref<10240x128xf32, #tpu.memory_space<vmem_shared>> -> memref<128x128xf32, #tpu.memory_space<vmem_shared>>
      tpu.wait_dma2 semaphore(%run_scoped3A : memref<!tpu.dma_semaphore, #tpu.memory_space<semaphore_mem>>) src(%arg7 : memref<128x128xf32, #tpu.memory_space<vmem>>) dst(%dma_wait3A_160 : memref<128x128xf32, #tpu.memory_space<vmem_shared>>)
      tpu.yield
    }) : () -> ()
    %add3A_9 = arith.constant 384 : i32
    %add3A_10 = arith.addi %mul3A_2, %add3A_9 : i32
    "tpu.region"() ({
      %run_scoped3A = tpu.sem_alloc : memref<!tpu.dma_semaphore, #tpu.memory_space<semaphore_mem>>
      %dma_start3A_153 = arith.constant 0 : i32
      %dma_start3A_154 = tpu.memref_slice %arg10[%add3A_10, %dma_start3A_153] : memref<10240x128xf32, #tpu.memory_space<vmem_shared>> -> memref<128x128xf32, #tpu.memory_space<vmem_shared>>
      %dma_start3A_155 = arith.constant 0 : i32
      %dma_start3A_156 = tpu.memref_slice %arg10[%add3A_10, %dma_start3A_155] : memref<10240x128xf32, #tpu.memory_space<vmem_shared>> -> memref<128x128xf32, #tpu.memory_space<vmem_shared>>
      tpu.enqueue_dma source(%arg7 : memref<128x128xf32, #tpu.memory_space<vmem>>) target(%dma_start3A_156 : memref<128x128xf32, #tpu.memory_space<vmem_shared>>) target_semaphore(%run_scoped3A : memref<!tpu.dma_semaphore, #tpu.memory_space<semaphore_mem>>)
      %dma_wait3A_157 = arith.constant 0 : i32
      %dma_wait3A_158 = tpu.memref_slice %arg10[%add3A_10, %dma_wait3A_157] : memref<10240x128xf32, #tpu.memory_space<vmem_shared>> -> memref<128x128xf32, #tpu.memory_space<vmem_shared>>
      %dma_wait3A_159 = arith.constant 0 : i32
      %dma_wait3A_160 = tpu.memref_slice %arg10[%add3A_10, %dma_wait3A_159] : memref<10240x128xf32, #tpu.memory_space<vmem_shared>> -> memref<128x128xf32, #tpu.memory_space<vmem_shared>>
      tpu.wait_dma2 semaphore(%run_scoped3A : memref<!tpu.dma_semaphore, #tpu.memory_space<semaphore_mem>>) src(%arg7 : memref<128x128xf32, #tpu.memory_space<vmem>>) dst(%dma_wait3A_160 : memref<128x128xf32, #tpu.memory_space<vmem_shared>>)
      tpu.yield
    }) : () -> ()
    %add3A_11 = arith.constant 512 : i32
    %add3A_12 = arith.addi %mul3A_2, %add3A_11 : i32
    "tpu.region"() ({
      %run_scoped3A = tpu.sem_alloc : memref<!tpu.dma_semaphore, #tpu.memory_space<semaphore_mem>>
      %dma_start3A_153 = arith.constant 0 : i32
      %dma_start3A_154 = tpu.memref_slice %arg10[%add3A_12, %dma_start3A_153] : memref<10240x128xf32, #tpu.memory_space<vmem_shared>> -> memref<128x128xf32, #tpu.memory_space<vmem_shared>>
      %dma_start3A_155 = arith.constant 0 : i32
      %dma_start3A_156 = tpu.memref_slice %arg10[%add3A_12, %dma_start3A_155] : memref<10240x128xf32, #tpu.memory_space<vmem_shared>> -> memref<128x128xf32, #tpu.memory_space<vmem_shared>>
      tpu.enqueue_dma source(%arg7 : memref<128x128xf32, #tpu.memory_space<vmem>>) target(%dma_start3A_156 : memref<128x128xf32, #tpu.memory_space<vmem_shared>>) target_semaphore(%run_scoped3A : memref<!tpu.dma_semaphore, #tpu.memory_space<semaphore_mem>>)
      %dma_wait3A_157 = arith.constant 0 : i32
      %dma_wait3A_158 = tpu.memref_slice %arg10[%add3A_12, %dma_wait3A_157] : memref<10240x128xf32, #tpu.memory_space<vmem_shared>> -> memref<128x128xf32, #tpu.memory_space<vmem_shared>>
      %dma_wait3A_159 = arith.constant 0 : i32
      %dma_wait3A_160 = tpu.memref_slice %arg10[%add3A_12, %dma_wait3A_159] : memref<10240x128xf32, #tpu.memory_space<vmem_shared>> -> memref<128x128xf32, #tpu.memory_space<vmem_shared>>
      tpu.wait_dma2 semaphore(%run_scoped3A : memref<!tpu.dma_semaphore, #tpu.memory_space<semaphore_mem>>) src(%arg7 : memref<128x128xf32, #tpu.memory_space<vmem>>) dst(%dma_wait3A_160 : memref<128x128xf32, #tpu.memory_space<vmem_shared>>)
      tpu.yield
    }) : () -> ()
    %barrier3A = arith.constant 0 : index
    tpu.barrier barrier_id(%barrier3A)
    "tpu.region"() ({
      %run_scoped3A = tpu.sem_alloc : memref<!tpu.dma_semaphore, #tpu.memory_space<semaphore_mem>>
      tpu.enqueue_dma source(%arg4 : memref<128x128xf32, #tpu.memory_space<hbm>>) target(%arg7 : memref<128x128xf32, #tpu.memory_space<vmem>>) target_semaphore(%run_scoped3A : memref<!tpu.dma_semaphore, #tpu.memory_space<semaphore_mem>>)
      tpu.wait_dma2 semaphore(%run_scoped3A : memref<!tpu.dma_semaphore, #tpu.memory_space<semaphore_mem>>) src(%arg4 : memref<128x128xf32, #tpu.memory_space<hbm>>) dst(%arg7 : memref<128x128xf32, #tpu.memory_space<vmem>>)
      tpu.yield
    }) : () -> ()
    %mul3A_13 = arith.constant 80 : i32
    %mul3A_14 = arith.muli %add3A, %mul3A_13 : i32
    %add3A_15 = arith.constant 0 : i32
    %add3A_16 = arith.addi %mul3A_14, %add3A_15 : i32
    %dma_start3A = arith.constant 0 : i32
    %dma_start3A_17 = tpu.memref_slice %arg2[%add3A_16, %dma_start3A] : memref<2560x128xi32, #tpu.memory_space<hbm>> -> memref<8x128xi32, #tpu.memory_space<hbm>>
    %dma_start3A_18 = arith.constant 0 : i32
    %dma_start3A_19 = tpu.memref_slice %arg2[%add3A_16, %dma_start3A_18] : memref<2560x128xi32, #tpu.memory_space<hbm>> -> memref<8x128xi32, #tpu.memory_space<hbm>>
    tpu.enqueue_dma source(%dma_start3A_19 : memref<8x128xi32, #tpu.memory_space<hbm>>) target(%arg6 : memref<8x128xi32, #tpu.memory_space<vmem>>) target_semaphore(%arg8 : memref<!tpu.dma_semaphore, #tpu.memory_space<semaphore_mem>>)
    %scan3A = arith.constant 0 : i32
    %scan3A_20 = arith.constant 0 : i32
    %scan3A_21 = arith.constant 9 : i32
    %scan3A_22 = arith.addi %scan3A_20, %scan3A_21 : i32
    %scan3A_23 = arith.constant 1 : i32
    scf.for %scan3A_153 = %scan3A_20 to %scan3A_22 step %scan3A_23  : i32 {
      %mul3A_154 = arith.constant 8 : i32
      %mul3A_155 = arith.muli %scan3A_153, %mul3A_154 : i32
      %add3A_156 = arith.addi %mul3A_14, %mul3A_155 : i32
      %dma_wait3A_157 = arith.constant 0 : i32
      %dma_wait3A_158 = tpu.memref_slice %arg2[%add3A_156, %dma_wait3A_157] : memref<2560x128xi32, #tpu.memory_space<hbm>> -> memref<8x128xi32, #tpu.memory_space<hbm>>
      %dma_wait3A_159 = arith.constant 0 : i32
      %dma_wait3A_160 = tpu.memref_slice %arg2[%add3A_156, %dma_wait3A_159] : memref<2560x128xi32, #tpu.memory_space<hbm>> -> memref<8x128xi32, #tpu.memory_space<hbm>>
      tpu.wait_dma2 semaphore(%arg8 : memref<!tpu.dma_semaphore, #tpu.memory_space<semaphore_mem>>) src(%dma_wait3A_160 : memref<8x128xi32, #tpu.memory_space<hbm>>) dst(%arg6 : memref<8x128xi32, #tpu.memory_space<vmem>>)
      %dma_start3A_161 = arith.constant 0 : i32
      %dma_start3A_162 = arith.constant 0 : i32
      %dma_start3A_163 = tpu.memref_slice %arg6[%dma_start3A_161, %dma_start3A_162] : memref<8x128xi32, #tpu.memory_space<vmem>> -> memref<1x128xi32, #tpu.memory_space<vmem>>
      %dma_start3A_164 = tpu.memref_squeeze %dma_start3A_163 : memref<1x128xi32, #tpu.memory_space<vmem>> -> memref<128xi32, #tpu.memory_space<vmem>>
      %dma_start3A_165 = arith.constant 0 : i32
      %dma_start3A_166 = arith.constant 0 : i32
      %dma_start3A_167 = tpu.memref_slice %arg10[%dma_start3A_165, %dma_start3A_166] : memref<10240x128xf32, #tpu.memory_space<vmem_shared>> -> memref<10240x128xf32, #tpu.memory_space<vmem_shared>>
      tpu.enqueue_indirect_dma source(%arg7 : memref<128x128xf32, #tpu.memory_space<vmem>>) target(%dma_start3A_167 : memref<10240x128xf32, #tpu.memory_space<vmem_shared>>) offsets(%dma_start3A_164 : memref<128xi32, #tpu.memory_space<vmem>>) semaphore(%arg9 : memref<!tpu.dma_semaphore, #tpu.memory_space<semaphore_mem>>) {add = true}
      %dma_start3A_168 = arith.constant 1 : i32
      %dma_start3A_169 = arith.constant 0 : i32
      %dma_start3A_170 = tpu.memref_slice %arg6[%dma_start3A_168, %dma_start3A_169] : memref<8x128xi32, #tpu.memory_space<vmem>> -> memref<1x128xi32, #tpu.memory_space<vmem>>
      %dma_start3A_171 = tpu.memref_squeeze %dma_start3A_170 : memref<1x128xi32, #tpu.memory_space<vmem>> -> memref<128xi32, #tpu.memory_space<vmem>>
      %dma_start3A_172 = arith.constant 0 : i32
      %dma_start3A_173 = arith.constant 0 : i32
      %dma_start3A_174 = tpu.memref_slice %arg10[%dma_start3A_172, %dma_start3A_173] : memref<10240x128xf32, #tpu.memory_space<vmem_shared>> -> memref<10240x128xf32, #tpu.memory_space<vmem_shared>>
      tpu.enqueue_indirect_dma source(%arg7 : memref<128x128xf32, #tpu.memory_space<vmem>>) target(%dma_start3A_174 : memref<10240x128xf32, #tpu.memory_space<vmem_shared>>) offsets(%dma_start3A_171 : memref<128xi32, #tpu.memory_space<vmem>>) semaphore(%arg9 : memref<!tpu.dma_semaphore, #tpu.memory_space<semaphore_mem>>) {add = true}
      %dma_start3A_175 = arith.constant 2 : i32
      %dma_start3A_176 = arith.constant 0 : i32
      %dma_start3A_177 = tpu.memref_slice %arg6[%dma_start3A_175, %dma_start3A_176] : memref<8x128xi32, #tpu.memory_space<vmem>> -> memref<1x128xi32, #tpu.memory_space<vmem>>
      %dma_start3A_178 = tpu.memref_squeeze %dma_start3A_177 : memref<1x128xi32, #tpu.memory_space<vmem>> -> memref<128xi32, #tpu.memory_space<vmem>>
      %dma_start3A_179 = arith.constant 0 : i32
      %dma_start3A_180 = arith.constant 0 : i32
      %dma_start3A_181 = tpu.memref_slice %arg10[%dma_start3A_179, %dma_start3A_180] : memref<10240x128xf32, #tpu.memory_space<vmem_shared>> -> memref<10240x128xf32, #tpu.memory_space<vmem_shared>>
      tpu.enqueue_indirect_dma source(%arg7 : memref<128x128xf32, #tpu.memory_space<vmem>>) target(%dma_start3A_181 : memref<10240x128xf32, #tpu.memory_space<vmem_shared>>) offsets(%dma_start3A_178 : memref<128xi32, #tpu.memory_space<vmem>>) semaphore(%arg9 : memref<!tpu.dma_semaphore, #tpu.memory_space<semaphore_mem>>) {add = true}
      %dma_start3A_182 = arith.constant 3 : i32
      %dma_start3A_183 = arith.constant 0 : i32
      %dma_start3A_184 = tpu.memref_slice %arg6[%dma_start3A_182, %dma_start3A_183] : memref<8x128xi32, #tpu.memory_space<vmem>> -> memref<1x128xi32, #tpu.memory_space<vmem>>
      %dma_start3A_185 = tpu.memref_squeeze %dma_start3A_184 : memref<1x128xi32, #tpu.memory_space<vmem>> -> memref<128xi32, #tpu.memory_space<vmem>>
      %dma_start3A_186 = arith.constant 0 : i32
      %dma_start3A_187 = arith.constant 0 : i32
      %dma_start3A_188 = tpu.memref_slice %arg10[%dma_start3A_186, %dma_start3A_187] : memref<10240x128xf32, #tpu.memory_space<vmem_shared>> -> memref<10240x128xf32, #tpu.memory_space<vmem_shared>>
      tpu.enqueue_indirect_dma source(%arg7 : memref<128x128xf32, #tpu.memory_space<vmem>>) target(%dma_start3A_188 : memref<10240x128xf32, #tpu.memory_space<vmem_shared>>) offsets(%dma_start3A_185 : memref<128xi32, #tpu.memory_space<vmem>>) semaphore(%arg9 : memref<!tpu.dma_semaphore, #tpu.memory_space<semaphore_mem>>) {add = true}
      %dma_start3A_189 = arith.constant 4 : i32
      %dma_start3A_190 = arith.constant 0 : i32
      %dma_start3A_191 = tpu.memref_slice %arg6[%dma_start3A_189, %dma_start3A_190] : memref<8x128xi32, #tpu.memory_space<vmem>> -> memref<1x128xi32, #tpu.memory_space<vmem>>
      %dma_start3A_192 = tpu.memref_squeeze %dma_start3A_191 : memref<1x128xi32, #tpu.memory_space<vmem>> -> memref<128xi32, #tpu.memory_space<vmem>>
      %dma_start3A_193 = arith.constant 0 : i32
      %dma_start3A_194 = arith.constant 0 : i32
      %dma_start3A_195 = tpu.memref_slice %arg10[%dma_start3A_193, %dma_start3A_194] : memref<10240x128xf32, #tpu.memory_space<vmem_shared>> -> memref<10240x128xf32, #tpu.memory_space<vmem_shared>>
      tpu.enqueue_indirect_dma source(%arg7 : memref<128x128xf32, #tpu.memory_space<vmem>>) target(%dma_start3A_195 : memref<10240x128xf32, #tpu.memory_space<vmem_shared>>) offsets(%dma_start3A_192 : memref<128xi32, #tpu.memory_space<vmem>>) semaphore(%arg9 : memref<!tpu.dma_semaphore, #tpu.memory_space<semaphore_mem>>) {add = true}
      %dma_start3A_196 = arith.constant 5 : i32
      %dma_start3A_197 = arith.constant 0 : i32
      %dma_start3A_198 = tpu.memref_slice %arg6[%dma_start3A_196, %dma_start3A_197] : memref<8x128xi32, #tpu.memory_space<vmem>> -> memref<1x128xi32, #tpu.memory_space<vmem>>
      %dma_start3A_199 = tpu.memref_squeeze %dma_start3A_198 : memref<1x128xi32, #tpu.memory_space<vmem>> -> memref<128xi32, #tpu.memory_space<vmem>>
      %dma_start3A_200 = arith.constant 0 : i32
      %dma_start3A_201 = arith.constant 0 : i32
      %dma_start3A_202 = tpu.memref_slice %arg10[%dma_start3A_200, %dma_start3A_201] : memref<10240x128xf32, #tpu.memory_space<vmem_shared>> -> memref<10240x128xf32, #tpu.memory_space<vmem_shared>>
      tpu.enqueue_indirect_dma source(%arg7 : memref<128x128xf32, #tpu.memory_space<vmem>>) target(%dma_start3A_202 : memref<10240x128xf32, #tpu.memory_space<vmem_shared>>) offsets(%dma_start3A_199 : memref<128xi32, #tpu.memory_space<vmem>>) semaphore(%arg9 : memref<!tpu.dma_semaphore, #tpu.memory_space<semaphore_mem>>) {add = true}
      %dma_start3A_203 = arith.constant 6 : i32
      %dma_start3A_204 = arith.constant 0 : i32
      %dma_start3A_205 = tpu.memref_slice %arg6[%dma_start3A_203, %dma_start3A_204] : memref<8x128xi32, #tpu.memory_space<vmem>> -> memref<1x128xi32, #tpu.memory_space<vmem>>
      %dma_start3A_206 = tpu.memref_squeeze %dma_start3A_205 : memref<1x128xi32, #tpu.memory_space<vmem>> -> memref<128xi32, #tpu.memory_space<vmem>>
      %dma_start3A_207 = arith.constant 0 : i32
      %dma_start3A_208 = arith.constant 0 : i32
      %dma_start3A_209 = tpu.memref_slice %arg10[%dma_start3A_207, %dma_start3A_208] : memref<10240x128xf32, #tpu.memory_space<vmem_shared>> -> memref<10240x128xf32, #tpu.memory_space<vmem_shared>>
      tpu.enqueue_indirect_dma source(%arg7 : memref<128x128xf32, #tpu.memory_space<vmem>>) target(%dma_start3A_209 : memref<10240x128xf32, #tpu.memory_space<vmem_shared>>) offsets(%dma_start3A_206 : memref<128xi32, #tpu.memory_space<vmem>>) semaphore(%arg9 : memref<!tpu.dma_semaphore, #tpu.memory_space<semaphore_mem>>) {add = true}
      %dma_start3A_210 = arith.constant 7 : i32
      %dma_start3A_211 = arith.constant 0 : i32
      %dma_start3A_212 = tpu.memref_slice %arg6[%dma_start3A_210, %dma_start3A_211] : memref<8x128xi32, #tpu.memory_space<vmem>> -> memref<1x128xi32, #tpu.memory_space<vmem>>
      %dma_start3A_213 = tpu.memref_squeeze %dma_start3A_212 : memref<1x128xi32, #tpu.memory_space<vmem>> -> memref<128xi32, #tpu.memory_space<vmem>>
      %dma_start3A_214 = arith.constant 0 : i32
      %dma_start3A_215 = arith.constant 0 : i32
      %dma_start3A_216 = tpu.memref_slice %arg10[%dma_start3A_214, %dma_start3A_215] : memref<10240x128xf32, #tpu.memory_space<vmem_shared>> -> memref<10240x128xf32, #tpu.memory_space<vmem_shared>>
      tpu.enqueue_indirect_dma source(%arg7 : memref<128x128xf32, #tpu.memory_space<vmem>>) target(%dma_start3A_216 : memref<10240x128xf32, #tpu.memory_space<vmem_shared>>) offsets(%dma_start3A_213 : memref<128xi32, #tpu.memory_space<vmem>>) semaphore(%arg9 : memref<!tpu.dma_semaphore, #tpu.memory_space<semaphore_mem>>) {add = true}
      %dma_wait3A_217 = arith.constant 0 : i32
      %dma_wait3A_218 = arith.constant 0 : i32
      %dma_wait3A_219 = tpu.memref_slice %arg6[%dma_wait3A_217, %dma_wait3A_218] : memref<8x128xi32, #tpu.memory_space<vmem>> -> memref<1x128xi32, #tpu.memory_space<vmem>>
      %dma_wait3A_220 = tpu.memref_squeeze %dma_wait3A_219 : memref<1x128xi32, #tpu.memory_space<vmem>> -> memref<128xi32, #tpu.memory_space<vmem>>
      %dma_wait3A_221 = arith.constant 0 : i32
      %dma_wait3A_222 = arith.constant 0 : i32
      %dma_wait3A_223 = tpu.memref_slice %arg10[%dma_wait3A_221, %dma_wait3A_222] : memref<10240x128xf32, #tpu.memory_space<vmem_shared>> -> memref<10240x128xf32, #tpu.memory_space<vmem_shared>>
      tpu.wait_indirect_dma semaphore(%arg9 : memref<!tpu.dma_semaphore, #tpu.memory_space<semaphore_mem>>) src(%arg7 : memref<128x128xf32, #tpu.memory_space<vmem>>) dst(%dma_wait3A_223 : memref<10240x128xf32, #tpu.memory_space<vmem_shared>>)
      %dma_wait3A_224 = arith.constant 1 : i32
      %dma_wait3A_225 = arith.constant 0 : i32
      %dma_wait3A_226 = tpu.memref_slice %arg6[%dma_wait3A_224, %dma_wait3A_225] : memref<8x128xi32, #tpu.memory_space<vmem>> -> memref<1x128xi32, #tpu.memory_space<vmem>>
      %dma_wait3A_227 = tpu.memref_squeeze %dma_wait3A_226 : memref<1x128xi32, #tpu.memory_space<vmem>> -> memref<128xi32, #tpu.memory_space<vmem>>
      %dma_wait3A_228 = arith.constant 0 : i32
      %dma_wait3A_229 = arith.constant 0 : i32
      %dma_wait3A_230 = tpu.memref_slice %arg10[%dma_wait3A_228, %dma_wait3A_229] : memref<10240x128xf32, #tpu.memory_space<vmem_shared>> -> memref<10240x128xf32, #tpu.memory_space<vmem_shared>>
      tpu.wait_indirect_dma semaphore(%arg9 : memref<!tpu.dma_semaphore, #tpu.memory_space<semaphore_mem>>) src(%arg7 : memref<128x128xf32, #tpu.memory_space<vmem>>) dst(%dma_wait3A_230 : memref<10240x128xf32, #tpu.memory_space<vmem_shared>>)
      %dma_wait3A_231 = arith.constant 2 : i32
      %dma_wait3A_232 = arith.constant 0 : i32
      %dma_wait3A_233 = tpu.memref_slice %arg6[%dma_wait3A_231, %dma_wait3A_232] : memref<8x128xi32, #tpu.memory_space<vmem>> -> memref<1x128xi32, #tpu.memory_space<vmem>>
      %dma_wait3A_234 = tpu.memref_squeeze %dma_wait3A_233 : memref<1x128xi32, #tpu.memory_space<vmem>> -> memref<128xi32, #tpu.memory_space<vmem>>
      %dma_wait3A_235 = arith.constant 0 : i32
      %dma_wait3A_236 = arith.constant 0 : i32
      %dma_wait3A_237 = tpu.memref_slice %arg10[%dma_wait3A_235, %dma_wait3A_236] : memref<10240x128xf32, #tpu.memory_space<vmem_shared>> -> memref<10240x128xf32, #tpu.memory_space<vmem_shared>>
      tpu.wait_indirect_dma semaphore(%arg9 : memref<!tpu.dma_semaphore, #tpu.memory_space<semaphore_mem>>) src(%arg7 : memref<128x128xf32, #tpu.memory_space<vmem>>) dst(%dma_wait3A_237 : memref<10240x128xf32, #tpu.memory_space<vmem_shared>>)
      %dma_wait3A_238 = arith.constant 3 : i32
      %dma_wait3A_239 = arith.constant 0 : i32
      %dma_wait3A_240 = tpu.memref_slice %arg6[%dma_wait3A_238, %dma_wait3A_239] : memref<8x128xi32, #tpu.memory_space<vmem>> -> memref<1x128xi32, #tpu.memory_space<vmem>>
      %dma_wait3A_241 = tpu.memref_squeeze %dma_wait3A_240 : memref<1x128xi32, #tpu.memory_space<vmem>> -> memref<128xi32, #tpu.memory_space<vmem>>
      %dma_wait3A_242 = arith.constant 0 : i32
      %dma_wait3A_243 = arith.constant 0 : i32
      %dma_wait3A_244 = tpu.memref_slice %arg10[%dma_wait3A_242, %dma_wait3A_243] : memref<10240x128xf32, #tpu.memory_space<vmem_shared>> -> memref<10240x128xf32, #tpu.memory_space<vmem_shared>>
      tpu.wait_indirect_dma semaphore(%arg9 : memref<!tpu.dma_semaphore, #tpu.memory_space<semaphore_mem>>) src(%arg7 : memref<128x128xf32, #tpu.memory_space<vmem>>) dst(%dma_wait3A_244 : memref<10240x128xf32, #tpu.memory_space<vmem_shared>>)
      %dma_wait3A_245 = arith.constant 4 : i32
      %dma_wait3A_246 = arith.constant 0 : i32
      %dma_wait3A_247 = tpu.memref_slice %arg6[%dma_wait3A_245, %dma_wait3A_246] : memref<8x128xi32, #tpu.memory_space<vmem>> -> memref<1x128xi32, #tpu.memory_space<vmem>>
      %dma_wait3A_248 = tpu.memref_squeeze %dma_wait3A_247 : memref<1x128xi32, #tpu.memory_space<vmem>> -> memref<128xi32, #tpu.memory_space<vmem>>
      %dma_wait3A_249 = arith.constant 0 : i32
      %dma_wait3A_250 = arith.constant 0 : i32
      %dma_wait3A_251 = tpu.memref_slice %arg10[%dma_wait3A_249, %dma_wait3A_250] : memref<10240x128xf32, #tpu.memory_space<vmem_shared>> -> memref<10240x128xf32, #tpu.memory_space<vmem_shared>>
      tpu.wait_indirect_dma semaphore(%arg9 : memref<!tpu.dma_semaphore, #tpu.memory_space<semaphore_mem>>) src(%arg7 : memref<128x128xf32, #tpu.memory_space<vmem>>) dst(%dma_wait3A_251 : memref<10240x128xf32, #tpu.memory_space<vmem_shared>>)
      %dma_wait3A_252 = arith.constant 5 : i32
      %dma_wait3A_253 = arith.constant 0 : i32
      %dma_wait3A_254 = tpu.memref_slice %arg6[%dma_wait3A_252, %dma_wait3A_253] : memref<8x128xi32, #tpu.memory_space<vmem>> -> memref<1x128xi32, #tpu.memory_space<vmem>>
      %dma_wait3A_255 = tpu.memref_squeeze %dma_wait3A_254 : memref<1x128xi32, #tpu.memory_space<vmem>> -> memref<128xi32, #tpu.memory_space<vmem>>
      %dma_wait3A_256 = arith.constant 0 : i32
      %dma_wait3A_257 = arith.constant 0 : i32
      %dma_wait3A_258 = tpu.memref_slice %arg10[%dma_wait3A_256, %dma_wait3A_257] : memref<10240x128xf32, #tpu.memory_space<vmem_shared>> -> memref<10240x128xf32, #tpu.memory_space<vmem_shared>>
      tpu.wait_indirect_dma semaphore(%arg9 : memref<!tpu.dma_semaphore, #tpu.memory_space<semaphore_mem>>) src(%arg7 : memref<128x128xf32, #tpu.memory_space<vmem>>) dst(%dma_wait3A_258 : memref<10240x128xf32, #tpu.memory_space<vmem_shared>>)
      %dma_wait3A_259 = arith.constant 6 : i32
      %dma_wait3A_260 = arith.constant 0 : i32
      %dma_wait3A_261 = tpu.memref_slice %arg6[%dma_wait3A_259, %dma_wait3A_260] : memref<8x128xi32, #tpu.memory_space<vmem>> -> memref<1x128xi32, #tpu.memory_space<vmem>>
      %dma_wait3A_262 = tpu.memref_squeeze %dma_wait3A_261 : memref<1x128xi32, #tpu.memory_space<vmem>> -> memref<128xi32, #tpu.memory_space<vmem>>
      %dma_wait3A_263 = arith.constant 0 : i32
      %dma_wait3A_264 = arith.constant 0 : i32
      %dma_wait3A_265 = tpu.memref_slice %arg10[%dma_wait3A_263, %dma_wait3A_264] : memref<10240x128xf32, #tpu.memory_space<vmem_shared>> -> memref<10240x128xf32, #tpu.memory_space<vmem_shared>>
      tpu.wait_indirect_dma semaphore(%arg9 : memref<!tpu.dma_semaphore, #tpu.memory_space<semaphore_mem>>) src(%arg7 : memref<128x128xf32, #tpu.memory_space<vmem>>) dst(%dma_wait3A_265 : memref<10240x128xf32, #tpu.memory_space<vmem_shared>>)
      %dma_wait3A_266 = arith.constant 7 : i32
      %dma_wait3A_267 = arith.constant 0 : i32
      %dma_wait3A_268 = tpu.memref_slice %arg6[%dma_wait3A_266, %dma_wait3A_267] : memref<8x128xi32, #tpu.memory_space<vmem>> -> memref<1x128xi32, #tpu.memory_space<vmem>>
      %dma_wait3A_269 = tpu.memref_squeeze %dma_wait3A_268 : memref<1x128xi32, #tpu.memory_space<vmem>> -> memref<128xi32, #tpu.memory_space<vmem>>
      %dma_wait3A_270 = arith.constant 0 : i32
      %dma_wait3A_271 = arith.constant 0 : i32
      %dma_wait3A_272 = tpu.memref_slice %arg10[%dma_wait3A_270, %dma_wait3A_271] : memref<10240x128xf32, #tpu.memory_space<vmem_shared>> -> memref<10240x128xf32, #tpu.memory_space<vmem_shared>>
      tpu.wait_indirect_dma semaphore(%arg9 : memref<!tpu.dma_semaphore, #tpu.memory_space<semaphore_mem>>) src(%arg7 : memref<128x128xf32, #tpu.memory_space<vmem>>) dst(%dma_wait3A_272 : memref<10240x128xf32, #tpu.memory_space<vmem_shared>>)
      %add3A_273 = arith.constant 1 : i32
      %add3A_274 = arith.addi %scan3A_153, %add3A_273 : i32
      %mul3A_275 = arith.constant 8 : i32
      %mul3A_276 = arith.muli %add3A_274, %mul3A_275 : i32
      %add3A_277 = arith.addi %mul3A_14, %mul3A_276 : i32
      %dma_start3A_278 = arith.constant 0 : i32
      %dma_start3A_279 = tpu.memref_slice %arg2[%add3A_277, %dma_start3A_278] : memref<2560x128xi32, #tpu.memory_space<hbm>> -> memref<8x128xi32, #tpu.memory_space<hbm>>
      %dma_start3A_280 = arith.constant 0 : i32
      %dma_start3A_281 = tpu.memref_slice %arg2[%add3A_277, %dma_start3A_280] : memref<2560x128xi32, #tpu.memory_space<hbm>> -> memref<8x128xi32, #tpu.memory_space<hbm>>
      tpu.enqueue_dma source(%dma_start3A_281 : memref<8x128xi32, #tpu.memory_space<hbm>>) target(%arg6 : memref<8x128xi32, #tpu.memory_space<vmem>>) target_semaphore(%arg8 : memref<!tpu.dma_semaphore, #tpu.memory_space<semaphore_mem>>)
    }
    %scan3A_24 = arith.constant 9 : i32
    %add3A_25 = arith.constant 72 : i32
    %add3A_26 = arith.addi %mul3A_14, %add3A_25 : i32
    %dma_wait3A = arith.constant 0 : i32
    %dma_wait3A_27 = tpu.memref_slice %arg2[%add3A_26, %dma_wait3A] : memref<2560x128xi32, #tpu.memory_space<hbm>> -> memref<8x128xi32, #tpu.memory_space<hbm>>
    %dma_wait3A_28 = arith.constant 0 : i32
    %dma_wait3A_29 = tpu.memref_slice %arg2[%add3A_26, %dma_wait3A_28] : memref<2560x128xi32, #tpu.memory_space<hbm>> -> memref<8x128xi32, #tpu.memory_space<hbm>>
    tpu.wait_dma2 semaphore(%arg8 : memref<!tpu.dma_semaphore, #tpu.memory_space<semaphore_mem>>) src(%dma_wait3A_29 : memref<8x128xi32, #tpu.memory_space<hbm>>) dst(%arg6 : memref<8x128xi32, #tpu.memory_space<vmem>>)
    %dma_start3A_30 = arith.constant 0 : i32
    %dma_start3A_31 = arith.constant 0 : i32
    %dma_start3A_32 = tpu.memref_slice %arg6[%dma_start3A_30, %dma_start3A_31] : memref<8x128xi32, #tpu.memory_space<vmem>> -> memref<1x128xi32, #tpu.memory_space<vmem>>
    %dma_start3A_33 = tpu.memref_squeeze %dma_start3A_32 : memref<1x128xi32, #tpu.memory_space<vmem>> -> memref<128xi32, #tpu.memory_space<vmem>>
    %dma_start3A_34 = arith.constant 0 : i32
    %dma_start3A_35 = arith.constant 0 : i32
    %dma_start3A_36 = tpu.memref_slice %arg10[%dma_start3A_34, %dma_start3A_35] : memref<10240x128xf32, #tpu.memory_space<vmem_shared>> -> memref<10240x128xf32, #tpu.memory_space<vmem_shared>>
    tpu.enqueue_indirect_dma source(%arg7 : memref<128x128xf32, #tpu.memory_space<vmem>>) target(%dma_start3A_36 : memref<10240x128xf32, #tpu.memory_space<vmem_shared>>) offsets(%dma_start3A_33 : memref<128xi32, #tpu.memory_space<vmem>>) semaphore(%arg9 : memref<!tpu.dma_semaphore, #tpu.memory_space<semaphore_mem>>) {add = true}
    %dma_start3A_37 = arith.constant 1 : i32
    %dma_start3A_38 = arith.constant 0 : i32
    %dma_start3A_39 = tpu.memref_slice %arg6[%dma_start3A_37, %dma_start3A_38] : memref<8x128xi32, #tpu.memory_space<vmem>> -> memref<1x128xi32, #tpu.memory_space<vmem>>
    %dma_start3A_40 = tpu.memref_squeeze %dma_start3A_39 : memref<1x128xi32, #tpu.memory_space<vmem>> -> memref<128xi32, #tpu.memory_space<vmem>>
    %dma_start3A_41 = arith.constant 0 : i32
    %dma_start3A_42 = arith.constant 0 : i32
    %dma_start3A_43 = tpu.memref_slice %arg10[%dma_start3A_41, %dma_start3A_42] : memref<10240x128xf32, #tpu.memory_space<vmem_shared>> -> memref<10240x128xf32, #tpu.memory_space<vmem_shared>>
    tpu.enqueue_indirect_dma source(%arg7 : memref<128x128xf32, #tpu.memory_space<vmem>>) target(%dma_start3A_43 : memref<10240x128xf32, #tpu.memory_space<vmem_shared>>) offsets(%dma_start3A_40 : memref<128xi32, #tpu.memory_space<vmem>>) semaphore(%arg9 : memref<!tpu.dma_semaphore, #tpu.memory_space<semaphore_mem>>) {add = true}
    %dma_start3A_44 = arith.constant 2 : i32
    %dma_start3A_45 = arith.constant 0 : i32
    %dma_start3A_46 = tpu.memref_slice %arg6[%dma_start3A_44, %dma_start3A_45] : memref<8x128xi32, #tpu.memory_space<vmem>> -> memref<1x128xi32, #tpu.memory_space<vmem>>
    %dma_start3A_47 = tpu.memref_squeeze %dma_start3A_46 : memref<1x128xi32, #tpu.memory_space<vmem>> -> memref<128xi32, #tpu.memory_space<vmem>>
    %dma_start3A_48 = arith.constant 0 : i32
    %dma_start3A_49 = arith.constant 0 : i32
    %dma_start3A_50 = tpu.memref_slice %arg10[%dma_start3A_48, %dma_start3A_49] : memref<10240x128xf32, #tpu.memory_space<vmem_shared>> -> memref<10240x128xf32, #tpu.memory_space<vmem_shared>>
    tpu.enqueue_indirect_dma source(%arg7 : memref<128x128xf32, #tpu.memory_space<vmem>>) target(%dma_start3A_50 : memref<10240x128xf32, #tpu.memory_space<vmem_shared>>) offsets(%dma_start3A_47 : memref<128xi32, #tpu.memory_space<vmem>>) semaphore(%arg9 : memref<!tpu.dma_semaphore, #tpu.memory_space<semaphore_mem>>) {add = true}
    %dma_start3A_51 = arith.constant 3 : i32
    %dma_start3A_52 = arith.constant 0 : i32
    %dma_start3A_53 = tpu.memref_slice %arg6[%dma_start3A_51, %dma_start3A_52] : memref<8x128xi32, #tpu.memory_space<vmem>> -> memref<1x128xi32, #tpu.memory_space<vmem>>
    %dma_start3A_54 = tpu.memref_squeeze %dma_start3A_53 : memref<1x128xi32, #tpu.memory_space<vmem>> -> memref<128xi32, #tpu.memory_space<vmem>>
    %dma_start3A_55 = arith.constant 0 : i32
    %dma_start3A_56 = arith.constant 0 : i32
    %dma_start3A_57 = tpu.memref_slice %arg10[%dma_start3A_55, %dma_start3A_56] : memref<10240x128xf32, #tpu.memory_space<vmem_shared>> -> memref<10240x128xf32, #tpu.memory_space<vmem_shared>>
    tpu.enqueue_indirect_dma source(%arg7 : memref<128x128xf32, #tpu.memory_space<vmem>>) target(%dma_start3A_57 : memref<10240x128xf32, #tpu.memory_space<vmem_shared>>) offsets(%dma_start3A_54 : memref<128xi32, #tpu.memory_space<vmem>>) semaphore(%arg9 : memref<!tpu.dma_semaphore, #tpu.memory_space<semaphore_mem>>) {add = true}
    %dma_start3A_58 = arith.constant 4 : i32
    %dma_start3A_59 = arith.constant 0 : i32
    %dma_start3A_60 = tpu.memref_slice %arg6[%dma_start3A_58, %dma_start3A_59] : memref<8x128xi32, #tpu.memory_space<vmem>> -> memref<1x128xi32, #tpu.memory_space<vmem>>
    %dma_start3A_61 = tpu.memref_squeeze %dma_start3A_60 : memref<1x128xi32, #tpu.memory_space<vmem>> -> memref<128xi32, #tpu.memory_space<vmem>>
    %dma_start3A_62 = arith.constant 0 : i32
    %dma_start3A_63 = arith.constant 0 : i32
    %dma_start3A_64 = tpu.memref_slice %arg10[%dma_start3A_62, %dma_start3A_63] : memref<10240x128xf32, #tpu.memory_space<vmem_shared>> -> memref<10240x128xf32, #tpu.memory_space<vmem_shared>>
    tpu.enqueue_indirect_dma source(%arg7 : memref<128x128xf32, #tpu.memory_space<vmem>>) target(%dma_start3A_64 : memref<10240x128xf32, #tpu.memory_space<vmem_shared>>) offsets(%dma_start3A_61 : memref<128xi32, #tpu.memory_space<vmem>>) semaphore(%arg9 : memref<!tpu.dma_semaphore, #tpu.memory_space<semaphore_mem>>) {add = true}
    %dma_start3A_65 = arith.constant 5 : i32
    %dma_start3A_66 = arith.constant 0 : i32
    %dma_start3A_67 = tpu.memref_slice %arg6[%dma_start3A_65, %dma_start3A_66] : memref<8x128xi32, #tpu.memory_space<vmem>> -> memref<1x128xi32, #tpu.memory_space<vmem>>
    %dma_start3A_68 = tpu.memref_squeeze %dma_start3A_67 : memref<1x128xi32, #tpu.memory_space<vmem>> -> memref<128xi32, #tpu.memory_space<vmem>>
    %dma_start3A_69 = arith.constant 0 : i32
    %dma_start3A_70 = arith.constant 0 : i32
    %dma_start3A_71 = tpu.memref_slice %arg10[%dma_start3A_69, %dma_start3A_70] : memref<10240x128xf32, #tpu.memory_space<vmem_shared>> -> memref<10240x128xf32, #tpu.memory_space<vmem_shared>>
    tpu.enqueue_indirect_dma source(%arg7 : memref<128x128xf32, #tpu.memory_space<vmem>>) target(%dma_start3A_71 : memref<10240x128xf32, #tpu.memory_space<vmem_shared>>) offsets(%dma_start3A_68 : memref<128xi32, #tpu.memory_space<vmem>>) semaphore(%arg9 : memref<!tpu.dma_semaphore, #tpu.memory_space<semaphore_mem>>) {add = true}
    %dma_start3A_72 = arith.constant 6 : i32
    %dma_start3A_73 = arith.constant 0 : i32
    %dma_start3A_74 = tpu.memref_slice %arg6[%dma_start3A_72, %dma_start3A_73] : memref<8x128xi32, #tpu.memory_space<vmem>> -> memref<1x128xi32, #tpu.memory_space<vmem>>
    %dma_start3A_75 = tpu.memref_squeeze %dma_start3A_74 : memref<1x128xi32, #tpu.memory_space<vmem>> -> memref<128xi32, #tpu.memory_space<vmem>>
    %dma_start3A_76 = arith.constant 0 : i32
    %dma_start3A_77 = arith.constant 0 : i32
    %dma_start3A_78 = tpu.memref_slice %arg10[%dma_start3A_76, %dma_start3A_77] : memref<10240x128xf32, #tpu.memory_space<vmem_shared>> -> memref<10240x128xf32, #tpu.memory_space<vmem_shared>>
    tpu.enqueue_indirect_dma source(%arg7 : memref<128x128xf32, #tpu.memory_space<vmem>>) target(%dma_start3A_78 : memref<10240x128xf32, #tpu.memory_space<vmem_shared>>) offsets(%dma_start3A_75 : memref<128xi32, #tpu.memory_space<vmem>>) semaphore(%arg9 : memref<!tpu.dma_semaphore, #tpu.memory_space<semaphore_mem>>) {add = true}
    %dma_start3A_79 = arith.constant 7 : i32
    %dma_start3A_80 = arith.constant 0 : i32
    %dma_start3A_81 = tpu.memref_slice %arg6[%dma_start3A_79, %dma_start3A_80] : memref<8x128xi32, #tpu.memory_space<vmem>> -> memref<1x128xi32, #tpu.memory_space<vmem>>
    %dma_start3A_82 = tpu.memref_squeeze %dma_start3A_81 : memref<1x128xi32, #tpu.memory_space<vmem>> -> memref<128xi32, #tpu.memory_space<vmem>>
    %dma_start3A_83 = arith.constant 0 : i32
    %dma_start3A_84 = arith.constant 0 : i32
    %dma_start3A_85 = tpu.memref_slice %arg10[%dma_start3A_83, %dma_start3A_84] : memref<10240x128xf32, #tpu.memory_space<vmem_shared>> -> memref<10240x128xf32, #tpu.memory_space<vmem_shared>>
    tpu.enqueue_indirect_dma source(%arg7 : memref<128x128xf32, #tpu.memory_space<vmem>>) target(%dma_start3A_85 : memref<10240x128xf32, #tpu.memory_space<vmem_shared>>) offsets(%dma_start3A_82 : memref<128xi32, #tpu.memory_space<vmem>>) semaphore(%arg9 : memref<!tpu.dma_semaphore, #tpu.memory_space<semaphore_mem>>) {add = true}
    %dma_wait3A_86 = arith.constant 0 : i32
    %dma_wait3A_87 = arith.constant 0 : i32
    %dma_wait3A_88 = tpu.memref_slice %arg6[%dma_wait3A_86, %dma_wait3A_87] : memref<8x128xi32, #tpu.memory_space<vmem>> -> memref<1x128xi32, #tpu.memory_space<vmem>>
    %dma_wait3A_89 = tpu.memref_squeeze %dma_wait3A_88 : memref<1x128xi32, #tpu.memory_space<vmem>> -> memref<128xi32, #tpu.memory_space<vmem>>
    %dma_wait3A_90 = arith.constant 0 : i32
    %dma_wait3A_91 = arith.constant 0 : i32
    %dma_wait3A_92 = tpu.memref_slice %arg10[%dma_wait3A_90, %dma_wait3A_91] : memref<10240x128xf32, #tpu.memory_space<vmem_shared>> -> memref<10240x128xf32, #tpu.memory_space<vmem_shared>>
    tpu.wait_indirect_dma semaphore(%arg9 : memref<!tpu.dma_semaphore, #tpu.memory_space<semaphore_mem>>) src(%arg7 : memref<128x128xf32, #tpu.memory_space<vmem>>) dst(%dma_wait3A_92 : memref<10240x128xf32, #tpu.memory_space<vmem_shared>>)
    %dma_wait3A_93 = arith.constant 1 : i32
    %dma_wait3A_94 = arith.constant 0 : i32
    %dma_wait3A_95 = tpu.memref_slice %arg6[%dma_wait3A_93, %dma_wait3A_94] : memref<8x128xi32, #tpu.memory_space<vmem>> -> memref<1x128xi32, #tpu.memory_space<vmem>>
    %dma_wait3A_96 = tpu.memref_squeeze %dma_wait3A_95 : memref<1x128xi32, #tpu.memory_space<vmem>> -> memref<128xi32, #tpu.memory_space<vmem>>
    %dma_wait3A_97 = arith.constant 0 : i32
    %dma_wait3A_98 = arith.constant 0 : i32
    %dma_wait3A_99 = tpu.memref_slice %arg10[%dma_wait3A_97, %dma_wait3A_98] : memref<10240x128xf32, #tpu.memory_space<vmem_shared>> -> memref<10240x128xf32, #tpu.memory_space<vmem_shared>>
    tpu.wait_indirect_dma semaphore(%arg9 : memref<!tpu.dma_semaphore, #tpu.memory_space<semaphore_mem>>) src(%arg7 : memref<128x128xf32, #tpu.memory_space<vmem>>) dst(%dma_wait3A_99 : memref<10240x128xf32, #tpu.memory_space<vmem_shared>>)
    %dma_wait3A_100 = arith.constant 2 : i32
    %dma_wait3A_101 = arith.constant 0 : i32
    %dma_wait3A_102 = tpu.memref_slice %arg6[%dma_wait3A_100, %dma_wait3A_101] : memref<8x128xi32, #tpu.memory_space<vmem>> -> memref<1x128xi32, #tpu.memory_space<vmem>>
    %dma_wait3A_103 = tpu.memref_squeeze %dma_wait3A_102 : memref<1x128xi32, #tpu.memory_space<vmem>> -> memref<128xi32, #tpu.memory_space<vmem>>
    %dma_wait3A_104 = arith.constant 0 : i32
    %dma_wait3A_105 = arith.constant 0 : i32
    %dma_wait3A_106 = tpu.memref_slice %arg10[%dma_wait3A_104, %dma_wait3A_105] : memref<10240x128xf32, #tpu.memory_space<vmem_shared>> -> memref<10240x128xf32, #tpu.memory_space<vmem_shared>>
    tpu.wait_indirect_dma semaphore(%arg9 : memref<!tpu.dma_semaphore, #tpu.memory_space<semaphore_mem>>) src(%arg7 : memref<128x128xf32, #tpu.memory_space<vmem>>) dst(%dma_wait3A_106 : memref<10240x128xf32, #tpu.memory_space<vmem_shared>>)
    %dma_wait3A_107 = arith.constant 3 : i32
    %dma_wait3A_108 = arith.constant 0 : i32
    %dma_wait3A_109 = tpu.memref_slice %arg6[%dma_wait3A_107, %dma_wait3A_108] : memref<8x128xi32, #tpu.memory_space<vmem>> -> memref<1x128xi32, #tpu.memory_space<vmem>>
    %dma_wait3A_110 = tpu.memref_squeeze %dma_wait3A_109 : memref<1x128xi32, #tpu.memory_space<vmem>> -> memref<128xi32, #tpu.memory_space<vmem>>
    %dma_wait3A_111 = arith.constant 0 : i32
    %dma_wait3A_112 = arith.constant 0 : i32
    %dma_wait3A_113 = tpu.memref_slice %arg10[%dma_wait3A_111, %dma_wait3A_112] : memref<10240x128xf32, #tpu.memory_space<vmem_shared>> -> memref<10240x128xf32, #tpu.memory_space<vmem_shared>>
    tpu.wait_indirect_dma semaphore(%arg9 : memref<!tpu.dma_semaphore, #tpu.memory_space<semaphore_mem>>) src(%arg7 : memref<128x128xf32, #tpu.memory_space<vmem>>) dst(%dma_wait3A_113 : memref<10240x128xf32, #tpu.memory_space<vmem_shared>>)
    %dma_wait3A_114 = arith.constant 4 : i32
    %dma_wait3A_115 = arith.constant 0 : i32
    %dma_wait3A_116 = tpu.memref_slice %arg6[%dma_wait3A_114, %dma_wait3A_115] : memref<8x128xi32, #tpu.memory_space<vmem>> -> memref<1x128xi32, #tpu.memory_space<vmem>>
    %dma_wait3A_117 = tpu.memref_squeeze %dma_wait3A_116 : memref<1x128xi32, #tpu.memory_space<vmem>> -> memref<128xi32, #tpu.memory_space<vmem>>
    %dma_wait3A_118 = arith.constant 0 : i32
    %dma_wait3A_119 = arith.constant 0 : i32
    %dma_wait3A_120 = tpu.memref_slice %arg10[%dma_wait3A_118, %dma_wait3A_119] : memref<10240x128xf32, #tpu.memory_space<vmem_shared>> -> memref<10240x128xf32, #tpu.memory_space<vmem_shared>>
    tpu.wait_indirect_dma semaphore(%arg9 : memref<!tpu.dma_semaphore, #tpu.memory_space<semaphore_mem>>) src(%arg7 : memref<128x128xf32, #tpu.memory_space<vmem>>) dst(%dma_wait3A_120 : memref<10240x128xf32, #tpu.memory_space<vmem_shared>>)
    %dma_wait3A_121 = arith.constant 5 : i32
    %dma_wait3A_122 = arith.constant 0 : i32
    %dma_wait3A_123 = tpu.memref_slice %arg6[%dma_wait3A_121, %dma_wait3A_122] : memref<8x128xi32, #tpu.memory_space<vmem>> -> memref<1x128xi32, #tpu.memory_space<vmem>>
    %dma_wait3A_124 = tpu.memref_squeeze %dma_wait3A_123 : memref<1x128xi32, #tpu.memory_space<vmem>> -> memref<128xi32, #tpu.memory_space<vmem>>
    %dma_wait3A_125 = arith.constant 0 : i32
    %dma_wait3A_126 = arith.constant 0 : i32
    %dma_wait3A_127 = tpu.memref_slice %arg10[%dma_wait3A_125, %dma_wait3A_126] : memref<10240x128xf32, #tpu.memory_space<vmem_shared>> -> memref<10240x128xf32, #tpu.memory_space<vmem_shared>>
    tpu.wait_indirect_dma semaphore(%arg9 : memref<!tpu.dma_semaphore, #tpu.memory_space<semaphore_mem>>) src(%arg7 : memref<128x128xf32, #tpu.memory_space<vmem>>) dst(%dma_wait3A_127 : memref<10240x128xf32, #tpu.memory_space<vmem_shared>>)
    %dma_wait3A_128 = arith.constant 6 : i32
    %dma_wait3A_129 = arith.constant 0 : i32
    %dma_wait3A_130 = tpu.memref_slice %arg6[%dma_wait3A_128, %dma_wait3A_129] : memref<8x128xi32, #tpu.memory_space<vmem>> -> memref<1x128xi32, #tpu.memory_space<vmem>>
    %dma_wait3A_131 = tpu.memref_squeeze %dma_wait3A_130 : memref<1x128xi32, #tpu.memory_space<vmem>> -> memref<128xi32, #tpu.memory_space<vmem>>
    %dma_wait3A_132 = arith.constant 0 : i32
    %dma_wait3A_133 = arith.constant 0 : i32
    %dma_wait3A_134 = tpu.memref_slice %arg10[%dma_wait3A_132, %dma_wait3A_133] : memref<10240x128xf32, #tpu.memory_space<vmem_shared>> -> memref<10240x128xf32, #tpu.memory_space<vmem_shared>>
    tpu.wait_indirect_dma semaphore(%arg9 : memref<!tpu.dma_semaphore, #tpu.memory_space<semaphore_mem>>) src(%arg7 : memref<128x128xf32, #tpu.memory_space<vmem>>) dst(%dma_wait3A_134 : memref<10240x128xf32, #tpu.memory_space<vmem_shared>>)
    %dma_wait3A_135 = arith.constant 7 : i32
    %dma_wait3A_136 = arith.constant 0 : i32
    %dma_wait3A_137 = tpu.memref_slice %arg6[%dma_wait3A_135, %dma_wait3A_136] : memref<8x128xi32, #tpu.memory_space<vmem>> -> memref<1x128xi32, #tpu.memory_space<vmem>>
    %dma_wait3A_138 = tpu.memref_squeeze %dma_wait3A_137 : memref<1x128xi32, #tpu.memory_space<vmem>> -> memref<128xi32, #tpu.memory_space<vmem>>
    %dma_wait3A_139 = arith.constant 0 : i32
    %dma_wait3A_140 = arith.constant 0 : i32
    %dma_wait3A_141 = tpu.memref_slice %arg10[%dma_wait3A_139, %dma_wait3A_140] : memref<10240x128xf32, #tpu.memory_space<vmem_shared>> -> memref<10240x128xf32, #tpu.memory_space<vmem_shared>>
    tpu.wait_indirect_dma semaphore(%arg9 : memref<!tpu.dma_semaphore, #tpu.memory_space<semaphore_mem>>) src(%arg7 : memref<128x128xf32, #tpu.memory_space<vmem>>) dst(%dma_wait3A_141 : memref<10240x128xf32, #tpu.memory_space<vmem_shared>>)
    %barrier3A_142 = arith.constant 0 : index
    tpu.barrier barrier_id(%barrier3A_142)
    %add3A_143 = arith.constant 0 : i32
    %add3A_144 = arith.addi %mul3A_2, %add3A_143 : i32
    "tpu.region"() ({
      %run_scoped3A = tpu.sem_alloc : memref<!tpu.dma_semaphore, #tpu.memory_space<semaphore_mem>>
      %dma_start3A_153 = arith.constant 0 : i32
      %dma_start3A_154 = tpu.memref_slice %arg10[%add3A_144, %dma_start3A_153] : memref<10240x128xf32, #tpu.memory_space<vmem_shared>> -> memref<128x128xf32, #tpu.memory_space<vmem_shared>>
      %dma_start3A_155 = arith.constant 0 : i32
      %dma_start3A_156 = tpu.memref_slice %arg10[%add3A_144, %dma_start3A_155] : memref<10240x128xf32, #tpu.memory_space<vmem_shared>> -> memref<128x128xf32, #tpu.memory_space<vmem_shared>>
      tpu.enqueue_dma source(%dma_start3A_156 : memref<128x128xf32, #tpu.memory_space<vmem_shared>>) target(%arg7 : memref<128x128xf32, #tpu.memory_space<vmem>>) target_semaphore(%run_scoped3A : memref<!tpu.dma_semaphore, #tpu.memory_space<semaphore_mem>>)
      %dma_wait3A_157 = arith.constant 0 : i32
      %dma_wait3A_158 = tpu.memref_slice %arg10[%add3A_144, %dma_wait3A_157] : memref<10240x128xf32, #tpu.memory_space<vmem_shared>> -> memref<128x128xf32, #tpu.memory_space<vmem_shared>>
      %dma_wait3A_159 = arith.constant 0 : i32
      %dma_wait3A_160 = tpu.memref_slice %arg10[%add3A_144, %dma_wait3A_159] : memref<10240x128xf32, #tpu.memory_space<vmem_shared>> -> memref<128x128xf32, #tpu.memory_space<vmem_shared>>
      tpu.wait_dma2 semaphore(%run_scoped3A : memref<!tpu.dma_semaphore, #tpu.memory_space<semaphore_mem>>) src(%dma_wait3A_160 : memref<128x128xf32, #tpu.memory_space<vmem_shared>>) dst(%arg7 : memref<128x128xf32, #tpu.memory_space<vmem>>)
      tpu.yield
    }) : () -> ()
    "tpu.region"() ({
      %run_scoped3A = tpu.sem_alloc : memref<!tpu.dma_semaphore, #tpu.memory_space<semaphore_mem>>
      %dma_start3A_153 = arith.constant 0 : i32
      %dma_start3A_154 = tpu.memref_slice %arg5[%arg0, %add3A_144, %dma_start3A_153] : memref<2x10240x128xf32, #tpu.memory_space<hbm>> -> memref<1x128x128xf32, #tpu.memory_space<hbm>>
      %dma_start3A_155 = tpu.memref_squeeze %dma_start3A_154 : memref<1x128x128xf32, #tpu.memory_space<hbm>> -> memref<128x128xf32, #tpu.memory_space<hbm>>
      %dma_start3A_156 = arith.constant 0 : i32
      %dma_start3A_157 = tpu.memref_slice %arg5[%arg0, %add3A_144, %dma_start3A_156] : memref<2x10240x128xf32, #tpu.memory_space<hbm>> -> memref<1x128x128xf32, #tpu.memory_space<hbm>>
      %dma_start3A_158 = tpu.memref_squeeze %dma_start3A_157 : memref<1x128x128xf32, #tpu.memory_space<hbm>> -> memref<128x128xf32, #tpu.memory_space<hbm>>
      tpu.enqueue_dma source(%arg7 : memref<128x128xf32, #tpu.memory_space<vmem>>) target(%dma_start3A_158 : memref<128x128xf32, #tpu.memory_space<hbm>>) target_semaphore(%run_scoped3A : memref<!tpu.dma_semaphore, #tpu.memory_space<semaphore_mem>>)
      %dma_wait3A_159 = arith.constant 0 : i32
      %dma_wait3A_160 = tpu.memref_slice %arg5[%arg0, %add3A_144, %dma_wait3A_159] : memref<2x10240x128xf32, #tpu.memory_space<hbm>> -> memref<1x128x128xf32, #tpu.memory_space<hbm>>
      %dma_wait3A_161 = tpu.memref_squeeze %dma_wait3A_160 : memref<1x128x128xf32, #tpu.memory_space<hbm>> -> memref<128x128xf32, #tpu.memory_space<hbm>>
      %dma_wait3A_162 = arith.constant 0 : i32
      %dma_wait3A_163 = tpu.memref_slice %arg5[%arg0, %add3A_144, %dma_wait3A_162] : memref<2x10240x128xf32, #tpu.memory_space<hbm>> -> memref<1x128x128xf32, #tpu.memory_space<hbm>>
      %dma_wait3A_164 = tpu.memref_squeeze %dma_wait3A_163 : memref<1x128x128xf32, #tpu.memory_space<hbm>> -> memref<128x128xf32, #tpu.memory_space<hbm>>
      tpu.wait_dma2 semaphore(%run_scoped3A : memref<!tpu.dma_semaphore, #tpu.memory_space<semaphore_mem>>) src(%arg7 : memref<128x128xf32, #tpu.memory_space<vmem>>) dst(%dma_wait3A_164 : memref<128x128xf32, #tpu.memory_space<hbm>>)
      tpu.yield
    }) : () -> ()
    %add3A_145 = arith.constant 128 : i32
    %add3A_146 = arith.addi %mul3A_2, %add3A_145 : i32
    "tpu.region"() ({
      %run_scoped3A = tpu.sem_alloc : memref<!tpu.dma_semaphore, #tpu.memory_space<semaphore_mem>>
      %dma_start3A_153 = arith.constant 0 : i32
      %dma_start3A_154 = tpu.memref_slice %arg10[%add3A_146, %dma_start3A_153] : memref<10240x128xf32, #tpu.memory_space<vmem_shared>> -> memref<128x128xf32, #tpu.memory_space<vmem_shared>>
      %dma_start3A_155 = arith.constant 0 : i32
      %dma_start3A_156 = tpu.memref_slice %arg10[%add3A_146, %dma_start3A_155] : memref<10240x128xf32, #tpu.memory_space<vmem_shared>> -> memref<128x128xf32, #tpu.memory_space<vmem_shared>>
      tpu.enqueue_dma source(%dma_start3A_156 : memref<128x128xf32, #tpu.memory_space<vmem_shared>>) target(%arg7 : memref<128x128xf32, #tpu.memory_space<vmem>>) target_semaphore(%run_scoped3A : memref<!tpu.dma_semaphore, #tpu.memory_space<semaphore_mem>>)
      %dma_wait3A_157 = arith.constant 0 : i32
      %dma_wait3A_158 = tpu.memref_slice %arg10[%add3A_146, %dma_wait3A_157] : memref<10240x128xf32, #tpu.memory_space<vmem_shared>> -> memref<128x128xf32, #tpu.memory_space<vmem_shared>>
      %dma_wait3A_159 = arith.constant 0 : i32
      %dma_wait3A_160 = tpu.memref_slice %arg10[%add3A_146, %dma_wait3A_159] : memref<10240x128xf32, #tpu.memory_space<vmem_shared>> -> memref<128x128xf32, #tpu.memory_space<vmem_shared>>
      tpu.wait_dma2 semaphore(%run_scoped3A : memref<!tpu.dma_semaphore, #tpu.memory_space<semaphore_mem>>) src(%dma_wait3A_160 : memref<128x128xf32, #tpu.memory_space<vmem_shared>>) dst(%arg7 : memref<128x128xf32, #tpu.memory_space<vmem>>)
      tpu.yield
    }) : () -> ()
    "tpu.region"() ({
      %run_scoped3A = tpu.sem_alloc : memref<!tpu.dma_semaphore, #tpu.memory_space<semaphore_mem>>
      %dma_start3A_153 = arith.constant 0 : i32
      %dma_start3A_154 = tpu.memref_slice %arg5[%arg0, %add3A_146, %dma_start3A_153] : memref<2x10240x128xf32, #tpu.memory_space<hbm>> -> memref<1x128x128xf32, #tpu.memory_space<hbm>>
      %dma_start3A_155 = tpu.memref_squeeze %dma_start3A_154 : memref<1x128x128xf32, #tpu.memory_space<hbm>> -> memref<128x128xf32, #tpu.memory_space<hbm>>
      %dma_start3A_156 = arith.constant 0 : i32
      %dma_start3A_157 = tpu.memref_slice %arg5[%arg0, %add3A_146, %dma_start3A_156] : memref<2x10240x128xf32, #tpu.memory_space<hbm>> -> memref<1x128x128xf32, #tpu.memory_space<hbm>>
      %dma_start3A_158 = tpu.memref_squeeze %dma_start3A_157 : memref<1x128x128xf32, #tpu.memory_space<hbm>> -> memref<128x128xf32, #tpu.memory_space<hbm>>
      tpu.enqueue_dma source(%arg7 : memref<128x128xf32, #tpu.memory_space<vmem>>) target(%dma_start3A_158 : memref<128x128xf32, #tpu.memory_space<hbm>>) target_semaphore(%run_scoped3A : memref<!tpu.dma_semaphore, #tpu.memory_space<semaphore_mem>>)
      %dma_wait3A_159 = arith.constant 0 : i32
      %dma_wait3A_160 = tpu.memref_slice %arg5[%arg0, %add3A_146, %dma_wait3A_159] : memref<2x10240x128xf32, #tpu.memory_space<hbm>> -> memref<1x128x128xf32, #tpu.memory_space<hbm>>
      %dma_wait3A_161 = tpu.memref_squeeze %dma_wait3A_160 : memref<1x128x128xf32, #tpu.memory_space<hbm>> -> memref<128x128xf32, #tpu.memory_space<hbm>>
      %dma_wait3A_162 = arith.constant 0 : i32
      %dma_wait3A_163 = tpu.memref_slice %arg5[%arg0, %add3A_146, %dma_wait3A_162] : memref<2x10240x128xf32, #tpu.memory_space<hbm>> -> memref<1x128x128xf32, #tpu.memory_space<hbm>>
      %dma_wait3A_164 = tpu.memref_squeeze %dma_wait3A_163 : memref<1x128x128xf32, #tpu.memory_space<hbm>> -> memref<128x128xf32, #tpu.memory_space<hbm>>
      tpu.wait_dma2 semaphore(%run_scoped3A : memref<!tpu.dma_semaphore, #tpu.memory_space<semaphore_mem>>) src(%arg7 : memref<128x128xf32, #tpu.memory_space<vmem>>) dst(%dma_wait3A_164 : memref<128x128xf32, #tpu.memory_space<hbm>>)
      tpu.yield
    }) : () -> ()
    %add3A_147 = arith.constant 256 : i32
    %add3A_148 = arith.addi %mul3A_2, %add3A_147 : i32
    "tpu.region"() ({
      %run_scoped3A = tpu.sem_alloc : memref<!tpu.dma_semaphore, #tpu.memory_space<semaphore_mem>>
      %dma_start3A_153 = arith.constant 0 : i32
      %dma_start3A_154 = tpu.memref_slice %arg10[%add3A_148, %dma_start3A_153] : memref<10240x128xf32, #tpu.memory_space<vmem_shared>> -> memref<128x128xf32, #tpu.memory_space<vmem_shared>>
      %dma_start3A_155 = arith.constant 0 : i32
      %dma_start3A_156 = tpu.memref_slice %arg10[%add3A_148, %dma_start3A_155] : memref<10240x128xf32, #tpu.memory_space<vmem_shared>> -> memref<128x128xf32, #tpu.memory_space<vmem_shared>>
      tpu.enqueue_dma source(%dma_start3A_156 : memref<128x128xf32, #tpu.memory_space<vmem_shared>>) target(%arg7 : memref<128x128xf32, #tpu.memory_space<vmem>>) target_semaphore(%run_scoped3A : memref<!tpu.dma_semaphore, #tpu.memory_space<semaphore_mem>>)
      %dma_wait3A_157 = arith.constant 0 : i32
      %dma_wait3A_158 = tpu.memref_slice %arg10[%add3A_148, %dma_wait3A_157] : memref<10240x128xf32, #tpu.memory_space<vmem_shared>> -> memref<128x128xf32, #tpu.memory_space<vmem_shared>>
      %dma_wait3A_159 = arith.constant 0 : i32
      %dma_wait3A_160 = tpu.memref_slice %arg10[%add3A_148, %dma_wait3A_159] : memref<10240x128xf32, #tpu.memory_space<vmem_shared>> -> memref<128x128xf32, #tpu.memory_space<vmem_shared>>
      tpu.wait_dma2 semaphore(%run_scoped3A : memref<!tpu.dma_semaphore, #tpu.memory_space<semaphore_mem>>) src(%dma_wait3A_160 : memref<128x128xf32, #tpu.memory_space<vmem_shared>>) dst(%arg7 : memref<128x128xf32, #tpu.memory_space<vmem>>)
      tpu.yield
    }) : () -> ()
    "tpu.region"() ({
      %run_scoped3A = tpu.sem_alloc : memref<!tpu.dma_semaphore, #tpu.memory_space<semaphore_mem>>
      %dma_start3A_153 = arith.constant 0 : i32
      %dma_start3A_154 = tpu.memref_slice %arg5[%arg0, %add3A_148, %dma_start3A_153] : memref<2x10240x128xf32, #tpu.memory_space<hbm>> -> memref<1x128x128xf32, #tpu.memory_space<hbm>>
      %dma_start3A_155 = tpu.memref_squeeze %dma_start3A_154 : memref<1x128x128xf32, #tpu.memory_space<hbm>> -> memref<128x128xf32, #tpu.memory_space<hbm>>
      %dma_start3A_156 = arith.constant 0 : i32
      %dma_start3A_157 = tpu.memref_slice %arg5[%arg0, %add3A_148, %dma_start3A_156] : memref<2x10240x128xf32, #tpu.memory_space<hbm>> -> memref<1x128x128xf32, #tpu.memory_space<hbm>>
      %dma_start3A_158 = tpu.memref_squeeze %dma_start3A_157 : memref<1x128x128xf32, #tpu.memory_space<hbm>> -> memref<128x128xf32, #tpu.memory_space<hbm>>
      tpu.enqueue_dma source(%arg7 : memref<128x128xf32, #tpu.memory_space<vmem>>) target(%dma_start3A_158 : memref<128x128xf32, #tpu.memory_space<hbm>>) target_semaphore(%run_scoped3A : memref<!tpu.dma_semaphore, #tpu.memory_space<semaphore_mem>>)
      %dma_wait3A_159 = arith.constant 0 : i32
      %dma_wait3A_160 = tpu.memref_slice %arg5[%arg0, %add3A_148, %dma_wait3A_159] : memref<2x10240x128xf32, #tpu.memory_space<hbm>> -> memref<1x128x128xf32, #tpu.memory_space<hbm>>
      %dma_wait3A_161 = tpu.memref_squeeze %dma_wait3A_160 : memref<1x128x128xf32, #tpu.memory_space<hbm>> -> memref<128x128xf32, #tpu.memory_space<hbm>>
      %dma_wait3A_162 = arith.constant 0 : i32
      %dma_wait3A_163 = tpu.memref_slice %arg5[%arg0, %add3A_148, %dma_wait3A_162] : memref<2x10240x128xf32, #tpu.memory_space<hbm>> -> memref<1x128x128xf32, #tpu.memory_space<hbm>>
      %dma_wait3A_164 = tpu.memref_squeeze %dma_wait3A_163 : memref<1x128x128xf32, #tpu.memory_space<hbm>> -> memref<128x128xf32, #tpu.memory_space<hbm>>
      tpu.wait_dma2 semaphore(%run_scoped3A : memref<!tpu.dma_semaphore, #tpu.memory_space<semaphore_mem>>) src(%arg7 : memref<128x128xf32, #tpu.memory_space<vmem>>) dst(%dma_wait3A_164 : memref<128x128xf32, #tpu.memory_space<hbm>>)
      tpu.yield
    }) : () -> ()
    %add3A_149 = arith.constant 384 : i32
    %add3A_150 = arith.addi %mul3A_2, %add3A_149 : i32
    "tpu.region"() ({
      %run_scoped3A = tpu.sem_alloc : memref<!tpu.dma_semaphore, #tpu.memory_space<semaphore_mem>>
      %dma_start3A_153 = arith.constant 0 : i32
      %dma_start3A_154 = tpu.memref_slice %arg10[%add3A_150, %dma_start3A_153] : memref<10240x128xf32, #tpu.memory_space<vmem_shared>> -> memref<128x128xf32, #tpu.memory_space<vmem_shared>>
      %dma_start3A_155 = arith.constant 0 : i32
      %dma_start3A_156 = tpu.memref_slice %arg10[%add3A_150, %dma_start3A_155] : memref<10240x128xf32, #tpu.memory_space<vmem_shared>> -> memref<128x128xf32, #tpu.memory_space<vmem_shared>>
      tpu.enqueue_dma source(%dma_start3A_156 : memref<128x128xf32, #tpu.memory_space<vmem_shared>>) target(%arg7 : memref<128x128xf32, #tpu.memory_space<vmem>>) target_semaphore(%run_scoped3A : memref<!tpu.dma_semaphore, #tpu.memory_space<semaphore_mem>>)
      %dma_wait3A_157 = arith.constant 0 : i32
      %dma_wait3A_158 = tpu.memref_slice %arg10[%add3A_150, %dma_wait3A_157] : memref<10240x128xf32, #tpu.memory_space<vmem_shared>> -> memref<128x128xf32, #tpu.memory_space<vmem_shared>>
      %dma_wait3A_159 = arith.constant 0 : i32
      %dma_wait3A_160 = tpu.memref_slice %arg10[%add3A_150, %dma_wait3A_159] : memref<10240x128xf32, #tpu.memory_space<vmem_shared>> -> memref<128x128xf32, #tpu.memory_space<vmem_shared>>
      tpu.wait_dma2 semaphore(%run_scoped3A : memref<!tpu.dma_semaphore, #tpu.memory_space<semaphore_mem>>) src(%dma_wait3A_160 : memref<128x128xf32, #tpu.memory_space<vmem_shared>>) dst(%arg7 : memref<128x128xf32, #tpu.memory_space<vmem>>)
      tpu.yield
    }) : () -> ()
    "tpu.region"() ({
      %run_scoped3A = tpu.sem_alloc : memref<!tpu.dma_semaphore, #tpu.memory_space<semaphore_mem>>
      %dma_start3A_153 = arith.constant 0 : i32
      %dma_start3A_154 = tpu.memref_slice %arg5[%arg0, %add3A_150, %dma_start3A_153] : memref<2x10240x128xf32, #tpu.memory_space<hbm>> -> memref<1x128x128xf32, #tpu.memory_space<hbm>>
      %dma_start3A_155 = tpu.memref_squeeze %dma_start3A_154 : memref<1x128x128xf32, #tpu.memory_space<hbm>> -> memref<128x128xf32, #tpu.memory_space<hbm>>
      %dma_start3A_156 = arith.constant 0 : i32
      %dma_start3A_157 = tpu.memref_slice %arg5[%arg0, %add3A_150, %dma_start3A_156] : memref<2x10240x128xf32, #tpu.memory_space<hbm>> -> memref<1x128x128xf32, #tpu.memory_space<hbm>>
      %dma_start3A_158 = tpu.memref_squeeze %dma_start3A_157 : memref<1x128x128xf32, #tpu.memory_space<hbm>> -> memref<128x128xf32, #tpu.memory_space<hbm>>
      tpu.enqueue_dma source(%arg7 : memref<128x128xf32, #tpu.memory_space<vmem>>) target(%dma_start3A_158 : memref<128x128xf32, #tpu.memory_space<hbm>>) target_semaphore(%run_scoped3A : memref<!tpu.dma_semaphore, #tpu.memory_space<semaphore_mem>>)
      %dma_wait3A_159 = arith.constant 0 : i32
      %dma_wait3A_160 = tpu.memref_slice %arg5[%arg0, %add3A_150, %dma_wait3A_159] : memref<2x10240x128xf32, #tpu.memory_space<hbm>> -> memref<1x128x128xf32, #tpu.memory_space<hbm>>
      %dma_wait3A_161 = tpu.memref_squeeze %dma_wait3A_160 : memref<1x128x128xf32, #tpu.memory_space<hbm>> -> memref<128x128xf32, #tpu.memory_space<hbm>>
      %dma_wait3A_162 = arith.constant 0 : i32
      %dma_wait3A_163 = tpu.memref_slice %arg5[%arg0, %add3A_150, %dma_wait3A_162] : memref<2x10240x128xf32, #tpu.memory_space<hbm>> -> memref<1x128x128xf32, #tpu.memory_space<hbm>>
      %dma_wait3A_164 = tpu.memref_squeeze %dma_wait3A_163 : memref<1x128x128xf32, #tpu.memory_space<hbm>> -> memref<128x128xf32, #tpu.memory_space<hbm>>
      tpu.wait_dma2 semaphore(%run_scoped3A : memref<!tpu.dma_semaphore, #tpu.memory_space<semaphore_mem>>) src(%arg7 : memref<128x128xf32, #tpu.memory_space<vmem>>) dst(%dma_wait3A_164 : memref<128x128xf32, #tpu.memory_space<hbm>>)
      tpu.yield
    }) : () -> ()
    %add3A_151 = arith.constant 512 : i32
    %add3A_152 = arith.addi %mul3A_2, %add3A_151 : i32
    "tpu.region"() ({
      %run_scoped3A = tpu.sem_alloc : memref<!tpu.dma_semaphore, #tpu.memory_space<semaphore_mem>>
      %dma_start3A_153 = arith.constant 0 : i32
      %dma_start3A_154 = tpu.memref_slice %arg10[%add3A_152, %dma_start3A_153] : memref<10240x128xf32, #tpu.memory_space<vmem_shared>> -> memref<128x128xf32, #tpu.memory_space<vmem_shared>>
      %dma_start3A_155 = arith.constant 0 : i32
      %dma_start3A_156 = tpu.memref_slice %arg10[%add3A_152, %dma_start3A_155] : memref<10240x128xf32, #tpu.memory_space<vmem_shared>> -> memref<128x128xf32, #tpu.memory_space<vmem_shared>>
      tpu.enqueue_dma source(%dma_start3A_156 : memref<128x128xf32, #tpu.memory_space<vmem_shared>>) target(%arg7 : memref<128x128xf32, #tpu.memory_space<vmem>>) target_semaphore(%run_scoped3A : memref<!tpu.dma_semaphore, #tpu.memory_space<semaphore_mem>>)
      %dma_wait3A_157 = arith.constant 0 : i32
      %dma_wait3A_158 = tpu.memref_slice %arg10[%add3A_152, %dma_wait3A_157] : memref<10240x128xf32, #tpu.memory_space<vmem_shared>> -> memref<128x128xf32, #tpu.memory_space<vmem_shared>>
      %dma_wait3A_159 = arith.constant 0 : i32
      %dma_wait3A_160 = tpu.memref_slice %arg10[%add3A_152, %dma_wait3A_159] : memref<10240x128xf32, #tpu.memory_space<vmem_shared>> -> memref<128x128xf32, #tpu.memory_space<vmem_shared>>
      tpu.wait_dma2 semaphore(%run_scoped3A : memref<!tpu.dma_semaphore, #tpu.memory_space<semaphore_mem>>) src(%dma_wait3A_160 : memref<128x128xf32, #tpu.memory_space<vmem_shared>>) dst(%arg7 : memref<128x128xf32, #tpu.memory_space<vmem>>)
      tpu.yield
    }) : () -> ()
    "tpu.region"() ({
      %run_scoped3A = tpu.sem_alloc : memref<!tpu.dma_semaphore, #tpu.memory_space<semaphore_mem>>
      %dma_start3A_153 = arith.constant 0 : i32
      %dma_start3A_154 = tpu.memref_slice %arg5[%arg0, %add3A_152, %dma_start3A_153] : memref<2x10240x128xf32, #tpu.memory_space<hbm>> -> memref<1x128x128xf32, #tpu.memory_space<hbm>>
      %dma_start3A_155 = tpu.memref_squeeze %dma_start3A_154 : memref<1x128x128xf32, #tpu.memory_space<hbm>> -> memref<128x128xf32, #tpu.memory_space<hbm>>
      %dma_start3A_156 = arith.constant 0 : i32
      %dma_start3A_157 = tpu.memref_slice %arg5[%arg0, %add3A_152, %dma_start3A_156] : memref<2x10240x128xf32, #tpu.memory_space<hbm>> -> memref<1x128x128xf32, #tpu.memory_space<hbm>>
      %dma_start3A_158 = tpu.memref_squeeze %dma_start3A_157 : memref<1x128x128xf32, #tpu.memory_space<hbm>> -> memref<128x128xf32, #tpu.memory_space<hbm>>
      tpu.enqueue_dma source(%arg7 : memref<128x128xf32, #tpu.memory_space<vmem>>) target(%dma_start3A_158 : memref<128x128xf32, #tpu.memory_space<hbm>>) target_semaphore(%run_scoped3A : memref<!tpu.dma_semaphore, #tpu.memory_space<semaphore_mem>>)
      %dma_wait3A_159 = arith.constant 0 : i32
      %dma_wait3A_160 = tpu.memref_slice %arg5[%arg0, %add3A_152, %dma_wait3A_159] : memref<2x10240x128xf32, #tpu.memory_space<hbm>> -> memref<1x128x128xf32, #tpu.memory_space<hbm>>
      %dma_wait3A_161 = tpu.memref_squeeze %dma_wait3A_160 : memref<1x128x128xf32, #tpu.memory_space<hbm>> -> memref<128x128xf32, #tpu.memory_space<hbm>>
      %dma_wait3A_162 = arith.constant 0 : i32
      %dma_wait3A_163 = tpu.memref_slice %arg5[%arg0, %add3A_152, %dma_wait3A_162] : memref<2x10240x128xf32, #tpu.memory_space<hbm>> -> memref<1x128x128xf32, #tpu.memory_space<hbm>>
      %dma_wait3A_164 = tpu.memref_squeeze %dma_wait3A_163 : memref<1x128x128xf32, #tpu.memory_space<hbm>> -> memref<128x128xf32, #tpu.memory_space<hbm>>
      tpu.wait_dma2 semaphore(%run_scoped3A : memref<!tpu.dma_semaphore, #tpu.memory_space<semaphore_mem>>) src(%arg7 : memref<128x128xf32, #tpu.memory_space<vmem>>) dst(%dma_wait3A_164 : memref<128x128xf32, #tpu.memory_space<hbm>>)
      tpu.yield
    }) : () -> ()
    return
  }
}

#map = affine_map<(d0, d1) -> (0, 0)>
#map1 = affine_map<(d0, d1) -> (0, 0, 0)>
module attributes {stable_mosaic.version = 14 : i64} {
  func.func @body(%arg0: i32, %arg1: i32, %arg2: memref<10000x128xf32, #tpu.memory_space<hbm>>, %arg3: memref<2560x128xi32, #tpu.memory_space<hbm>>, %arg4: memref<2560x128xi32, #tpu.memory_space<hbm>>, %arg5: memref<128x128xf32, #tpu.memory_space<hbm>>, %arg6: memref<2x10240x128xf32, #tpu.memory_space<hbm>>, %arg7: memref<8x128xi32, #tpu.memory_space<vmem>>, %arg8: memref<8x128xi32, #tpu.memory_space<vmem>>, %arg9: memref<128x128xf32, #tpu.memory_space<vmem>>, %arg10: memref<128x128xf32, #tpu.memory_space<vmem>>, %arg11: memref<!tpu.dma_semaphore, #tpu.memory_space<semaphore_mem>>, %arg12: memref<!tpu.dma_semaphore, #tpu.memory_space<semaphore_mem>>, %arg13: memref<!tpu.dma_semaphore, #tpu.memory_space<semaphore_mem>>, %arg14: memref<!tpu.dma_semaphore, #tpu.memory_space<semaphore_mem>>, %arg15: memref<!tpu.dma_semaphore, #tpu.memory_space<semaphore_mem>>, %arg16: memref<!tpu.dma_semaphore, #tpu.memory_space<semaphore_mem>>, %arg17: memref<10240x128xf32, #tpu.memory_space<vmem_shared>>) attributes {dimension_semantics = [#tpu.dimension_semantics<core_parallel>, #tpu.dimension_semantics<subcore_parallel>], iteration_bounds = array<i64: 2, 16>, scalar_prefetch = 0 : i64, scratch_operands = 11 : i64, tpu.core_type = #tpu.core_type<sc_vector_subcore>, window_params = [{transform_indices = #map}, {transform_indices = #map}, {transform_indices = #map}, {transform_indices = #map}, {transform_indices = #map1}]} {
    %mul3A = arith.constant 2 : i32
    %mul3A_0 = arith.muli %arg1, %mul3A : i32
    %add3A = arith.addi %mul3A_0, %arg0 : i32
    %mul3A_1 = arith.constant 640 : i32
    %mul3A_2 = arith.muli %arg1, %mul3A_1 : i32
    "tpu.region"() ({
      %run_scoped3A = tpu.sem_alloc : memref<!tpu.dma_semaphore, #tpu.memory_space<semaphore_mem>>
      tpu.enqueue_dma source(%arg5 : memref<128x128xf32, #tpu.memory_space<hbm>>) target(%arg9 : memref<128x128xf32, #tpu.memory_space<vmem>>) target_semaphore(%run_scoped3A : memref<!tpu.dma_semaphore, #tpu.memory_space<semaphore_mem>>)
      tpu.wait_dma2 semaphore(%run_scoped3A : memref<!tpu.dma_semaphore, #tpu.memory_space<semaphore_mem>>) src(%arg5 : memref<128x128xf32, #tpu.memory_space<hbm>>) dst(%arg9 : memref<128x128xf32, #tpu.memory_space<vmem>>)
      tpu.yield
    }) : () -> ()
    %add3A_3 = arith.constant 0 : i32
    %add3A_4 = arith.addi %mul3A_2, %add3A_3 : i32
    "tpu.region"() ({
      %run_scoped3A = tpu.sem_alloc : memref<!tpu.dma_semaphore, #tpu.memory_space<semaphore_mem>>
      %dma_start3A_273 = arith.constant 0 : i32
      %dma_start3A_274 = tpu.memref_slice %arg17[%add3A_4, %dma_start3A_273] : memref<10240x128xf32, #tpu.memory_space<vmem_shared>> -> memref<128x128xf32, #tpu.memory_space<vmem_shared>>
      %dma_start3A_275 = arith.constant 0 : i32
      %dma_start3A_276 = tpu.memref_slice %arg17[%add3A_4, %dma_start3A_275] : memref<10240x128xf32, #tpu.memory_space<vmem_shared>> -> memref<128x128xf32, #tpu.memory_space<vmem_shared>>
      tpu.enqueue_dma source(%arg9 : memref<128x128xf32, #tpu.memory_space<vmem>>) target(%dma_start3A_276 : memref<128x128xf32, #tpu.memory_space<vmem_shared>>) target_semaphore(%run_scoped3A : memref<!tpu.dma_semaphore, #tpu.memory_space<semaphore_mem>>)
      %dma_wait3A_277 = arith.constant 0 : i32
      %dma_wait3A_278 = tpu.memref_slice %arg17[%add3A_4, %dma_wait3A_277] : memref<10240x128xf32, #tpu.memory_space<vmem_shared>> -> memref<128x128xf32, #tpu.memory_space<vmem_shared>>
      %dma_wait3A_279 = arith.constant 0 : i32
      %dma_wait3A_280 = tpu.memref_slice %arg17[%add3A_4, %dma_wait3A_279] : memref<10240x128xf32, #tpu.memory_space<vmem_shared>> -> memref<128x128xf32, #tpu.memory_space<vmem_shared>>
      tpu.wait_dma2 semaphore(%run_scoped3A : memref<!tpu.dma_semaphore, #tpu.memory_space<semaphore_mem>>) src(%arg9 : memref<128x128xf32, #tpu.memory_space<vmem>>) dst(%dma_wait3A_280 : memref<128x128xf32, #tpu.memory_space<vmem_shared>>)
      tpu.yield
    }) : () -> ()
    %add3A_5 = arith.constant 128 : i32
    %add3A_6 = arith.addi %mul3A_2, %add3A_5 : i32
    "tpu.region"() ({
      %run_scoped3A = tpu.sem_alloc : memref<!tpu.dma_semaphore, #tpu.memory_space<semaphore_mem>>
      %dma_start3A_273 = arith.constant 0 : i32
      %dma_start3A_274 = tpu.memref_slice %arg17[%add3A_6, %dma_start3A_273] : memref<10240x128xf32, #tpu.memory_space<vmem_shared>> -> memref<128x128xf32, #tpu.memory_space<vmem_shared>>
      %dma_start3A_275 = arith.constant 0 : i32
      %dma_start3A_276 = tpu.memref_slice %arg17[%add3A_6, %dma_start3A_275] : memref<10240x128xf32, #tpu.memory_space<vmem_shared>> -> memref<128x128xf32, #tpu.memory_space<vmem_shared>>
      tpu.enqueue_dma source(%arg9 : memref<128x128xf32, #tpu.memory_space<vmem>>) target(%dma_start3A_276 : memref<128x128xf32, #tpu.memory_space<vmem_shared>>) target_semaphore(%run_scoped3A : memref<!tpu.dma_semaphore, #tpu.memory_space<semaphore_mem>>)
      %dma_wait3A_277 = arith.constant 0 : i32
      %dma_wait3A_278 = tpu.memref_slice %arg17[%add3A_6, %dma_wait3A_277] : memref<10240x128xf32, #tpu.memory_space<vmem_shared>> -> memref<128x128xf32, #tpu.memory_space<vmem_shared>>
      %dma_wait3A_279 = arith.constant 0 : i32
      %dma_wait3A_280 = tpu.memref_slice %arg17[%add3A_6, %dma_wait3A_279] : memref<10240x128xf32, #tpu.memory_space<vmem_shared>> -> memref<128x128xf32, #tpu.memory_space<vmem_shared>>
      tpu.wait_dma2 semaphore(%run_scoped3A : memref<!tpu.dma_semaphore, #tpu.memory_space<semaphore_mem>>) src(%arg9 : memref<128x128xf32, #tpu.memory_space<vmem>>) dst(%dma_wait3A_280 : memref<128x128xf32, #tpu.memory_space<vmem_shared>>)
      tpu.yield
    }) : () -> ()
    %add3A_7 = arith.constant 256 : i32
    %add3A_8 = arith.addi %mul3A_2, %add3A_7 : i32
    "tpu.region"() ({
      %run_scoped3A = tpu.sem_alloc : memref<!tpu.dma_semaphore, #tpu.memory_space<semaphore_mem>>
      %dma_start3A_273 = arith.constant 0 : i32
      %dma_start3A_274 = tpu.memref_slice %arg17[%add3A_8, %dma_start3A_273] : memref<10240x128xf32, #tpu.memory_space<vmem_shared>> -> memref<128x128xf32, #tpu.memory_space<vmem_shared>>
      %dma_start3A_275 = arith.constant 0 : i32
      %dma_start3A_276 = tpu.memref_slice %arg17[%add3A_8, %dma_start3A_275] : memref<10240x128xf32, #tpu.memory_space<vmem_shared>> -> memref<128x128xf32, #tpu.memory_space<vmem_shared>>
      tpu.enqueue_dma source(%arg9 : memref<128x128xf32, #tpu.memory_space<vmem>>) target(%dma_start3A_276 : memref<128x128xf32, #tpu.memory_space<vmem_shared>>) target_semaphore(%run_scoped3A : memref<!tpu.dma_semaphore, #tpu.memory_space<semaphore_mem>>)
      %dma_wait3A_277 = arith.constant 0 : i32
      %dma_wait3A_278 = tpu.memref_slice %arg17[%add3A_8, %dma_wait3A_277] : memref<10240x128xf32, #tpu.memory_space<vmem_shared>> -> memref<128x128xf32, #tpu.memory_space<vmem_shared>>
      %dma_wait3A_279 = arith.constant 0 : i32
      %dma_wait3A_280 = tpu.memref_slice %arg17[%add3A_8, %dma_wait3A_279] : memref<10240x128xf32, #tpu.memory_space<vmem_shared>> -> memref<128x128xf32, #tpu.memory_space<vmem_shared>>
      tpu.wait_dma2 semaphore(%run_scoped3A : memref<!tpu.dma_semaphore, #tpu.memory_space<semaphore_mem>>) src(%arg9 : memref<128x128xf32, #tpu.memory_space<vmem>>) dst(%dma_wait3A_280 : memref<128x128xf32, #tpu.memory_space<vmem_shared>>)
      tpu.yield
    }) : () -> ()
    %add3A_9 = arith.constant 384 : i32
    %add3A_10 = arith.addi %mul3A_2, %add3A_9 : i32
    "tpu.region"() ({
      %run_scoped3A = tpu.sem_alloc : memref<!tpu.dma_semaphore, #tpu.memory_space<semaphore_mem>>
      %dma_start3A_273 = arith.constant 0 : i32
      %dma_start3A_274 = tpu.memref_slice %arg17[%add3A_10, %dma_start3A_273] : memref<10240x128xf32, #tpu.memory_space<vmem_shared>> -> memref<128x128xf32, #tpu.memory_space<vmem_shared>>
      %dma_start3A_275 = arith.constant 0 : i32
      %dma_start3A_276 = tpu.memref_slice %arg17[%add3A_10, %dma_start3A_275] : memref<10240x128xf32, #tpu.memory_space<vmem_shared>> -> memref<128x128xf32, #tpu.memory_space<vmem_shared>>
      tpu.enqueue_dma source(%arg9 : memref<128x128xf32, #tpu.memory_space<vmem>>) target(%dma_start3A_276 : memref<128x128xf32, #tpu.memory_space<vmem_shared>>) target_semaphore(%run_scoped3A : memref<!tpu.dma_semaphore, #tpu.memory_space<semaphore_mem>>)
      %dma_wait3A_277 = arith.constant 0 : i32
      %dma_wait3A_278 = tpu.memref_slice %arg17[%add3A_10, %dma_wait3A_277] : memref<10240x128xf32, #tpu.memory_space<vmem_shared>> -> memref<128x128xf32, #tpu.memory_space<vmem_shared>>
      %dma_wait3A_279 = arith.constant 0 : i32
      %dma_wait3A_280 = tpu.memref_slice %arg17[%add3A_10, %dma_wait3A_279] : memref<10240x128xf32, #tpu.memory_space<vmem_shared>> -> memref<128x128xf32, #tpu.memory_space<vmem_shared>>
      tpu.wait_dma2 semaphore(%run_scoped3A : memref<!tpu.dma_semaphore, #tpu.memory_space<semaphore_mem>>) src(%arg9 : memref<128x128xf32, #tpu.memory_space<vmem>>) dst(%dma_wait3A_280 : memref<128x128xf32, #tpu.memory_space<vmem_shared>>)
      tpu.yield
    }) : () -> ()
    %add3A_11 = arith.constant 512 : i32
    %add3A_12 = arith.addi %mul3A_2, %add3A_11 : i32
    "tpu.region"() ({
      %run_scoped3A = tpu.sem_alloc : memref<!tpu.dma_semaphore, #tpu.memory_space<semaphore_mem>>
      %dma_start3A_273 = arith.constant 0 : i32
      %dma_start3A_274 = tpu.memref_slice %arg17[%add3A_12, %dma_start3A_273] : memref<10240x128xf32, #tpu.memory_space<vmem_shared>> -> memref<128x128xf32, #tpu.memory_space<vmem_shared>>
      %dma_start3A_275 = arith.constant 0 : i32
      %dma_start3A_276 = tpu.memref_slice %arg17[%add3A_12, %dma_start3A_275] : memref<10240x128xf32, #tpu.memory_space<vmem_shared>> -> memref<128x128xf32, #tpu.memory_space<vmem_shared>>
      tpu.enqueue_dma source(%arg9 : memref<128x128xf32, #tpu.memory_space<vmem>>) target(%dma_start3A_276 : memref<128x128xf32, #tpu.memory_space<vmem_shared>>) target_semaphore(%run_scoped3A : memref<!tpu.dma_semaphore, #tpu.memory_space<semaphore_mem>>)
      %dma_wait3A_277 = arith.constant 0 : i32
      %dma_wait3A_278 = tpu.memref_slice %arg17[%add3A_12, %dma_wait3A_277] : memref<10240x128xf32, #tpu.memory_space<vmem_shared>> -> memref<128x128xf32, #tpu.memory_space<vmem_shared>>
      %dma_wait3A_279 = arith.constant 0 : i32
      %dma_wait3A_280 = tpu.memref_slice %arg17[%add3A_12, %dma_wait3A_279] : memref<10240x128xf32, #tpu.memory_space<vmem_shared>> -> memref<128x128xf32, #tpu.memory_space<vmem_shared>>
      tpu.wait_dma2 semaphore(%run_scoped3A : memref<!tpu.dma_semaphore, #tpu.memory_space<semaphore_mem>>) src(%arg9 : memref<128x128xf32, #tpu.memory_space<vmem>>) dst(%dma_wait3A_280 : memref<128x128xf32, #tpu.memory_space<vmem_shared>>)
      tpu.yield
    }) : () -> ()
    %barrier3A = arith.constant 0 : index
    tpu.barrier barrier_id(%barrier3A)
    %mul3A_13 = arith.constant 80 : i32
    %mul3A_14 = arith.muli %add3A, %mul3A_13 : i32
    %add3A_15 = arith.constant 0 : i32
    %add3A_16 = arith.addi %mul3A_14, %add3A_15 : i32
    %dma_start3A = arith.constant 0 : i32
    %dma_start3A_17 = tpu.memref_slice %arg3[%add3A_16, %dma_start3A] : memref<2560x128xi32, #tpu.memory_space<hbm>> -> memref<8x128xi32, #tpu.memory_space<hbm>>
    %dma_start3A_18 = arith.constant 0 : i32
    %dma_start3A_19 = tpu.memref_slice %arg3[%add3A_16, %dma_start3A_18] : memref<2560x128xi32, #tpu.memory_space<hbm>> -> memref<8x128xi32, #tpu.memory_space<hbm>>
    tpu.enqueue_dma source(%dma_start3A_19 : memref<8x128xi32, #tpu.memory_space<hbm>>) target(%arg7 : memref<8x128xi32, #tpu.memory_space<vmem>>) target_semaphore(%arg11 : memref<!tpu.dma_semaphore, #tpu.memory_space<semaphore_mem>>)
    %dma_start3A_20 = arith.constant 0 : i32
    %dma_start3A_21 = tpu.memref_slice %arg4[%add3A_16, %dma_start3A_20] : memref<2560x128xi32, #tpu.memory_space<hbm>> -> memref<8x128xi32, #tpu.memory_space<hbm>>
    %dma_start3A_22 = arith.constant 0 : i32
    %dma_start3A_23 = tpu.memref_slice %arg4[%add3A_16, %dma_start3A_22] : memref<2560x128xi32, #tpu.memory_space<hbm>> -> memref<8x128xi32, #tpu.memory_space<hbm>>
    tpu.enqueue_dma source(%dma_start3A_23 : memref<8x128xi32, #tpu.memory_space<hbm>>) target(%arg8 : memref<8x128xi32, #tpu.memory_space<vmem>>) target_semaphore(%arg12 : memref<!tpu.dma_semaphore, #tpu.memory_space<semaphore_mem>>)
    %scan3A = arith.constant 0 : i32
    %scan3A_24 = arith.constant 0 : i32
    %scan3A_25 = arith.constant 9 : i32
    %scan3A_26 = arith.addi %scan3A_24, %scan3A_25 : i32
    %scan3A_27 = arith.constant 1 : i32
    scf.for %scan3A_273 = %scan3A_24 to %scan3A_26 step %scan3A_27  : i32 {
      %mul3A_274 = arith.constant 8 : i32
      %mul3A_275 = arith.muli %scan3A_273, %mul3A_274 : i32
      %add3A_276 = arith.addi %mul3A_14, %mul3A_275 : i32
      %dma_wait3A_277 = arith.constant 0 : i32
      %dma_wait3A_278 = tpu.memref_slice %arg3[%add3A_276, %dma_wait3A_277] : memref<2560x128xi32, #tpu.memory_space<hbm>> -> memref<8x128xi32, #tpu.memory_space<hbm>>
      %dma_wait3A_279 = arith.constant 0 : i32
      %dma_wait3A_280 = tpu.memref_slice %arg3[%add3A_276, %dma_wait3A_279] : memref<2560x128xi32, #tpu.memory_space<hbm>> -> memref<8x128xi32, #tpu.memory_space<hbm>>
      tpu.wait_dma2 semaphore(%arg11 : memref<!tpu.dma_semaphore, #tpu.memory_space<semaphore_mem>>) src(%dma_wait3A_280 : memref<8x128xi32, #tpu.memory_space<hbm>>) dst(%arg7 : memref<8x128xi32, #tpu.memory_space<vmem>>)
      %dma_wait3A_281 = arith.constant 0 : i32
      %dma_wait3A_282 = tpu.memref_slice %arg4[%add3A_276, %dma_wait3A_281] : memref<2560x128xi32, #tpu.memory_space<hbm>> -> memref<8x128xi32, #tpu.memory_space<hbm>>
      %dma_wait3A_283 = arith.constant 0 : i32
      %dma_wait3A_284 = tpu.memref_slice %arg4[%add3A_276, %dma_wait3A_283] : memref<2560x128xi32, #tpu.memory_space<hbm>> -> memref<8x128xi32, #tpu.memory_space<hbm>>
      tpu.wait_dma2 semaphore(%arg12 : memref<!tpu.dma_semaphore, #tpu.memory_space<semaphore_mem>>) src(%dma_wait3A_284 : memref<8x128xi32, #tpu.memory_space<hbm>>) dst(%arg8 : memref<8x128xi32, #tpu.memory_space<vmem>>)
      %dma_start3A_285 = arith.constant 0 : i32
      %dma_start3A_286 = arith.constant 0 : i32
      %dma_start3A_287 = tpu.memref_slice %arg7[%dma_start3A_285, %dma_start3A_286] : memref<8x128xi32, #tpu.memory_space<vmem>> -> memref<1x128xi32, #tpu.memory_space<vmem>>
      %dma_start3A_288 = tpu.memref_squeeze %dma_start3A_287 : memref<1x128xi32, #tpu.memory_space<vmem>> -> memref<128xi32, #tpu.memory_space<vmem>>
      %dma_start3A_289 = arith.constant 0 : i32
      %dma_start3A_290 = arith.constant 0 : i32
      %dma_start3A_291 = tpu.memref_slice %arg2[%dma_start3A_289, %dma_start3A_290] : memref<10000x128xf32, #tpu.memory_space<hbm>> -> memref<10000x128xf32, #tpu.memory_space<hbm>>
      tpu.enqueue_indirect_dma source(%dma_start3A_291 : memref<10000x128xf32, #tpu.memory_space<hbm>>) target(%arg9 : memref<128x128xf32, #tpu.memory_space<vmem>>) offsets(%dma_start3A_288 : memref<128xi32, #tpu.memory_space<vmem>>) semaphore(%arg13 : memref<!tpu.dma_semaphore, #tpu.memory_space<semaphore_mem>>)
      %dma_start3A_292 = arith.constant 1 : i32
      %dma_start3A_293 = arith.constant 0 : i32
      %dma_start3A_294 = tpu.memref_slice %arg7[%dma_start3A_292, %dma_start3A_293] : memref<8x128xi32, #tpu.memory_space<vmem>> -> memref<1x128xi32, #tpu.memory_space<vmem>>
      %dma_start3A_295 = tpu.memref_squeeze %dma_start3A_294 : memref<1x128xi32, #tpu.memory_space<vmem>> -> memref<128xi32, #tpu.memory_space<vmem>>
      %dma_start3A_296 = arith.constant 0 : i32
      %dma_start3A_297 = arith.constant 0 : i32
      %dma_start3A_298 = tpu.memref_slice %arg2[%dma_start3A_296, %dma_start3A_297] : memref<10000x128xf32, #tpu.memory_space<hbm>> -> memref<10000x128xf32, #tpu.memory_space<hbm>>
      tpu.enqueue_indirect_dma source(%dma_start3A_298 : memref<10000x128xf32, #tpu.memory_space<hbm>>) target(%arg10 : memref<128x128xf32, #tpu.memory_space<vmem>>) offsets(%dma_start3A_295 : memref<128xi32, #tpu.memory_space<vmem>>) semaphore(%arg14 : memref<!tpu.dma_semaphore, #tpu.memory_space<semaphore_mem>>)
      %dma_wait3A_299 = arith.constant 0 : i32
      %dma_wait3A_300 = arith.constant 0 : i32
      %dma_wait3A_301 = tpu.memref_slice %arg7[%dma_wait3A_299, %dma_wait3A_300] : memref<8x128xi32, #tpu.memory_space<vmem>> -> memref<1x128xi32, #tpu.memory_space<vmem>>
      %dma_wait3A_302 = tpu.memref_squeeze %dma_wait3A_301 : memref<1x128xi32, #tpu.memory_space<vmem>> -> memref<128xi32, #tpu.memory_space<vmem>>
      %dma_wait3A_303 = arith.constant 0 : i32
      %dma_wait3A_304 = arith.constant 0 : i32
      %dma_wait3A_305 = tpu.memref_slice %arg2[%dma_wait3A_303, %dma_wait3A_304] : memref<10000x128xf32, #tpu.memory_space<hbm>> -> memref<10000x128xf32, #tpu.memory_space<hbm>>
      tpu.wait_indirect_dma semaphore(%arg13 : memref<!tpu.dma_semaphore, #tpu.memory_space<semaphore_mem>>) src(%dma_wait3A_305 : memref<10000x128xf32, #tpu.memory_space<hbm>>) dst(%arg9 : memref<128x128xf32, #tpu.memory_space<vmem>>)
      %dma_start3A_306 = arith.constant 0 : i32
      %dma_start3A_307 = arith.constant 0 : i32
      %dma_start3A_308 = tpu.memref_slice %arg8[%dma_start3A_306, %dma_start3A_307] : memref<8x128xi32, #tpu.memory_space<vmem>> -> memref<1x128xi32, #tpu.memory_space<vmem>>
      %dma_start3A_309 = tpu.memref_squeeze %dma_start3A_308 : memref<1x128xi32, #tpu.memory_space<vmem>> -> memref<128xi32, #tpu.memory_space<vmem>>
      %dma_start3A_310 = arith.constant 0 : i32
      %dma_start3A_311 = arith.constant 0 : i32
      %dma_start3A_312 = tpu.memref_slice %arg17[%dma_start3A_310, %dma_start3A_311] : memref<10240x128xf32, #tpu.memory_space<vmem_shared>> -> memref<10240x128xf32, #tpu.memory_space<vmem_shared>>
      tpu.enqueue_indirect_dma source(%arg9 : memref<128x128xf32, #tpu.memory_space<vmem>>) target(%dma_start3A_312 : memref<10240x128xf32, #tpu.memory_space<vmem_shared>>) offsets(%dma_start3A_309 : memref<128xi32, #tpu.memory_space<vmem>>) semaphore(%arg15 : memref<!tpu.dma_semaphore, #tpu.memory_space<semaphore_mem>>) {add = true}
      %dma_wait3A_313 = arith.constant 0 : i32
      %dma_wait3A_314 = arith.constant 0 : i32
      %dma_wait3A_315 = tpu.memref_slice %arg8[%dma_wait3A_313, %dma_wait3A_314] : memref<8x128xi32, #tpu.memory_space<vmem>> -> memref<1x128xi32, #tpu.memory_space<vmem>>
      %dma_wait3A_316 = tpu.memref_squeeze %dma_wait3A_315 : memref<1x128xi32, #tpu.memory_space<vmem>> -> memref<128xi32, #tpu.memory_space<vmem>>
      %dma_wait3A_317 = arith.constant 0 : i32
      %dma_wait3A_318 = arith.constant 0 : i32
      %dma_wait3A_319 = tpu.memref_slice %arg17[%dma_wait3A_317, %dma_wait3A_318] : memref<10240x128xf32, #tpu.memory_space<vmem_shared>> -> memref<10240x128xf32, #tpu.memory_space<vmem_shared>>
      tpu.wait_indirect_dma semaphore(%arg15 : memref<!tpu.dma_semaphore, #tpu.memory_space<semaphore_mem>>) src(%arg9 : memref<128x128xf32, #tpu.memory_space<vmem>>) dst(%dma_wait3A_319 : memref<10240x128xf32, #tpu.memory_space<vmem_shared>>)
      %dma_start3A_320 = arith.constant 2 : i32
      %dma_start3A_321 = arith.constant 0 : i32
      %dma_start3A_322 = tpu.memref_slice %arg7[%dma_start3A_320, %dma_start3A_321] : memref<8x128xi32, #tpu.memory_space<vmem>> -> memref<1x128xi32, #tpu.memory_space<vmem>>
      %dma_start3A_323 = tpu.memref_squeeze %dma_start3A_322 : memref<1x128xi32, #tpu.memory_space<vmem>> -> memref<128xi32, #tpu.memory_space<vmem>>
      %dma_start3A_324 = arith.constant 0 : i32
      %dma_start3A_325 = arith.constant 0 : i32
      %dma_start3A_326 = tpu.memref_slice %arg2[%dma_start3A_324, %dma_start3A_325] : memref<10000x128xf32, #tpu.memory_space<hbm>> -> memref<10000x128xf32, #tpu.memory_space<hbm>>
      tpu.enqueue_indirect_dma source(%dma_start3A_326 : memref<10000x128xf32, #tpu.memory_space<hbm>>) target(%arg9 : memref<128x128xf32, #tpu.memory_space<vmem>>) offsets(%dma_start3A_323 : memref<128xi32, #tpu.memory_space<vmem>>) semaphore(%arg13 : memref<!tpu.dma_semaphore, #tpu.memory_space<semaphore_mem>>)
      %dma_wait3A_327 = arith.constant 1 : i32
      %dma_wait3A_328 = arith.constant 0 : i32
      %dma_wait3A_329 = tpu.memref_slice %arg7[%dma_wait3A_327, %dma_wait3A_328] : memref<8x128xi32, #tpu.memory_space<vmem>> -> memref<1x128xi32, #tpu.memory_space<vmem>>
      %dma_wait3A_330 = tpu.memref_squeeze %dma_wait3A_329 : memref<1x128xi32, #tpu.memory_space<vmem>> -> memref<128xi32, #tpu.memory_space<vmem>>
      %dma_wait3A_331 = arith.constant 0 : i32
      %dma_wait3A_332 = arith.constant 0 : i32
      %dma_wait3A_333 = tpu.memref_slice %arg2[%dma_wait3A_331, %dma_wait3A_332] : memref<10000x128xf32, #tpu.memory_space<hbm>> -> memref<10000x128xf32, #tpu.memory_space<hbm>>
      tpu.wait_indirect_dma semaphore(%arg14 : memref<!tpu.dma_semaphore, #tpu.memory_space<semaphore_mem>>) src(%dma_wait3A_333 : memref<10000x128xf32, #tpu.memory_space<hbm>>) dst(%arg10 : memref<128x128xf32, #tpu.memory_space<vmem>>)
      %dma_start3A_334 = arith.constant 1 : i32
      %dma_start3A_335 = arith.constant 0 : i32
      %dma_start3A_336 = tpu.memref_slice %arg8[%dma_start3A_334, %dma_start3A_335] : memref<8x128xi32, #tpu.memory_space<vmem>> -> memref<1x128xi32, #tpu.memory_space<vmem>>
      %dma_start3A_337 = tpu.memref_squeeze %dma_start3A_336 : memref<1x128xi32, #tpu.memory_space<vmem>> -> memref<128xi32, #tpu.memory_space<vmem>>
      %dma_start3A_338 = arith.constant 0 : i32
      %dma_start3A_339 = arith.constant 0 : i32
      %dma_start3A_340 = tpu.memref_slice %arg17[%dma_start3A_338, %dma_start3A_339] : memref<10240x128xf32, #tpu.memory_space<vmem_shared>> -> memref<10240x128xf32, #tpu.memory_space<vmem_shared>>
      tpu.enqueue_indirect_dma source(%arg10 : memref<128x128xf32, #tpu.memory_space<vmem>>) target(%dma_start3A_340 : memref<10240x128xf32, #tpu.memory_space<vmem_shared>>) offsets(%dma_start3A_337 : memref<128xi32, #tpu.memory_space<vmem>>) semaphore(%arg16 : memref<!tpu.dma_semaphore, #tpu.memory_space<semaphore_mem>>) {add = true}
      %dma_wait3A_341 = arith.constant 1 : i32
      %dma_wait3A_342 = arith.constant 0 : i32
      %dma_wait3A_343 = tpu.memref_slice %arg8[%dma_wait3A_341, %dma_wait3A_342] : memref<8x128xi32, #tpu.memory_space<vmem>> -> memref<1x128xi32, #tpu.memory_space<vmem>>
      %dma_wait3A_344 = tpu.memref_squeeze %dma_wait3A_343 : memref<1x128xi32, #tpu.memory_space<vmem>> -> memref<128xi32, #tpu.memory_space<vmem>>
      %dma_wait3A_345 = arith.constant 0 : i32
      %dma_wait3A_346 = arith.constant 0 : i32
      %dma_wait3A_347 = tpu.memref_slice %arg17[%dma_wait3A_345, %dma_wait3A_346] : memref<10240x128xf32, #tpu.memory_space<vmem_shared>> -> memref<10240x128xf32, #tpu.memory_space<vmem_shared>>
      tpu.wait_indirect_dma semaphore(%arg16 : memref<!tpu.dma_semaphore, #tpu.memory_space<semaphore_mem>>) src(%arg10 : memref<128x128xf32, #tpu.memory_space<vmem>>) dst(%dma_wait3A_347 : memref<10240x128xf32, #tpu.memory_space<vmem_shared>>)
      %dma_start3A_348 = arith.constant 3 : i32
      %dma_start3A_349 = arith.constant 0 : i32
      %dma_start3A_350 = tpu.memref_slice %arg7[%dma_start3A_348, %dma_start3A_349] : memref<8x128xi32, #tpu.memory_space<vmem>> -> memref<1x128xi32, #tpu.memory_space<vmem>>
      %dma_start3A_351 = tpu.memref_squeeze %dma_start3A_350 : memref<1x128xi32, #tpu.memory_space<vmem>> -> memref<128xi32, #tpu.memory_space<vmem>>
      %dma_start3A_352 = arith.constant 0 : i32
      %dma_start3A_353 = arith.constant 0 : i32
      %dma_start3A_354 = tpu.memref_slice %arg2[%dma_start3A_352, %dma_start3A_353] : memref<10000x128xf32, #tpu.memory_space<hbm>> -> memref<10000x128xf32, #tpu.memory_space<hbm>>
      tpu.enqueue_indirect_dma source(%dma_start3A_354 : memref<10000x128xf32, #tpu.memory_space<hbm>>) target(%arg10 : memref<128x128xf32, #tpu.memory_space<vmem>>) offsets(%dma_start3A_351 : memref<128xi32, #tpu.memory_space<vmem>>) semaphore(%arg14 : memref<!tpu.dma_semaphore, #tpu.memory_space<semaphore_mem>>)
      %dma_wait3A_355 = arith.constant 2 : i32
      %dma_wait3A_356 = arith.constant 0 : i32
      %dma_wait3A_357 = tpu.memref_slice %arg7[%dma_wait3A_355, %dma_wait3A_356] : memref<8x128xi32, #tpu.memory_space<vmem>> -> memref<1x128xi32, #tpu.memory_space<vmem>>
      %dma_wait3A_358 = tpu.memref_squeeze %dma_wait3A_357 : memref<1x128xi32, #tpu.memory_space<vmem>> -> memref<128xi32, #tpu.memory_space<vmem>>
      %dma_wait3A_359 = arith.constant 0 : i32
      %dma_wait3A_360 = arith.constant 0 : i32
      %dma_wait3A_361 = tpu.memref_slice %arg2[%dma_wait3A_359, %dma_wait3A_360] : memref<10000x128xf32, #tpu.memory_space<hbm>> -> memref<10000x128xf32, #tpu.memory_space<hbm>>
      tpu.wait_indirect_dma semaphore(%arg13 : memref<!tpu.dma_semaphore, #tpu.memory_space<semaphore_mem>>) src(%dma_wait3A_361 : memref<10000x128xf32, #tpu.memory_space<hbm>>) dst(%arg9 : memref<128x128xf32, #tpu.memory_space<vmem>>)
      %dma_start3A_362 = arith.constant 2 : i32
      %dma_start3A_363 = arith.constant 0 : i32
      %dma_start3A_364 = tpu.memref_slice %arg8[%dma_start3A_362, %dma_start3A_363] : memref<8x128xi32, #tpu.memory_space<vmem>> -> memref<1x128xi32, #tpu.memory_space<vmem>>
      %dma_start3A_365 = tpu.memref_squeeze %dma_start3A_364 : memref<1x128xi32, #tpu.memory_space<vmem>> -> memref<128xi32, #tpu.memory_space<vmem>>
      %dma_start3A_366 = arith.constant 0 : i32
      %dma_start3A_367 = arith.constant 0 : i32
      %dma_start3A_368 = tpu.memref_slice %arg17[%dma_start3A_366, %dma_start3A_367] : memref<10240x128xf32, #tpu.memory_space<vmem_shared>> -> memref<10240x128xf32, #tpu.memory_space<vmem_shared>>
      tpu.enqueue_indirect_dma source(%arg9 : memref<128x128xf32, #tpu.memory_space<vmem>>) target(%dma_start3A_368 : memref<10240x128xf32, #tpu.memory_space<vmem_shared>>) offsets(%dma_start3A_365 : memref<128xi32, #tpu.memory_space<vmem>>) semaphore(%arg15 : memref<!tpu.dma_semaphore, #tpu.memory_space<semaphore_mem>>) {add = true}
      %dma_wait3A_369 = arith.constant 2 : i32
      %dma_wait3A_370 = arith.constant 0 : i32
      %dma_wait3A_371 = tpu.memref_slice %arg8[%dma_wait3A_369, %dma_wait3A_370] : memref<8x128xi32, #tpu.memory_space<vmem>> -> memref<1x128xi32, #tpu.memory_space<vmem>>
      %dma_wait3A_372 = tpu.memref_squeeze %dma_wait3A_371 : memref<1x128xi32, #tpu.memory_space<vmem>> -> memref<128xi32, #tpu.memory_space<vmem>>
      %dma_wait3A_373 = arith.constant 0 : i32
      %dma_wait3A_374 = arith.constant 0 : i32
      %dma_wait3A_375 = tpu.memref_slice %arg17[%dma_wait3A_373, %dma_wait3A_374] : memref<10240x128xf32, #tpu.memory_space<vmem_shared>> -> memref<10240x128xf32, #tpu.memory_space<vmem_shared>>
      tpu.wait_indirect_dma semaphore(%arg15 : memref<!tpu.dma_semaphore, #tpu.memory_space<semaphore_mem>>) src(%arg9 : memref<128x128xf32, #tpu.memory_space<vmem>>) dst(%dma_wait3A_375 : memref<10240x128xf32, #tpu.memory_space<vmem_shared>>)
      %dma_start3A_376 = arith.constant 4 : i32
      %dma_start3A_377 = arith.constant 0 : i32
      %dma_start3A_378 = tpu.memref_slice %arg7[%dma_start3A_376, %dma_start3A_377] : memref<8x128xi32, #tpu.memory_space<vmem>> -> memref<1x128xi32, #tpu.memory_space<vmem>>
      %dma_start3A_379 = tpu.memref_squeeze %dma_start3A_378 : memref<1x128xi32, #tpu.memory_space<vmem>> -> memref<128xi32, #tpu.memory_space<vmem>>
      %dma_start3A_380 = arith.constant 0 : i32
      %dma_start3A_381 = arith.constant 0 : i32
      %dma_start3A_382 = tpu.memref_slice %arg2[%dma_start3A_380, %dma_start3A_381] : memref<10000x128xf32, #tpu.memory_space<hbm>> -> memref<10000x128xf32, #tpu.memory_space<hbm>>
      tpu.enqueue_indirect_dma source(%dma_start3A_382 : memref<10000x128xf32, #tpu.memory_space<hbm>>) target(%arg9 : memref<128x128xf32, #tpu.memory_space<vmem>>) offsets(%dma_start3A_379 : memref<128xi32, #tpu.memory_space<vmem>>) semaphore(%arg13 : memref<!tpu.dma_semaphore, #tpu.memory_space<semaphore_mem>>)
      %dma_wait3A_383 = arith.constant 3 : i32
      %dma_wait3A_384 = arith.constant 0 : i32
      %dma_wait3A_385 = tpu.memref_slice %arg7[%dma_wait3A_383, %dma_wait3A_384] : memref<8x128xi32, #tpu.memory_space<vmem>> -> memref<1x128xi32, #tpu.memory_space<vmem>>
      %dma_wait3A_386 = tpu.memref_squeeze %dma_wait3A_385 : memref<1x128xi32, #tpu.memory_space<vmem>> -> memref<128xi32, #tpu.memory_space<vmem>>
      %dma_wait3A_387 = arith.constant 0 : i32
      %dma_wait3A_388 = arith.constant 0 : i32
      %dma_wait3A_389 = tpu.memref_slice %arg2[%dma_wait3A_387, %dma_wait3A_388] : memref<10000x128xf32, #tpu.memory_space<hbm>> -> memref<10000x128xf32, #tpu.memory_space<hbm>>
      tpu.wait_indirect_dma semaphore(%arg14 : memref<!tpu.dma_semaphore, #tpu.memory_space<semaphore_mem>>) src(%dma_wait3A_389 : memref<10000x128xf32, #tpu.memory_space<hbm>>) dst(%arg10 : memref<128x128xf32, #tpu.memory_space<vmem>>)
      %dma_start3A_390 = arith.constant 3 : i32
      %dma_start3A_391 = arith.constant 0 : i32
      %dma_start3A_392 = tpu.memref_slice %arg8[%dma_start3A_390, %dma_start3A_391] : memref<8x128xi32, #tpu.memory_space<vmem>> -> memref<1x128xi32, #tpu.memory_space<vmem>>
      %dma_start3A_393 = tpu.memref_squeeze %dma_start3A_392 : memref<1x128xi32, #tpu.memory_space<vmem>> -> memref<128xi32, #tpu.memory_space<vmem>>
      %dma_start3A_394 = arith.constant 0 : i32
      %dma_start3A_395 = arith.constant 0 : i32
      %dma_start3A_396 = tpu.memref_slice %arg17[%dma_start3A_394, %dma_start3A_395] : memref<10240x128xf32, #tpu.memory_space<vmem_shared>> -> memref<10240x128xf32, #tpu.memory_space<vmem_shared>>
      tpu.enqueue_indirect_dma source(%arg10 : memref<128x128xf32, #tpu.memory_space<vmem>>) target(%dma_start3A_396 : memref<10240x128xf32, #tpu.memory_space<vmem_shared>>) offsets(%dma_start3A_393 : memref<128xi32, #tpu.memory_space<vmem>>) semaphore(%arg16 : memref<!tpu.dma_semaphore, #tpu.memory_space<semaphore_mem>>) {add = true}
      %dma_wait3A_397 = arith.constant 3 : i32
      %dma_wait3A_398 = arith.constant 0 : i32
      %dma_wait3A_399 = tpu.memref_slice %arg8[%dma_wait3A_397, %dma_wait3A_398] : memref<8x128xi32, #tpu.memory_space<vmem>> -> memref<1x128xi32, #tpu.memory_space<vmem>>
      %dma_wait3A_400 = tpu.memref_squeeze %dma_wait3A_399 : memref<1x128xi32, #tpu.memory_space<vmem>> -> memref<128xi32, #tpu.memory_space<vmem>>
      %dma_wait3A_401 = arith.constant 0 : i32
      %dma_wait3A_402 = arith.constant 0 : i32
      %dma_wait3A_403 = tpu.memref_slice %arg17[%dma_wait3A_401, %dma_wait3A_402] : memref<10240x128xf32, #tpu.memory_space<vmem_shared>> -> memref<10240x128xf32, #tpu.memory_space<vmem_shared>>
      tpu.wait_indirect_dma semaphore(%arg16 : memref<!tpu.dma_semaphore, #tpu.memory_space<semaphore_mem>>) src(%arg10 : memref<128x128xf32, #tpu.memory_space<vmem>>) dst(%dma_wait3A_403 : memref<10240x128xf32, #tpu.memory_space<vmem_shared>>)
      %dma_start3A_404 = arith.constant 5 : i32
      %dma_start3A_405 = arith.constant 0 : i32
      %dma_start3A_406 = tpu.memref_slice %arg7[%dma_start3A_404, %dma_start3A_405] : memref<8x128xi32, #tpu.memory_space<vmem>> -> memref<1x128xi32, #tpu.memory_space<vmem>>
      %dma_start3A_407 = tpu.memref_squeeze %dma_start3A_406 : memref<1x128xi32, #tpu.memory_space<vmem>> -> memref<128xi32, #tpu.memory_space<vmem>>
      %dma_start3A_408 = arith.constant 0 : i32
      %dma_start3A_409 = arith.constant 0 : i32
      %dma_start3A_410 = tpu.memref_slice %arg2[%dma_start3A_408, %dma_start3A_409] : memref<10000x128xf32, #tpu.memory_space<hbm>> -> memref<10000x128xf32, #tpu.memory_space<hbm>>
      tpu.enqueue_indirect_dma source(%dma_start3A_410 : memref<10000x128xf32, #tpu.memory_space<hbm>>) target(%arg10 : memref<128x128xf32, #tpu.memory_space<vmem>>) offsets(%dma_start3A_407 : memref<128xi32, #tpu.memory_space<vmem>>) semaphore(%arg14 : memref<!tpu.dma_semaphore, #tpu.memory_space<semaphore_mem>>)
      %dma_wait3A_411 = arith.constant 4 : i32
      %dma_wait3A_412 = arith.constant 0 : i32
      %dma_wait3A_413 = tpu.memref_slice %arg7[%dma_wait3A_411, %dma_wait3A_412] : memref<8x128xi32, #tpu.memory_space<vmem>> -> memref<1x128xi32, #tpu.memory_space<vmem>>
      %dma_wait3A_414 = tpu.memref_squeeze %dma_wait3A_413 : memref<1x128xi32, #tpu.memory_space<vmem>> -> memref<128xi32, #tpu.memory_space<vmem>>
      %dma_wait3A_415 = arith.constant 0 : i32
      %dma_wait3A_416 = arith.constant 0 : i32
      %dma_wait3A_417 = tpu.memref_slice %arg2[%dma_wait3A_415, %dma_wait3A_416] : memref<10000x128xf32, #tpu.memory_space<hbm>> -> memref<10000x128xf32, #tpu.memory_space<hbm>>
      tpu.wait_indirect_dma semaphore(%arg13 : memref<!tpu.dma_semaphore, #tpu.memory_space<semaphore_mem>>) src(%dma_wait3A_417 : memref<10000x128xf32, #tpu.memory_space<hbm>>) dst(%arg9 : memref<128x128xf32, #tpu.memory_space<vmem>>)
      %dma_start3A_418 = arith.constant 4 : i32
      %dma_start3A_419 = arith.constant 0 : i32
      %dma_start3A_420 = tpu.memref_slice %arg8[%dma_start3A_418, %dma_start3A_419] : memref<8x128xi32, #tpu.memory_space<vmem>> -> memref<1x128xi32, #tpu.memory_space<vmem>>
      %dma_start3A_421 = tpu.memref_squeeze %dma_start3A_420 : memref<1x128xi32, #tpu.memory_space<vmem>> -> memref<128xi32, #tpu.memory_space<vmem>>
      %dma_start3A_422 = arith.constant 0 : i32
      %dma_start3A_423 = arith.constant 0 : i32
      %dma_start3A_424 = tpu.memref_slice %arg17[%dma_start3A_422, %dma_start3A_423] : memref<10240x128xf32, #tpu.memory_space<vmem_shared>> -> memref<10240x128xf32, #tpu.memory_space<vmem_shared>>
      tpu.enqueue_indirect_dma source(%arg9 : memref<128x128xf32, #tpu.memory_space<vmem>>) target(%dma_start3A_424 : memref<10240x128xf32, #tpu.memory_space<vmem_shared>>) offsets(%dma_start3A_421 : memref<128xi32, #tpu.memory_space<vmem>>) semaphore(%arg15 : memref<!tpu.dma_semaphore, #tpu.memory_space<semaphore_mem>>) {add = true}
      %dma_wait3A_425 = arith.constant 4 : i32
      %dma_wait3A_426 = arith.constant 0 : i32
      %dma_wait3A_427 = tpu.memref_slice %arg8[%dma_wait3A_425, %dma_wait3A_426] : memref<8x128xi32, #tpu.memory_space<vmem>> -> memref<1x128xi32, #tpu.memory_space<vmem>>
      %dma_wait3A_428 = tpu.memref_squeeze %dma_wait3A_427 : memref<1x128xi32, #tpu.memory_space<vmem>> -> memref<128xi32, #tpu.memory_space<vmem>>
      %dma_wait3A_429 = arith.constant 0 : i32
      %dma_wait3A_430 = arith.constant 0 : i32
      %dma_wait3A_431 = tpu.memref_slice %arg17[%dma_wait3A_429, %dma_wait3A_430] : memref<10240x128xf32, #tpu.memory_space<vmem_shared>> -> memref<10240x128xf32, #tpu.memory_space<vmem_shared>>
      tpu.wait_indirect_dma semaphore(%arg15 : memref<!tpu.dma_semaphore, #tpu.memory_space<semaphore_mem>>) src(%arg9 : memref<128x128xf32, #tpu.memory_space<vmem>>) dst(%dma_wait3A_431 : memref<10240x128xf32, #tpu.memory_space<vmem_shared>>)
      %dma_start3A_432 = arith.constant 6 : i32
      %dma_start3A_433 = arith.constant 0 : i32
      %dma_start3A_434 = tpu.memref_slice %arg7[%dma_start3A_432, %dma_start3A_433] : memref<8x128xi32, #tpu.memory_space<vmem>> -> memref<1x128xi32, #tpu.memory_space<vmem>>
      %dma_start3A_435 = tpu.memref_squeeze %dma_start3A_434 : memref<1x128xi32, #tpu.memory_space<vmem>> -> memref<128xi32, #tpu.memory_space<vmem>>
      %dma_start3A_436 = arith.constant 0 : i32
      %dma_start3A_437 = arith.constant 0 : i32
      %dma_start3A_438 = tpu.memref_slice %arg2[%dma_start3A_436, %dma_start3A_437] : memref<10000x128xf32, #tpu.memory_space<hbm>> -> memref<10000x128xf32, #tpu.memory_space<hbm>>
      tpu.enqueue_indirect_dma source(%dma_start3A_438 : memref<10000x128xf32, #tpu.memory_space<hbm>>) target(%arg9 : memref<128x128xf32, #tpu.memory_space<vmem>>) offsets(%dma_start3A_435 : memref<128xi32, #tpu.memory_space<vmem>>) semaphore(%arg13 : memref<!tpu.dma_semaphore, #tpu.memory_space<semaphore_mem>>)
      %dma_wait3A_439 = arith.constant 5 : i32
      %dma_wait3A_440 = arith.constant 0 : i32
      %dma_wait3A_441 = tpu.memref_slice %arg7[%dma_wait3A_439, %dma_wait3A_440] : memref<8x128xi32, #tpu.memory_space<vmem>> -> memref<1x128xi32, #tpu.memory_space<vmem>>
      %dma_wait3A_442 = tpu.memref_squeeze %dma_wait3A_441 : memref<1x128xi32, #tpu.memory_space<vmem>> -> memref<128xi32, #tpu.memory_space<vmem>>
      %dma_wait3A_443 = arith.constant 0 : i32
      %dma_wait3A_444 = arith.constant 0 : i32
      %dma_wait3A_445 = tpu.memref_slice %arg2[%dma_wait3A_443, %dma_wait3A_444] : memref<10000x128xf32, #tpu.memory_space<hbm>> -> memref<10000x128xf32, #tpu.memory_space<hbm>>
      tpu.wait_indirect_dma semaphore(%arg14 : memref<!tpu.dma_semaphore, #tpu.memory_space<semaphore_mem>>) src(%dma_wait3A_445 : memref<10000x128xf32, #tpu.memory_space<hbm>>) dst(%arg10 : memref<128x128xf32, #tpu.memory_space<vmem>>)
      %dma_start3A_446 = arith.constant 5 : i32
      %dma_start3A_447 = arith.constant 0 : i32
      %dma_start3A_448 = tpu.memref_slice %arg8[%dma_start3A_446, %dma_start3A_447] : memref<8x128xi32, #tpu.memory_space<vmem>> -> memref<1x128xi32, #tpu.memory_space<vmem>>
      %dma_start3A_449 = tpu.memref_squeeze %dma_start3A_448 : memref<1x128xi32, #tpu.memory_space<vmem>> -> memref<128xi32, #tpu.memory_space<vmem>>
      %dma_start3A_450 = arith.constant 0 : i32
      %dma_start3A_451 = arith.constant 0 : i32
      %dma_start3A_452 = tpu.memref_slice %arg17[%dma_start3A_450, %dma_start3A_451] : memref<10240x128xf32, #tpu.memory_space<vmem_shared>> -> memref<10240x128xf32, #tpu.memory_space<vmem_shared>>
      tpu.enqueue_indirect_dma source(%arg10 : memref<128x128xf32, #tpu.memory_space<vmem>>) target(%dma_start3A_452 : memref<10240x128xf32, #tpu.memory_space<vmem_shared>>) offsets(%dma_start3A_449 : memref<128xi32, #tpu.memory_space<vmem>>) semaphore(%arg16 : memref<!tpu.dma_semaphore, #tpu.memory_space<semaphore_mem>>) {add = true}
      %dma_wait3A_453 = arith.constant 5 : i32
      %dma_wait3A_454 = arith.constant 0 : i32
      %dma_wait3A_455 = tpu.memref_slice %arg8[%dma_wait3A_453, %dma_wait3A_454] : memref<8x128xi32, #tpu.memory_space<vmem>> -> memref<1x128xi32, #tpu.memory_space<vmem>>
      %dma_wait3A_456 = tpu.memref_squeeze %dma_wait3A_455 : memref<1x128xi32, #tpu.memory_space<vmem>> -> memref<128xi32, #tpu.memory_space<vmem>>
      %dma_wait3A_457 = arith.constant 0 : i32
      %dma_wait3A_458 = arith.constant 0 : i32
      %dma_wait3A_459 = tpu.memref_slice %arg17[%dma_wait3A_457, %dma_wait3A_458] : memref<10240x128xf32, #tpu.memory_space<vmem_shared>> -> memref<10240x128xf32, #tpu.memory_space<vmem_shared>>
      tpu.wait_indirect_dma semaphore(%arg16 : memref<!tpu.dma_semaphore, #tpu.memory_space<semaphore_mem>>) src(%arg10 : memref<128x128xf32, #tpu.memory_space<vmem>>) dst(%dma_wait3A_459 : memref<10240x128xf32, #tpu.memory_space<vmem_shared>>)
      %dma_start3A_460 = arith.constant 7 : i32
      %dma_start3A_461 = arith.constant 0 : i32
      %dma_start3A_462 = tpu.memref_slice %arg7[%dma_start3A_460, %dma_start3A_461] : memref<8x128xi32, #tpu.memory_space<vmem>> -> memref<1x128xi32, #tpu.memory_space<vmem>>
      %dma_start3A_463 = tpu.memref_squeeze %dma_start3A_462 : memref<1x128xi32, #tpu.memory_space<vmem>> -> memref<128xi32, #tpu.memory_space<vmem>>
      %dma_start3A_464 = arith.constant 0 : i32
      %dma_start3A_465 = arith.constant 0 : i32
      %dma_start3A_466 = tpu.memref_slice %arg2[%dma_start3A_464, %dma_start3A_465] : memref<10000x128xf32, #tpu.memory_space<hbm>> -> memref<10000x128xf32, #tpu.memory_space<hbm>>
      tpu.enqueue_indirect_dma source(%dma_start3A_466 : memref<10000x128xf32, #tpu.memory_space<hbm>>) target(%arg10 : memref<128x128xf32, #tpu.memory_space<vmem>>) offsets(%dma_start3A_463 : memref<128xi32, #tpu.memory_space<vmem>>) semaphore(%arg14 : memref<!tpu.dma_semaphore, #tpu.memory_space<semaphore_mem>>)
      %dma_wait3A_467 = arith.constant 6 : i32
      %dma_wait3A_468 = arith.constant 0 : i32
      %dma_wait3A_469 = tpu.memref_slice %arg7[%dma_wait3A_467, %dma_wait3A_468] : memref<8x128xi32, #tpu.memory_space<vmem>> -> memref<1x128xi32, #tpu.memory_space<vmem>>
      %dma_wait3A_470 = tpu.memref_squeeze %dma_wait3A_469 : memref<1x128xi32, #tpu.memory_space<vmem>> -> memref<128xi32, #tpu.memory_space<vmem>>
      %dma_wait3A_471 = arith.constant 0 : i32
      %dma_wait3A_472 = arith.constant 0 : i32
      %dma_wait3A_473 = tpu.memref_slice %arg2[%dma_wait3A_471, %dma_wait3A_472] : memref<10000x128xf32, #tpu.memory_space<hbm>> -> memref<10000x128xf32, #tpu.memory_space<hbm>>
      tpu.wait_indirect_dma semaphore(%arg13 : memref<!tpu.dma_semaphore, #tpu.memory_space<semaphore_mem>>) src(%dma_wait3A_473 : memref<10000x128xf32, #tpu.memory_space<hbm>>) dst(%arg9 : memref<128x128xf32, #tpu.memory_space<vmem>>)
      %dma_start3A_474 = arith.constant 6 : i32
      %dma_start3A_475 = arith.constant 0 : i32
      %dma_start3A_476 = tpu.memref_slice %arg8[%dma_start3A_474, %dma_start3A_475] : memref<8x128xi32, #tpu.memory_space<vmem>> -> memref<1x128xi32, #tpu.memory_space<vmem>>
      %dma_start3A_477 = tpu.memref_squeeze %dma_start3A_476 : memref<1x128xi32, #tpu.memory_space<vmem>> -> memref<128xi32, #tpu.memory_space<vmem>>
      %dma_start3A_478 = arith.constant 0 : i32
      %dma_start3A_479 = arith.constant 0 : i32
      %dma_start3A_480 = tpu.memref_slice %arg17[%dma_start3A_478, %dma_start3A_479] : memref<10240x128xf32, #tpu.memory_space<vmem_shared>> -> memref<10240x128xf32, #tpu.memory_space<vmem_shared>>
      tpu.enqueue_indirect_dma source(%arg9 : memref<128x128xf32, #tpu.memory_space<vmem>>) target(%dma_start3A_480 : memref<10240x128xf32, #tpu.memory_space<vmem_shared>>) offsets(%dma_start3A_477 : memref<128xi32, #tpu.memory_space<vmem>>) semaphore(%arg15 : memref<!tpu.dma_semaphore, #tpu.memory_space<semaphore_mem>>) {add = true}
      %dma_wait3A_481 = arith.constant 7 : i32
      %dma_wait3A_482 = arith.constant 0 : i32
      %dma_wait3A_483 = tpu.memref_slice %arg7[%dma_wait3A_481, %dma_wait3A_482] : memref<8x128xi32, #tpu.memory_space<vmem>> -> memref<1x128xi32, #tpu.memory_space<vmem>>
      %dma_wait3A_484 = tpu.memref_squeeze %dma_wait3A_483 : memref<1x128xi32, #tpu.memory_space<vmem>> -> memref<128xi32, #tpu.memory_space<vmem>>
      %dma_wait3A_485 = arith.constant 0 : i32
      %dma_wait3A_486 = arith.constant 0 : i32
      %dma_wait3A_487 = tpu.memref_slice %arg2[%dma_wait3A_485, %dma_wait3A_486] : memref<10000x128xf32, #tpu.memory_space<hbm>> -> memref<10000x128xf32, #tpu.memory_space<hbm>>
      tpu.wait_indirect_dma semaphore(%arg14 : memref<!tpu.dma_semaphore, #tpu.memory_space<semaphore_mem>>) src(%dma_wait3A_487 : memref<10000x128xf32, #tpu.memory_space<hbm>>) dst(%arg10 : memref<128x128xf32, #tpu.memory_space<vmem>>)
      %dma_start3A_488 = arith.constant 7 : i32
      %dma_start3A_489 = arith.constant 0 : i32
      %dma_start3A_490 = tpu.memref_slice %arg8[%dma_start3A_488, %dma_start3A_489] : memref<8x128xi32, #tpu.memory_space<vmem>> -> memref<1x128xi32, #tpu.memory_space<vmem>>
      %dma_start3A_491 = tpu.memref_squeeze %dma_start3A_490 : memref<1x128xi32, #tpu.memory_space<vmem>> -> memref<128xi32, #tpu.memory_space<vmem>>
      %dma_start3A_492 = arith.constant 0 : i32
      %dma_start3A_493 = arith.constant 0 : i32
      %dma_start3A_494 = tpu.memref_slice %arg17[%dma_start3A_492, %dma_start3A_493] : memref<10240x128xf32, #tpu.memory_space<vmem_shared>> -> memref<10240x128xf32, #tpu.memory_space<vmem_shared>>
      tpu.enqueue_indirect_dma source(%arg10 : memref<128x128xf32, #tpu.memory_space<vmem>>) target(%dma_start3A_494 : memref<10240x128xf32, #tpu.memory_space<vmem_shared>>) offsets(%dma_start3A_491 : memref<128xi32, #tpu.memory_space<vmem>>) semaphore(%arg16 : memref<!tpu.dma_semaphore, #tpu.memory_space<semaphore_mem>>) {add = true}
      %dma_wait3A_495 = arith.constant 6 : i32
      %dma_wait3A_496 = arith.constant 0 : i32
      %dma_wait3A_497 = tpu.memref_slice %arg8[%dma_wait3A_495, %dma_wait3A_496] : memref<8x128xi32, #tpu.memory_space<vmem>> -> memref<1x128xi32, #tpu.memory_space<vmem>>
      %dma_wait3A_498 = tpu.memref_squeeze %dma_wait3A_497 : memref<1x128xi32, #tpu.memory_space<vmem>> -> memref<128xi32, #tpu.memory_space<vmem>>
      %dma_wait3A_499 = arith.constant 0 : i32
      %dma_wait3A_500 = arith.constant 0 : i32
      %dma_wait3A_501 = tpu.memref_slice %arg17[%dma_wait3A_499, %dma_wait3A_500] : memref<10240x128xf32, #tpu.memory_space<vmem_shared>> -> memref<10240x128xf32, #tpu.memory_space<vmem_shared>>
      tpu.wait_indirect_dma semaphore(%arg15 : memref<!tpu.dma_semaphore, #tpu.memory_space<semaphore_mem>>) src(%arg9 : memref<128x128xf32, #tpu.memory_space<vmem>>) dst(%dma_wait3A_501 : memref<10240x128xf32, #tpu.memory_space<vmem_shared>>)
      %dma_wait3A_502 = arith.constant 7 : i32
      %dma_wait3A_503 = arith.constant 0 : i32
      %dma_wait3A_504 = tpu.memref_slice %arg8[%dma_wait3A_502, %dma_wait3A_503] : memref<8x128xi32, #tpu.memory_space<vmem>> -> memref<1x128xi32, #tpu.memory_space<vmem>>
      %dma_wait3A_505 = tpu.memref_squeeze %dma_wait3A_504 : memref<1x128xi32, #tpu.memory_space<vmem>> -> memref<128xi32, #tpu.memory_space<vmem>>
      %dma_wait3A_506 = arith.constant 0 : i32
      %dma_wait3A_507 = arith.constant 0 : i32
      %dma_wait3A_508 = tpu.memref_slice %arg17[%dma_wait3A_506, %dma_wait3A_507] : memref<10240x128xf32, #tpu.memory_space<vmem_shared>> -> memref<10240x128xf32, #tpu.memory_space<vmem_shared>>
      tpu.wait_indirect_dma semaphore(%arg16 : memref<!tpu.dma_semaphore, #tpu.memory_space<semaphore_mem>>) src(%arg10 : memref<128x128xf32, #tpu.memory_space<vmem>>) dst(%dma_wait3A_508 : memref<10240x128xf32, #tpu.memory_space<vmem_shared>>)
      %add3A_509 = arith.constant 1 : i32
      %add3A_510 = arith.addi %scan3A_273, %add3A_509 : i32
      %mul3A_511 = arith.constant 8 : i32
      %mul3A_512 = arith.muli %add3A_510, %mul3A_511 : i32
      %add3A_513 = arith.addi %mul3A_14, %mul3A_512 : i32
      %dma_start3A_514 = arith.constant 0 : i32
      %dma_start3A_515 = tpu.memref_slice %arg3[%add3A_513, %dma_start3A_514] : memref<2560x128xi32, #tpu.memory_space<hbm>> -> memref<8x128xi32, #tpu.memory_space<hbm>>
      %dma_start3A_516 = arith.constant 0 : i32
      %dma_start3A_517 = tpu.memref_slice %arg3[%add3A_513, %dma_start3A_516] : memref<2560x128xi32, #tpu.memory_space<hbm>> -> memref<8x128xi32, #tpu.memory_space<hbm>>
      tpu.enqueue_dma source(%dma_start3A_517 : memref<8x128xi32, #tpu.memory_space<hbm>>) target(%arg7 : memref<8x128xi32, #tpu.memory_space<vmem>>) target_semaphore(%arg11 : memref<!tpu.dma_semaphore, #tpu.memory_space<semaphore_mem>>)
      %dma_start3A_518 = arith.constant 0 : i32
      %dma_start3A_519 = tpu.memref_slice %arg4[%add3A_513, %dma_start3A_518] : memref<2560x128xi32, #tpu.memory_space<hbm>> -> memref<8x128xi32, #tpu.memory_space<hbm>>
      %dma_start3A_520 = arith.constant 0 : i32
      %dma_start3A_521 = tpu.memref_slice %arg4[%add3A_513, %dma_start3A_520] : memref<2560x128xi32, #tpu.memory_space<hbm>> -> memref<8x128xi32, #tpu.memory_space<hbm>>
      tpu.enqueue_dma source(%dma_start3A_521 : memref<8x128xi32, #tpu.memory_space<hbm>>) target(%arg8 : memref<8x128xi32, #tpu.memory_space<vmem>>) target_semaphore(%arg12 : memref<!tpu.dma_semaphore, #tpu.memory_space<semaphore_mem>>)
    }
    %scan3A_28 = arith.constant 9 : i32
    %add3A_29 = arith.constant 72 : i32
    %add3A_30 = arith.addi %mul3A_14, %add3A_29 : i32
    %dma_wait3A = arith.constant 0 : i32
    %dma_wait3A_31 = tpu.memref_slice %arg3[%add3A_30, %dma_wait3A] : memref<2560x128xi32, #tpu.memory_space<hbm>> -> memref<8x128xi32, #tpu.memory_space<hbm>>
    %dma_wait3A_32 = arith.constant 0 : i32
    %dma_wait3A_33 = tpu.memref_slice %arg3[%add3A_30, %dma_wait3A_32] : memref<2560x128xi32, #tpu.memory_space<hbm>> -> memref<8x128xi32, #tpu.memory_space<hbm>>
    tpu.wait_dma2 semaphore(%arg11 : memref<!tpu.dma_semaphore, #tpu.memory_space<semaphore_mem>>) src(%dma_wait3A_33 : memref<8x128xi32, #tpu.memory_space<hbm>>) dst(%arg7 : memref<8x128xi32, #tpu.memory_space<vmem>>)
    %dma_wait3A_34 = arith.constant 0 : i32
    %dma_wait3A_35 = tpu.memref_slice %arg4[%add3A_30, %dma_wait3A_34] : memref<2560x128xi32, #tpu.memory_space<hbm>> -> memref<8x128xi32, #tpu.memory_space<hbm>>
    %dma_wait3A_36 = arith.constant 0 : i32
    %dma_wait3A_37 = tpu.memref_slice %arg4[%add3A_30, %dma_wait3A_36] : memref<2560x128xi32, #tpu.memory_space<hbm>> -> memref<8x128xi32, #tpu.memory_space<hbm>>
    tpu.wait_dma2 semaphore(%arg12 : memref<!tpu.dma_semaphore, #tpu.memory_space<semaphore_mem>>) src(%dma_wait3A_37 : memref<8x128xi32, #tpu.memory_space<hbm>>) dst(%arg8 : memref<8x128xi32, #tpu.memory_space<vmem>>)
    %dma_start3A_38 = arith.constant 0 : i32
    %dma_start3A_39 = arith.constant 0 : i32
    %dma_start3A_40 = tpu.memref_slice %arg7[%dma_start3A_38, %dma_start3A_39] : memref<8x128xi32, #tpu.memory_space<vmem>> -> memref<1x128xi32, #tpu.memory_space<vmem>>
    %dma_start3A_41 = tpu.memref_squeeze %dma_start3A_40 : memref<1x128xi32, #tpu.memory_space<vmem>> -> memref<128xi32, #tpu.memory_space<vmem>>
    %dma_start3A_42 = arith.constant 0 : i32
    %dma_start3A_43 = arith.constant 0 : i32
    %dma_start3A_44 = tpu.memref_slice %arg2[%dma_start3A_42, %dma_start3A_43] : memref<10000x128xf32, #tpu.memory_space<hbm>> -> memref<10000x128xf32, #tpu.memory_space<hbm>>
    tpu.enqueue_indirect_dma source(%dma_start3A_44 : memref<10000x128xf32, #tpu.memory_space<hbm>>) target(%arg9 : memref<128x128xf32, #tpu.memory_space<vmem>>) offsets(%dma_start3A_41 : memref<128xi32, #tpu.memory_space<vmem>>) semaphore(%arg13 : memref<!tpu.dma_semaphore, #tpu.memory_space<semaphore_mem>>)
    %dma_start3A_45 = arith.constant 1 : i32
    %dma_start3A_46 = arith.constant 0 : i32
    %dma_start3A_47 = tpu.memref_slice %arg7[%dma_start3A_45, %dma_start3A_46] : memref<8x128xi32, #tpu.memory_space<vmem>> -> memref<1x128xi32, #tpu.memory_space<vmem>>
    %dma_start3A_48 = tpu.memref_squeeze %dma_start3A_47 : memref<1x128xi32, #tpu.memory_space<vmem>> -> memref<128xi32, #tpu.memory_space<vmem>>
    %dma_start3A_49 = arith.constant 0 : i32
    %dma_start3A_50 = arith.constant 0 : i32
    %dma_start3A_51 = tpu.memref_slice %arg2[%dma_start3A_49, %dma_start3A_50] : memref<10000x128xf32, #tpu.memory_space<hbm>> -> memref<10000x128xf32, #tpu.memory_space<hbm>>
    tpu.enqueue_indirect_dma source(%dma_start3A_51 : memref<10000x128xf32, #tpu.memory_space<hbm>>) target(%arg10 : memref<128x128xf32, #tpu.memory_space<vmem>>) offsets(%dma_start3A_48 : memref<128xi32, #tpu.memory_space<vmem>>) semaphore(%arg14 : memref<!tpu.dma_semaphore, #tpu.memory_space<semaphore_mem>>)
    %dma_wait3A_52 = arith.constant 0 : i32
    %dma_wait3A_53 = arith.constant 0 : i32
    %dma_wait3A_54 = tpu.memref_slice %arg7[%dma_wait3A_52, %dma_wait3A_53] : memref<8x128xi32, #tpu.memory_space<vmem>> -> memref<1x128xi32, #tpu.memory_space<vmem>>
    %dma_wait3A_55 = tpu.memref_squeeze %dma_wait3A_54 : memref<1x128xi32, #tpu.memory_space<vmem>> -> memref<128xi32, #tpu.memory_space<vmem>>
    %dma_wait3A_56 = arith.constant 0 : i32
    %dma_wait3A_57 = arith.constant 0 : i32
    %dma_wait3A_58 = tpu.memref_slice %arg2[%dma_wait3A_56, %dma_wait3A_57] : memref<10000x128xf32, #tpu.memory_space<hbm>> -> memref<10000x128xf32, #tpu.memory_space<hbm>>
    tpu.wait_indirect_dma semaphore(%arg13 : memref<!tpu.dma_semaphore, #tpu.memory_space<semaphore_mem>>) src(%dma_wait3A_58 : memref<10000x128xf32, #tpu.memory_space<hbm>>) dst(%arg9 : memref<128x128xf32, #tpu.memory_space<vmem>>)
    %dma_start3A_59 = arith.constant 0 : i32
    %dma_start3A_60 = arith.constant 0 : i32
    %dma_start3A_61 = tpu.memref_slice %arg8[%dma_start3A_59, %dma_start3A_60] : memref<8x128xi32, #tpu.memory_space<vmem>> -> memref<1x128xi32, #tpu.memory_space<vmem>>
    %dma_start3A_62 = tpu.memref_squeeze %dma_start3A_61 : memref<1x128xi32, #tpu.memory_space<vmem>> -> memref<128xi32, #tpu.memory_space<vmem>>
    %dma_start3A_63 = arith.constant 0 : i32
    %dma_start3A_64 = arith.constant 0 : i32
    %dma_start3A_65 = tpu.memref_slice %arg17[%dma_start3A_63, %dma_start3A_64] : memref<10240x128xf32, #tpu.memory_space<vmem_shared>> -> memref<10240x128xf32, #tpu.memory_space<vmem_shared>>
    tpu.enqueue_indirect_dma source(%arg9 : memref<128x128xf32, #tpu.memory_space<vmem>>) target(%dma_start3A_65 : memref<10240x128xf32, #tpu.memory_space<vmem_shared>>) offsets(%dma_start3A_62 : memref<128xi32, #tpu.memory_space<vmem>>) semaphore(%arg15 : memref<!tpu.dma_semaphore, #tpu.memory_space<semaphore_mem>>) {add = true}
    %dma_wait3A_66 = arith.constant 0 : i32
    %dma_wait3A_67 = arith.constant 0 : i32
    %dma_wait3A_68 = tpu.memref_slice %arg8[%dma_wait3A_66, %dma_wait3A_67] : memref<8x128xi32, #tpu.memory_space<vmem>> -> memref<1x128xi32, #tpu.memory_space<vmem>>
    %dma_wait3A_69 = tpu.memref_squeeze %dma_wait3A_68 : memref<1x128xi32, #tpu.memory_space<vmem>> -> memref<128xi32, #tpu.memory_space<vmem>>
    %dma_wait3A_70 = arith.constant 0 : i32
    %dma_wait3A_71 = arith.constant 0 : i32
    %dma_wait3A_72 = tpu.memref_slice %arg17[%dma_wait3A_70, %dma_wait3A_71] : memref<10240x128xf32, #tpu.memory_space<vmem_shared>> -> memref<10240x128xf32, #tpu.memory_space<vmem_shared>>
    tpu.wait_indirect_dma semaphore(%arg15 : memref<!tpu.dma_semaphore, #tpu.memory_space<semaphore_mem>>) src(%arg9 : memref<128x128xf32, #tpu.memory_space<vmem>>) dst(%dma_wait3A_72 : memref<10240x128xf32, #tpu.memory_space<vmem_shared>>)
    %dma_start3A_73 = arith.constant 2 : i32
    %dma_start3A_74 = arith.constant 0 : i32
    %dma_start3A_75 = tpu.memref_slice %arg7[%dma_start3A_73, %dma_start3A_74] : memref<8x128xi32, #tpu.memory_space<vmem>> -> memref<1x128xi32, #tpu.memory_space<vmem>>
    %dma_start3A_76 = tpu.memref_squeeze %dma_start3A_75 : memref<1x128xi32, #tpu.memory_space<vmem>> -> memref<128xi32, #tpu.memory_space<vmem>>
    %dma_start3A_77 = arith.constant 0 : i32
    %dma_start3A_78 = arith.constant 0 : i32
    %dma_start3A_79 = tpu.memref_slice %arg2[%dma_start3A_77, %dma_start3A_78] : memref<10000x128xf32, #tpu.memory_space<hbm>> -> memref<10000x128xf32, #tpu.memory_space<hbm>>
    tpu.enqueue_indirect_dma source(%dma_start3A_79 : memref<10000x128xf32, #tpu.memory_space<hbm>>) target(%arg9 : memref<128x128xf32, #tpu.memory_space<vmem>>) offsets(%dma_start3A_76 : memref<128xi32, #tpu.memory_space<vmem>>) semaphore(%arg13 : memref<!tpu.dma_semaphore, #tpu.memory_space<semaphore_mem>>)
    %dma_wait3A_80 = arith.constant 1 : i32
    %dma_wait3A_81 = arith.constant 0 : i32
    %dma_wait3A_82 = tpu.memref_slice %arg7[%dma_wait3A_80, %dma_wait3A_81] : memref<8x128xi32, #tpu.memory_space<vmem>> -> memref<1x128xi32, #tpu.memory_space<vmem>>
    %dma_wait3A_83 = tpu.memref_squeeze %dma_wait3A_82 : memref<1x128xi32, #tpu.memory_space<vmem>> -> memref<128xi32, #tpu.memory_space<vmem>>
    %dma_wait3A_84 = arith.constant 0 : i32
    %dma_wait3A_85 = arith.constant 0 : i32
    %dma_wait3A_86 = tpu.memref_slice %arg2[%dma_wait3A_84, %dma_wait3A_85] : memref<10000x128xf32, #tpu.memory_space<hbm>> -> memref<10000x128xf32, #tpu.memory_space<hbm>>
    tpu.wait_indirect_dma semaphore(%arg14 : memref<!tpu.dma_semaphore, #tpu.memory_space<semaphore_mem>>) src(%dma_wait3A_86 : memref<10000x128xf32, #tpu.memory_space<hbm>>) dst(%arg10 : memref<128x128xf32, #tpu.memory_space<vmem>>)
    %dma_start3A_87 = arith.constant 1 : i32
    %dma_start3A_88 = arith.constant 0 : i32
    %dma_start3A_89 = tpu.memref_slice %arg8[%dma_start3A_87, %dma_start3A_88] : memref<8x128xi32, #tpu.memory_space<vmem>> -> memref<1x128xi32, #tpu.memory_space<vmem>>
    %dma_start3A_90 = tpu.memref_squeeze %dma_start3A_89 : memref<1x128xi32, #tpu.memory_space<vmem>> -> memref<128xi32, #tpu.memory_space<vmem>>
    %dma_start3A_91 = arith.constant 0 : i32
    %dma_start3A_92 = arith.constant 0 : i32
    %dma_start3A_93 = tpu.memref_slice %arg17[%dma_start3A_91, %dma_start3A_92] : memref<10240x128xf32, #tpu.memory_space<vmem_shared>> -> memref<10240x128xf32, #tpu.memory_space<vmem_shared>>
    tpu.enqueue_indirect_dma source(%arg10 : memref<128x128xf32, #tpu.memory_space<vmem>>) target(%dma_start3A_93 : memref<10240x128xf32, #tpu.memory_space<vmem_shared>>) offsets(%dma_start3A_90 : memref<128xi32, #tpu.memory_space<vmem>>) semaphore(%arg16 : memref<!tpu.dma_semaphore, #tpu.memory_space<semaphore_mem>>) {add = true}
    %dma_wait3A_94 = arith.constant 1 : i32
    %dma_wait3A_95 = arith.constant 0 : i32
    %dma_wait3A_96 = tpu.memref_slice %arg8[%dma_wait3A_94, %dma_wait3A_95] : memref<8x128xi32, #tpu.memory_space<vmem>> -> memref<1x128xi32, #tpu.memory_space<vmem>>
    %dma_wait3A_97 = tpu.memref_squeeze %dma_wait3A_96 : memref<1x128xi32, #tpu.memory_space<vmem>> -> memref<128xi32, #tpu.memory_space<vmem>>
    %dma_wait3A_98 = arith.constant 0 : i32
    %dma_wait3A_99 = arith.constant 0 : i32
    %dma_wait3A_100 = tpu.memref_slice %arg17[%dma_wait3A_98, %dma_wait3A_99] : memref<10240x128xf32, #tpu.memory_space<vmem_shared>> -> memref<10240x128xf32, #tpu.memory_space<vmem_shared>>
    tpu.wait_indirect_dma semaphore(%arg16 : memref<!tpu.dma_semaphore, #tpu.memory_space<semaphore_mem>>) src(%arg10 : memref<128x128xf32, #tpu.memory_space<vmem>>) dst(%dma_wait3A_100 : memref<10240x128xf32, #tpu.memory_space<vmem_shared>>)
    %dma_start3A_101 = arith.constant 3 : i32
    %dma_start3A_102 = arith.constant 0 : i32
    %dma_start3A_103 = tpu.memref_slice %arg7[%dma_start3A_101, %dma_start3A_102] : memref<8x128xi32, #tpu.memory_space<vmem>> -> memref<1x128xi32, #tpu.memory_space<vmem>>
    %dma_start3A_104 = tpu.memref_squeeze %dma_start3A_103 : memref<1x128xi32, #tpu.memory_space<vmem>> -> memref<128xi32, #tpu.memory_space<vmem>>
    %dma_start3A_105 = arith.constant 0 : i32
    %dma_start3A_106 = arith.constant 0 : i32
    %dma_start3A_107 = tpu.memref_slice %arg2[%dma_start3A_105, %dma_start3A_106] : memref<10000x128xf32, #tpu.memory_space<hbm>> -> memref<10000x128xf32, #tpu.memory_space<hbm>>
    tpu.enqueue_indirect_dma source(%dma_start3A_107 : memref<10000x128xf32, #tpu.memory_space<hbm>>) target(%arg10 : memref<128x128xf32, #tpu.memory_space<vmem>>) offsets(%dma_start3A_104 : memref<128xi32, #tpu.memory_space<vmem>>) semaphore(%arg14 : memref<!tpu.dma_semaphore, #tpu.memory_space<semaphore_mem>>)
    %dma_wait3A_108 = arith.constant 2 : i32
    %dma_wait3A_109 = arith.constant 0 : i32
    %dma_wait3A_110 = tpu.memref_slice %arg7[%dma_wait3A_108, %dma_wait3A_109] : memref<8x128xi32, #tpu.memory_space<vmem>> -> memref<1x128xi32, #tpu.memory_space<vmem>>
    %dma_wait3A_111 = tpu.memref_squeeze %dma_wait3A_110 : memref<1x128xi32, #tpu.memory_space<vmem>> -> memref<128xi32, #tpu.memory_space<vmem>>
    %dma_wait3A_112 = arith.constant 0 : i32
    %dma_wait3A_113 = arith.constant 0 : i32
    %dma_wait3A_114 = tpu.memref_slice %arg2[%dma_wait3A_112, %dma_wait3A_113] : memref<10000x128xf32, #tpu.memory_space<hbm>> -> memref<10000x128xf32, #tpu.memory_space<hbm>>
    tpu.wait_indirect_dma semaphore(%arg13 : memref<!tpu.dma_semaphore, #tpu.memory_space<semaphore_mem>>) src(%dma_wait3A_114 : memref<10000x128xf32, #tpu.memory_space<hbm>>) dst(%arg9 : memref<128x128xf32, #tpu.memory_space<vmem>>)
    %dma_start3A_115 = arith.constant 2 : i32
    %dma_start3A_116 = arith.constant 0 : i32
    %dma_start3A_117 = tpu.memref_slice %arg8[%dma_start3A_115, %dma_start3A_116] : memref<8x128xi32, #tpu.memory_space<vmem>> -> memref<1x128xi32, #tpu.memory_space<vmem>>
    %dma_start3A_118 = tpu.memref_squeeze %dma_start3A_117 : memref<1x128xi32, #tpu.memory_space<vmem>> -> memref<128xi32, #tpu.memory_space<vmem>>
    %dma_start3A_119 = arith.constant 0 : i32
    %dma_start3A_120 = arith.constant 0 : i32
    %dma_start3A_121 = tpu.memref_slice %arg17[%dma_start3A_119, %dma_start3A_120] : memref<10240x128xf32, #tpu.memory_space<vmem_shared>> -> memref<10240x128xf32, #tpu.memory_space<vmem_shared>>
    tpu.enqueue_indirect_dma source(%arg9 : memref<128x128xf32, #tpu.memory_space<vmem>>) target(%dma_start3A_121 : memref<10240x128xf32, #tpu.memory_space<vmem_shared>>) offsets(%dma_start3A_118 : memref<128xi32, #tpu.memory_space<vmem>>) semaphore(%arg15 : memref<!tpu.dma_semaphore, #tpu.memory_space<semaphore_mem>>) {add = true}
    %dma_wait3A_122 = arith.constant 2 : i32
    %dma_wait3A_123 = arith.constant 0 : i32
    %dma_wait3A_124 = tpu.memref_slice %arg8[%dma_wait3A_122, %dma_wait3A_123] : memref<8x128xi32, #tpu.memory_space<vmem>> -> memref<1x128xi32, #tpu.memory_space<vmem>>
    %dma_wait3A_125 = tpu.memref_squeeze %dma_wait3A_124 : memref<1x128xi32, #tpu.memory_space<vmem>> -> memref<128xi32, #tpu.memory_space<vmem>>
    %dma_wait3A_126 = arith.constant 0 : i32
    %dma_wait3A_127 = arith.constant 0 : i32
    %dma_wait3A_128 = tpu.memref_slice %arg17[%dma_wait3A_126, %dma_wait3A_127] : memref<10240x128xf32, #tpu.memory_space<vmem_shared>> -> memref<10240x128xf32, #tpu.memory_space<vmem_shared>>
    tpu.wait_indirect_dma semaphore(%arg15 : memref<!tpu.dma_semaphore, #tpu.memory_space<semaphore_mem>>) src(%arg9 : memref<128x128xf32, #tpu.memory_space<vmem>>) dst(%dma_wait3A_128 : memref<10240x128xf32, #tpu.memory_space<vmem_shared>>)
    %dma_start3A_129 = arith.constant 4 : i32
    %dma_start3A_130 = arith.constant 0 : i32
    %dma_start3A_131 = tpu.memref_slice %arg7[%dma_start3A_129, %dma_start3A_130] : memref<8x128xi32, #tpu.memory_space<vmem>> -> memref<1x128xi32, #tpu.memory_space<vmem>>
    %dma_start3A_132 = tpu.memref_squeeze %dma_start3A_131 : memref<1x128xi32, #tpu.memory_space<vmem>> -> memref<128xi32, #tpu.memory_space<vmem>>
    %dma_start3A_133 = arith.constant 0 : i32
    %dma_start3A_134 = arith.constant 0 : i32
    %dma_start3A_135 = tpu.memref_slice %arg2[%dma_start3A_133, %dma_start3A_134] : memref<10000x128xf32, #tpu.memory_space<hbm>> -> memref<10000x128xf32, #tpu.memory_space<hbm>>
    tpu.enqueue_indirect_dma source(%dma_start3A_135 : memref<10000x128xf32, #tpu.memory_space<hbm>>) target(%arg9 : memref<128x128xf32, #tpu.memory_space<vmem>>) offsets(%dma_start3A_132 : memref<128xi32, #tpu.memory_space<vmem>>) semaphore(%arg13 : memref<!tpu.dma_semaphore, #tpu.memory_space<semaphore_mem>>)
    %dma_wait3A_136 = arith.constant 3 : i32
    %dma_wait3A_137 = arith.constant 0 : i32
    %dma_wait3A_138 = tpu.memref_slice %arg7[%dma_wait3A_136, %dma_wait3A_137] : memref<8x128xi32, #tpu.memory_space<vmem>> -> memref<1x128xi32, #tpu.memory_space<vmem>>
    %dma_wait3A_139 = tpu.memref_squeeze %dma_wait3A_138 : memref<1x128xi32, #tpu.memory_space<vmem>> -> memref<128xi32, #tpu.memory_space<vmem>>
    %dma_wait3A_140 = arith.constant 0 : i32
    %dma_wait3A_141 = arith.constant 0 : i32
    %dma_wait3A_142 = tpu.memref_slice %arg2[%dma_wait3A_140, %dma_wait3A_141] : memref<10000x128xf32, #tpu.memory_space<hbm>> -> memref<10000x128xf32, #tpu.memory_space<hbm>>
    tpu.wait_indirect_dma semaphore(%arg14 : memref<!tpu.dma_semaphore, #tpu.memory_space<semaphore_mem>>) src(%dma_wait3A_142 : memref<10000x128xf32, #tpu.memory_space<hbm>>) dst(%arg10 : memref<128x128xf32, #tpu.memory_space<vmem>>)
    %dma_start3A_143 = arith.constant 3 : i32
    %dma_start3A_144 = arith.constant 0 : i32
    %dma_start3A_145 = tpu.memref_slice %arg8[%dma_start3A_143, %dma_start3A_144] : memref<8x128xi32, #tpu.memory_space<vmem>> -> memref<1x128xi32, #tpu.memory_space<vmem>>
    %dma_start3A_146 = tpu.memref_squeeze %dma_start3A_145 : memref<1x128xi32, #tpu.memory_space<vmem>> -> memref<128xi32, #tpu.memory_space<vmem>>
    %dma_start3A_147 = arith.constant 0 : i32
    %dma_start3A_148 = arith.constant 0 : i32
    %dma_start3A_149 = tpu.memref_slice %arg17[%dma_start3A_147, %dma_start3A_148] : memref<10240x128xf32, #tpu.memory_space<vmem_shared>> -> memref<10240x128xf32, #tpu.memory_space<vmem_shared>>
    tpu.enqueue_indirect_dma source(%arg10 : memref<128x128xf32, #tpu.memory_space<vmem>>) target(%dma_start3A_149 : memref<10240x128xf32, #tpu.memory_space<vmem_shared>>) offsets(%dma_start3A_146 : memref<128xi32, #tpu.memory_space<vmem>>) semaphore(%arg16 : memref<!tpu.dma_semaphore, #tpu.memory_space<semaphore_mem>>) {add = true}
    %dma_wait3A_150 = arith.constant 3 : i32
    %dma_wait3A_151 = arith.constant 0 : i32
    %dma_wait3A_152 = tpu.memref_slice %arg8[%dma_wait3A_150, %dma_wait3A_151] : memref<8x128xi32, #tpu.memory_space<vmem>> -> memref<1x128xi32, #tpu.memory_space<vmem>>
    %dma_wait3A_153 = tpu.memref_squeeze %dma_wait3A_152 : memref<1x128xi32, #tpu.memory_space<vmem>> -> memref<128xi32, #tpu.memory_space<vmem>>
    %dma_wait3A_154 = arith.constant 0 : i32
    %dma_wait3A_155 = arith.constant 0 : i32
    %dma_wait3A_156 = tpu.memref_slice %arg17[%dma_wait3A_154, %dma_wait3A_155] : memref<10240x128xf32, #tpu.memory_space<vmem_shared>> -> memref<10240x128xf32, #tpu.memory_space<vmem_shared>>
    tpu.wait_indirect_dma semaphore(%arg16 : memref<!tpu.dma_semaphore, #tpu.memory_space<semaphore_mem>>) src(%arg10 : memref<128x128xf32, #tpu.memory_space<vmem>>) dst(%dma_wait3A_156 : memref<10240x128xf32, #tpu.memory_space<vmem_shared>>)
    %dma_start3A_157 = arith.constant 5 : i32
    %dma_start3A_158 = arith.constant 0 : i32
    %dma_start3A_159 = tpu.memref_slice %arg7[%dma_start3A_157, %dma_start3A_158] : memref<8x128xi32, #tpu.memory_space<vmem>> -> memref<1x128xi32, #tpu.memory_space<vmem>>
    %dma_start3A_160 = tpu.memref_squeeze %dma_start3A_159 : memref<1x128xi32, #tpu.memory_space<vmem>> -> memref<128xi32, #tpu.memory_space<vmem>>
    %dma_start3A_161 = arith.constant 0 : i32
    %dma_start3A_162 = arith.constant 0 : i32
    %dma_start3A_163 = tpu.memref_slice %arg2[%dma_start3A_161, %dma_start3A_162] : memref<10000x128xf32, #tpu.memory_space<hbm>> -> memref<10000x128xf32, #tpu.memory_space<hbm>>
    tpu.enqueue_indirect_dma source(%dma_start3A_163 : memref<10000x128xf32, #tpu.memory_space<hbm>>) target(%arg10 : memref<128x128xf32, #tpu.memory_space<vmem>>) offsets(%dma_start3A_160 : memref<128xi32, #tpu.memory_space<vmem>>) semaphore(%arg14 : memref<!tpu.dma_semaphore, #tpu.memory_space<semaphore_mem>>)
    %dma_wait3A_164 = arith.constant 4 : i32
    %dma_wait3A_165 = arith.constant 0 : i32
    %dma_wait3A_166 = tpu.memref_slice %arg7[%dma_wait3A_164, %dma_wait3A_165] : memref<8x128xi32, #tpu.memory_space<vmem>> -> memref<1x128xi32, #tpu.memory_space<vmem>>
    %dma_wait3A_167 = tpu.memref_squeeze %dma_wait3A_166 : memref<1x128xi32, #tpu.memory_space<vmem>> -> memref<128xi32, #tpu.memory_space<vmem>>
    %dma_wait3A_168 = arith.constant 0 : i32
    %dma_wait3A_169 = arith.constant 0 : i32
    %dma_wait3A_170 = tpu.memref_slice %arg2[%dma_wait3A_168, %dma_wait3A_169] : memref<10000x128xf32, #tpu.memory_space<hbm>> -> memref<10000x128xf32, #tpu.memory_space<hbm>>
    tpu.wait_indirect_dma semaphore(%arg13 : memref<!tpu.dma_semaphore, #tpu.memory_space<semaphore_mem>>) src(%dma_wait3A_170 : memref<10000x128xf32, #tpu.memory_space<hbm>>) dst(%arg9 : memref<128x128xf32, #tpu.memory_space<vmem>>)
    %dma_start3A_171 = arith.constant 4 : i32
    %dma_start3A_172 = arith.constant 0 : i32
    %dma_start3A_173 = tpu.memref_slice %arg8[%dma_start3A_171, %dma_start3A_172] : memref<8x128xi32, #tpu.memory_space<vmem>> -> memref<1x128xi32, #tpu.memory_space<vmem>>
    %dma_start3A_174 = tpu.memref_squeeze %dma_start3A_173 : memref<1x128xi32, #tpu.memory_space<vmem>> -> memref<128xi32, #tpu.memory_space<vmem>>
    %dma_start3A_175 = arith.constant 0 : i32
    %dma_start3A_176 = arith.constant 0 : i32
    %dma_start3A_177 = tpu.memref_slice %arg17[%dma_start3A_175, %dma_start3A_176] : memref<10240x128xf32, #tpu.memory_space<vmem_shared>> -> memref<10240x128xf32, #tpu.memory_space<vmem_shared>>
    tpu.enqueue_indirect_dma source(%arg9 : memref<128x128xf32, #tpu.memory_space<vmem>>) target(%dma_start3A_177 : memref<10240x128xf32, #tpu.memory_space<vmem_shared>>) offsets(%dma_start3A_174 : memref<128xi32, #tpu.memory_space<vmem>>) semaphore(%arg15 : memref<!tpu.dma_semaphore, #tpu.memory_space<semaphore_mem>>) {add = true}
    %dma_wait3A_178 = arith.constant 4 : i32
    %dma_wait3A_179 = arith.constant 0 : i32
    %dma_wait3A_180 = tpu.memref_slice %arg8[%dma_wait3A_178, %dma_wait3A_179] : memref<8x128xi32, #tpu.memory_space<vmem>> -> memref<1x128xi32, #tpu.memory_space<vmem>>
    %dma_wait3A_181 = tpu.memref_squeeze %dma_wait3A_180 : memref<1x128xi32, #tpu.memory_space<vmem>> -> memref<128xi32, #tpu.memory_space<vmem>>
    %dma_wait3A_182 = arith.constant 0 : i32
    %dma_wait3A_183 = arith.constant 0 : i32
    %dma_wait3A_184 = tpu.memref_slice %arg17[%dma_wait3A_182, %dma_wait3A_183] : memref<10240x128xf32, #tpu.memory_space<vmem_shared>> -> memref<10240x128xf32, #tpu.memory_space<vmem_shared>>
    tpu.wait_indirect_dma semaphore(%arg15 : memref<!tpu.dma_semaphore, #tpu.memory_space<semaphore_mem>>) src(%arg9 : memref<128x128xf32, #tpu.memory_space<vmem>>) dst(%dma_wait3A_184 : memref<10240x128xf32, #tpu.memory_space<vmem_shared>>)
    %dma_start3A_185 = arith.constant 6 : i32
    %dma_start3A_186 = arith.constant 0 : i32
    %dma_start3A_187 = tpu.memref_slice %arg7[%dma_start3A_185, %dma_start3A_186] : memref<8x128xi32, #tpu.memory_space<vmem>> -> memref<1x128xi32, #tpu.memory_space<vmem>>
    %dma_start3A_188 = tpu.memref_squeeze %dma_start3A_187 : memref<1x128xi32, #tpu.memory_space<vmem>> -> memref<128xi32, #tpu.memory_space<vmem>>
    %dma_start3A_189 = arith.constant 0 : i32
    %dma_start3A_190 = arith.constant 0 : i32
    %dma_start3A_191 = tpu.memref_slice %arg2[%dma_start3A_189, %dma_start3A_190] : memref<10000x128xf32, #tpu.memory_space<hbm>> -> memref<10000x128xf32, #tpu.memory_space<hbm>>
    tpu.enqueue_indirect_dma source(%dma_start3A_191 : memref<10000x128xf32, #tpu.memory_space<hbm>>) target(%arg9 : memref<128x128xf32, #tpu.memory_space<vmem>>) offsets(%dma_start3A_188 : memref<128xi32, #tpu.memory_space<vmem>>) semaphore(%arg13 : memref<!tpu.dma_semaphore, #tpu.memory_space<semaphore_mem>>)
    %dma_wait3A_192 = arith.constant 5 : i32
    %dma_wait3A_193 = arith.constant 0 : i32
    %dma_wait3A_194 = tpu.memref_slice %arg7[%dma_wait3A_192, %dma_wait3A_193] : memref<8x128xi32, #tpu.memory_space<vmem>> -> memref<1x128xi32, #tpu.memory_space<vmem>>
    %dma_wait3A_195 = tpu.memref_squeeze %dma_wait3A_194 : memref<1x128xi32, #tpu.memory_space<vmem>> -> memref<128xi32, #tpu.memory_space<vmem>>
    %dma_wait3A_196 = arith.constant 0 : i32
    %dma_wait3A_197 = arith.constant 0 : i32
    %dma_wait3A_198 = tpu.memref_slice %arg2[%dma_wait3A_196, %dma_wait3A_197] : memref<10000x128xf32, #tpu.memory_space<hbm>> -> memref<10000x128xf32, #tpu.memory_space<hbm>>
    tpu.wait_indirect_dma semaphore(%arg14 : memref<!tpu.dma_semaphore, #tpu.memory_space<semaphore_mem>>) src(%dma_wait3A_198 : memref<10000x128xf32, #tpu.memory_space<hbm>>) dst(%arg10 : memref<128x128xf32, #tpu.memory_space<vmem>>)
    %dma_start3A_199 = arith.constant 5 : i32
    %dma_start3A_200 = arith.constant 0 : i32
    %dma_start3A_201 = tpu.memref_slice %arg8[%dma_start3A_199, %dma_start3A_200] : memref<8x128xi32, #tpu.memory_space<vmem>> -> memref<1x128xi32, #tpu.memory_space<vmem>>
    %dma_start3A_202 = tpu.memref_squeeze %dma_start3A_201 : memref<1x128xi32, #tpu.memory_space<vmem>> -> memref<128xi32, #tpu.memory_space<vmem>>
    %dma_start3A_203 = arith.constant 0 : i32
    %dma_start3A_204 = arith.constant 0 : i32
    %dma_start3A_205 = tpu.memref_slice %arg17[%dma_start3A_203, %dma_start3A_204] : memref<10240x128xf32, #tpu.memory_space<vmem_shared>> -> memref<10240x128xf32, #tpu.memory_space<vmem_shared>>
    tpu.enqueue_indirect_dma source(%arg10 : memref<128x128xf32, #tpu.memory_space<vmem>>) target(%dma_start3A_205 : memref<10240x128xf32, #tpu.memory_space<vmem_shared>>) offsets(%dma_start3A_202 : memref<128xi32, #tpu.memory_space<vmem>>) semaphore(%arg16 : memref<!tpu.dma_semaphore, #tpu.memory_space<semaphore_mem>>) {add = true}
    %dma_wait3A_206 = arith.constant 5 : i32
    %dma_wait3A_207 = arith.constant 0 : i32
    %dma_wait3A_208 = tpu.memref_slice %arg8[%dma_wait3A_206, %dma_wait3A_207] : memref<8x128xi32, #tpu.memory_space<vmem>> -> memref<1x128xi32, #tpu.memory_space<vmem>>
    %dma_wait3A_209 = tpu.memref_squeeze %dma_wait3A_208 : memref<1x128xi32, #tpu.memory_space<vmem>> -> memref<128xi32, #tpu.memory_space<vmem>>
    %dma_wait3A_210 = arith.constant 0 : i32
    %dma_wait3A_211 = arith.constant 0 : i32
    %dma_wait3A_212 = tpu.memref_slice %arg17[%dma_wait3A_210, %dma_wait3A_211] : memref<10240x128xf32, #tpu.memory_space<vmem_shared>> -> memref<10240x128xf32, #tpu.memory_space<vmem_shared>>
    tpu.wait_indirect_dma semaphore(%arg16 : memref<!tpu.dma_semaphore, #tpu.memory_space<semaphore_mem>>) src(%arg10 : memref<128x128xf32, #tpu.memory_space<vmem>>) dst(%dma_wait3A_212 : memref<10240x128xf32, #tpu.memory_space<vmem_shared>>)
    %dma_start3A_213 = arith.constant 7 : i32
    %dma_start3A_214 = arith.constant 0 : i32
    %dma_start3A_215 = tpu.memref_slice %arg7[%dma_start3A_213, %dma_start3A_214] : memref<8x128xi32, #tpu.memory_space<vmem>> -> memref<1x128xi32, #tpu.memory_space<vmem>>
    %dma_start3A_216 = tpu.memref_squeeze %dma_start3A_215 : memref<1x128xi32, #tpu.memory_space<vmem>> -> memref<128xi32, #tpu.memory_space<vmem>>
    %dma_start3A_217 = arith.constant 0 : i32
    %dma_start3A_218 = arith.constant 0 : i32
    %dma_start3A_219 = tpu.memref_slice %arg2[%dma_start3A_217, %dma_start3A_218] : memref<10000x128xf32, #tpu.memory_space<hbm>> -> memref<10000x128xf32, #tpu.memory_space<hbm>>
    tpu.enqueue_indirect_dma source(%dma_start3A_219 : memref<10000x128xf32, #tpu.memory_space<hbm>>) target(%arg10 : memref<128x128xf32, #tpu.memory_space<vmem>>) offsets(%dma_start3A_216 : memref<128xi32, #tpu.memory_space<vmem>>) semaphore(%arg14 : memref<!tpu.dma_semaphore, #tpu.memory_space<semaphore_mem>>)
    %dma_wait3A_220 = arith.constant 6 : i32
    %dma_wait3A_221 = arith.constant 0 : i32
    %dma_wait3A_222 = tpu.memref_slice %arg7[%dma_wait3A_220, %dma_wait3A_221] : memref<8x128xi32, #tpu.memory_space<vmem>> -> memref<1x128xi32, #tpu.memory_space<vmem>>
    %dma_wait3A_223 = tpu.memref_squeeze %dma_wait3A_222 : memref<1x128xi32, #tpu.memory_space<vmem>> -> memref<128xi32, #tpu.memory_space<vmem>>
    %dma_wait3A_224 = arith.constant 0 : i32
    %dma_wait3A_225 = arith.constant 0 : i32
    %dma_wait3A_226 = tpu.memref_slice %arg2[%dma_wait3A_224, %dma_wait3A_225] : memref<10000x128xf32, #tpu.memory_space<hbm>> -> memref<10000x128xf32, #tpu.memory_space<hbm>>
    tpu.wait_indirect_dma semaphore(%arg13 : memref<!tpu.dma_semaphore, #tpu.memory_space<semaphore_mem>>) src(%dma_wait3A_226 : memref<10000x128xf32, #tpu.memory_space<hbm>>) dst(%arg9 : memref<128x128xf32, #tpu.memory_space<vmem>>)
    %dma_start3A_227 = arith.constant 6 : i32
    %dma_start3A_228 = arith.constant 0 : i32
    %dma_start3A_229 = tpu.memref_slice %arg8[%dma_start3A_227, %dma_start3A_228] : memref<8x128xi32, #tpu.memory_space<vmem>> -> memref<1x128xi32, #tpu.memory_space<vmem>>
    %dma_start3A_230 = tpu.memref_squeeze %dma_start3A_229 : memref<1x128xi32, #tpu.memory_space<vmem>> -> memref<128xi32, #tpu.memory_space<vmem>>
    %dma_start3A_231 = arith.constant 0 : i32
    %dma_start3A_232 = arith.constant 0 : i32
    %dma_start3A_233 = tpu.memref_slice %arg17[%dma_start3A_231, %dma_start3A_232] : memref<10240x128xf32, #tpu.memory_space<vmem_shared>> -> memref<10240x128xf32, #tpu.memory_space<vmem_shared>>
    tpu.enqueue_indirect_dma source(%arg9 : memref<128x128xf32, #tpu.memory_space<vmem>>) target(%dma_start3A_233 : memref<10240x128xf32, #tpu.memory_space<vmem_shared>>) offsets(%dma_start3A_230 : memref<128xi32, #tpu.memory_space<vmem>>) semaphore(%arg15 : memref<!tpu.dma_semaphore, #tpu.memory_space<semaphore_mem>>) {add = true}
    %dma_wait3A_234 = arith.constant 7 : i32
    %dma_wait3A_235 = arith.constant 0 : i32
    %dma_wait3A_236 = tpu.memref_slice %arg7[%dma_wait3A_234, %dma_wait3A_235] : memref<8x128xi32, #tpu.memory_space<vmem>> -> memref<1x128xi32, #tpu.memory_space<vmem>>
    %dma_wait3A_237 = tpu.memref_squeeze %dma_wait3A_236 : memref<1x128xi32, #tpu.memory_space<vmem>> -> memref<128xi32, #tpu.memory_space<vmem>>
    %dma_wait3A_238 = arith.constant 0 : i32
    %dma_wait3A_239 = arith.constant 0 : i32
    %dma_wait3A_240 = tpu.memref_slice %arg2[%dma_wait3A_238, %dma_wait3A_239] : memref<10000x128xf32, #tpu.memory_space<hbm>> -> memref<10000x128xf32, #tpu.memory_space<hbm>>
    tpu.wait_indirect_dma semaphore(%arg14 : memref<!tpu.dma_semaphore, #tpu.memory_space<semaphore_mem>>) src(%dma_wait3A_240 : memref<10000x128xf32, #tpu.memory_space<hbm>>) dst(%arg10 : memref<128x128xf32, #tpu.memory_space<vmem>>)
    %dma_start3A_241 = arith.constant 7 : i32
    %dma_start3A_242 = arith.constant 0 : i32
    %dma_start3A_243 = tpu.memref_slice %arg8[%dma_start3A_241, %dma_start3A_242] : memref<8x128xi32, #tpu.memory_space<vmem>> -> memref<1x128xi32, #tpu.memory_space<vmem>>
    %dma_start3A_244 = tpu.memref_squeeze %dma_start3A_243 : memref<1x128xi32, #tpu.memory_space<vmem>> -> memref<128xi32, #tpu.memory_space<vmem>>
    %dma_start3A_245 = arith.constant 0 : i32
    %dma_start3A_246 = arith.constant 0 : i32
    %dma_start3A_247 = tpu.memref_slice %arg17[%dma_start3A_245, %dma_start3A_246] : memref<10240x128xf32, #tpu.memory_space<vmem_shared>> -> memref<10240x128xf32, #tpu.memory_space<vmem_shared>>
    tpu.enqueue_indirect_dma source(%arg10 : memref<128x128xf32, #tpu.memory_space<vmem>>) target(%dma_start3A_247 : memref<10240x128xf32, #tpu.memory_space<vmem_shared>>) offsets(%dma_start3A_244 : memref<128xi32, #tpu.memory_space<vmem>>) semaphore(%arg16 : memref<!tpu.dma_semaphore, #tpu.memory_space<semaphore_mem>>) {add = true}
    %dma_wait3A_248 = arith.constant 6 : i32
    %dma_wait3A_249 = arith.constant 0 : i32
    %dma_wait3A_250 = tpu.memref_slice %arg8[%dma_wait3A_248, %dma_wait3A_249] : memref<8x128xi32, #tpu.memory_space<vmem>> -> memref<1x128xi32, #tpu.memory_space<vmem>>
    %dma_wait3A_251 = tpu.memref_squeeze %dma_wait3A_250 : memref<1x128xi32, #tpu.memory_space<vmem>> -> memref<128xi32, #tpu.memory_space<vmem>>
    %dma_wait3A_252 = arith.constant 0 : i32
    %dma_wait3A_253 = arith.constant 0 : i32
    %dma_wait3A_254 = tpu.memref_slice %arg17[%dma_wait3A_252, %dma_wait3A_253] : memref<10240x128xf32, #tpu.memory_space<vmem_shared>> -> memref<10240x128xf32, #tpu.memory_space<vmem_shared>>
    tpu.wait_indirect_dma semaphore(%arg15 : memref<!tpu.dma_semaphore, #tpu.memory_space<semaphore_mem>>) src(%arg9 : memref<128x128xf32, #tpu.memory_space<vmem>>) dst(%dma_wait3A_254 : memref<10240x128xf32, #tpu.memory_space<vmem_shared>>)
    %dma_wait3A_255 = arith.constant 7 : i32
    %dma_wait3A_256 = arith.constant 0 : i32
    %dma_wait3A_257 = tpu.memref_slice %arg8[%dma_wait3A_255, %dma_wait3A_256] : memref<8x128xi32, #tpu.memory_space<vmem>> -> memref<1x128xi32, #tpu.memory_space<vmem>>
    %dma_wait3A_258 = tpu.memref_squeeze %dma_wait3A_257 : memref<1x128xi32, #tpu.memory_space<vmem>> -> memref<128xi32, #tpu.memory_space<vmem>>
    %dma_wait3A_259 = arith.constant 0 : i32
    %dma_wait3A_260 = arith.constant 0 : i32
    %dma_wait3A_261 = tpu.memref_slice %arg17[%dma_wait3A_259, %dma_wait3A_260] : memref<10240x128xf32, #tpu.memory_space<vmem_shared>> -> memref<10240x128xf32, #tpu.memory_space<vmem_shared>>
    tpu.wait_indirect_dma semaphore(%arg16 : memref<!tpu.dma_semaphore, #tpu.memory_space<semaphore_mem>>) src(%arg10 : memref<128x128xf32, #tpu.memory_space<vmem>>) dst(%dma_wait3A_261 : memref<10240x128xf32, #tpu.memory_space<vmem_shared>>)
    %barrier3A_262 = arith.constant 0 : index
    tpu.barrier barrier_id(%barrier3A_262)
    %add3A_263 = arith.constant 0 : i32
    %add3A_264 = arith.addi %mul3A_2, %add3A_263 : i32
    "tpu.region"() ({
      %run_scoped3A = tpu.sem_alloc : memref<!tpu.dma_semaphore, #tpu.memory_space<semaphore_mem>>
      %dma_start3A_273 = arith.constant 0 : i32
      %dma_start3A_274 = tpu.memref_slice %arg17[%add3A_264, %dma_start3A_273] : memref<10240x128xf32, #tpu.memory_space<vmem_shared>> -> memref<128x128xf32, #tpu.memory_space<vmem_shared>>
      %dma_start3A_275 = arith.constant 0 : i32
      %dma_start3A_276 = tpu.memref_slice %arg17[%add3A_264, %dma_start3A_275] : memref<10240x128xf32, #tpu.memory_space<vmem_shared>> -> memref<128x128xf32, #tpu.memory_space<vmem_shared>>
      tpu.enqueue_dma source(%dma_start3A_276 : memref<128x128xf32, #tpu.memory_space<vmem_shared>>) target(%arg9 : memref<128x128xf32, #tpu.memory_space<vmem>>) target_semaphore(%run_scoped3A : memref<!tpu.dma_semaphore, #tpu.memory_space<semaphore_mem>>)
      %dma_wait3A_277 = arith.constant 0 : i32
      %dma_wait3A_278 = tpu.memref_slice %arg17[%add3A_264, %dma_wait3A_277] : memref<10240x128xf32, #tpu.memory_space<vmem_shared>> -> memref<128x128xf32, #tpu.memory_space<vmem_shared>>
      %dma_wait3A_279 = arith.constant 0 : i32
      %dma_wait3A_280 = tpu.memref_slice %arg17[%add3A_264, %dma_wait3A_279] : memref<10240x128xf32, #tpu.memory_space<vmem_shared>> -> memref<128x128xf32, #tpu.memory_space<vmem_shared>>
      tpu.wait_dma2 semaphore(%run_scoped3A : memref<!tpu.dma_semaphore, #tpu.memory_space<semaphore_mem>>) src(%dma_wait3A_280 : memref<128x128xf32, #tpu.memory_space<vmem_shared>>) dst(%arg9 : memref<128x128xf32, #tpu.memory_space<vmem>>)
      tpu.yield
    }) : () -> ()
    "tpu.region"() ({
      %run_scoped3A = tpu.sem_alloc : memref<!tpu.dma_semaphore, #tpu.memory_space<semaphore_mem>>
      %dma_start3A_273 = arith.constant 0 : i32
      %dma_start3A_274 = tpu.memref_slice %arg6[%arg0, %add3A_264, %dma_start3A_273] : memref<2x10240x128xf32, #tpu.memory_space<hbm>> -> memref<1x128x128xf32, #tpu.memory_space<hbm>>
      %dma_start3A_275 = tpu.memref_squeeze %dma_start3A_274 : memref<1x128x128xf32, #tpu.memory_space<hbm>> -> memref<128x128xf32, #tpu.memory_space<hbm>>
      %dma_start3A_276 = arith.constant 0 : i32
      %dma_start3A_277 = tpu.memref_slice %arg6[%arg0, %add3A_264, %dma_start3A_276] : memref<2x10240x128xf32, #tpu.memory_space<hbm>> -> memref<1x128x128xf32, #tpu.memory_space<hbm>>
      %dma_start3A_278 = tpu.memref_squeeze %dma_start3A_277 : memref<1x128x128xf32, #tpu.memory_space<hbm>> -> memref<128x128xf32, #tpu.memory_space<hbm>>
      tpu.enqueue_dma source(%arg9 : memref<128x128xf32, #tpu.memory_space<vmem>>) target(%dma_start3A_278 : memref<128x128xf32, #tpu.memory_space<hbm>>) target_semaphore(%run_scoped3A : memref<!tpu.dma_semaphore, #tpu.memory_space<semaphore_mem>>)
      %dma_wait3A_279 = arith.constant 0 : i32
      %dma_wait3A_280 = tpu.memref_slice %arg6[%arg0, %add3A_264, %dma_wait3A_279] : memref<2x10240x128xf32, #tpu.memory_space<hbm>> -> memref<1x128x128xf32, #tpu.memory_space<hbm>>
      %dma_wait3A_281 = tpu.memref_squeeze %dma_wait3A_280 : memref<1x128x128xf32, #tpu.memory_space<hbm>> -> memref<128x128xf32, #tpu.memory_space<hbm>>
      %dma_wait3A_282 = arith.constant 0 : i32
      %dma_wait3A_283 = tpu.memref_slice %arg6[%arg0, %add3A_264, %dma_wait3A_282] : memref<2x10240x128xf32, #tpu.memory_space<hbm>> -> memref<1x128x128xf32, #tpu.memory_space<hbm>>
      %dma_wait3A_284 = tpu.memref_squeeze %dma_wait3A_283 : memref<1x128x128xf32, #tpu.memory_space<hbm>> -> memref<128x128xf32, #tpu.memory_space<hbm>>
      tpu.wait_dma2 semaphore(%run_scoped3A : memref<!tpu.dma_semaphore, #tpu.memory_space<semaphore_mem>>) src(%arg9 : memref<128x128xf32, #tpu.memory_space<vmem>>) dst(%dma_wait3A_284 : memref<128x128xf32, #tpu.memory_space<hbm>>)
      tpu.yield
    }) : () -> ()
    %add3A_265 = arith.constant 128 : i32
    %add3A_266 = arith.addi %mul3A_2, %add3A_265 : i32
    "tpu.region"() ({
      %run_scoped3A = tpu.sem_alloc : memref<!tpu.dma_semaphore, #tpu.memory_space<semaphore_mem>>
      %dma_start3A_273 = arith.constant 0 : i32
      %dma_start3A_274 = tpu.memref_slice %arg17[%add3A_266, %dma_start3A_273] : memref<10240x128xf32, #tpu.memory_space<vmem_shared>> -> memref<128x128xf32, #tpu.memory_space<vmem_shared>>
      %dma_start3A_275 = arith.constant 0 : i32
      %dma_start3A_276 = tpu.memref_slice %arg17[%add3A_266, %dma_start3A_275] : memref<10240x128xf32, #tpu.memory_space<vmem_shared>> -> memref<128x128xf32, #tpu.memory_space<vmem_shared>>
      tpu.enqueue_dma source(%dma_start3A_276 : memref<128x128xf32, #tpu.memory_space<vmem_shared>>) target(%arg9 : memref<128x128xf32, #tpu.memory_space<vmem>>) target_semaphore(%run_scoped3A : memref<!tpu.dma_semaphore, #tpu.memory_space<semaphore_mem>>)
      %dma_wait3A_277 = arith.constant 0 : i32
      %dma_wait3A_278 = tpu.memref_slice %arg17[%add3A_266, %dma_wait3A_277] : memref<10240x128xf32, #tpu.memory_space<vmem_shared>> -> memref<128x128xf32, #tpu.memory_space<vmem_shared>>
      %dma_wait3A_279 = arith.constant 0 : i32
      %dma_wait3A_280 = tpu.memref_slice %arg17[%add3A_266, %dma_wait3A_279] : memref<10240x128xf32, #tpu.memory_space<vmem_shared>> -> memref<128x128xf32, #tpu.memory_space<vmem_shared>>
      tpu.wait_dma2 semaphore(%run_scoped3A : memref<!tpu.dma_semaphore, #tpu.memory_space<semaphore_mem>>) src(%dma_wait3A_280 : memref<128x128xf32, #tpu.memory_space<vmem_shared>>) dst(%arg9 : memref<128x128xf32, #tpu.memory_space<vmem>>)
      tpu.yield
    }) : () -> ()
    "tpu.region"() ({
      %run_scoped3A = tpu.sem_alloc : memref<!tpu.dma_semaphore, #tpu.memory_space<semaphore_mem>>
      %dma_start3A_273 = arith.constant 0 : i32
      %dma_start3A_274 = tpu.memref_slice %arg6[%arg0, %add3A_266, %dma_start3A_273] : memref<2x10240x128xf32, #tpu.memory_space<hbm>> -> memref<1x128x128xf32, #tpu.memory_space<hbm>>
      %dma_start3A_275 = tpu.memref_squeeze %dma_start3A_274 : memref<1x128x128xf32, #tpu.memory_space<hbm>> -> memref<128x128xf32, #tpu.memory_space<hbm>>
      %dma_start3A_276 = arith.constant 0 : i32
      %dma_start3A_277 = tpu.memref_slice %arg6[%arg0, %add3A_266, %dma_start3A_276] : memref<2x10240x128xf32, #tpu.memory_space<hbm>> -> memref<1x128x128xf32, #tpu.memory_space<hbm>>
      %dma_start3A_278 = tpu.memref_squeeze %dma_start3A_277 : memref<1x128x128xf32, #tpu.memory_space<hbm>> -> memref<128x128xf32, #tpu.memory_space<hbm>>
      tpu.enqueue_dma source(%arg9 : memref<128x128xf32, #tpu.memory_space<vmem>>) target(%dma_start3A_278 : memref<128x128xf32, #tpu.memory_space<hbm>>) target_semaphore(%run_scoped3A : memref<!tpu.dma_semaphore, #tpu.memory_space<semaphore_mem>>)
      %dma_wait3A_279 = arith.constant 0 : i32
      %dma_wait3A_280 = tpu.memref_slice %arg6[%arg0, %add3A_266, %dma_wait3A_279] : memref<2x10240x128xf32, #tpu.memory_space<hbm>> -> memref<1x128x128xf32, #tpu.memory_space<hbm>>
      %dma_wait3A_281 = tpu.memref_squeeze %dma_wait3A_280 : memref<1x128x128xf32, #tpu.memory_space<hbm>> -> memref<128x128xf32, #tpu.memory_space<hbm>>
      %dma_wait3A_282 = arith.constant 0 : i32
      %dma_wait3A_283 = tpu.memref_slice %arg6[%arg0, %add3A_266, %dma_wait3A_282] : memref<2x10240x128xf32, #tpu.memory_space<hbm>> -> memref<1x128x128xf32, #tpu.memory_space<hbm>>
      %dma_wait3A_284 = tpu.memref_squeeze %dma_wait3A_283 : memref<1x128x128xf32, #tpu.memory_space<hbm>> -> memref<128x128xf32, #tpu.memory_space<hbm>>
      tpu.wait_dma2 semaphore(%run_scoped3A : memref<!tpu.dma_semaphore, #tpu.memory_space<semaphore_mem>>) src(%arg9 : memref<128x128xf32, #tpu.memory_space<vmem>>) dst(%dma_wait3A_284 : memref<128x128xf32, #tpu.memory_space<hbm>>)
      tpu.yield
    }) : () -> ()
    %add3A_267 = arith.constant 256 : i32
    %add3A_268 = arith.addi %mul3A_2, %add3A_267 : i32
    "tpu.region"() ({
      %run_scoped3A = tpu.sem_alloc : memref<!tpu.dma_semaphore, #tpu.memory_space<semaphore_mem>>
      %dma_start3A_273 = arith.constant 0 : i32
      %dma_start3A_274 = tpu.memref_slice %arg17[%add3A_268, %dma_start3A_273] : memref<10240x128xf32, #tpu.memory_space<vmem_shared>> -> memref<128x128xf32, #tpu.memory_space<vmem_shared>>
      %dma_start3A_275 = arith.constant 0 : i32
      %dma_start3A_276 = tpu.memref_slice %arg17[%add3A_268, %dma_start3A_275] : memref<10240x128xf32, #tpu.memory_space<vmem_shared>> -> memref<128x128xf32, #tpu.memory_space<vmem_shared>>
      tpu.enqueue_dma source(%dma_start3A_276 : memref<128x128xf32, #tpu.memory_space<vmem_shared>>) target(%arg9 : memref<128x128xf32, #tpu.memory_space<vmem>>) target_semaphore(%run_scoped3A : memref<!tpu.dma_semaphore, #tpu.memory_space<semaphore_mem>>)
      %dma_wait3A_277 = arith.constant 0 : i32
      %dma_wait3A_278 = tpu.memref_slice %arg17[%add3A_268, %dma_wait3A_277] : memref<10240x128xf32, #tpu.memory_space<vmem_shared>> -> memref<128x128xf32, #tpu.memory_space<vmem_shared>>
      %dma_wait3A_279 = arith.constant 0 : i32
      %dma_wait3A_280 = tpu.memref_slice %arg17[%add3A_268, %dma_wait3A_279] : memref<10240x128xf32, #tpu.memory_space<vmem_shared>> -> memref<128x128xf32, #tpu.memory_space<vmem_shared>>
      tpu.wait_dma2 semaphore(%run_scoped3A : memref<!tpu.dma_semaphore, #tpu.memory_space<semaphore_mem>>) src(%dma_wait3A_280 : memref<128x128xf32, #tpu.memory_space<vmem_shared>>) dst(%arg9 : memref<128x128xf32, #tpu.memory_space<vmem>>)
      tpu.yield
    }) : () -> ()
    "tpu.region"() ({
      %run_scoped3A = tpu.sem_alloc : memref<!tpu.dma_semaphore, #tpu.memory_space<semaphore_mem>>
      %dma_start3A_273 = arith.constant 0 : i32
      %dma_start3A_274 = tpu.memref_slice %arg6[%arg0, %add3A_268, %dma_start3A_273] : memref<2x10240x128xf32, #tpu.memory_space<hbm>> -> memref<1x128x128xf32, #tpu.memory_space<hbm>>
      %dma_start3A_275 = tpu.memref_squeeze %dma_start3A_274 : memref<1x128x128xf32, #tpu.memory_space<hbm>> -> memref<128x128xf32, #tpu.memory_space<hbm>>
      %dma_start3A_276 = arith.constant 0 : i32
      %dma_start3A_277 = tpu.memref_slice %arg6[%arg0, %add3A_268, %dma_start3A_276] : memref<2x10240x128xf32, #tpu.memory_space<hbm>> -> memref<1x128x128xf32, #tpu.memory_space<hbm>>
      %dma_start3A_278 = tpu.memref_squeeze %dma_start3A_277 : memref<1x128x128xf32, #tpu.memory_space<hbm>> -> memref<128x128xf32, #tpu.memory_space<hbm>>
      tpu.enqueue_dma source(%arg9 : memref<128x128xf32, #tpu.memory_space<vmem>>) target(%dma_start3A_278 : memref<128x128xf32, #tpu.memory_space<hbm>>) target_semaphore(%run_scoped3A : memref<!tpu.dma_semaphore, #tpu.memory_space<semaphore_mem>>)
      %dma_wait3A_279 = arith.constant 0 : i32
      %dma_wait3A_280 = tpu.memref_slice %arg6[%arg0, %add3A_268, %dma_wait3A_279] : memref<2x10240x128xf32, #tpu.memory_space<hbm>> -> memref<1x128x128xf32, #tpu.memory_space<hbm>>
      %dma_wait3A_281 = tpu.memref_squeeze %dma_wait3A_280 : memref<1x128x128xf32, #tpu.memory_space<hbm>> -> memref<128x128xf32, #tpu.memory_space<hbm>>
      %dma_wait3A_282 = arith.constant 0 : i32
      %dma_wait3A_283 = tpu.memref_slice %arg6[%arg0, %add3A_268, %dma_wait3A_282] : memref<2x10240x128xf32, #tpu.memory_space<hbm>> -> memref<1x128x128xf32, #tpu.memory_space<hbm>>
      %dma_wait3A_284 = tpu.memref_squeeze %dma_wait3A_283 : memref<1x128x128xf32, #tpu.memory_space<hbm>> -> memref<128x128xf32, #tpu.memory_space<hbm>>
      tpu.wait_dma2 semaphore(%run_scoped3A : memref<!tpu.dma_semaphore, #tpu.memory_space<semaphore_mem>>) src(%arg9 : memref<128x128xf32, #tpu.memory_space<vmem>>) dst(%dma_wait3A_284 : memref<128x128xf32, #tpu.memory_space<hbm>>)
      tpu.yield
    }) : () -> ()
    %add3A_269 = arith.constant 384 : i32
    %add3A_270 = arith.addi %mul3A_2, %add3A_269 : i32
    "tpu.region"() ({
      %run_scoped3A = tpu.sem_alloc : memref<!tpu.dma_semaphore, #tpu.memory_space<semaphore_mem>>
      %dma_start3A_273 = arith.constant 0 : i32
      %dma_start3A_274 = tpu.memref_slice %arg17[%add3A_270, %dma_start3A_273] : memref<10240x128xf32, #tpu.memory_space<vmem_shared>> -> memref<128x128xf32, #tpu.memory_space<vmem_shared>>
      %dma_start3A_275 = arith.constant 0 : i32
      %dma_start3A_276 = tpu.memref_slice %arg17[%add3A_270, %dma_start3A_275] : memref<10240x128xf32, #tpu.memory_space<vmem_shared>> -> memref<128x128xf32, #tpu.memory_space<vmem_shared>>
      tpu.enqueue_dma source(%dma_start3A_276 : memref<128x128xf32, #tpu.memory_space<vmem_shared>>) target(%arg9 : memref<128x128xf32, #tpu.memory_space<vmem>>) target_semaphore(%run_scoped3A : memref<!tpu.dma_semaphore, #tpu.memory_space<semaphore_mem>>)
      %dma_wait3A_277 = arith.constant 0 : i32
      %dma_wait3A_278 = tpu.memref_slice %arg17[%add3A_270, %dma_wait3A_277] : memref<10240x128xf32, #tpu.memory_space<vmem_shared>> -> memref<128x128xf32, #tpu.memory_space<vmem_shared>>
      %dma_wait3A_279 = arith.constant 0 : i32
      %dma_wait3A_280 = tpu.memref_slice %arg17[%add3A_270, %dma_wait3A_279] : memref<10240x128xf32, #tpu.memory_space<vmem_shared>> -> memref<128x128xf32, #tpu.memory_space<vmem_shared>>
      tpu.wait_dma2 semaphore(%run_scoped3A : memref<!tpu.dma_semaphore, #tpu.memory_space<semaphore_mem>>) src(%dma_wait3A_280 : memref<128x128xf32, #tpu.memory_space<vmem_shared>>) dst(%arg9 : memref<128x128xf32, #tpu.memory_space<vmem>>)
      tpu.yield
    }) : () -> ()
    "tpu.region"() ({
      %run_scoped3A = tpu.sem_alloc : memref<!tpu.dma_semaphore, #tpu.memory_space<semaphore_mem>>
      %dma_start3A_273 = arith.constant 0 : i32
      %dma_start3A_274 = tpu.memref_slice %arg6[%arg0, %add3A_270, %dma_start3A_273] : memref<2x10240x128xf32, #tpu.memory_space<hbm>> -> memref<1x128x128xf32, #tpu.memory_space<hbm>>
      %dma_start3A_275 = tpu.memref_squeeze %dma_start3A_274 : memref<1x128x128xf32, #tpu.memory_space<hbm>> -> memref<128x128xf32, #tpu.memory_space<hbm>>
      %dma_start3A_276 = arith.constant 0 : i32
      %dma_start3A_277 = tpu.memref_slice %arg6[%arg0, %add3A_270, %dma_start3A_276] : memref<2x10240x128xf32, #tpu.memory_space<hbm>> -> memref<1x128x128xf32, #tpu.memory_space<hbm>>
      %dma_start3A_278 = tpu.memref_squeeze %dma_start3A_277 : memref<1x128x128xf32, #tpu.memory_space<hbm>> -> memref<128x128xf32, #tpu.memory_space<hbm>>
      tpu.enqueue_dma source(%arg9 : memref<128x128xf32, #tpu.memory_space<vmem>>) target(%dma_start3A_278 : memref<128x128xf32, #tpu.memory_space<hbm>>) target_semaphore(%run_scoped3A : memref<!tpu.dma_semaphore, #tpu.memory_space<semaphore_mem>>)
      %dma_wait3A_279 = arith.constant 0 : i32
      %dma_wait3A_280 = tpu.memref_slice %arg6[%arg0, %add3A_270, %dma_wait3A_279] : memref<2x10240x128xf32, #tpu.memory_space<hbm>> -> memref<1x128x128xf32, #tpu.memory_space<hbm>>
      %dma_wait3A_281 = tpu.memref_squeeze %dma_wait3A_280 : memref<1x128x128xf32, #tpu.memory_space<hbm>> -> memref<128x128xf32, #tpu.memory_space<hbm>>
      %dma_wait3A_282 = arith.constant 0 : i32
      %dma_wait3A_283 = tpu.memref_slice %arg6[%arg0, %add3A_270, %dma_wait3A_282] : memref<2x10240x128xf32, #tpu.memory_space<hbm>> -> memref<1x128x128xf32, #tpu.memory_space<hbm>>
      %dma_wait3A_284 = tpu.memref_squeeze %dma_wait3A_283 : memref<1x128x128xf32, #tpu.memory_space<hbm>> -> memref<128x128xf32, #tpu.memory_space<hbm>>
      tpu.wait_dma2 semaphore(%run_scoped3A : memref<!tpu.dma_semaphore, #tpu.memory_space<semaphore_mem>>) src(%arg9 : memref<128x128xf32, #tpu.memory_space<vmem>>) dst(%dma_wait3A_284 : memref<128x128xf32, #tpu.memory_space<hbm>>)
      tpu.yield
    }) : () -> ()
    %add3A_271 = arith.constant 512 : i32
    %add3A_272 = arith.addi %mul3A_2, %add3A_271 : i32
    "tpu.region"() ({
      %run_scoped3A = tpu.sem_alloc : memref<!tpu.dma_semaphore, #tpu.memory_space<semaphore_mem>>
      %dma_start3A_273 = arith.constant 0 : i32
      %dma_start3A_274 = tpu.memref_slice %arg17[%add3A_272, %dma_start3A_273] : memref<10240x128xf32, #tpu.memory_space<vmem_shared>> -> memref<128x128xf32, #tpu.memory_space<vmem_shared>>
      %dma_start3A_275 = arith.constant 0 : i32
      %dma_start3A_276 = tpu.memref_slice %arg17[%add3A_272, %dma_start3A_275] : memref<10240x128xf32, #tpu.memory_space<vmem_shared>> -> memref<128x128xf32, #tpu.memory_space<vmem_shared>>
      tpu.enqueue_dma source(%dma_start3A_276 : memref<128x128xf32, #tpu.memory_space<vmem_shared>>) target(%arg9 : memref<128x128xf32, #tpu.memory_space<vmem>>) target_semaphore(%run_scoped3A : memref<!tpu.dma_semaphore, #tpu.memory_space<semaphore_mem>>)
      %dma_wait3A_277 = arith.constant 0 : i32
      %dma_wait3A_278 = tpu.memref_slice %arg17[%add3A_272, %dma_wait3A_277] : memref<10240x128xf32, #tpu.memory_space<vmem_shared>> -> memref<128x128xf32, #tpu.memory_space<vmem_shared>>
      %dma_wait3A_279 = arith.constant 0 : i32
      %dma_wait3A_280 = tpu.memref_slice %arg17[%add3A_272, %dma_wait3A_279] : memref<10240x128xf32, #tpu.memory_space<vmem_shared>> -> memref<128x128xf32, #tpu.memory_space<vmem_shared>>
      tpu.wait_dma2 semaphore(%run_scoped3A : memref<!tpu.dma_semaphore, #tpu.memory_space<semaphore_mem>>) src(%dma_wait3A_280 : memref<128x128xf32, #tpu.memory_space<vmem_shared>>) dst(%arg9 : memref<128x128xf32, #tpu.memory_space<vmem>>)
      tpu.yield
    }) : () -> ()
    "tpu.region"() ({
      %run_scoped3A = tpu.sem_alloc : memref<!tpu.dma_semaphore, #tpu.memory_space<semaphore_mem>>
      %dma_start3A_273 = arith.constant 0 : i32
      %dma_start3A_274 = tpu.memref_slice %arg6[%arg0, %add3A_272, %dma_start3A_273] : memref<2x10240x128xf32, #tpu.memory_space<hbm>> -> memref<1x128x128xf32, #tpu.memory_space<hbm>>
      %dma_start3A_275 = tpu.memref_squeeze %dma_start3A_274 : memref<1x128x128xf32, #tpu.memory_space<hbm>> -> memref<128x128xf32, #tpu.memory_space<hbm>>
      %dma_start3A_276 = arith.constant 0 : i32
      %dma_start3A_277 = tpu.memref_slice %arg6[%arg0, %add3A_272, %dma_start3A_276] : memref<2x10240x128xf32, #tpu.memory_space<hbm>> -> memref<1x128x128xf32, #tpu.memory_space<hbm>>
      %dma_start3A_278 = tpu.memref_squeeze %dma_start3A_277 : memref<1x128x128xf32, #tpu.memory_space<hbm>> -> memref<128x128xf32, #tpu.memory_space<hbm>>
      tpu.enqueue_dma source(%arg9 : memref<128x128xf32, #tpu.memory_space<vmem>>) target(%dma_start3A_278 : memref<128x128xf32, #tpu.memory_space<hbm>>) target_semaphore(%run_scoped3A : memref<!tpu.dma_semaphore, #tpu.memory_space<semaphore_mem>>)
      %dma_wait3A_279 = arith.constant 0 : i32
      %dma_wait3A_280 = tpu.memref_slice %arg6[%arg0, %add3A_272, %dma_wait3A_279] : memref<2x10240x128xf32, #tpu.memory_space<hbm>> -> memref<1x128x128xf32, #tpu.memory_space<hbm>>
      %dma_wait3A_281 = tpu.memref_squeeze %dma_wait3A_280 : memref<1x128x128xf32, #tpu.memory_space<hbm>> -> memref<128x128xf32, #tpu.memory_space<hbm>>
      %dma_wait3A_282 = arith.constant 0 : i32
      %dma_wait3A_283 = tpu.memref_slice %arg6[%arg0, %add3A_272, %dma_wait3A_282] : memref<2x10240x128xf32, #tpu.memory_space<hbm>> -> memref<1x128x128xf32, #tpu.memory_space<hbm>>
      %dma_wait3A_284 = tpu.memref_squeeze %dma_wait3A_283 : memref<1x128x128xf32, #tpu.memory_space<hbm>> -> memref<128x128xf32, #tpu.memory_space<hbm>>
      tpu.wait_dma2 semaphore(%run_scoped3A : memref<!tpu.dma_semaphore, #tpu.memory_space<semaphore_mem>>) src(%arg9 : memref<128x128xf32, #tpu.memory_space<vmem>>) dst(%dma_wait3A_284 : memref<128x128xf32, #tpu.memory_space<hbm>>)
      tpu.yield
    }) : () -> ()
    return
  }
}

module attributes {stable_mosaic.version = 14 : i64} {
  func.func @_tc_layer_body(%arg0: i32, %arg1: memref<512x128xf32, #tpu.memory_space<vmem>>, %arg2: memref<512x128xf32, #tpu.memory_space<vmem>>, %arg3: memref<512x128xf32, #tpu.memory_space<vmem>>, %arg4: memref<512x128xf32, #tpu.memory_space<vmem>>, %arg5: memref<512x128xf32, #tpu.memory_space<vmem>>, %arg6: memref<128x128xf32, #tpu.memory_space<vmem>>, %arg7: memref<1x128xf32, #tpu.memory_space<vmem>>, %arg8: memref<512x128xf32, #tpu.memory_space<vmem>>) attributes {dimension_semantics = [#tpu.dimension_semantics<arbitrary>], iteration_bounds = array<i64: 20>, scalar_prefetch = 0 : i64, scratch_operands = 0 : i64, tpu.core_type = #tpu.core_type<tc>, window_params = [{transform_indices = @transform_0, window_bounds = array<i64: 512, 128>}, {transform_indices = @transform_1, window_bounds = array<i64: 512, 128>}, {transform_indices = @transform_2, window_bounds = array<i64: 512, 128>}, {transform_indices = @transform_3, window_bounds = array<i64: 512, 128>}, {transform_indices = @transform_4, window_bounds = array<i64: 512, 128>}, {pipeline_mode = #tpu.pipeline_mode<synchronous>, transform_indices = @transform_5, window_bounds = array<i64: 128, 128>}, {pipeline_mode = #tpu.pipeline_mode<synchronous>, transform_indices = @transform_6, window_bounds = array<i64: 1, 128>}, {transform_indices = @transform_7, window_bounds = array<i64: 512, 128>}]} {
    %get3A = arith.constant 0 : index
    %get3A_0 = arith.constant 0 : index
    %get3A_1 = vector.load %arg4[%get3A, %get3A_0] : memref<512x128xf32, #tpu.memory_space<vmem>>, vector<512x1xf32>
    %get3A_2 = arith.constant 0 : index
    %get3A_3 = arith.constant 0 : index
    %get3A_4 = vector.load %arg5[%get3A_2, %get3A_3] : memref<512x128xf32, #tpu.memory_space<vmem>>, vector<512x1xf32>
    %add3A = arith.addf %get3A_1, %get3A_4 : vector<512x1xf32>
    %add3A_5 = arith.constant 1.000000e+00 : f32
    %add3A_6 = vector.broadcast %add3A_5 : f32 to vector<512x1xf32>
    %add3A_7 = arith.addf %add3A, %add3A_6 : vector<512x1xf32>
    %div3A = arith.constant 1.000000e+00 : f32
    %div3A_8 = vector.broadcast %div3A : f32 to vector<512x1xf32>
    %div3A_9 = arith.divf %div3A_8, %add3A_7 : vector<512x1xf32>
    %get3A_10 = arith.constant 0 : index
    %get3A_11 = arith.constant 0 : index
    %get3A_12 = vector.load %arg1[%get3A_10, %get3A_11] : memref<512x128xf32, #tpu.memory_space<vmem>>, vector<512x128xf32>
    %get3A_13 = arith.constant 0 : index
    %get3A_14 = arith.constant 0 : index
    %get3A_15 = vector.load %arg2[%get3A_13, %get3A_14] : memref<512x128xf32, #tpu.memory_space<vmem>>, vector<512x128xf32>
    %add3A_16 = arith.addf %get3A_12, %get3A_15 : vector<512x128xf32>
    %get3A_17 = arith.constant 0 : index
    %get3A_18 = arith.constant 0 : index
    %get3A_19 = vector.load %arg3[%get3A_17, %get3A_18] : memref<512x128xf32, #tpu.memory_space<vmem>>, vector<512x128xf32>
    %add3A_20 = arith.addf %add3A_16, %get3A_19 : vector<512x128xf32>
    %mul3A = vector.broadcast %div3A_9 : vector<512x1xf32> to vector<512x128xf32>
    %mul3A_21 = arith.mulf %add3A_20, %mul3A : vector<512x128xf32>
    %get3A_22 = arith.constant 0 : index
    %get3A_23 = arith.constant 0 : index
    %get3A_24 = vector.load %arg6[%get3A_22, %get3A_23] : memref<128x128xf32, #tpu.memory_space<vmem>>, vector<128x128xf32>
    %dot_general3A = arith.constant dense<0.000000e+00> : vector<512x128xf32>
    %dot_general3A_25 = tpu.matmul %mul3A_21, %get3A_24, %dot_general3A {dimension_numbers = #tpu.dot_dimension_numbers<[1], [0], [0], [1], [0, 0, 1, 1], [], []>, transpose_lhs_hint = false} : vector<512x128xf32>, vector<128x128xf32>, vector<512x128xf32> -> vector<512x128xf32>
    %get3A_26 = arith.constant 0 : index
    %get3A_27 = arith.constant 0 : index
    %get3A_28 = vector.load %arg7[%get3A_26, %get3A_27] : memref<1x128xf32, #tpu.memory_space<vmem>>, vector<1x128xf32>
    %add3A_29 = vector.broadcast %get3A_28 : vector<1x128xf32> to vector<512x128xf32>
    %add3A_30 = arith.addf %dot_general3A_25, %add3A_29 : vector<512x128xf32>
    %max3A = arith.constant 0.000000e+00 : f32
    %max3A_31 = vector.broadcast %max3A : f32 to vector<512x128xf32>
    %max3A_32 = arith.maximumf %add3A_30, %max3A_31 : vector<512x128xf32>
    %swap3A = arith.constant 0 : index
    %swap3A_33 = arith.constant 0 : index
    %swap3A_34 = vector.load %arg8[%swap3A, %swap3A_33] : memref<512x128xf32, #tpu.memory_space<vmem>>, vector<512x128xf32>
    tpu.vector_store %arg8[%swap3A, %swap3A_33], %max3A_32 {strides = array<i32>} : memref<512x128xf32, #tpu.memory_space<vmem>>, vector<512x128xf32>,
    return
  }
  func.func @transform_0(%arg0: i32) -> (i32, i32) {
    %c0_i32 = arith.constant 0 : i32
    %c0_i32_0 = arith.constant 0 : i32
    return %arg0, %c0_i32 : i32, i32
  }
  func.func @transform_1(%arg0: i32) -> (i32, i32) {
    %c0_i32 = arith.constant 0 : i32
    %c0_i32_0 = arith.constant 0 : i32
    return %arg0, %c0_i32 : i32, i32
  }
  func.func @transform_2(%arg0: i32) -> (i32, i32) {
    %c0_i32 = arith.constant 0 : i32
    %c0_i32_0 = arith.constant 0 : i32
    return %arg0, %c0_i32 : i32, i32
  }
  func.func @transform_3(%arg0: i32) -> (i32, i32) {
    %c0_i32 = arith.constant 0 : i32
    %c0_i32_0 = arith.constant 0 : i32
    return %arg0, %c0_i32 : i32, i32
  }
  func.func @transform_4(%arg0: i32) -> (i32, i32) {
    %c0_i32 = arith.constant 0 : i32
    %c0_i32_0 = arith.constant 0 : i32
    return %arg0, %c0_i32 : i32, i32
  }
  func.func @transform_5(%arg0: i32) -> (i32, i32) {
    %c0_i32 = arith.constant 0 : i32
    %c0_i32_0 = arith.constant 0 : i32
    %c0_i32_1 = arith.constant 0 : i32
    return %c0_i32, %c0_i32_0 : i32, i32
  }
  func.func @transform_6(%arg0: i32) -> (i32, i32) {
    %c0_i32 = arith.constant 0 : i32
    %c0_i32_0 = arith.constant 0 : i32
    %c0_i32_1 = arith.constant 0 : i32
    return %c0_i32, %c0_i32_0 : i32, i32
  }
  func.func @transform_7(%arg0: i32) -> (i32, i32) {
    %c0_i32 = arith.constant 0 : i32
    %c0_i32_0 = arith.constant 0 : i32
    return %arg0, %c0_i32 : i32, i32
  }
}

module attributes {stable_mosaic.version = 14 : i64} {
  func.func @_tc_layer_body(%arg0: i32, %arg1: memref<512x128xf32, #tpu.memory_space<vmem>>, %arg2: memref<512x128xf32, #tpu.memory_space<vmem>>, %arg3: memref<512x128xf32, #tpu.memory_space<vmem>>, %arg4: memref<512x128xf32, #tpu.memory_space<vmem>>, %arg5: memref<512x128xf32, #tpu.memory_space<vmem>>, %arg6: memref<128x128xf32, #tpu.memory_space<vmem>>, %arg7: memref<1x128xf32, #tpu.memory_space<vmem>>, %arg8: memref<512x128xf32, #tpu.memory_space<vmem>>) attributes {dimension_semantics = [#tpu.dimension_semantics<arbitrary>], iteration_bounds = array<i64: 20>, scalar_prefetch = 0 : i64, scratch_operands = 0 : i64, tpu.core_type = #tpu.core_type<tc>, window_params = [{transform_indices = @transform_0, window_bounds = array<i64: 512, 128>}, {transform_indices = @transform_1, window_bounds = array<i64: 512, 128>}, {transform_indices = @transform_2, window_bounds = array<i64: 512, 128>}, {transform_indices = @transform_3, window_bounds = array<i64: 512, 128>}, {transform_indices = @transform_4, window_bounds = array<i64: 512, 128>}, {pipeline_mode = #tpu.pipeline_mode<synchronous>, transform_indices = @transform_5, window_bounds = array<i64: 128, 128>}, {pipeline_mode = #tpu.pipeline_mode<synchronous>, transform_indices = @transform_6, window_bounds = array<i64: 1, 128>}, {transform_indices = @transform_7, window_bounds = array<i64: 512, 128>}]} {
    %get3A = arith.constant 0 : index
    %get3A_0 = arith.constant 0 : index
    %get3A_1 = vector.load %arg4[%get3A, %get3A_0] : memref<512x128xf32, #tpu.memory_space<vmem>>, vector<512x1xf32>
    %get3A_2 = arith.constant 0 : index
    %get3A_3 = arith.constant 0 : index
    %get3A_4 = vector.load %arg5[%get3A_2, %get3A_3] : memref<512x128xf32, #tpu.memory_space<vmem>>, vector<512x1xf32>
    %add3A = arith.addf %get3A_1, %get3A_4 : vector<512x1xf32>
    %add3A_5 = arith.constant 1.000000e+00 : f32
    %add3A_6 = vector.broadcast %add3A_5 : f32 to vector<512x1xf32>
    %add3A_7 = arith.addf %add3A, %add3A_6 : vector<512x1xf32>
    %div3A = arith.constant 1.000000e+00 : f32
    %div3A_8 = vector.broadcast %div3A : f32 to vector<512x1xf32>
    %div3A_9 = arith.divf %div3A_8, %add3A_7 : vector<512x1xf32>
    %get3A_10 = arith.constant 0 : index
    %get3A_11 = arith.constant 0 : index
    %get3A_12 = vector.load %arg1[%get3A_10, %get3A_11] : memref<512x128xf32, #tpu.memory_space<vmem>>, vector<512x128xf32>
    %get3A_13 = arith.constant 0 : index
    %get3A_14 = arith.constant 0 : index
    %get3A_15 = vector.load %arg2[%get3A_13, %get3A_14] : memref<512x128xf32, #tpu.memory_space<vmem>>, vector<512x128xf32>
    %add3A_16 = arith.addf %get3A_12, %get3A_15 : vector<512x128xf32>
    %get3A_17 = arith.constant 0 : index
    %get3A_18 = arith.constant 0 : index
    %get3A_19 = vector.load %arg3[%get3A_17, %get3A_18] : memref<512x128xf32, #tpu.memory_space<vmem>>, vector<512x128xf32>
    %add3A_20 = arith.addf %add3A_16, %get3A_19 : vector<512x128xf32>
    %mul3A = vector.broadcast %div3A_9 : vector<512x1xf32> to vector<512x128xf32>
    %mul3A_21 = arith.mulf %add3A_20, %mul3A : vector<512x128xf32>
    %get3A_22 = arith.constant 0 : index
    %get3A_23 = arith.constant 0 : index
    %get3A_24 = vector.load %arg6[%get3A_22, %get3A_23] : memref<128x128xf32, #tpu.memory_space<vmem>>, vector<128x128xf32>
    %dot_general3A = arith.constant dense<0.000000e+00> : vector<512x128xf32>
    %dot_general3A_25 = tpu.matmul %mul3A_21, %get3A_24, %dot_general3A {dimension_numbers = #tpu.dot_dimension_numbers<[1], [0], [0], [1], [0, 0, 1, 1], [], []>, transpose_lhs_hint = false} : vector<512x128xf32>, vector<128x128xf32>, vector<512x128xf32> -> vector<512x128xf32>
    %get3A_26 = arith.constant 0 : index
    %get3A_27 = arith.constant 0 : index
    %get3A_28 = vector.load %arg7[%get3A_26, %get3A_27] : memref<1x128xf32, #tpu.memory_space<vmem>>, vector<1x128xf32>
    %add3A_29 = vector.broadcast %get3A_28 : vector<1x128xf32> to vector<512x128xf32>
    %add3A_30 = arith.addf %dot_general3A_25, %add3A_29 : vector<512x128xf32>
    %max3A = arith.constant 0.000000e+00 : f32
    %max3A_31 = vector.broadcast %max3A : f32 to vector<512x128xf32>
    %max3A_32 = arith.maximumf %add3A_30, %max3A_31 : vector<512x128xf32>
    %swap3A = arith.constant 0 : index
    %swap3A_33 = arith.constant 0 : index
    %swap3A_34 = vector.load %arg8[%swap3A, %swap3A_33] : memref<512x128xf32, #tpu.memory_space<vmem>>, vector<512x128xf32>
    tpu.vector_store %arg8[%swap3A, %swap3A_33], %max3A_32 {strides = array<i32>} : memref<512x128xf32, #tpu.memory_space<vmem>>, vector<512x128xf32>,
    return
  }
  func.func @transform_0(%arg0: i32) -> (i32, i32) {
    %c0_i32 = arith.constant 0 : i32
    %c0_i32_0 = arith.constant 0 : i32
    return %arg0, %c0_i32 : i32, i32
  }
  func.func @transform_1(%arg0: i32) -> (i32, i32) {
    %c0_i32 = arith.constant 0 : i32
    %c0_i32_0 = arith.constant 0 : i32
    return %arg0, %c0_i32 : i32, i32
  }
  func.func @transform_2(%arg0: i32) -> (i32, i32) {
    %c0_i32 = arith.constant 0 : i32
    %c0_i32_0 = arith.constant 0 : i32
    return %arg0, %c0_i32 : i32, i32
  }
  func.func @transform_3(%arg0: i32) -> (i32, i32) {
    %c0_i32 = arith.constant 0 : i32
    %c0_i32_0 = arith.constant 0 : i32
    return %arg0, %c0_i32 : i32, i32
  }
  func.func @transform_4(%arg0: i32) -> (i32, i32) {
    %c0_i32 = arith.constant 0 : i32
    %c0_i32_0 = arith.constant 0 : i32
    return %arg0, %c0_i32 : i32, i32
  }
  func.func @transform_5(%arg0: i32) -> (i32, i32) {
    %c0_i32 = arith.constant 0 : i32
    %c0_i32_0 = arith.constant 0 : i32
    %c0_i32_1 = arith.constant 0 : i32
    return %c0_i32, %c0_i32_0 : i32, i32
  }
  func.func @transform_6(%arg0: i32) -> (i32, i32) {
    %c0_i32 = arith.constant 0 : i32
    %c0_i32_0 = arith.constant 0 : i32
    %c0_i32_1 = arith.constant 0 : i32
    return %c0_i32, %c0_i32_0 : i32, i32
  }
  func.func @transform_7(%arg0: i32) -> (i32, i32) {
    %c0_i32 = arith.constant 0 : i32
    %c0_i32_0 = arith.constant 0 : i32
    return %arg0, %c0_i32 : i32, i32
  }
}

</mosaic_0001>

<sc_bundles>
// kernel: kernel.10.cloned.1.call-start
scs
__scs_entry_jumppad:
0x0: {  	(pc) =	sbr.rel $0x88, $3  }
0x1: {  	(tag) =	ssettag $0x0;
	lr =	simm.s32 $0x1  }
0x2: {  	[smem:$0x3F9B] =	sst lr;
	_ =	strace $0xD0000000  }
0x3: {  	_ = 	snop  }
0x4: {  	_ = 	snop  }
0x5: {  	_ = 	snop  }
0x6: {  	_ = 	snop  }
0x7: {  	_ = 	snop  }
__scs_overlays_trampoline_lowered:
0x8: {  	[smem:$0x3FAA] =	sst s0  }
0x9: {  	[smem:$0x3FAB] =	sst s1  }
0xa: {  	[smem:$0x3FAC] =	sst s2  }
0xb: {  	[smem:$0x3FAD] =	sst s3  }
0xc: {  	[smem:$0x3FAE] =	sst s4  }
0xd: {  	[smem:$0x3FAF] =	sst s5  }
0xe: {  	[smem:$0x3FB0] =	sst s6  }
0xf: {  	[smem:$0x3FB1] =	sst s7  }
0x10: {  	[smem:$0x3FB2] =	sst s8  }
0x11: {  	[smem:$0x3FB3] =	sst s9;
	s0 =	simm.s32 @!p0 $0x0  }
0x12: {  	s1 =	sld [smem:$0x3F99];
	s0 =	simm.s32 @p0 $0x1  }
0x13: {  	[smem:$0x3FB4] =	sst s0;
	s0 =	simm.s32 @!p1 $0x0  }
0x14: {  	s2 =	sld [smem:$0x3F98];
	s0 =	simm.s32 @p1 $0x1  }
0x15: {  	[smem:$0x3FB5] =	sst s0;
	s0 =	simm.s32 @!p2 $0x0  }
0x16: {  	s3 =	sld [smem:$0x3FDB];
	s0 =	simm.s32 @p2 $0x1  }
0x17: {  	s4 =	simm.s32 $0x1BF5;
	[smem:$0x3FB7] =	sst s0  }
0x18: {  	s0 =	sld [smem:$0x3F9A];
	_ =	swait.ge [sflag:s4], $0x0  }
0x19: {  	s7 =	sld [smem:$0x3F9B]  }
0x1a: {  	s8 =	sadd.s32 $0xFFFFE003, lr  }
0x1b: {  	s9 =	sadd.s32 $0xFFFFFEF7, lr;
	s5 =	simm.s32 $0xFFFFFFFF;
	p2 =	slt.u32 s8, $0xFFFFF086  }
0x1c: {  	p1 =	slt.u32 s9, $0xF7A;
	s5 =	simm.s32 @!p2 $0x0  }
0x1d: {  	s5 =	simm.s32 @p1 $0x1;
	p0 =	seq.s32 s7, s2  }
0x1e: {  	s7 =	smul.u32 @!p0 $0xF7A, s2;
	p2 =	seq.s32 @!p0 s5, $0x0  }
0x1f: {  	s9 =	smul.u32 $0xF7A, s1;
	s8 =	simm.s32 @!p0 $0x1BF5;
	p2 =	por !p2, p0  }
0x20: {  	[sflag:s8] =	ssyncset.s32 @!p0 $0xFFFFF086;
	s6 =	sadd.s32 @!p0 s3, s7;
	s7 =	simm.s32 @!p0 $0x108  }
0x21: {  	s3 =	sadd.s32 s3, s9;
	s6 =	sadd.s32 @!p0 $0x88, s6;
	s7 =	simm.s32 @p2 $0x1082  }
0x22: {  	[simem:s7], [sflag:s8] =	dma.local @!p0 [hbm:s6], $0xF7A  }
0x23: {  	s9 =	sor.u32 $0xD0000000, s2;
	s6 =	simm.s32 $0x108;
	_ =	swait.ge @!p0 [sflag:s8], $0x0  }
0x24: {  	s3 =	sadd.s32 $0x88, s3;
	s6 =	simm.s32 @!p1 $0x1082;
	[sflag:s4] =	ssyncset.s32 $0xFFFFF086  }
0x25: {  	[simem:s6], [sflag:s4] =	dma.local [hbm:s3], $0xF7A  }
0x26: {  	[smem:$0x3F9B] =	sst s1;
	(tag) =	ssettag s2;
	_ =	strace s9  }
0x27: {  	s1 =	sld [smem:$0x3FAB]  }
0x28: {  	s2 =	sld [smem:$0x3FAC]  }
0x29: {  	s4 =	sld [smem:$0x3FAE]  }
0x2a: {  	p0 =	seq.s32 s5, $0x0;
	s5 =	sld [smem:$0x3FAF]  }
0x2b: {  	s6 =	sld [smem:$0x3FB0]  }
0x2c: {  	s7 =	sld [smem:$0x3FB1]  }
0x2d: {  	s3 =	simm.s32 $0x108;
	s8 =	sld [smem:$0x3FB2]  }
0x2e: {  	s3 =	simm.s32 @!p0 $0x1082;
	s9 =	sld [smem:$0x3FB3]  }
0x2f: {  	lr =	sadd.s32 s0, s3;
	s0 =	sld [smem:$0x3FAA]  }
0x30: {  	s3 =	sld [smem:$0x3FAD]  }
0x31: {  	[smem:$0x3FB6] =	sst s10  }
0x32: {  	s10 =	sld [smem:$0x3FB4];
	_ =	sdelay $0x3  }
0x33: {  	p0 =	seq.s32 s10, $0x1;
	s10 =	sld [smem:$0x3FB6];
	_ =	sdelay $0x3  }
0x34: {  	[smem:$0x3FB6] =	sst s10  }
0x35: {  	s10 =	sld [smem:$0x3FB5];
	_ =	sdelay $0x3  }
0x36: {  	p1 =	seq.s32 s10, $0x1;
	s10 =	sld [smem:$0x3FB6];
	_ =	sdelay $0x3  }
0x37: {  	[smem:$0x3FB6] =	sst s10  }
0x38: {  	s10 =	sld [smem:$0x3FB7]  }
0x39: {  	_ = 	snop;
	(pc) =	sbr.ind lr, $3  }
0x3a: {  	_ = 	snop  }
0x3b: {  	_ = 	snop  }
0x3c: {  	p2 =	seq.s32 s10, $0x1;
	s10 =	sld [smem:$0x3FB6]  }
0x3d: {  	_ =	shalt  }
0x3e: {  	_ =	shalt  }
0x3f: {  	_ =	shalt  }
0x40: {  	_ =	shalt  }
0x41: {  	_ =	shalt  }
0x42: {  	_ =	shalt  }
0x43: {  	_ =	shalt  }
0x44: {  	_ =	shalt  }
0x45: {  	_ =	shalt  }
0x46: {  	_ =	shalt  }
0x47: {  	_ =	shalt  }
0x48: {  	_ =	shalt  }
0x49: {  	_ =	shalt  }
0x4a: {  	_ =	shalt  }
0x4b: {  	_ =	shalt  }
0x4c: {  	_ =	shalt  }
0x4d: {  	_ =	shalt  }
0x4e: {  	_ =	shalt  }
0x4f: {  	_ =	shalt  }
0x50: {  	_ =	shalt  }
0x51: {  	_ =	shalt  }
0x52: {  	_ =	shalt  }
0x53: {  	_ =	shalt  }
0x54: {  	_ =	shalt  }
0x55: {  	_ =	shalt  }
0x56: {  	_ =	shalt  }
0x57: {  	_ =	shalt  }
0x58: {  	_ =	shalt  }
0x59: {  	_ =	shalt  }
0x5a: {  	_ =	shalt  }
0x5b: {  	_ =	shalt  }
0x5c: {  	_ =	shalt  }
0x5d: {  	_ =	shalt  }
0x5e: {  	_ =	shalt  }
0x5f: {  	_ =	shalt  }
0x60: {  	_ =	shalt  }
0x61: {  	_ =	shalt  }
0x62: {  	_ =	shalt  }
0x63: {  	_ =	shalt  }
0x64: {  	_ =	shalt  }
0x65: {  	_ =	shalt  }
0x66: {  	_ =	shalt  }
0x67: {  	_ =	shalt  }
0x68: {  	_ =	shalt  }
0x69: {  	_ =	shalt  }
0x6a: {  	_ =	shalt  }
0x6b: {  	_ =	shalt  }
0x6c: {  	_ =	shalt  }
0x6d: {  	_ =	shalt  }
0x6e: {  	_ =	shalt  }
0x6f: {  	_ =	shalt  }
0x70: {  	_ =	shalt  }
0x71: {  	_ =	shalt  }
0x72: {  	_ =	shalt  }
0x73: {  	_ =	shalt  }
0x74: {  	_ =	shalt  }
0x75: {  	_ =	shalt  }
0x76: {  	_ =	shalt  }
0x77: {  	_ =	shalt  }
0x78: {  	_ =	shalt  }
0x79: {  	_ =	shalt  }
0x7a: {  	_ =	shalt  }
0x7b: {  	_ =	shalt  }
0x7c: {  	_ =	shalt  }
0x7d: {  	_ =	shalt  }
0x7e: {  	_ =	shalt  }
0x7f: {  	_ =	shalt  }
0x80: {  	_ =	shalt  }
0x81: {  	_ =	shalt  }
0x82: {  	_ =	shalt  }
0x83: {  	_ =	shalt  }
0x84: {  	_ =	shalt  }
0x85: {  	_ =	shalt  }
0x86: {  	_ =	shalt  }
0x87: {  	_ =	shalt  }
.Lfunc_end0:
.L_simem_size_0:
called_computation.1_lowered:
.L_overlay_start_0:
0x88: {  	s2 =	sld [smem:$0x3FD9]  }
0x89: {  	s3 =	sld [smem:$0x3FFE];
	_ =	sdelay $0x1  }
0x8a: {  	s1 =	srdreg.scid  }
0x8b: {  	s0 =	sand.u32 $0x1, s1  }
0x8c: {  	s17 =	sshll.u32 s0, $0xA;
	s2 =	sadd.s32 s3, s2  }
0x8d: {  	s2 =	sadd.s32 s2, s17  }
0x8e: {  	[smem:$0x3FC2] =	sst s2  }
0x8f: {  	_ = 	snop  }
0x90: {  	s2 =	sld [smem:$0x3FC9];
	(tm) =	ssettm $0x1  }
0x91: {  	s18 =	sld [smem:$0x3FFB];
	_ =	sdelay $0x3  }
0x92: {  	_ =	strace s18  }
0x93: {  	s3 =	sld [smem:$0x3FFC];
	_ =	sdelay $0x3  }
0x94: {  	_ =	strace s3  }
0x95: {  	s3 =	sld [smem:$0x3FFD];
	_ =	sdelay $0x3  }
0x96: {  	_ =	strace s3  }
0x97: {  	_ =	strace $0x8FFFFFFF  }
0x98: {  	s19 =	sld [smem:$0x3FDB];
	_ =	sdelay $0x1  }
0x99: {  	s4 =	simm.s32 $_scs_section_size  }
0x9a: {  	s5 =	simm.s32 $_size__tile_overlayer_lowered;
	s6 =	simm.s32 $_tile_overlayer_lowered  }
0x9b: {  	s22 =	simm.s32 $0x1BFF;
	s21 =	sshll.u32 s6, $0x1;
	s3 =	sadd.s32 s4, s19  }
0x9c: {  	s7 =	simm.s32 $0x0;
	s20 =	sshll.u32 s5, $0x1;
	s5 =	sadd.s32 s21, s3  }
0x9d: {  	[timem:s7], [sflag:s22] =	dma.local [hbm:s5], s20  }
0x9e: {  	_ =	swait.ge [sflag:s22], s20  }
0x9f: {  	s4 =	ssub.s32 $0x0, s20;
	[sflag:s22] =	ssyncset.done $0x0  }
0xa0: {  	[sflag:s22] =	ssyncadd.s32 s4;
	_ =	sdelay $0x1  }
0xa1: {  	s23 =	simm.s32 $0x1B8B  }
0xa2: {  	_ =	swait.ge [sflag:s23], $0x1  }
0xa3: {  	[sflag:s23] =	ssyncset.done $0x0  }
0xa4: {  	s25 =	simm.s32 $0x1B8E;
	s24 =	sld [smem:$0x3FFE];
	[sflag:s23] =	ssyncadd.s32 $0xFFFFFFFF  }
0xa5: {  	s26 =	simm.s32 $execute0_lowered;
	[smem:$0x3FD2] =	sst s25  }
0xa6: {  	s5 =	sshll.u32 s26, $0x1;
	_ =	strace $0x80000046;
	[dreg:$0x1] =	wrdreg $0xFFFFFFFF  }
0xa7: {  	s28 =	simm.s32 $_size_execute0_lowered;
	s3 =	sadd.s32 s3, s5;
	[dreg:$0x0] =	wrdreg $0x0  }
0xa8: {  	s5 =	sshll.u32 s28, $0x1;
	[dreg:$0x2] =	wrdreg s3  }
0xa9: {  	[dreg:$0x3] =	wrdreg s5  }
0xaa: {  	[dreg:$0x4] =	wrdreg $0xC0  }
0xab: {  	_ =	task [dreg:s7], $0x5FFFF  }
0xac: {  	[dreg:$0x1] =	wrdreg $0xFFFFFFFF  }
0xad: {  	[dreg:$0x0] =	wrdreg $0x60  }
0xae: {  	[dreg:$0x2] =	wrdreg s2  }
0xaf: {  	[dreg:$0x3] =	wrdreg s24  }
0xb0: {  	[dreg:$0x4] =	wrdreg $0x88000  }
0xb1: {  	[dreg:$0x5] =	wrdreg $0xA  }
0xb2: {  	_ =	task.clear_ibuf [dreg:s7], $0x6FFFF;
	_ =	strace $0x90000046  }
0xb3: {  	s29 =	simm.s32 $0xA;
	_ =	strace $0x80000048  }
0xb4: {  	_ =	swait.ge [sflag:s29], $0x1  }
0xb5: {  	[sflag:s29] =	ssyncadd.s32 $0xFFFFFFFF  }
0xb6: {  	_ =	strace $0x90000048  }
0xb7: {  	_ =	sfence  }
0xb8: {  	s30 =	sld [smem:$0x0];
	_ =	sdelay $0x2  }
0xb9: {  	s31 =	sshll.u32 s1, $0xD;
	s1 =	sshrl.u32 s1, $0x2  }
0xba: {  	s3 =	sand.u32 $0x4000, s31;
	s1 =	sadd.s32 s1, s30  }
0xbb: {  	s0 =	sor.u32 s3, s0;
	s1 =	sshll.u32 s1, $0x11  }
0xbc: {  	s0 =	sor.u32 s1, s0  }
0xbd: {  	s0 =	sadd.s32 $0x8F2B, s0  }
0xbe: {  	[sflag:s0] =	ssyncadd.remote.s32 $0x1  }
0xbf: {  	_ =	sfence.sel $0xFFFF  }
0xc0: {  	[dreg:$0x0] =	wrdreg $0xFFFFFFFF;
	(pc) =	sbr.abs _section_cstart, $3  }
0xc1: {  	[dreg:$0x1] =	wrdreg $0xFFFFFFFF  }
0xc2: {  	_ =	task.clear_ibuf [dreg:s7], $0x2FFFF;
	_ =	strace $0x9FFFFFFF  }
0xc3: {  	(tm) =	ssettm $0x7FFFFFFF  }
tec
execute0_lowered:
.L_overlay_start_1:
0x0: {  	(tag) =	ssettag $0x1  }
0x1: {  	s1 =	rddreg [dreg:$0x0]  }
0x2: {  	s0 =	rddreg [dreg:$0x1]  }
0x3: {  	s2 =	rddreg [dreg:$0x2]  }
0x4: {  	s3 =	simm.s32 $0x0;
	s4 =	srdreg.scid;
	s15 =	stileid.u32  }
0x5: {  	s28 =	simm.s32 $0x3;
	s29 =	simm.s32 $0x5;
	s30 =	simm.s32 $0x100  }
0x6: {  	s31 =	simm.s32 $0x4;
	[smem:$0x7FF] =	sst s3;
	s5 =	sadd.s32 $0xC800, s0  }
0x7: {  	s4 =	sand.u32 $0x1, s4;
	s6 =	sadd.s32 $0x2800, s0;
	s8 =	smul.u32 $0x50000, s15  }
0x8: {  	s9 =	sadd.s32 $0x16800, s0;
	s0 =	sadd.s32 $0x17000, s0;
	s10 =	sshll.u32 s15, $0x1  }
0x9: {  	s11 =	smul.u32 $0x14000, s15;
	_ =	strace $0x80000047;
	s7 =	ssub.s32 $0x2, s4  }
0xa: {  	[dreg:$0x5] =	wrdreg s9;
	s21 =	sor.u32 s4, s10;
	s12 =	smul.u32 $0x140000, s4  }
0xb: {  	s4 =	smul.u32 $0xA, s4;
	s20 =	sshrl.u32 s7, $0x1;
	s8 =	sshrl.u32 s8, $0x2  }
0xc: {  	s22 =	sadd.s32 $0x4000, s11;
	s23 =	sadd.s32 $0x8000, s11;
	s24 =	sadd.s32 $0xC000, s11  }
0xd: {  	s14 =	sadd.s32 $0x10000, s11;
	s9 =	smul.u32 $0x500, s21;
	s7 =	ssub.s32 s7, s20  }
0xe: {  	s16 =	sadd.s32 s8, s2;
	s17 =	sadd.s32 s22, s2;
	s13 =	sadd.s32 s23, s2  }
0xf: {  	s11 =	sadd.s32 s11, s12;
	s18 =	sadd.s32 s24, s2;
	s25 =	sadd.s32 s14, s2  }
0x10: {  	s8 =	sadd.s32 s12, s22;
	s19 =	sadd.s32 s12, s23;
	s20 =	smul.u32 $0x14, s15  }
0x11: {  	s22 =	sadd.s32 s12, s24;
	s23 =	sadd.s32 s12, s14;
	[dreg:$0x8] =	wrdreg s13  }
0x12: {  	s12 =	simm.s32 $0x200;
	s14 =	simm.s32 $0x280;
	[dreg:$0x9] =	wrdreg s18  }
0x13: {  	s15 =	simm.s32 $0x600;
	[dreg:$0xa] =	wrdreg s25;
	s11 =	sshrl.u32 s11, $0x3  }
0x14: {  	s26 =	sadd.s32 s5, s9;
	s9 =	sadd.s32 s6, s9;
	s8 =	sshrl.u32 s8, $0x3  }
0x15: {  	s10 =	smov.u32 s17;
	s24 =	sshrl.u32 s23, $0x3;
	s25 =	smax.u32 s7, $0x1  }
0x16: {  	s23 =	simm.s32 $0x1;
	s13 =	simm.s32 $0x580;
	[dreg:$0xb] =	wrdreg s26  }
0x17: {  	s17 =	simm.s32 $0x680;
	s7 =	simm.s32 $0x780;
	[dreg:$0xc] =	wrdreg s9  }
0x18: {  	s18 =	sadd.s32 s0, s11;
	s9 =	sshrl.u32 s19, $0x3;
	[dreg:$0x12] =	wrdreg s25  }
0x19: {  	s8 =	sadd.s32 s0, s8;
	s4 =	sadd.s32 s4, s20;
	[dreg:$0x7] =	wrdreg s10  }
0x1a: {  	s20 =	simm.s32 $0x800;
	s25 =	simm.s32 $0x80;
	[dreg:$0xd] =	wrdreg s18  }
0x1b: {  	s11 =	simm.s32 $0x500;
	[dreg:$0xe] =	wrdreg s8;
	s21 =	sadd.s32 s0, s9  }
0x1c: {  	s8 =	sshrl.u32 s22, $0x3;
	s9 =	smov.u32 s16;
	s4 =	sshll.u32 s4, $0x7  }
0x1d: {  	s22 =	simm.s32 $0x400;
	s16 =	simm.s32 $0x300;
	s18 =	simm.s32 $0x380  }
0x1e: {  	[dreg:$0xf] =	wrdreg s21;
	s8 =	sadd.s32 s0, s8;
	s0 =	sadd.s32 s0, s24  }
0x1f: {  	s26 =	sadd.s32 s4, s5;
	s19 =	sadd.s32 s4, s6;
	[dreg:$0x6] =	wrdreg s9  }
0x20: {  	s21 =	simm.s32 $0x7;
	s24 =	simm.s32 $0x2;
	[dreg:$0x10] =	wrdreg s8  }
0x21: {  	s4 =	simm.s32 $0x6;
	s5 =	simm.s32 $0x180;
	[dreg:$0x11] =	wrdreg s0  }
0x22: {  	s6 =	simm.s32 $0x700;
	[dreg:$0x4] =	wrdreg s26;
	s8 =	simm.s32 $0x0  }
0x23: {  	s26 =	simm.s32 $0x4800;
	s0 =	simm.s32 $0x480;
	[dreg:$0x13] =	wrdreg s8  }
.LBB2_1:
0x24: {  	s8 =	rddreg [dreg:$0x5]  }
0x25: {  	[tilespmem:s20], [sflag:$0x7] =	stream.linear.gather [hbm4b:s8+s3], $0x4000, $0x38;
	[tilespmem:$0x1C800] =	vst v63  }
0x26: {  	_ =	swait.ge [sflag:s21], $0x4000  }
0x27: {  	[sflag:s21] =	ssyncset.done $0x0  }
0x28: {  	[sflag:s21] =	ssyncadd.s32 $0xFFFFC000  }
0x29: {  	[spmem:s9] =	stream.linear.scatter [tilespmem:s20], [sflag:$0x7], $0x4000, $0x38;
	[tilespmem:$0x1C800] =	vst v63  }
0x2a: {  	_ =	swait.ge [sflag:s21], $0x4000  }
0x2b: {  	[sflag:s21] =	ssyncset.done $0x0  }
0x2c: {  	[sflag:s21] =	ssyncadd.s32 $0xFFFFC000  }
0x2d: {  	[spmem:s10] =	stream.linear.scatter [tilespmem:s20], [sflag:$0x7], $0x4000, $0x38;
	[tilespmem:$0x1C800] =	vst v63  }
0x2e: {  	_ =	swait.ge [sflag:s21], $0x4000  }
0x2f: {  	[sflag:s21] =	ssyncset.done $0x0  }
0x30: {  	s9 =	rddreg [dreg:$0x8];
	[sflag:s21] =	ssyncadd.s32 $0xFFFFC000  }
0x31: {  	[spmem:s9] =	stream.linear.scatter [tilespmem:s20], [sflag:$0x7], $0x4000, $0x38;
	[tilespmem:$0x1C800] =	vst v63  }
0x32: {  	_ =	swait.ge [sflag:s21], $0x4000  }
0x33: {  	[sflag:s21] =	ssyncset.done $0x0  }
0x34: {  	s10 =	rddreg [dreg:$0x9];
	[sflag:s21] =	ssyncadd.s32 $0xFFFFC000  }
0x35: {  	[spmem:s10] =	stream.linear.scatter [tilespmem:s20], [sflag:$0x7], $0x4000, $0x38;
	[tilespmem:$0x1C800] =	vst v63  }
0x36: {  	_ =	swait.ge [sflag:s21], $0x4000  }
0x37: {  	[sflag:s21] =	ssyncset.done $0x0  }
0x38: {  	s9 =	rddreg [dreg:$0xa];
	[sflag:s21] =	ssyncadd.s32 $0xFFFFC000  }
0x39: {  	[spmem:s9] =	stream.linear.scatter [tilespmem:s20], [sflag:$0x7], $0x4000, $0x38;
	[tilespmem:$0x1C800] =	vst v63  }
0x3a: {  	_ =	swait.ge [sflag:s21], $0x4000  }
0x3b: {  	[sflag:s21] =	ssyncset.done $0x0  }
0x3c: {  	[sflag:s21] =	ssyncadd.s32 $0xFFFFC000  }
0x3d: {  	[bflag:$0x0] =	sbarrier.arrive $0xFFFF  }
0x3e: {  	s10 =	rddreg [dreg:$0xb]  }
0x3f: {  	[tilespmem:s3], [sflag:$0x1] =	stream.linear.gather [hbm4b:s10+s3], $0x400, $0x38;
	[tilespmem:$0x1C800] =	vst v63  }
0x40: {  	s9 =	rddreg [dreg:$0xc]  }
0x41: {  	[tilespmem:s22], [sflag:$0x2] =	stream.linear.gather [hbm4b:s9+s3], $0x400, $0x38;
	[tilespmem:$0x1C800] =	vst v63  }
0x42: {  	_ =	swait.ge [sflag:s23], $0x400  }
0x43: {  	[sflag:s23] =	ssyncset.done $0x0  }
0x44: {  	[sflag:s23] =	ssyncadd.s32 $0xFFFFFC00  }
0x45: {  	_ =	swait.ge [sflag:s24], $0x400  }
0x46: {  	[sflag:s24] =	ssyncset.done $0x0  }
0x47: {  	[sflag:s24] =	ssyncadd.s32 $0xFFFFFC00  }
0x48: {  	[tilespmem:s20], [sflag:$0x3] =	stream.indirect.gather [hbm4b:s1+s25], $0x80, s3, s25, $0xb8;
	[tilespmem:$0x1C800] =	vst v63  }
0x49: {  	_ = 	snop  }
0x4a: {  	[tilespmem:s26], [sflag:$0x4] =	stream.indirect.gather [hbm4b:s1+s25], $0x80, s25, s25, $0xb8;
	[tilespmem:$0x1C800] =	vst v63  }
0x4b: {  	_ =	swait.ge [sflag:s28], $0x4000  }
0x4c: {  	[sflag:s28] =	ssyncset.done $0x0  }
0x4d: {  	[sflag:s28] =	ssyncadd.s32 $0xFFFFC000  }
0x4e: {  	[spmem:s2] =	stream.indirect.scatter.add.f32 [tilespmem:s20], [sflag:$0x5], $0x80, s22, s25, $0xb8;
	[tilespmem:$0x1C800] =	vst v63  }
0x4f: {  	_ =	swait.ge [sflag:s29], $0x4000  }
0x50: {  	[sflag:s29] =	ssyncset.done $0x0  }
0x51: {  	[sflag:s29] =	ssyncadd.s32 $0xFFFFC000  }
0x52: {  	[tilespmem:s20], [sflag:$0x3] =	stream.indirect.gather [hbm4b:s1+s25], $0x80, s30, s25, $0xb8;
	[tilespmem:$0x1C800] =	vst v63  }
0x53: {  	_ =	swait.ge [sflag:s31], $0x4000  }
0x54: {  	[sflag:s31] =	ssyncset.done $0x0  }
0x55: {  	[sflag:s31] =	ssyncadd.s32 $0xFFFFC000  }
0x56: {  	[spmem:s2] =	stream.indirect.scatter.add.f32 [tilespmem:s26], [sflag:$0x6], $0x80, s0, s25, $0xb8;
	[tilespmem:$0x1C800] =	vst v63  }
0x57: {  	_ =	swait.ge [sflag:s4], $0x4000  }
0x58: {  	[sflag:s4] =	ssyncset.done $0x0  }
0x59: {  	[sflag:s4] =	ssyncadd.s32 $0xFFFFC000  }
0x5a: {  	[tilespmem:s26], [sflag:$0x4] =	stream.indirect.gather [hbm4b:s1+s25], $0x80, s5, s25, $0xb8;
	[tilespmem:$0x1C800] =	vst v63  }
0x5b: {  	_ =	swait.ge [sflag:s28], $0x4000  }
0x5c: {  	[sflag:s28] =	ssyncset.done $0x0  }
0x5d: {  	[sflag:s28] =	ssyncadd.s32 $0xFFFFC000  }
0x5e: {  	[spmem:s2] =	stream.indirect.scatter.add.f32 [tilespmem:s20], [sflag:$0x5], $0x80, s11, s25, $0xb8;
	[tilespmem:$0x1C800] =	vst v63  }
0x5f: {  	_ =	swait.ge [sflag:s29], $0x4000  }
0x60: {  	[sflag:s29] =	ssyncset.done $0x0  }
0x61: {  	[sflag:s29] =	ssyncadd.s32 $0xFFFFC000  }
0x62: {  	[tilespmem:s20], [sflag:$0x3] =	stream.indirect.gather [hbm4b:s1+s25], $0x80, s12, s25, $0xb8;
	[tilespmem:$0x1C800] =	vst v63  }
0x63: {  	_ =	swait.ge [sflag:s31], $0x4000  }
0x64: {  	[sflag:s31] =	ssyncset.done $0x0  }
0x65: {  	[sflag:s31] =	ssyncadd.s32 $0xFFFFC000  }
0x66: {  	[spmem:s2] =	stream.indirect.scatter.add.f32 [tilespmem:s26], [sflag:$0x6], $0x80, s13, s25, $0xb8;
	[tilespmem:$0x1C800] =	vst v63  }
0x67: {  	_ =	swait.ge [sflag:s4], $0x4000  }
0x68: {  	[sflag:s4] =	ssyncset.done $0x0  }
0x69: {  	[sflag:s4] =	ssyncadd.s32 $0xFFFFC000  }
0x6a: {  	[tilespmem:s26], [sflag:$0x4] =	stream.indirect.gather [hbm4b:s1+s25], $0x80, s14, s25, $0xb8;
	[tilespmem:$0x1C800] =	vst v63  }
0x6b: {  	_ =	swait.ge [sflag:s28], $0x4000  }
0x6c: {  	[sflag:s28] =	ssyncset.done $0x0  }
0x6d: {  	[sflag:s28] =	ssyncadd.s32 $0xFFFFC000  }
0x6e: {  	[spmem:s2] =	stream.indirect.scatter.add.f32 [tilespmem:s20], [sflag:$0x5], $0x80, s15, s25, $0xb8;
	[tilespmem:$0x1C800] =	vst v63  }
0x6f: {  	_ =	swait.ge [sflag:s29], $0x4000  }
0x70: {  	[sflag:s29] =	ssyncset.done $0x0  }
0x71: {  	[sflag:s29] =	ssyncadd.s32 $0xFFFFC000  }
0x72: {  	[tilespmem:s20], [sflag:$0x3] =	stream.indirect.gather [hbm4b:s1+s25], $0x80, s16, s25, $0xb8;
	[tilespmem:$0x1C800] =	vst v63  }
0x73: {  	_ =	swait.ge [sflag:s31], $0x4000  }
0x74: {  	[sflag:s31] =	ssyncset.done $0x0  }
0x75: {  	[sflag:s31] =	ssyncadd.s32 $0xFFFFC000  }
0x76: {  	[spmem:s2] =	stream.indirect.scatter.add.f32 [tilespmem:s26], [sflag:$0x6], $0x80, s17, s25, $0xb8;
	[tilespmem:$0x1C800] =	vst v63  }
0x77: {  	_ =	swait.ge [sflag:s4], $0x4000  }
0x78: {  	[sflag:s4] =	ssyncset.done $0x0  }
0x79: {  	[sflag:s4] =	ssyncadd.s32 $0xFFFFC000  }
0x7a: {  	[tilespmem:s26], [sflag:$0x4] =	stream.indirect.gather [hbm4b:s1+s25], $0x80, s18, s25, $0xb8;
	[tilespmem:$0x1C800] =	vst v63  }
0x7b: {  	_ =	swait.ge [sflag:s28], $0x4000  }
0x7c: {  	[sflag:s28] =	ssyncset.done $0x0  }
0x7d: {  	[sflag:s28] =	ssyncadd.s32 $0xFFFFC000  }
0x7e: {  	[spmem:s2] =	stream.indirect.scatter.add.f32 [tilespmem:s20], [sflag:$0x5], $0x80, s6, s25, $0xb8;
	[tilespmem:$0x1C800] =	vst v63  }
0x7f: {  	_ =	swait.ge [sflag:s31], $0x4000  }
0x80: {  	[sflag:s31] =	ssyncset.done $0x0  }
0x81: {  	[sflag:s31] =	ssyncadd.s32 $0xFFFFC000  }
0x82: {  	[spmem:s2] =	stream.indirect.scatter.add.f32 [tilespmem:s26], [sflag:$0x6], $0x80, s7, s25, $0xb8;
	[tilespmem:$0x1C800] =	vst v63  }
0x83: {  	_ =	swait.ge [sflag:s29], $0x4000  }
0x84: {  	[sflag:s29] =	ssyncset.done $0x0  }
0x85: {  	[sflag:s29] =	ssyncadd.s32 $0xFFFFC000  }
0x86: {  	_ =	swait.ge [sflag:s4], $0x4000  }
0x87: {  	s10 =	rddreg [dreg:$0x4];
	[sflag:s4] =	ssyncset.done $0x0  }
0x88: {  	[sflag:s4] =	ssyncadd.s32 $0xFFFFC000;
	s9 =	sadd.s32 $0x80, s10  }
0x89: {  	[tilespmem:s3], [sflag:$0x1] =	stream.linear.gather [hbm4b:s9+s3], $0x400, $0x38;
	[tilespmem:$0x1C800] =	vst v63  }
0x8a: {  	s10 =	sadd.s32 $0x80, s19;
	s9 =	simm.s32 $0x100  }
.LBB2_2:
0x8b: {  	[tilespmem:s22], [sflag:$0x2] =	stream.linear.gather [hbm4b:s10+s3], $0x400, $0x38;
	[tilespmem:$0x1C800] =	vst v63  }
0x8c: {  	_ =	swait.ge [sflag:s23], $0x400  }
0x8d: {  	[sflag:s23] =	ssyncset.done $0x0  }
0x8e: {  	[sflag:s23] =	ssyncadd.s32 $0xFFFFFC00  }
0x8f: {  	_ =	swait.ge [sflag:s24], $0x400  }
0x90: {  	[sflag:s24] =	ssyncset.done $0x0  }
0x91: {  	[sflag:s24] =	ssyncadd.s32 $0xFFFFFC00  }
0x92: {  	[tilespmem:s20], [sflag:$0x3] =	stream.indirect.gather [hbm4b:s1+s25], $0x80, s3, s25, $0xb8;
	[tilespmem:$0x1C800] =	vst v63  }
0x93: {  	_ = 	snop  }
0x94: {  	[tilespmem:s26], [sflag:$0x4] =	stream.indirect.gather [hbm4b:s1+s25], $0x80, s25, s25, $0xb8;
	[tilespmem:$0x1C800] =	vst v63  }
0x95: {  	_ =	swait.ge [sflag:s28], $0x4000  }
0x96: {  	[sflag:s28] =	ssyncset.done $0x0  }
0x97: {  	[sflag:s28] =	ssyncadd.s32 $0xFFFFC000  }
0x98: {  	[spmem:s2] =	stream.indirect.scatter.add.f32 [tilespmem:s20], [sflag:$0x5], $0x80, s22, s25, $0xb8;
	[tilespmem:$0x1C800] =	vst v63  }
0x99: {  	_ =	swait.ge [sflag:s29], $0x4000  }
0x9a: {  	[sflag:s29] =	ssyncset.done $0x0  }
0x9b: {  	[sflag:s29] =	ssyncadd.s32 $0xFFFFC000  }
0x9c: {  	[tilespmem:s20], [sflag:$0x3] =	stream.indirect.gather [hbm4b:s1+s25], $0x80, s30, s25, $0xb8;
	[tilespmem:$0x1C800] =	vst v63  }
0x9d: {  	_ =	swait.ge [sflag:s31], $0x4000  }
0x9e: {  	[sflag:s31] =	ssyncset.done $0x0  }
0x9f: {  	[sflag:s31] =	ssyncadd.s32 $0xFFFFC000  }
0xa0: {  	[spmem:s2] =	stream.indirect.scatter.add.f32 [tilespmem:s26], [sflag:$0x6], $0x80, s0, s25, $0xb8;
	[tilespmem:$0x1C800] =	vst v63  }
0xa1: {  	_ =	swait.ge [sflag:s4], $0x4000  }
0xa2: {  	[sflag:s4] =	ssyncset.done $0x0  }
0xa3: {  	[sflag:s4] =	ssyncadd.s32 $0xFFFFC000  }
0xa4: {  	[tilespmem:s26], [sflag:$0x4] =	stream.indirect.gather [hbm4b:s1+s25], $0x80, s5, s25, $0xb8;
	[tilespmem:$0x1C800] =	vst v63  }
0xa5: {  	_ =	swait.ge [sflag:s28], $0x4000  }
0xa6: {  	[sflag:s28] =	ssyncset.done $0x0  }
0xa7: {  	[sflag:s28] =	ssyncadd.s32 $0xFFFFC000  }
0xa8: {  	[spmem:s2] =	stream.indirect.scatter.add.f32 [tilespmem:s20], [sflag:$0x5], $0x80, s11, s25, $0xb8;
	[tilespmem:$0x1C800] =	vst v63  }
0xa9: {  	_ =	swait.ge [sflag:s29], $0x4000  }
0xaa: {  	[sflag:s29] =	ssyncset.done $0x0  }
0xab: {  	[sflag:s29] =	ssyncadd.s32 $0xFFFFC000  }
0xac: {  	[tilespmem:s20], [sflag:$0x3] =	stream.indirect.gather [hbm4b:s1+s25], $0x80, s12, s25, $0xb8;
	[tilespmem:$0x1C800] =	vst v63  }
0xad: {  	_ =	swait.ge [sflag:s31], $0x4000  }
0xae: {  	[sflag:s31] =	ssyncset.done $0x0  }
0xaf: {  	[sflag:s31] =	ssyncadd.s32 $0xFFFFC000  }
0xb0: {  	[spmem:s2] =	stream.indirect.scatter.add.f32 [tilespmem:s26], [sflag:$0x6], $0x80, s13, s25, $0xb8;
	[tilespmem:$0x1C800] =	vst v63  }
0xb1: {  	_ =	swait.ge [sflag:s4], $0x4000  }
0xb2: {  	[sflag:s4] =	ssyncset.done $0x0  }
0xb3: {  	[sflag:s4] =	ssyncadd.s32 $0xFFFFC000  }
0xb4: {  	[tilespmem:s26], [sflag:$0x4] =	stream.indirect.gather [hbm4b:s1+s25], $0x80, s14, s25, $0xb8;
	[tilespmem:$0x1C800] =	vst v63  }
0xb5: {  	_ =	swait.ge [sflag:s28], $0x4000  }
0xb6: {  	[sflag:s28] =	ssyncset.done $0x0  }
0xb7: {  	[sflag:s28] =	ssyncadd.s32 $0xFFFFC000  }
0xb8: {  	[spmem:s2] =	stream.indirect.scatter.add.f32 [tilespmem:s20], [sflag:$0x5], $0x80, s15, s25, $0xb8;
	[tilespmem:$0x1C800] =	vst v63  }
0xb9: {  	_ =	swait.ge [sflag:s29], $0x4000  }
0xba: {  	[sflag:s29] =	ssyncset.done $0x0  }
0xbb: {  	[sflag:s29] =	ssyncadd.s32 $0xFFFFC000  }
0xbc: {  	[tilespmem:s20], [sflag:$0x3] =	stream.indirect.gather [hbm4b:s1+s25], $0x80, s16, s25, $0xb8;
	[tilespmem:$0x1C800] =	vst v63  }
0xbd: {  	_ =	swait.ge [sflag:s31], $0x4000  }
0xbe: {  	[sflag:s31] =	ssyncset.done $0x0  }
0xbf: {  	[sflag:s31] =	ssyncadd.s32 $0xFFFFC000  }
0xc0: {  	[spmem:s2] =	stream.indirect.scatter.add.f32 [tilespmem:s26], [sflag:$0x6], $0x80, s17, s25, $0xb8;
	[tilespmem:$0x1C800] =	vst v63  }
0xc1: {  	_ =	swait.ge [sflag:s4], $0x4000  }
0xc2: {  	[sflag:s4] =	ssyncset.done $0x0  }
0xc3: {  	[sflag:s4] =	ssyncadd.s32 $0xFFFFC000  }
0xc4: {  	[tilespmem:s26], [sflag:$0x4] =	stream.indirect.gather [hbm4b:s1+s25], $0x80, s18, s25, $0xb8;
	[tilespmem:$0x1C800] =	vst v63  }
0xc5: {  	_ =	swait.ge [sflag:s28], $0x4000  }
0xc6: {  	[sflag:s28] =	ssyncset.done $0x0  }
0xc7: {  	[sflag:s28] =	ssyncadd.s32 $0xFFFFC000  }
0xc8: {  	[spmem:s2] =	stream.indirect.scatter.add.f32 [tilespmem:s20], [sflag:$0x5], $0x80, s6, s25, $0xb8;
	[tilespmem:$0x1C800] =	vst v63  }
0xc9: {  	_ =	swait.ge [sflag:s31], $0x4000  }
0xca: {  	[sflag:s31] =	ssyncset.done $0x0  }
0xcb: {  	[sflag:s31] =	ssyncadd.s32 $0xFFFFC000  }
0xcc: {  	[spmem:s2] =	stream.indirect.scatter.add.f32 [tilespmem:s26], [sflag:$0x6], $0x80, s7, s25, $0xb8;
	[tilespmem:$0x1C800] =	vst v63  }
0xcd: {  	_ =	swait.ge [sflag:s29], $0x4000  }
0xce: {  	p0 =	sne.s32 s9, $0x480;
	[sflag:s29] =	ssyncset.done $0x0  }
.Ltmp0:
0xcf: {  	[sflag:s29] =	ssyncadd.s32 $0xFFFFC000;
	(pc) =	sbr.rel @p0 .LBB2_2-.Ltmp0, $4  }
0xd0: {  	s10 =	smov.u32 s9;
	_ =	swait.ge [sflag:s4], $0x4000  }
0xd1: {  	s9 =	sadd.s32 $0x80, s9;
	s8 =	rddreg [dreg:$0x4];
	[sflag:s4] =	ssyncset.done $0x0  }
0xd2: {  	[sflag:s4] =	ssyncadd.s32 $0xFFFFC000;
	s8 =	sadd.s32 s10, s8;
	s10 =	sadd.s32 s10, s19  }
0xd3: {  	[tilespmem:s3], [sflag:$0x1] =	stream.linear.gather [hbm4b:s8+s3], $0x400, $0x38;
	[tilespmem:$0x1C800] =	vst v63  }
0xd4: {  	[tilespmem:s22], [sflag:$0x2] =	stream.linear.gather [hbm4b:s10+s3], $0x400, $0x38;
	[tilespmem:$0x1C800] =	vst v63  }
0xd5: {  	_ =	swait.ge [sflag:s23], $0x400  }
0xd6: {  	[sflag:s23] =	ssyncset.done $0x0  }
0xd7: {  	[sflag:s23] =	ssyncadd.s32 $0xFFFFFC00  }
0xd8: {  	_ =	swait.ge [sflag:s24], $0x400  }
0xd9: {  	[sflag:s24] =	ssyncset.done $0x0  }
0xda: {  	[sflag:s24] =	ssyncadd.s32 $0xFFFFFC00  }
0xdb: {  	[tilespmem:s20], [sflag:$0x3] =	stream.indirect.gather [hbm4b:s1+s25], $0x80, s3, s25, $0xb8;
	[tilespmem:$0x1C800] =	vst v63  }
0xdc: {  	_ = 	snop  }
0xdd: {  	[tilespmem:s26], [sflag:$0x4] =	stream.indirect.gather [hbm4b:s1+s25], $0x80, s25, s25, $0xb8;
	[tilespmem:$0x1C800] =	vst v63  }
0xde: {  	_ =	swait.ge [sflag:s28], $0x4000  }
0xdf: {  	[sflag:s28] =	ssyncset.done $0x0  }
0xe0: {  	[sflag:s28] =	ssyncadd.s32 $0xFFFFC000  }
0xe1: {  	[spmem:s2] =	stream.indirect.scatter.add.f32 [tilespmem:s20], [sflag:$0x5], $0x80, s22, s25, $0xb8;
	[tilespmem:$0x1C800] =	vst v63  }
0xe2: {  	_ =	swait.ge [sflag:s29], $0x4000  }
0xe3: {  	[sflag:s29] =	ssyncset.done $0x0  }
0xe4: {  	[sflag:s29] =	ssyncadd.s32 $0xFFFFC000  }
0xe5: {  	[tilespmem:s20], [sflag:$0x3] =	stream.indirect.gather [hbm4b:s1+s25], $0x80, s30, s25, $0xb8;
	[tilespmem:$0x1C800] =	vst v63  }
0xe6: {  	_ =	swait.ge [sflag:s31], $0x4000  }
0xe7: {  	[sflag:s31] =	ssyncset.done $0x0  }
0xe8: {  	[sflag:s31] =	ssyncadd.s32 $0xFFFFC000  }
0xe9: {  	[spmem:s2] =	stream.indirect.scatter.add.f32 [tilespmem:s26], [sflag:$0x6], $0x80, s0, s25, $0xb8;
	[tilespmem:$0x1C800] =	vst v63  }
0xea: {  	_ =	swait.ge [sflag:s4], $0x4000  }
0xeb: {  	[sflag:s4] =	ssyncset.done $0x0  }
0xec: {  	[sflag:s4] =	ssyncadd.s32 $0xFFFFC000  }
0xed: {  	[tilespmem:s26], [sflag:$0x4] =	stream.indirect.gather [hbm4b:s1+s25], $0x80, s5, s25, $0xb8;
	[tilespmem:$0x1C800] =	vst v63  }
0xee: {  	_ =	swait.ge [sflag:s28], $0x4000  }
0xef: {  	[sflag:s28] =	ssyncset.done $0x0  }
0xf0: {  	[sflag:s28] =	ssyncadd.s32 $0xFFFFC000  }
0xf1: {  	[spmem:s2] =	stream.indirect.scatter.add.f32 [tilespmem:s20], [sflag:$0x5], $0x80, s11, s25, $0xb8;
	[tilespmem:$0x1C800] =	vst v63  }
0xf2: {  	_ =	swait.ge [sflag:s29], $0x4000  }
0xf3: {  	[sflag:s29] =	ssyncset.done $0x0  }
0xf4: {  	[sflag:s29] =	ssyncadd.s32 $0xFFFFC000  }
0xf5: {  	[tilespmem:s20], [sflag:$0x3] =	stream.indirect.gather [hbm4b:s1+s25], $0x80, s12, s25, $0xb8;
	[tilespmem:$0x1C800] =	vst v63  }
0xf6: {  	_ =	swait.ge [sflag:s31], $0x4000  }
0xf7: {  	[sflag:s31] =	ssyncset.done $0x0  }
0xf8: {  	[sflag:s31] =	ssyncadd.s32 $0xFFFFC000  }
0xf9: {  	[spmem:s2] =	stream.indirect.scatter.add.f32 [tilespmem:s26], [sflag:$0x6], $0x80, s13, s25, $0xb8;
	[tilespmem:$0x1C800] =	vst v63  }
0xfa: {  	_ =	swait.ge [sflag:s4], $0x4000  }
0xfb: {  	[sflag:s4] =	ssyncset.done $0x0  }
0xfc: {  	[sflag:s4] =	ssyncadd.s32 $0xFFFFC000  }
0xfd: {  	[tilespmem:s26], [sflag:$0x4] =	stream.indirect.gather [hbm4b:s1+s25], $0x80, s14, s25, $0xb8;
	[tilespmem:$0x1C800] =	vst v63  }
0xfe: {  	_ =	swait.ge [sflag:s28], $0x4000  }
0xff: {  	[sflag:s28] =	ssyncset.done $0x0  }
0x100: {  	[sflag:s28] =	ssyncadd.s32 $0xFFFFC000  }
0x101: {  	[spmem:s2] =	stream.indirect.scatter.add.f32 [tilespmem:s20], [sflag:$0x5], $0x80, s15, s25, $0xb8;
	[tilespmem:$0x1C800] =	vst v63  }
0x102: {  	_ =	swait.ge [sflag:s29], $0x4000  }
0x103: {  	[sflag:s29] =	ssyncset.done $0x0  }
0x104: {  	[sflag:s29] =	ssyncadd.s32 $0xFFFFC000  }
0x105: {  	[tilespmem:s20], [sflag:$0x3] =	stream.indirect.gather [hbm4b:s1+s25], $0x80, s16, s25, $0xb8;
	[tilespmem:$0x1C800] =	vst v63  }
0x106: {  	_ =	swait.ge [sflag:s31], $0x4000  }
0x107: {  	[sflag:s31] =	ssyncset.done $0x0  }
0x108: {  	[sflag:s31] =	ssyncadd.s32 $0xFFFFC000  }
0x109: {  	[spmem:s2] =	stream.indirect.scatter.add.f32 [tilespmem:s26], [sflag:$0x6], $0x80, s17, s25, $0xb8;
	[tilespmem:$0x1C800] =	vst v63  }
0x10a: {  	_ =	swait.ge [sflag:s4], $0x4000  }
0x10b: {  	[sflag:s4] =	ssyncset.done $0x0  }
0x10c: {  	[sflag:s4] =	ssyncadd.s32 $0xFFFFC000  }
0x10d: {  	[tilespmem:s26], [sflag:$0x4] =	stream.indirect.gather [hbm4b:s1+s25], $0x80, s18, s25, $0xb8;
	[tilespmem:$0x1C800] =	vst v63  }
0x10e: {  	_ =	swait.ge [sflag:s28], $0x4000  }
0x10f: {  	[sflag:s28] =	ssyncset.done $0x0  }
0x110: {  	[sflag:s28] =	ssyncadd.s32 $0xFFFFC000  }
0x111: {  	[spmem:s2] =	stream.indirect.scatter.add.f32 [tilespmem:s20], [sflag:$0x5], $0x80, s6, s25, $0xb8;
	[tilespmem:$0x1C800] =	vst v63  }
0x112: {  	_ =	swait.ge [sflag:s31], $0x4000  }
0x113: {  	[sflag:s31] =	ssyncset.done $0x0  }
0x114: {  	[sflag:s31] =	ssyncadd.s32 $0xFFFFC000  }
0x115: {  	[spmem:s2] =	stream.indirect.scatter.add.f32 [tilespmem:s26], [sflag:$0x6], $0x80, s7, s25, $0xb8;
	[tilespmem:$0x1C800] =	vst v63  }
0x116: {  	_ =	swait.ge [sflag:s29], $0x4000  }
0x117: {  	[sflag:s29] =	ssyncset.done $0x0  }
0x118: {  	[sflag:s29] =	ssyncadd.s32 $0xFFFFC000  }
0x119: {  	_ =	swait.ge [sflag:s4], $0x4000  }
0x11a: {  	[sflag:s4] =	ssyncset.done $0x0  }
0x11b: {  	[sflag:s4] =	ssyncadd.s32 $0xFFFFC000  }
0x11c: {  	[bflag:$0x0] =	sbarrier.arrive $0xFFFF  }
0x11d: {  	s9 =	rddreg [dreg:$0x6]  }
0x11e: {  	[tilespmem:s20], [sflag:$0x7] =	stream.linear.gather [spmem:s9], $0x4000, $0x38;
	[tilespmem:$0x1C800] =	vst v63  }
0x11f: {  	_ =	swait.ge [sflag:s21], $0x4000  }
0x120: {  	[sflag:s21] =	ssyncset.done $0x0  }
0x121: {  	s8 =	rddreg [dreg:$0xd];
	[sflag:s21] =	ssyncadd.s32 $0xFFFFC000  }
0x122: {  	[hbm4b:s8+s3] =	stream.linear.scatter [tilespmem:s20], [sflag:$0x7], $0x4000, $0x38;
	[tilespmem:$0x1C800] =	vst v63  }
0x123: {  	_ =	swait.ge [sflag:s21], $0x4000  }
0x124: {  	[sflag:s21] =	ssyncset.done $0x0  }
0x125: {  	s10 =	rddreg [dreg:$0x7];
	[sflag:s21] =	ssyncadd.s32 $0xFFFFC000  }
0x126: {  	[tilespmem:s20], [sflag:$0x7] =	stream.linear.gather [spmem:s10], $0x4000, $0x38;
	[tilespmem:$0x1C800] =	vst v63  }
0x127: {  	_ =	swait.ge [sflag:s21], $0x4000  }
0x128: {  	[sflag:s21] =	ssyncset.done $0x0  }
0x129: {  	s8 =	rddreg [dreg:$0xe];
	[sflag:s21] =	ssyncadd.s32 $0xFFFFC000  }
0x12a: {  	[hbm4b:s8+s3] =	stream.linear.scatter [tilespmem:s20], [sflag:$0x7], $0x4000, $0x38;
	[tilespmem:$0x1C800] =	vst v63  }
0x12b: {  	_ =	swait.ge [sflag:s21], $0x4000  }
0x12c: {  	[sflag:s21] =	ssyncset.done $0x0  }
0x12d: {  	s8 =	rddreg [dreg:$0x8];
	[sflag:s21] =	ssyncadd.s32 $0xFFFFC000  }
0x12e: {  	[tilespmem:s20], [sflag:$0x7] =	stream.linear.gather [spmem:s8], $0x4000, $0x38;
	[tilespmem:$0x1C800] =	vst v63  }
0x12f: {  	_ =	swait.ge [sflag:s21], $0x4000  }
0x130: {  	[sflag:s21] =	ssyncset.done $0x0  }
0x131: {  	s8 =	rddreg [dreg:$0xf];
	[sflag:s21] =	ssyncadd.s32 $0xFFFFC000  }
0x132: {  	[hbm4b:s8+s3] =	stream.linear.scatter [tilespmem:s20], [sflag:$0x7], $0x4000, $0x38;
	[tilespmem:$0x1C800] =	vst v63  }
0x133: {  	_ =	swait.ge [sflag:s21], $0x4000  }
0x134: {  	[sflag:s21] =	ssyncset.done $0x0  }
0x135: {  	s8 =	rddreg [dreg:$0x9];
	[sflag:s21] =	ssyncadd.s32 $0xFFFFC000  }
0x136: {  	[tilespmem:s20], [sflag:$0x7] =	stream.linear.gather [spmem:s8], $0x4000, $0x38;
	[tilespmem:$0x1C800] =	vst v63  }
0x137: {  	_ =	swait.ge [sflag:s21], $0x4000  }
0x138: {  	[sflag:s21] =	ssyncset.done $0x0  }
0x139: {  	s8 =	rddreg [dreg:$0x10];
	[sflag:s21] =	ssyncadd.s32 $0xFFFFC000  }
0x13a: {  	[hbm4b:s8+s3] =	stream.linear.scatter [tilespmem:s20], [sflag:$0x7], $0x4000, $0x38;
	[tilespmem:$0x1C800] =	vst v63  }
0x13b: {  	_ =	swait.ge [sflag:s21], $0x4000  }
0x13c: {  	[sflag:s21] =	ssyncset.done $0x0  }
0x13d: {  	s8 =	rddreg [dreg:$0xa];
	[sflag:s21] =	ssyncadd.s32 $0xFFFFC000  }
0x13e: {  	[tilespmem:s20], [sflag:$0x7] =	stream.linear.gather [spmem:s8], $0x4000, $0x38;
	[tilespmem:$0x1C800] =	vst v63  }
0x13f: {  	_ =	swait.ge [sflag:s21], $0x4000  }
0x140: {  	[sflag:s21] =	ssyncset.done $0x0  }
0x141: {  	s8 =	rddreg [dreg:$0x11];
	[sflag:s21] =	ssyncadd.s32 $0xFFFFC000  }
0x142: {  	[hbm4b:s8+s3] =	stream.linear.scatter [tilespmem:s20], [sflag:$0x7], $0x4000, $0x38;
	[tilespmem:$0x1C800] =	vst v63  }
0x143: {  	_ =	swait.ge [sflag:s21], $0x4000  }
0x144: {  	s8 =	simm.s32 $0x7;
	s21 =	rddreg [dreg:$0x13]  }
0x145: {  	[sflag:s8] =	ssyncset.done $0x0;
	s8 =	rddreg [dreg:$0x12];
	s21 =	sadd.s32 $0x1, s21  }
0x146: {  	p0 =	sne.s32 s21, s8  }
.Ltmp1:
0x147: {  	_ = 	snop;
	(pc) =	sbr.rel @p0 .LBB2_1-.Ltmp1, $3  }
0x148: {  	_ =	sdelay $0x1  }
0x149: {  	[dreg:$0x13] =	wrdreg s21;
	s21 =	simm.s32 $0x7  }
0x14a: {  	[sflag:s21] =	ssyncadd.s32 $0xFFFFC000  }
0x14b: {  	_ =	sfence.sel $0x180000  }
0x14c: {  	[bflag:$0x0] =	sbarrier.arrive $0xFFFF  }
0x14d: {  	_ =	strace $0x90000047  }
0x14e: {  	s0 =	stileid.u32;
	[bflag:$0x2] =	sbarrier.arrive $0xFFFF  }
0x14f: {  	p0 =	sne.s32 s0, $0x0;
	s0 =	rddreg [dreg:$0x3]  }
0x150: {  	s0 =	sadd.s32 @!p0 $0x100000, s0  }
0x151: {  	[sflag:s0] =	ssyncadd.tile.s32 @!p0 $0x1;
	_ =	shalt  }
.Lfunc_end2:
_tile_overlayer_lowered:
.L_overlay_start_2:
0x152: {  	(tag) =	ssettag $0x2  }
0x153: {  	s0 =	rddreg [dreg:$0x0];
	s2 =	stileid.u32  }
0x154: {  	s1 =	rddreg [dreg:$0x1];
	p0 =	sne.s32 s2, $0x0  }
0x155: {  	s3 =	rddreg [dreg:$0x2];
	[bflag:$0x3] =	sbarrier.arrive $0xFFFF;
	s2 =	simm.s32 @!p0 $0x1C07  }
0x156: {  	[timem:s3], [sflag:s2] =	dma.local @!p0 [hbm:s0], s1  }
0x157: {  	s0 =	simm.s32 @!p0 $0x7  }
0x158: {  	_ =	swait.ge @!p0 [sflag:s0], s1  }
0x159: {  	s1 =	ssub.s32 @!p0 $0x0, s1;
	[sflag:s0] =	ssyncset.done @!p0 $0x0  }
0x15a: {  	[sflag:s0] =	ssyncadd.s32 @!p0 s1  }
0x15b: {  	[bflag:$0x3] =	sbarrier.arrive $0xFFFF  }
0x15c: {  	_ =	shalt  }

// kernel: kernel.13.cloned.1.call-start
scs
__scs_entry_jumppad:
0x0: {  	(pc) =	sbr.rel $0x88, $3  }
0x1: {  	(tag) =	ssettag $0x0;
	lr =	simm.s32 $0x1  }
0x2: {  	[smem:$0x3F9B] =	sst lr;
	_ =	strace $0xD0000000  }
0x3: {  	_ = 	snop  }
0x4: {  	_ = 	snop  }
0x5: {  	_ = 	snop  }
0x6: {  	_ = 	snop  }
0x7: {  	_ = 	snop  }
__scs_overlays_trampoline_lowered:
0x8: {  	[smem:$0x3FAA] =	sst s0  }
0x9: {  	[smem:$0x3FAB] =	sst s1  }
0xa: {  	[smem:$0x3FAC] =	sst s2  }
0xb: {  	[smem:$0x3FAD] =	sst s3  }
0xc: {  	[smem:$0x3FAE] =	sst s4  }
0xd: {  	[smem:$0x3FAF] =	sst s5  }
0xe: {  	[smem:$0x3FB0] =	sst s6  }
0xf: {  	[smem:$0x3FB1] =	sst s7  }
0x10: {  	[smem:$0x3FB2] =	sst s8  }
0x11: {  	[smem:$0x3FB3] =	sst s9;
	s0 =	simm.s32 @!p0 $0x0  }
0x12: {  	s1 =	sld [smem:$0x3F99];
	s0 =	simm.s32 @p0 $0x1  }
0x13: {  	[smem:$0x3FB4] =	sst s0;
	s0 =	simm.s32 @!p1 $0x0  }
0x14: {  	s2 =	sld [smem:$0x3F98];
	s0 =	simm.s32 @p1 $0x1  }
0x15: {  	[smem:$0x3FB5] =	sst s0;
	s0 =	simm.s32 @!p2 $0x0  }
0x16: {  	s3 =	sld [smem:$0x3FDB];
	s0 =	simm.s32 @p2 $0x1  }
0x17: {  	s4 =	simm.s32 $0x1BF5;
	[smem:$0x3FB7] =	sst s0  }
0x18: {  	s0 =	sld [smem:$0x3F9A];
	_ =	swait.ge [sflag:s4], $0x0  }
0x19: {  	s7 =	sld [smem:$0x3F9B]  }
0x1a: {  	s8 =	sadd.s32 $0xFFFFE003, lr  }
0x1b: {  	s9 =	sadd.s32 $0xFFFFFEF7, lr;
	s5 =	simm.s32 $0xFFFFFFFF;
	p2 =	slt.u32 s8, $0xFFFFF086  }
0x1c: {  	p1 =	slt.u32 s9, $0xF7A;
	s5 =	simm.s32 @!p2 $0x0  }
0x1d: {  	s5 =	simm.s32 @p1 $0x1;
	p0 =	seq.s32 s7, s2  }
0x1e: {  	s7 =	smul.u32 @!p0 $0xF7A, s2;
	p2 =	seq.s32 @!p0 s5, $0x0  }
0x1f: {  	s9 =	smul.u32 $0xF7A, s1;
	s8 =	simm.s32 @!p0 $0x1BF5;
	p2 =	por !p2, p0  }
0x20: {  	[sflag:s8] =	ssyncset.s32 @!p0 $0xFFFFF086;
	s6 =	sadd.s32 @!p0 s3, s7;
	s7 =	simm.s32 @!p0 $0x108  }
0x21: {  	s3 =	sadd.s32 s3, s9;
	s6 =	sadd.s32 @!p0 $0x88, s6;
	s7 =	simm.s32 @p2 $0x1082  }
0x22: {  	[simem:s7], [sflag:s8] =	dma.local @!p0 [hbm:s6], $0xF7A  }
0x23: {  	s9 =	sor.u32 $0xD0000000, s2;
	s6 =	simm.s32 $0x108;
	_ =	swait.ge @!p0 [sflag:s8], $0x0  }
0x24: {  	s3 =	sadd.s32 $0x88, s3;
	s6 =	simm.s32 @!p1 $0x1082;
	[sflag:s4] =	ssyncset.s32 $0xFFFFF086  }
0x25: {  	[simem:s6], [sflag:s4] =	dma.local [hbm:s3], $0xF7A  }
0x26: {  	[smem:$0x3F9B] =	sst s1;
	(tag) =	ssettag s2;
	_ =	strace s9  }
0x27: {  	s1 =	sld [smem:$0x3FAB]  }
0x28: {  	s2 =	sld [smem:$0x3FAC]  }
0x29: {  	s4 =	sld [smem:$0x3FAE]  }
0x2a: {  	p0 =	seq.s32 s5, $0x0;
	s5 =	sld [smem:$0x3FAF]  }
0x2b: {  	s6 =	sld [smem:$0x3FB0]  }
0x2c: {  	s7 =	sld [smem:$0x3FB1]  }
0x2d: {  	s3 =	simm.s32 $0x108;
	s8 =	sld [smem:$0x3FB2]  }
0x2e: {  	s3 =	simm.s32 @!p0 $0x1082;
	s9 =	sld [smem:$0x3FB3]  }
0x2f: {  	lr =	sadd.s32 s0, s3;
	s0 =	sld [smem:$0x3FAA]  }
0x30: {  	s3 =	sld [smem:$0x3FAD]  }
0x31: {  	[smem:$0x3FB6] =	sst s10  }
0x32: {  	s10 =	sld [smem:$0x3FB4];
	_ =	sdelay $0x3  }
0x33: {  	p0 =	seq.s32 s10, $0x1;
	s10 =	sld [smem:$0x3FB6];
	_ =	sdelay $0x3  }
0x34: {  	[smem:$0x3FB6] =	sst s10  }
0x35: {  	s10 =	sld [smem:$0x3FB5];
	_ =	sdelay $0x3  }
0x36: {  	p1 =	seq.s32 s10, $0x1;
	s10 =	sld [smem:$0x3FB6];
	_ =	sdelay $0x3  }
0x37: {  	[smem:$0x3FB6] =	sst s10  }
0x38: {  	s10 =	sld [smem:$0x3FB7]  }
0x39: {  	_ = 	snop;
	(pc) =	sbr.ind lr, $3  }
0x3a: {  	_ = 	snop  }
0x3b: {  	_ = 	snop  }
0x3c: {  	p2 =	seq.s32 s10, $0x1;
	s10 =	sld [smem:$0x3FB6]  }
0x3d: {  	_ =	shalt  }
0x3e: {  	_ =	shalt  }
0x3f: {  	_ =	shalt  }
0x40: {  	_ =	shalt  }
0x41: {  	_ =	shalt  }
0x42: {  	_ =	shalt  }
0x43: {  	_ =	shalt  }
0x44: {  	_ =	shalt  }
0x45: {  	_ =	shalt  }
0x46: {  	_ =	shalt  }
0x47: {  	_ =	shalt  }
0x48: {  	_ =	shalt  }
0x49: {  	_ =	shalt  }
0x4a: {  	_ =	shalt  }
0x4b: {  	_ =	shalt  }
0x4c: {  	_ =	shalt  }
0x4d: {  	_ =	shalt  }
0x4e: {  	_ =	shalt  }
0x4f: {  	_ =	shalt  }
0x50: {  	_ =	shalt  }
0x51: {  	_ =	shalt  }
0x52: {  	_ =	shalt  }
0x53: {  	_ =	shalt  }
0x54: {  	_ =	shalt  }
0x55: {  	_ =	shalt  }
0x56: {  	_ =	shalt  }
0x57: {  	_ =	shalt  }
0x58: {  	_ =	shalt  }
0x59: {  	_ =	shalt  }
0x5a: {  	_ =	shalt  }
0x5b: {  	_ =	shalt  }
0x5c: {  	_ =	shalt  }
0x5d: {  	_ =	shalt  }
0x5e: {  	_ =	shalt  }
0x5f: {  	_ =	shalt  }
0x60: {  	_ =	shalt  }
0x61: {  	_ =	shalt  }
0x62: {  	_ =	shalt  }
0x63: {  	_ =	shalt  }
0x64: {  	_ =	shalt  }
0x65: {  	_ =	shalt  }
0x66: {  	_ =	shalt  }
0x67: {  	_ =	shalt  }
0x68: {  	_ =	shalt  }
0x69: {  	_ =	shalt  }
0x6a: {  	_ =	shalt  }
0x6b: {  	_ =	shalt  }
0x6c: {  	_ =	shalt  }
0x6d: {  	_ =	shalt  }
0x6e: {  	_ =	shalt  }
0x6f: {  	_ =	shalt  }
0x70: {  	_ =	shalt  }
0x71: {  	_ =	shalt  }
0x72: {  	_ =	shalt  }
0x73: {  	_ =	shalt  }
0x74: {  	_ =	shalt  }
0x75: {  	_ =	shalt  }
0x76: {  	_ =	shalt  }
0x77: {  	_ =	shalt  }
0x78: {  	_ =	shalt  }
0x79: {  	_ =	shalt  }
0x7a: {  	_ =	shalt  }
0x7b: {  	_ =	shalt  }
0x7c: {  	_ =	shalt  }
0x7d: {  	_ =	shalt  }
0x7e: {  	_ =	shalt  }
0x7f: {  	_ =	shalt  }
0x80: {  	_ =	shalt  }
0x81: {  	_ =	shalt  }
0x82: {  	_ =	shalt  }
0x83: {  	_ =	shalt  }
0x84: {  	_ =	shalt  }
0x85: {  	_ =	shalt  }
0x86: {  	_ =	shalt  }
0x87: {  	_ =	shalt  }
.Lfunc_end0:
.L_simem_size_0:
called_computation.2_lowered:
.L_overlay_start_0:
0x88: {  	s2 =	sld [smem:$0x3FD9]  }
0x89: {  	s3 =	sld [smem:$0x3FFE];
	_ =	sdelay $0x1  }
0x8a: {  	s1 =	srdreg.scid  }
0x8b: {  	s0 =	sand.u32 $0x1, s1  }
0x8c: {  	s17 =	sshll.u32 s0, $0xA;
	s2 =	sadd.s32 s3, s2  }
0x8d: {  	s2 =	sadd.s32 s2, s17  }
0x8e: {  	[smem:$0x3FC2] =	sst s2  }
0x8f: {  	_ = 	snop  }
0x90: {  	s2 =	sld [smem:$0x3FD0];
	(tm) =	ssettm $0x1  }
0x91: {  	s18 =	sld [smem:$0x3FFB];
	_ =	sdelay $0x3  }
0x92: {  	_ =	strace s18  }
0x93: {  	s3 =	sld [smem:$0x3FFC];
	_ =	sdelay $0x3  }
0x94: {  	_ =	strace s3  }
0x95: {  	s3 =	sld [smem:$0x3FFD];
	_ =	sdelay $0x3  }
0x96: {  	_ =	strace s3  }
0x97: {  	_ =	strace $0x8FFFFFFF  }
0x98: {  	s19 =	sld [smem:$0x3FDB];
	_ =	sdelay $0x1  }
0x99: {  	s4 =	simm.s32 $_scs_section_size  }
0x9a: {  	s5 =	simm.s32 $_size__tile_overlayer_lowered;
	s6 =	simm.s32 $_tile_overlayer_lowered  }
0x9b: {  	s22 =	simm.s32 $0x1BFF;
	s21 =	sshll.u32 s6, $0x1;
	s3 =	sadd.s32 s4, s19  }
0x9c: {  	s7 =	simm.s32 $0x0;
	s20 =	sshll.u32 s5, $0x1;
	s5 =	sadd.s32 s21, s3  }
0x9d: {  	[timem:s7], [sflag:s22] =	dma.local [hbm:s5], s20  }
0x9e: {  	_ =	swait.ge [sflag:s22], s20  }
0x9f: {  	s4 =	ssub.s32 $0x0, s20;
	[sflag:s22] =	ssyncset.done $0x0  }
0xa0: {  	[sflag:s22] =	ssyncadd.s32 s4;
	_ =	sdelay $0x1  }
0xa1: {  	s23 =	simm.s32 $0x1B8B  }
0xa2: {  	_ =	swait.ge [sflag:s23], $0x1  }
0xa3: {  	[sflag:s23] =	ssyncset.done $0x0  }
0xa4: {  	s25 =	simm.s32 $0x1B8E;
	s24 =	sld [smem:$0x3FFE];
	[sflag:s23] =	ssyncadd.s32 $0xFFFFFFFF  }
0xa5: {  	s26 =	simm.s32 $execute0_lowered;
	[smem:$0x3FD2] =	sst s25  }
0xa6: {  	s5 =	sshll.u32 s26, $0x1;
	_ =	strace $0x8000004C;
	[dreg:$0x1] =	wrdreg $0xFFFFFFFF  }
0xa7: {  	s28 =	simm.s32 $_size_execute0_lowered;
	s3 =	sadd.s32 s3, s5;
	[dreg:$0x0] =	wrdreg $0x0  }
0xa8: {  	s5 =	sshll.u32 s28, $0x1;
	[dreg:$0x2] =	wrdreg s3  }
0xa9: {  	[dreg:$0x3] =	wrdreg s5  }
0xaa: {  	[dreg:$0x4] =	wrdreg $0xC0  }
0xab: {  	_ =	task [dreg:s7], $0x5FFFF  }
0xac: {  	[dreg:$0x1] =	wrdreg $0xFFFFFFFF  }
0xad: {  	[dreg:$0x0] =	wrdreg $0x60  }
0xae: {  	[dreg:$0x2] =	wrdreg s2  }
0xaf: {  	[dreg:$0x3] =	wrdreg s24  }
0xb0: {  	[dreg:$0x4] =	wrdreg $0x88000  }
0xb1: {  	[dreg:$0x5] =	wrdreg $0x9  }
0xb2: {  	_ =	task.clear_ibuf [dreg:s7], $0x6FFFF;
	_ =	strace $0x9000004C  }
0xb3: {  	s29 =	simm.s32 $0x9;
	_ =	strace $0x8000004E  }
0xb4: {  	_ =	swait.ge [sflag:s29], $0x1  }
0xb5: {  	[sflag:s29] =	ssyncadd.s32 $0xFFFFFFFF  }
0xb6: {  	_ =	strace $0x9000004E  }
0xb7: {  	_ =	sfence  }
0xb8: {  	s30 =	sld [smem:$0x0];
	_ =	sdelay $0x2  }
0xb9: {  	s31 =	sshll.u32 s1, $0xD;
	s1 =	sshrl.u32 s1, $0x2  }
0xba: {  	s3 =	sand.u32 $0x4000, s31;
	s1 =	sadd.s32 s1, s30  }
0xbb: {  	s0 =	sor.u32 s3, s0;
	s1 =	sshll.u32 s1, $0x11  }
0xbc: {  	s0 =	sor.u32 s1, s0  }
0xbd: {  	s0 =	sadd.s32 $0x8F2B, s0  }
0xbe: {  	[sflag:s0] =	ssyncadd.remote.s32 $0x1  }
0xbf: {  	_ =	sfence.sel $0xFFFF  }
0xc0: {  	[dreg:$0x0] =	wrdreg $0xFFFFFFFF;
	(pc) =	sbr.abs _section_cstart, $3  }
0xc1: {  	[dreg:$0x1] =	wrdreg $0xFFFFFFFF  }
0xc2: {  	_ =	task.clear_ibuf [dreg:s7], $0x2FFFF;
	_ =	strace $0x9FFFFFFF  }
0xc3: {  	(tm) =	ssettm $0x7FFFFFFF  }
tec
execute0_lowered:
.L_overlay_start_1:
0x0: {  	(tag) =	ssettag $0x1  }
0x1: {  	s1 =	rddreg [dreg:$0x0]  }
0x2: {  	s0 =	rddreg [dreg:$0x1]  }
0x3: {  	s2 =	rddreg [dreg:$0x2]  }
0x4: {  	s3 =	simm.s32 $0x0;
	s4 =	srdreg.scid;
	s15 =	stileid.u32  }
0x5: {  	s28 =	simm.s32 $0x3;
	s29 =	simm.s32 $0x5;
	s30 =	simm.s32 $0x100  }
0x6: {  	s31 =	simm.s32 $0x4;
	[smem:$0x7FF] =	sst s3;
	s5 =	sadd.s32 $0xC800, s0  }
0x7: {  	s4 =	sand.u32 $0x1, s4;
	s6 =	sadd.s32 $0x2800, s0;
	s8 =	smul.u32 $0x50000, s15  }
0x8: {  	s9 =	sadd.s32 $0x16800, s0;
	s0 =	sadd.s32 $0x67000, s0;
	s10 =	sshll.u32 s15, $0x1  }
0x9: {  	s11 =	smul.u32 $0x14000, s15;
	_ =	strace $0x8000004D;
	s7 =	ssub.s32 $0x2, s4  }
0xa: {  	[dreg:$0x5] =	wrdreg s9;
	s21 =	sor.u32 s4, s10;
	s12 =	smul.u32 $0x140000, s4  }
0xb: {  	s4 =	smul.u32 $0xA, s4;
	s20 =	sshrl.u32 s7, $0x1;
	s8 =	sshrl.u32 s8, $0x2  }
0xc: {  	s22 =	sadd.s32 $0x4000, s11;
	s23 =	sadd.s32 $0x8000, s11;
	s24 =	sadd.s32 $0xC000, s11  }
0xd: {  	s14 =	sadd.s32 $0x10000, s11;
	s9 =	smul.u32 $0x500, s21;
	s7 =	ssub.s32 s7, s20  }
0xe: {  	s16 =	sadd.s32 s8, s2;
	s17 =	sadd.s32 s22, s2;
	s13 =	sadd.s32 s23, s2  }
0xf: {  	s11 =	sadd.s32 s11, s12;
	s18 =	sadd.s32 s24, s2;
	s25 =	sadd.s32 s14, s2  }
0x10: {  	s8 =	sadd.s32 s12, s22;
	s19 =	sadd.s32 s12, s23;
	s20 =	smul.u32 $0x14, s15  }
0x11: {  	s22 =	sadd.s32 s12, s24;
	s23 =	sadd.s32 s12, s14;
	[dreg:$0x8] =	wrdreg s13  }
0x12: {  	s12 =	simm.s32 $0x200;
	s14 =	simm.s32 $0x280;
	[dreg:$0x9] =	wrdreg s18  }
0x13: {  	s15 =	simm.s32 $0x600;
	[dreg:$0xa] =	wrdreg s25;
	s11 =	sshrl.u32 s11, $0x3  }
0x14: {  	s26 =	sadd.s32 s5, s9;
	s9 =	sadd.s32 s6, s9;
	s8 =	sshrl.u32 s8, $0x3  }
0x15: {  	s10 =	smov.u32 s17;
	s24 =	sshrl.u32 s23, $0x3;
	s25 =	smax.u32 s7, $0x1  }
0x16: {  	s23 =	simm.s32 $0x1;
	s13 =	simm.s32 $0x580;
	[dreg:$0xb] =	wrdreg s26  }
0x17: {  	s17 =	simm.s32 $0x680;
	s7 =	simm.s32 $0x780;
	[dreg:$0xc] =	wrdreg s9  }
0x18: {  	s18 =	sadd.s32 s0, s11;
	s9 =	sshrl.u32 s19, $0x3;
	[dreg:$0x12] =	wrdreg s25  }
0x19: {  	s8 =	sadd.s32 s0, s8;
	s4 =	sadd.s32 s4, s20;
	[dreg:$0x7] =	wrdreg s10  }
0x1a: {  	s20 =	simm.s32 $0x800;
	s25 =	simm.s32 $0x80;
	[dreg:$0xd] =	wrdreg s18  }
0x1b: {  	s11 =	simm.s32 $0x500;
	[dreg:$0xe] =	wrdreg s8;
	s21 =	sadd.s32 s0, s9  }
0x1c: {  	s8 =	sshrl.u32 s22, $0x3;
	s9 =	smov.u32 s16;
	s4 =	sshll.u32 s4, $0x7  }
0x1d: {  	s22 =	simm.s32 $0x400;
	s16 =	simm.s32 $0x300;
	s18 =	simm.s32 $0x380  }
0x1e: {  	[dreg:$0xf] =	wrdreg s21;
	s8 =	sadd.s32 s0, s8;
	s0 =	sadd.s32 s0, s24  }
0x1f: {  	s26 =	sadd.s32 s4, s5;
	s19 =	sadd.s32 s4, s6;
	[dreg:$0x6] =	wrdreg s9  }
0x20: {  	s21 =	simm.s32 $0x7;
	s24 =	simm.s32 $0x2;
	[dreg:$0x10] =	wrdreg s8  }
0x21: {  	s4 =	simm.s32 $0x6;
	s5 =	simm.s32 $0x180;
	[dreg:$0x11] =	wrdreg s0  }
0x22: {  	s6 =	simm.s32 $0x700;
	[dreg:$0x4] =	wrdreg s26;
	s8 =	simm.s32 $0x0  }
0x23: {  	s26 =	simm.s32 $0x4800;
	s0 =	simm.s32 $0x480;
	[dreg:$0x13] =	wrdreg s8  }
.LBB2_1:
0x24: {  	s8 =	rddreg [dreg:$0x5]  }
0x25: {  	[tilespmem:s20], [sflag:$0x7] =	stream.linear.gather [hbm4b:s8+s3], $0x4000, $0x38;
	[tilespmem:$0x1C800] =	vst v63  }
0x26: {  	_ =	swait.ge [sflag:s21], $0x4000  }
0x27: {  	[sflag:s21] =	ssyncset.done $0x0  }
0x28: {  	[sflag:s21] =	ssyncadd.s32 $0xFFFFC000  }
0x29: {  	[spmem:s9] =	stream.linear.scatter [tilespmem:s20], [sflag:$0x7], $0x4000, $0x38;
	[tilespmem:$0x1C800] =	vst v63  }
0x2a: {  	_ =	swait.ge [sflag:s21], $0x4000  }
0x2b: {  	[sflag:s21] =	ssyncset.done $0x0  }
0x2c: {  	[sflag:s21] =	ssyncadd.s32 $0xFFFFC000  }
0x2d: {  	[spmem:s10] =	stream.linear.scatter [tilespmem:s20], [sflag:$0x7], $0x4000, $0x38;
	[tilespmem:$0x1C800] =	vst v63  }
0x2e: {  	_ =	swait.ge [sflag:s21], $0x4000  }
0x2f: {  	[sflag:s21] =	ssyncset.done $0x0  }
0x30: {  	s9 =	rddreg [dreg:$0x8];
	[sflag:s21] =	ssyncadd.s32 $0xFFFFC000  }
0x31: {  	[spmem:s9] =	stream.linear.scatter [tilespmem:s20], [sflag:$0x7], $0x4000, $0x38;
	[tilespmem:$0x1C800] =	vst v63  }
0x32: {  	_ =	swait.ge [sflag:s21], $0x4000  }
0x33: {  	[sflag:s21] =	ssyncset.done $0x0  }
0x34: {  	s10 =	rddreg [dreg:$0x9];
	[sflag:s21] =	ssyncadd.s32 $0xFFFFC000  }
0x35: {  	[spmem:s10] =	stream.linear.scatter [tilespmem:s20], [sflag:$0x7], $0x4000, $0x38;
	[tilespmem:$0x1C800] =	vst v63  }
0x36: {  	_ =	swait.ge [sflag:s21], $0x4000  }
0x37: {  	[sflag:s21] =	ssyncset.done $0x0  }
0x38: {  	s9 =	rddreg [dreg:$0xa];
	[sflag:s21] =	ssyncadd.s32 $0xFFFFC000  }
0x39: {  	[spmem:s9] =	stream.linear.scatter [tilespmem:s20], [sflag:$0x7], $0x4000, $0x38;
	[tilespmem:$0x1C800] =	vst v63  }
0x3a: {  	_ =	swait.ge [sflag:s21], $0x4000  }
0x3b: {  	[sflag:s21] =	ssyncset.done $0x0  }
0x3c: {  	[sflag:s21] =	ssyncadd.s32 $0xFFFFC000  }
0x3d: {  	[bflag:$0x0] =	sbarrier.arrive $0xFFFF  }
0x3e: {  	s10 =	rddreg [dreg:$0xb]  }
0x3f: {  	[tilespmem:s3], [sflag:$0x1] =	stream.linear.gather [hbm4b:s10+s3], $0x400, $0x38;
	[tilespmem:$0x1C800] =	vst v63  }
0x40: {  	s9 =	rddreg [dreg:$0xc]  }
0x41: {  	[tilespmem:s22], [sflag:$0x2] =	stream.linear.gather [hbm4b:s9+s3], $0x400, $0x38;
	[tilespmem:$0x1C800] =	vst v63  }
0x42: {  	_ =	swait.ge [sflag:s23], $0x400  }
0x43: {  	[sflag:s23] =	ssyncset.done $0x0  }
0x44: {  	[sflag:s23] =	ssyncadd.s32 $0xFFFFFC00  }
0x45: {  	_ =	swait.ge [sflag:s24], $0x400  }
0x46: {  	[sflag:s24] =	ssyncset.done $0x0  }
0x47: {  	[sflag:s24] =	ssyncadd.s32 $0xFFFFFC00  }
0x48: {  	[tilespmem:s20], [sflag:$0x3] =	stream.indirect.gather [hbm4b:s1+s25], $0x80, s3, s25, $0xb8;
	[tilespmem:$0x1C800] =	vst v63  }
0x49: {  	_ = 	snop  }
0x4a: {  	[tilespmem:s26], [sflag:$0x4] =	stream.indirect.gather [hbm4b:s1+s25], $0x80, s25, s25, $0xb8;
	[tilespmem:$0x1C800] =	vst v63  }
0x4b: {  	_ =	swait.ge [sflag:s28], $0x4000  }
0x4c: {  	[sflag:s28] =	ssyncset.done $0x0  }
0x4d: {  	[sflag:s28] =	ssyncadd.s32 $0xFFFFC000  }
0x4e: {  	[spmem:s2] =	stream.indirect.scatter.add.f32 [tilespmem:s20], [sflag:$0x5], $0x80, s22, s25, $0xb8;
	[tilespmem:$0x1C800] =	vst v63  }
0x4f: {  	_ =	swait.ge [sflag:s29], $0x4000  }
0x50: {  	[sflag:s29] =	ssyncset.done $0x0  }
0x51: {  	[sflag:s29] =	ssyncadd.s32 $0xFFFFC000  }
0x52: {  	[tilespmem:s20], [sflag:$0x3] =	stream.indirect.gather [hbm4b:s1+s25], $0x80, s30, s25, $0xb8;
	[tilespmem:$0x1C800] =	vst v63  }
0x53: {  	_ =	swait.ge [sflag:s31], $0x4000  }
0x54: {  	[sflag:s31] =	ssyncset.done $0x0  }
0x55: {  	[sflag:s31] =	ssyncadd.s32 $0xFFFFC000  }
0x56: {  	[spmem:s2] =	stream.indirect.scatter.add.f32 [tilespmem:s26], [sflag:$0x6], $0x80, s0, s25, $0xb8;
	[tilespmem:$0x1C800] =	vst v63  }
0x57: {  	_ =	swait.ge [sflag:s4], $0x4000  }
0x58: {  	[sflag:s4] =	ssyncset.done $0x0  }
0x59: {  	[sflag:s4] =	ssyncadd.s32 $0xFFFFC000  }
0x5a: {  	[tilespmem:s26], [sflag:$0x4] =	stream.indirect.gather [hbm4b:s1+s25], $0x80, s5, s25, $0xb8;
	[tilespmem:$0x1C800] =	vst v63  }
0x5b: {  	_ =	swait.ge [sflag:s28], $0x4000  }
0x5c: {  	[sflag:s28] =	ssyncset.done $0x0  }
0x5d: {  	[sflag:s28] =	ssyncadd.s32 $0xFFFFC000  }
0x5e: {  	[spmem:s2] =	stream.indirect.scatter.add.f32 [tilespmem:s20], [sflag:$0x5], $0x80, s11, s25, $0xb8;
	[tilespmem:$0x1C800] =	vst v63  }
0x5f: {  	_ =	swait.ge [sflag:s29], $0x4000  }
0x60: {  	[sflag:s29] =	ssyncset.done $0x0  }
0x61: {  	[sflag:s29] =	ssyncadd.s32 $0xFFFFC000  }
0x62: {  	[tilespmem:s20], [sflag:$0x3] =	stream.indirect.gather [hbm4b:s1+s25], $0x80, s12, s25, $0xb8;
	[tilespmem:$0x1C800] =	vst v63  }
0x63: {  	_ =	swait.ge [sflag:s31], $0x4000  }
0x64: {  	[sflag:s31] =	ssyncset.done $0x0  }
0x65: {  	[sflag:s31] =	ssyncadd.s32 $0xFFFFC000  }
0x66: {  	[spmem:s2] =	stream.indirect.scatter.add.f32 [tilespmem:s26], [sflag:$0x6], $0x80, s13, s25, $0xb8;
	[tilespmem:$0x1C800] =	vst v63  }
0x67: {  	_ =	swait.ge [sflag:s4], $0x4000  }
0x68: {  	[sflag:s4] =	ssyncset.done $0x0  }
0x69: {  	[sflag:s4] =	ssyncadd.s32 $0xFFFFC000  }
0x6a: {  	[tilespmem:s26], [sflag:$0x4] =	stream.indirect.gather [hbm4b:s1+s25], $0x80, s14, s25, $0xb8;
	[tilespmem:$0x1C800] =	vst v63  }
0x6b: {  	_ =	swait.ge [sflag:s28], $0x4000  }
0x6c: {  	[sflag:s28] =	ssyncset.done $0x0  }
0x6d: {  	[sflag:s28] =	ssyncadd.s32 $0xFFFFC000  }
0x6e: {  	[spmem:s2] =	stream.indirect.scatter.add.f32 [tilespmem:s20], [sflag:$0x5], $0x80, s15, s25, $0xb8;
	[tilespmem:$0x1C800] =	vst v63  }
0x6f: {  	_ =	swait.ge [sflag:s29], $0x4000  }
0x70: {  	[sflag:s29] =	ssyncset.done $0x0  }
0x71: {  	[sflag:s29] =	ssyncadd.s32 $0xFFFFC000  }
0x72: {  	[tilespmem:s20], [sflag:$0x3] =	stream.indirect.gather [hbm4b:s1+s25], $0x80, s16, s25, $0xb8;
	[tilespmem:$0x1C800] =	vst v63  }
0x73: {  	_ =	swait.ge [sflag:s31], $0x4000  }
0x74: {  	[sflag:s31] =	ssyncset.done $0x0  }
0x75: {  	[sflag:s31] =	ssyncadd.s32 $0xFFFFC000  }
0x76: {  	[spmem:s2] =	stream.indirect.scatter.add.f32 [tilespmem:s26], [sflag:$0x6], $0x80, s17, s25, $0xb8;
	[tilespmem:$0x1C800] =	vst v63  }
0x77: {  	_ =	swait.ge [sflag:s4], $0x4000  }
0x78: {  	[sflag:s4] =	ssyncset.done $0x0  }
0x79: {  	[sflag:s4] =	ssyncadd.s32 $0xFFFFC000  }
0x7a: {  	[tilespmem:s26], [sflag:$0x4] =	stream.indirect.gather [hbm4b:s1+s25], $0x80, s18, s25, $0xb8;
	[tilespmem:$0x1C800] =	vst v63  }
0x7b: {  	_ =	swait.ge [sflag:s28], $0x4000  }
0x7c: {  	[sflag:s28] =	ssyncset.done $0x0  }
0x7d: {  	[sflag:s28] =	ssyncadd.s32 $0xFFFFC000  }
0x7e: {  	[spmem:s2] =	stream.indirect.scatter.add.f32 [tilespmem:s20], [sflag:$0x5], $0x80, s6, s25, $0xb8;
	[tilespmem:$0x1C800] =	vst v63  }
0x7f: {  	_ =	swait.ge [sflag:s31], $0x4000  }
0x80: {  	[sflag:s31] =	ssyncset.done $0x0  }
0x81: {  	[sflag:s31] =	ssyncadd.s32 $0xFFFFC000  }
0x82: {  	[spmem:s2] =	stream.indirect.scatter.add.f32 [tilespmem:s26], [sflag:$0x6], $0x80, s7, s25, $0xb8;
	[tilespmem:$0x1C800] =	vst v63  }
0x83: {  	_ =	swait.ge [sflag:s29], $0x4000  }
0x84: {  	[sflag:s29] =	ssyncset.done $0x0  }
0x85: {  	[sflag:s29] =	ssyncadd.s32 $0xFFFFC000  }
0x86: {  	_ =	swait.ge [sflag:s4], $0x4000  }
0x87: {  	s10 =	rddreg [dreg:$0x4];
	[sflag:s4] =	ssyncset.done $0x0  }
0x88: {  	[sflag:s4] =	ssyncadd.s32 $0xFFFFC000;
	s9 =	sadd.s32 $0x80, s10  }
0x89: {  	[tilespmem:s3], [sflag:$0x1] =	stream.linear.gather [hbm4b:s9+s3], $0x400, $0x38;
	[tilespmem:$0x1C800] =	vst v63  }
0x8a: {  	s10 =	sadd.s32 $0x80, s19;
	s9 =	simm.s32 $0x100  }
.LBB2_2:
0x8b: {  	[tilespmem:s22], [sflag:$0x2] =	stream.linear.gather [hbm4b:s10+s3], $0x400, $0x38;
	[tilespmem:$0x1C800] =	vst v63  }
0x8c: {  	_ =	swait.ge [sflag:s23], $0x400  }
0x8d: {  	[sflag:s23] =	ssyncset.done $0x0  }
0x8e: {  	[sflag:s23] =	ssyncadd.s32 $0xFFFFFC00  }
0x8f: {  	_ =	swait.ge [sflag:s24], $0x400  }
0x90: {  	[sflag:s24] =	ssyncset.done $0x0  }
0x91: {  	[sflag:s24] =	ssyncadd.s32 $0xFFFFFC00  }
0x92: {  	[tilespmem:s20], [sflag:$0x3] =	stream.indirect.gather [hbm4b:s1+s25], $0x80, s3, s25, $0xb8;
	[tilespmem:$0x1C800] =	vst v63  }
0x93: {  	_ = 	snop  }
0x94: {  	[tilespmem:s26], [sflag:$0x4] =	stream.indirect.gather [hbm4b:s1+s25], $0x80, s25, s25, $0xb8;
	[tilespmem:$0x1C800] =	vst v63  }
0x95: {  	_ =	swait.ge [sflag:s28], $0x4000  }
0x96: {  	[sflag:s28] =	ssyncset.done $0x0  }
0x97: {  	[sflag:s28] =	ssyncadd.s32 $0xFFFFC000  }
0x98: {  	[spmem:s2] =	stream.indirect.scatter.add.f32 [tilespmem:s20], [sflag:$0x5], $0x80, s22, s25, $0xb8;
	[tilespmem:$0x1C800] =	vst v63  }
0x99: {  	_ =	swait.ge [sflag:s29], $0x4000  }
0x9a: {  	[sflag:s29] =	ssyncset.done $0x0  }
0x9b: {  	[sflag:s29] =	ssyncadd.s32 $0xFFFFC000  }
0x9c: {  	[tilespmem:s20], [sflag:$0x3] =	stream.indirect.gather [hbm4b:s1+s25], $0x80, s30, s25, $0xb8;
	[tilespmem:$0x1C800] =	vst v63  }
0x9d: {  	_ =	swait.ge [sflag:s31], $0x4000  }
0x9e: {  	[sflag:s31] =	ssyncset.done $0x0  }
0x9f: {  	[sflag:s31] =	ssyncadd.s32 $0xFFFFC000  }
0xa0: {  	[spmem:s2] =	stream.indirect.scatter.add.f32 [tilespmem:s26], [sflag:$0x6], $0x80, s0, s25, $0xb8;
	[tilespmem:$0x1C800] =	vst v63  }
0xa1: {  	_ =	swait.ge [sflag:s4], $0x4000  }
0xa2: {  	[sflag:s4] =	ssyncset.done $0x0  }
0xa3: {  	[sflag:s4] =	ssyncadd.s32 $0xFFFFC000  }
0xa4: {  	[tilespmem:s26], [sflag:$0x4] =	stream.indirect.gather [hbm4b:s1+s25], $0x80, s5, s25, $0xb8;
	[tilespmem:$0x1C800] =	vst v63  }
0xa5: {  	_ =	swait.ge [sflag:s28], $0x4000  }
0xa6: {  	[sflag:s28] =	ssyncset.done $0x0  }
0xa7: {  	[sflag:s28] =	ssyncadd.s32 $0xFFFFC000  }
0xa8: {  	[spmem:s2] =	stream.indirect.scatter.add.f32 [tilespmem:s20], [sflag:$0x5], $0x80, s11, s25, $0xb8;
	[tilespmem:$0x1C800] =	vst v63  }
0xa9: {  	_ =	swait.ge [sflag:s29], $0x4000  }
0xaa: {  	[sflag:s29] =	ssyncset.done $0x0  }
0xab: {  	[sflag:s29] =	ssyncadd.s32 $0xFFFFC000  }
0xac: {  	[tilespmem:s20], [sflag:$0x3] =	stream.indirect.gather [hbm4b:s1+s25], $0x80, s12, s25, $0xb8;
	[tilespmem:$0x1C800] =	vst v63  }
0xad: {  	_ =	swait.ge [sflag:s31], $0x4000  }
0xae: {  	[sflag:s31] =	ssyncset.done $0x0  }
0xaf: {  	[sflag:s31] =	ssyncadd.s32 $0xFFFFC000  }
0xb0: {  	[spmem:s2] =	stream.indirect.scatter.add.f32 [tilespmem:s26], [sflag:$0x6], $0x80, s13, s25, $0xb8;
	[tilespmem:$0x1C800] =	vst v63  }
0xb1: {  	_ =	swait.ge [sflag:s4], $0x4000  }
0xb2: {  	[sflag:s4] =	ssyncset.done $0x0  }
0xb3: {  	[sflag:s4] =	ssyncadd.s32 $0xFFFFC000  }
0xb4: {  	[tilespmem:s26], [sflag:$0x4] =	stream.indirect.gather [hbm4b:s1+s25], $0x80, s14, s25, $0xb8;
	[tilespmem:$0x1C800] =	vst v63  }
0xb5: {  	_ =	swait.ge [sflag:s28], $0x4000  }
0xb6: {  	[sflag:s28] =	ssyncset.done $0x0  }
0xb7: {  	[sflag:s28] =	ssyncadd.s32 $0xFFFFC000  }
0xb8: {  	[spmem:s2] =	stream.indirect.scatter.add.f32 [tilespmem:s20], [sflag:$0x5], $0x80, s15, s25, $0xb8;
	[tilespmem:$0x1C800] =	vst v63  }
0xb9: {  	_ =	swait.ge [sflag:s29], $0x4000  }
0xba: {  	[sflag:s29] =	ssyncset.done $0x0  }
0xbb: {  	[sflag:s29] =	ssyncadd.s32 $0xFFFFC000  }
0xbc: {  	[tilespmem:s20], [sflag:$0x3] =	stream.indirect.gather [hbm4b:s1+s25], $0x80, s16, s25, $0xb8;
	[tilespmem:$0x1C800] =	vst v63  }
0xbd: {  	_ =	swait.ge [sflag:s31], $0x4000  }
0xbe: {  	[sflag:s31] =	ssyncset.done $0x0  }
0xbf: {  	[sflag:s31] =	ssyncadd.s32 $0xFFFFC000  }
0xc0: {  	[spmem:s2] =	stream.indirect.scatter.add.f32 [tilespmem:s26], [sflag:$0x6], $0x80, s17, s25, $0xb8;
	[tilespmem:$0x1C800] =	vst v63  }
0xc1: {  	_ =	swait.ge [sflag:s4], $0x4000  }
0xc2: {  	[sflag:s4] =	ssyncset.done $0x0  }
0xc3: {  	[sflag:s4] =	ssyncadd.s32 $0xFFFFC000  }
0xc4: {  	[tilespmem:s26], [sflag:$0x4] =	stream.indirect.gather [hbm4b:s1+s25], $0x80, s18, s25, $0xb8;
	[tilespmem:$0x1C800] =	vst v63  }
0xc5: {  	_ =	swait.ge [sflag:s28], $0x4000  }
0xc6: {  	[sflag:s28] =	ssyncset.done $0x0  }
0xc7: {  	[sflag:s28] =	ssyncadd.s32 $0xFFFFC000  }
0xc8: {  	[spmem:s2] =	stream.indirect.scatter.add.f32 [tilespmem:s20], [sflag:$0x5], $0x80, s6, s25, $0xb8;
	[tilespmem:$0x1C800] =	vst v63  }
0xc9: {  	_ =	swait.ge [sflag:s31], $0x4000  }
0xca: {  	[sflag:s31] =	ssyncset.done $0x0  }
0xcb: {  	[sflag:s31] =	ssyncadd.s32 $0xFFFFC000  }
0xcc: {  	[spmem:s2] =	stream.indirect.scatter.add.f32 [tilespmem:s26], [sflag:$0x6], $0x80, s7, s25, $0xb8;
	[tilespmem:$0x1C800] =	vst v63  }
0xcd: {  	_ =	swait.ge [sflag:s29], $0x4000  }
0xce: {  	p0 =	sne.s32 s9, $0x480;
	[sflag:s29] =	ssyncset.done $0x0  }
.Ltmp0:
0xcf: {  	[sflag:s29] =	ssyncadd.s32 $0xFFFFC000;
	(pc) =	sbr.rel @p0 .LBB2_2-.Ltmp0, $4  }
0xd0: {  	s10 =	smov.u32 s9;
	_ =	swait.ge [sflag:s4], $0x4000  }
0xd1: {  	s9 =	sadd.s32 $0x80, s9;
	s8 =	rddreg [dreg:$0x4];
	[sflag:s4] =	ssyncset.done $0x0  }
0xd2: {  	[sflag:s4] =	ssyncadd.s32 $0xFFFFC000;
	s8 =	sadd.s32 s10, s8;
	s10 =	sadd.s32 s10, s19  }
0xd3: {  	[tilespmem:s3], [sflag:$0x1] =	stream.linear.gather [hbm4b:s8+s3], $0x400, $0x38;
	[tilespmem:$0x1C800] =	vst v63  }
0xd4: {  	[tilespmem:s22], [sflag:$0x2] =	stream.linear.gather [hbm4b:s10+s3], $0x400, $0x38;
	[tilespmem:$0x1C800] =	vst v63  }
0xd5: {  	_ =	swait.ge [sflag:s23], $0x400  }
0xd6: {  	[sflag:s23] =	ssyncset.done $0x0  }
0xd7: {  	[sflag:s23] =	ssyncadd.s32 $0xFFFFFC00  }
0xd8: {  	_ =	swait.ge [sflag:s24], $0x400  }
0xd9: {  	[sflag:s24] =	ssyncset.done $0x0  }
0xda: {  	[sflag:s24] =	ssyncadd.s32 $0xFFFFFC00  }
0xdb: {  	[tilespmem:s20], [sflag:$0x3] =	stream.indirect.gather [hbm4b:s1+s25], $0x80, s3, s25, $0xb8;
	[tilespmem:$0x1C800] =	vst v63  }
0xdc: {  	_ = 	snop  }
0xdd: {  	[tilespmem:s26], [sflag:$0x4] =	stream.indirect.gather [hbm4b:s1+s25], $0x80, s25, s25, $0xb8;
	[tilespmem:$0x1C800] =	vst v63  }
0xde: {  	_ =	swait.ge [sflag:s28], $0x4000  }
0xdf: {  	[sflag:s28] =	ssyncset.done $0x0  }
0xe0: {  	[sflag:s28] =	ssyncadd.s32 $0xFFFFC000  }
0xe1: {  	[spmem:s2] =	stream.indirect.scatter.add.f32 [tilespmem:s20], [sflag:$0x5], $0x80, s22, s25, $0xb8;
	[tilespmem:$0x1C800] =	vst v63  }
0xe2: {  	_ =	swait.ge [sflag:s29], $0x4000  }
0xe3: {  	[sflag:s29] =	ssyncset.done $0x0  }
0xe4: {  	[sflag:s29] =	ssyncadd.s32 $0xFFFFC000  }
0xe5: {  	[tilespmem:s20], [sflag:$0x3] =	stream.indirect.gather [hbm4b:s1+s25], $0x80, s30, s25, $0xb8;
	[tilespmem:$0x1C800] =	vst v63  }
0xe6: {  	_ =	swait.ge [sflag:s31], $0x4000  }
0xe7: {  	[sflag:s31] =	ssyncset.done $0x0  }
0xe8: {  	[sflag:s31] =	ssyncadd.s32 $0xFFFFC000  }
0xe9: {  	[spmem:s2] =	stream.indirect.scatter.add.f32 [tilespmem:s26], [sflag:$0x6], $0x80, s0, s25, $0xb8;
	[tilespmem:$0x1C800] =	vst v63  }
0xea: {  	_ =	swait.ge [sflag:s4], $0x4000  }
0xeb: {  	[sflag:s4] =	ssyncset.done $0x0  }
0xec: {  	[sflag:s4] =	ssyncadd.s32 $0xFFFFC000  }
0xed: {  	[tilespmem:s26], [sflag:$0x4] =	stream.indirect.gather [hbm4b:s1+s25], $0x80, s5, s25, $0xb8;
	[tilespmem:$0x1C800] =	vst v63  }
0xee: {  	_ =	swait.ge [sflag:s28], $0x4000  }
0xef: {  	[sflag:s28] =	ssyncset.done $0x0  }
0xf0: {  	[sflag:s28] =	ssyncadd.s32 $0xFFFFC000  }
0xf1: {  	[spmem:s2] =	stream.indirect.scatter.add.f32 [tilespmem:s20], [sflag:$0x5], $0x80, s11, s25, $0xb8;
	[tilespmem:$0x1C800] =	vst v63  }
0xf2: {  	_ =	swait.ge [sflag:s29], $0x4000  }
0xf3: {  	[sflag:s29] =	ssyncset.done $0x0  }
0xf4: {  	[sflag:s29] =	ssyncadd.s32 $0xFFFFC000  }
0xf5: {  	[tilespmem:s20], [sflag:$0x3] =	stream.indirect.gather [hbm4b:s1+s25], $0x80, s12, s25, $0xb8;
	[tilespmem:$0x1C800] =	vst v63  }
0xf6: {  	_ =	swait.ge [sflag:s31], $0x4000  }
0xf7: {  	[sflag:s31] =	ssyncset.done $0x0  }
0xf8: {  	[sflag:s31] =	ssyncadd.s32 $0xFFFFC000  }
0xf9: {  	[spmem:s2] =	stream.indirect.scatter.add.f32 [tilespmem:s26], [sflag:$0x6], $0x80, s13, s25, $0xb8;
	[tilespmem:$0x1C800] =	vst v63  }
0xfa: {  	_ =	swait.ge [sflag:s4], $0x4000  }
0xfb: {  	[sflag:s4] =	ssyncset.done $0x0  }
0xfc: {  	[sflag:s4] =	ssyncadd.s32 $0xFFFFC000  }
0xfd: {  	[tilespmem:s26], [sflag:$0x4] =	stream.indirect.gather [hbm4b:s1+s25], $0x80, s14, s25, $0xb8;
	[tilespmem:$0x1C800] =	vst v63  }
0xfe: {  	_ =	swait.ge [sflag:s28], $0x4000  }
0xff: {  	[sflag:s28] =	ssyncset.done $0x0  }
0x100: {  	[sflag:s28] =	ssyncadd.s32 $0xFFFFC000  }
0x101: {  	[spmem:s2] =	stream.indirect.scatter.add.f32 [tilespmem:s20], [sflag:$0x5], $0x80, s15, s25, $0xb8;
	[tilespmem:$0x1C800] =	vst v63  }
0x102: {  	_ =	swait.ge [sflag:s29], $0x4000  }
0x103: {  	[sflag:s29] =	ssyncset.done $0x0  }
0x104: {  	[sflag:s29] =	ssyncadd.s32 $0xFFFFC000  }
0x105: {  	[tilespmem:s20], [sflag:$0x3] =	stream.indirect.gather [hbm4b:s1+s25], $0x80, s16, s25, $0xb8;
	[tilespmem:$0x1C800] =	vst v63  }
0x106: {  	_ =	swait.ge [sflag:s31], $0x4000  }
0x107: {  	[sflag:s31] =	ssyncset.done $0x0  }
0x108: {  	[sflag:s31] =	ssyncadd.s32 $0xFFFFC000  }
0x109: {  	[spmem:s2] =	stream.indirect.scatter.add.f32 [tilespmem:s26], [sflag:$0x6], $0x80, s17, s25, $0xb8;
	[tilespmem:$0x1C800] =	vst v63  }
0x10a: {  	_ =	swait.ge [sflag:s4], $0x4000  }
0x10b: {  	[sflag:s4] =	ssyncset.done $0x0  }
0x10c: {  	[sflag:s4] =	ssyncadd.s32 $0xFFFFC000  }
0x10d: {  	[tilespmem:s26], [sflag:$0x4] =	stream.indirect.gather [hbm4b:s1+s25], $0x80, s18, s25, $0xb8;
	[tilespmem:$0x1C800] =	vst v63  }
0x10e: {  	_ =	swait.ge [sflag:s28], $0x4000  }
0x10f: {  	[sflag:s28] =	ssyncset.done $0x0  }
0x110: {  	[sflag:s28] =	ssyncadd.s32 $0xFFFFC000  }
0x111: {  	[spmem:s2] =	stream.indirect.scatter.add.f32 [tilespmem:s20], [sflag:$0x5], $0x80, s6, s25, $0xb8;
	[tilespmem:$0x1C800] =	vst v63  }
0x112: {  	_ =	swait.ge [sflag:s31], $0x4000  }
0x113: {  	[sflag:s31] =	ssyncset.done $0x0  }
0x114: {  	[sflag:s31] =	ssyncadd.s32 $0xFFFFC000  }
0x115: {  	[spmem:s2] =	stream.indirect.scatter.add.f32 [tilespmem:s26], [sflag:$0x6], $0x80, s7, s25, $0xb8;
	[tilespmem:$0x1C800] =	vst v63  }
0x116: {  	_ =	swait.ge [sflag:s29], $0x4000  }
0x117: {  	[sflag:s29] =	ssyncset.done $0x0  }
0x118: {  	[sflag:s29] =	ssyncadd.s32 $0xFFFFC000  }
0x119: {  	_ =	swait.ge [sflag:s4], $0x4000  }
0x11a: {  	[sflag:s4] =	ssyncset.done $0x0  }
0x11b: {  	[sflag:s4] =	ssyncadd.s32 $0xFFFFC000  }
0x11c: {  	[bflag:$0x0] =	sbarrier.arrive $0xFFFF  }
0x11d: {  	s9 =	rddreg [dreg:$0x6]  }
0x11e: {  	[tilespmem:s20], [sflag:$0x7] =	stream.linear.gather [spmem:s9], $0x4000, $0x38;
	[tilespmem:$0x1C800] =	vst v63  }
0x11f: {  	_ =	swait.ge [sflag:s21], $0x4000  }
0x120: {  	[sflag:s21] =	ssyncset.done $0x0  }
0x121: {  	s8 =	rddreg [dreg:$0xd];
	[sflag:s21] =	ssyncadd.s32 $0xFFFFC000  }
0x122: {  	[hbm4b:s8+s3] =	stream.linear.scatter [tilespmem:s20], [sflag:$0x7], $0x4000, $0x38;
	[tilespmem:$0x1C800] =	vst v63  }
0x123: {  	_ =	swait.ge [sflag:s21], $0x4000  }
0x124: {  	[sflag:s21] =	ssyncset.done $0x0  }
0x125: {  	s10 =	rddreg [dreg:$0x7];
	[sflag:s21] =	ssyncadd.s32 $0xFFFFC000  }
0x126: {  	[tilespmem:s20], [sflag:$0x7] =	stream.linear.gather [spmem:s10], $0x4000, $0x38;
	[tilespmem:$0x1C800] =	vst v63  }
0x127: {  	_ =	swait.ge [sflag:s21], $0x4000  }
0x128: {  	[sflag:s21] =	ssyncset.done $0x0  }
0x129: {  	s8 =	rddreg [dreg:$0xe];
	[sflag:s21] =	ssyncadd.s32 $0xFFFFC000  }
0x12a: {  	[hbm4b:s8+s3] =	stream.linear.scatter [tilespmem:s20], [sflag:$0x7], $0x4000, $0x38;
	[tilespmem:$0x1C800] =	vst v63  }
0x12b: {  	_ =	swait.ge [sflag:s21], $0x4000  }
0x12c: {  	[sflag:s21] =	ssyncset.done $0x0  }
0x12d: {  	s8 =	rddreg [dreg:$0x8];
	[sflag:s21] =	ssyncadd.s32 $0xFFFFC000  }
0x12e: {  	[tilespmem:s20], [sflag:$0x7] =	stream.linear.gather [spmem:s8], $0x4000, $0x38;
	[tilespmem:$0x1C800] =	vst v63  }
0x12f: {  	_ =	swait.ge [sflag:s21], $0x4000  }
0x130: {  	[sflag:s21] =	ssyncset.done $0x0  }
0x131: {  	s8 =	rddreg [dreg:$0xf];
	[sflag:s21] =	ssyncadd.s32 $0xFFFFC000  }
0x132: {  	[hbm4b:s8+s3] =	stream.linear.scatter [tilespmem:s20], [sflag:$0x7], $0x4000, $0x38;
	[tilespmem:$0x1C800] =	vst v63  }
0x133: {  	_ =	swait.ge [sflag:s21], $0x4000  }
0x134: {  	[sflag:s21] =	ssyncset.done $0x0  }
0x135: {  	s8 =	rddreg [dreg:$0x9];
	[sflag:s21] =	ssyncadd.s32 $0xFFFFC000  }
0x136: {  	[tilespmem:s20], [sflag:$0x7] =	stream.linear.gather [spmem:s8], $0x4000, $0x38;
	[tilespmem:$0x1C800] =	vst v63  }
0x137: {  	_ =	swait.ge [sflag:s21], $0x4000  }
0x138: {  	[sflag:s21] =	ssyncset.done $0x0  }
0x139: {  	s8 =	rddreg [dreg:$0x10];
	[sflag:s21] =	ssyncadd.s32 $0xFFFFC000  }
0x13a: {  	[hbm4b:s8+s3] =	stream.linear.scatter [tilespmem:s20], [sflag:$0x7], $0x4000, $0x38;
	[tilespmem:$0x1C800] =	vst v63  }
0x13b: {  	_ =	swait.ge [sflag:s21], $0x4000  }
0x13c: {  	[sflag:s21] =	ssyncset.done $0x0  }
0x13d: {  	s8 =	rddreg [dreg:$0xa];
	[sflag:s21] =	ssyncadd.s32 $0xFFFFC000  }
0x13e: {  	[tilespmem:s20], [sflag:$0x7] =	stream.linear.gather [spmem:s8], $0x4000, $0x38;
	[tilespmem:$0x1C800] =	vst v63  }
0x13f: {  	_ =	swait.ge [sflag:s21], $0x4000  }
0x140: {  	[sflag:s21] =	ssyncset.done $0x0  }
0x141: {  	s8 =	rddreg [dreg:$0x11];
	[sflag:s21] =	ssyncadd.s32 $0xFFFFC000  }
0x142: {  	[hbm4b:s8+s3] =	stream.linear.scatter [tilespmem:s20], [sflag:$0x7], $0x4000, $0x38;
	[tilespmem:$0x1C800] =	vst v63  }
0x143: {  	_ =	swait.ge [sflag:s21], $0x4000  }
0x144: {  	s8 =	simm.s32 $0x7;
	s21 =	rddreg [dreg:$0x13]  }
0x145: {  	[sflag:s8] =	ssyncset.done $0x0;
	s8 =	rddreg [dreg:$0x12];
	s21 =	sadd.s32 $0x1, s21  }
0x146: {  	p0 =	sne.s32 s21, s8  }
.Ltmp1:
0x147: {  	_ = 	snop;
	(pc) =	sbr.rel @p0 .LBB2_1-.Ltmp1, $3  }
0x148: {  	_ =	sdelay $0x1  }
0x149: {  	[dreg:$0x13] =	wrdreg s21;
	s21 =	simm.s32 $0x7  }
0x14a: {  	[sflag:s21] =	ssyncadd.s32 $0xFFFFC000  }
0x14b: {  	_ =	sfence.sel $0x180000  }
0x14c: {  	[bflag:$0x0] =	sbarrier.arrive $0xFFFF  }
0x14d: {  	_ =	strace $0x9000004D  }
0x14e: {  	s0 =	stileid.u32;
	[bflag:$0x2] =	sbarrier.arrive $0xFFFF  }
0x14f: {  	p0 =	sne.s32 s0, $0x0;
	s0 =	rddreg [dreg:$0x3]  }
0x150: {  	s0 =	sadd.s32 @!p0 $0x100000, s0  }
0x151: {  	[sflag:s0] =	ssyncadd.tile.s32 @!p0 $0x1;
	_ =	shalt  }
.Lfunc_end2:
_tile_overlayer_lowered:
.L_overlay_start_2:
0x152: {  	(tag) =	ssettag $0x2  }
0x153: {  	s0 =	rddreg [dreg:$0x0];
	s2 =	stileid.u32  }
0x154: {  	s1 =	rddreg [dreg:$0x1];
	p0 =	sne.s32 s2, $0x0  }
0x155: {  	s3 =	rddreg [dreg:$0x2];
	[bflag:$0x3] =	sbarrier.arrive $0xFFFF;
	s2 =	simm.s32 @!p0 $0x1C07  }
0x156: {  	[timem:s3], [sflag:s2] =	dma.local @!p0 [hbm:s0], s1  }
0x157: {  	s0 =	simm.s32 @!p0 $0x7  }
0x158: {  	_ =	swait.ge @!p0 [sflag:s0], s1  }
0x159: {  	s1 =	ssub.s32 @!p0 $0x0, s1;
	[sflag:s0] =	ssyncset.done @!p0 $0x0  }
0x15a: {  	[sflag:s0] =	ssyncadd.s32 @!p0 s1  }
0x15b: {  	[bflag:$0x3] =	sbarrier.arrive $0xFFFF  }
0x15c: {  	_ =	shalt  }

// kernel: kernel.7.cloned.1.call-start
scs
__scs_entry_jumppad:
0x0: {  	(pc) =	sbr.rel $0x88, $3  }
0x1: {  	(tag) =	ssettag $0x0;
	lr =	simm.s32 $0x1  }
0x2: {  	[smem:$0x3F9B] =	sst lr;
	_ =	strace $0xD0000000  }
0x3: {  	_ = 	snop  }
0x4: {  	_ = 	snop  }
0x5: {  	_ = 	snop  }
0x6: {  	_ = 	snop  }
0x7: {  	_ = 	snop  }
__scs_overlays_trampoline_lowered:
0x8: {  	[smem:$0x3FAA] =	sst s0  }
0x9: {  	[smem:$0x3FAB] =	sst s1  }
0xa: {  	[smem:$0x3FAC] =	sst s2  }
0xb: {  	[smem:$0x3FAD] =	sst s3  }
0xc: {  	[smem:$0x3FAE] =	sst s4  }
0xd: {  	[smem:$0x3FAF] =	sst s5  }
0xe: {  	[smem:$0x3FB0] =	sst s6  }
0xf: {  	[smem:$0x3FB1] =	sst s7  }
0x10: {  	[smem:$0x3FB2] =	sst s8  }
0x11: {  	[smem:$0x3FB3] =	sst s9;
	s0 =	simm.s32 @!p0 $0x0  }
0x12: {  	s1 =	sld [smem:$0x3F99];
	s0 =	simm.s32 @p0 $0x1  }
0x13: {  	[smem:$0x3FB4] =	sst s0;
	s0 =	simm.s32 @!p1 $0x0  }
0x14: {  	s2 =	sld [smem:$0x3F98];
	s0 =	simm.s32 @p1 $0x1  }
0x15: {  	[smem:$0x3FB5] =	sst s0;
	s0 =	simm.s32 @!p2 $0x0  }
0x16: {  	s3 =	sld [smem:$0x3FDB];
	s0 =	simm.s32 @p2 $0x1  }
0x17: {  	s4 =	simm.s32 $0x1BF5;
	[smem:$0x3FB7] =	sst s0  }
0x18: {  	s0 =	sld [smem:$0x3F9A];
	_ =	swait.ge [sflag:s4], $0x0  }
0x19: {  	s7 =	sld [smem:$0x3F9B]  }
0x1a: {  	s8 =	sadd.s32 $0xFFFFE003, lr  }
0x1b: {  	s9 =	sadd.s32 $0xFFFFFEF7, lr;
	s5 =	simm.s32 $0xFFFFFFFF;
	p2 =	slt.u32 s8, $0xFFFFF086  }
0x1c: {  	p1 =	slt.u32 s9, $0xF7A;
	s5 =	simm.s32 @!p2 $0x0  }
0x1d: {  	s5 =	simm.s32 @p1 $0x1;
	p0 =	seq.s32 s7, s2  }
0x1e: {  	s7 =	smul.u32 @!p0 $0xF7A, s2;
	p2 =	seq.s32 @!p0 s5, $0x0  }
0x1f: {  	s9 =	smul.u32 $0xF7A, s1;
	s8 =	simm.s32 @!p0 $0x1BF5;
	p2 =	por !p2, p0  }
0x20: {  	[sflag:s8] =	ssyncset.s32 @!p0 $0xFFFFF086;
	s6 =	sadd.s32 @!p0 s3, s7;
	s7 =	simm.s32 @!p0 $0x108  }
0x21: {  	s3 =	sadd.s32 s3, s9;
	s6 =	sadd.s32 @!p0 $0x88, s6;
	s7 =	simm.s32 @p2 $0x1082  }
0x22: {  	[simem:s7], [sflag:s8] =	dma.local @!p0 [hbm:s6], $0xF7A  }
0x23: {  	s9 =	sor.u32 $0xD0000000, s2;
	s6 =	simm.s32 $0x108;
	_ =	swait.ge @!p0 [sflag:s8], $0x0  }
0x24: {  	s3 =	sadd.s32 $0x88, s3;
	s6 =	simm.s32 @!p1 $0x1082;
	[sflag:s4] =	ssyncset.s32 $0xFFFFF086  }
0x25: {  	[simem:s6], [sflag:s4] =	dma.local [hbm:s3], $0xF7A  }
0x26: {  	[smem:$0x3F9B] =	sst s1;
	(tag) =	ssettag s2;
	_ =	strace s9  }
0x27: {  	s1 =	sld [smem:$0x3FAB]  }
0x28: {  	s2 =	sld [smem:$0x3FAC]  }
0x29: {  	s4 =	sld [smem:$0x3FAE]  }
0x2a: {  	p0 =	seq.s32 s5, $0x0;
	s5 =	sld [smem:$0x3FAF]  }
0x2b: {  	s6 =	sld [smem:$0x3FB0]  }
0x2c: {  	s7 =	sld [smem:$0x3FB1]  }
0x2d: {  	s3 =	simm.s32 $0x108;
	s8 =	sld [smem:$0x3FB2]  }
0x2e: {  	s3 =	simm.s32 @!p0 $0x1082;
	s9 =	sld [smem:$0x3FB3]  }
0x2f: {  	lr =	sadd.s32 s0, s3;
	s0 =	sld [smem:$0x3FAA]  }
0x30: {  	s3 =	sld [smem:$0x3FAD]  }
0x31: {  	[smem:$0x3FB6] =	sst s10  }
0x32: {  	s10 =	sld [smem:$0x3FB4];
	_ =	sdelay $0x3  }
0x33: {  	p0 =	seq.s32 s10, $0x1;
	s10 =	sld [smem:$0x3FB6];
	_ =	sdelay $0x3  }
0x34: {  	[smem:$0x3FB6] =	sst s10  }
0x35: {  	s10 =	sld [smem:$0x3FB5];
	_ =	sdelay $0x3  }
0x36: {  	p1 =	seq.s32 s10, $0x1;
	s10 =	sld [smem:$0x3FB6];
	_ =	sdelay $0x3  }
0x37: {  	[smem:$0x3FB6] =	sst s10  }
0x38: {  	s10 =	sld [smem:$0x3FB7]  }
0x39: {  	_ = 	snop;
	(pc) =	sbr.ind lr, $3  }
0x3a: {  	_ = 	snop  }
0x3b: {  	_ = 	snop  }
0x3c: {  	p2 =	seq.s32 s10, $0x1;
	s10 =	sld [smem:$0x3FB6]  }
0x3d: {  	_ =	shalt  }
0x3e: {  	_ =	shalt  }
0x3f: {  	_ =	shalt  }
0x40: {  	_ =	shalt  }
0x41: {  	_ =	shalt  }
0x42: {  	_ =	shalt  }
0x43: {  	_ =	shalt  }
0x44: {  	_ =	shalt  }
0x45: {  	_ =	shalt  }
0x46: {  	_ =	shalt  }
0x47: {  	_ =	shalt  }
0x48: {  	_ =	shalt  }
0x49: {  	_ =	shalt  }
0x4a: {  	_ =	shalt  }
0x4b: {  	_ =	shalt  }
0x4c: {  	_ =	shalt  }
0x4d: {  	_ =	shalt  }
0x4e: {  	_ =	shalt  }
0x4f: {  	_ =	shalt  }
0x50: {  	_ =	shalt  }
0x51: {  	_ =	shalt  }
0x52: {  	_ =	shalt  }
0x53: {  	_ =	shalt  }
0x54: {  	_ =	shalt  }
0x55: {  	_ =	shalt  }
0x56: {  	_ =	shalt  }
0x57: {  	_ =	shalt  }
0x58: {  	_ =	shalt  }
0x59: {  	_ =	shalt  }
0x5a: {  	_ =	shalt  }
0x5b: {  	_ =	shalt  }
0x5c: {  	_ =	shalt  }
0x5d: {  	_ =	shalt  }
0x5e: {  	_ =	shalt  }
0x5f: {  	_ =	shalt  }
0x60: {  	_ =	shalt  }
0x61: {  	_ =	shalt  }
0x62: {  	_ =	shalt  }
0x63: {  	_ =	shalt  }
0x64: {  	_ =	shalt  }
0x65: {  	_ =	shalt  }
0x66: {  	_ =	shalt  }
0x67: {  	_ =	shalt  }
0x68: {  	_ =	shalt  }
0x69: {  	_ =	shalt  }
0x6a: {  	_ =	shalt  }
0x6b: {  	_ =	shalt  }
0x6c: {  	_ =	shalt  }
0x6d: {  	_ =	shalt  }
0x6e: {  	_ =	shalt  }
0x6f: {  	_ =	shalt  }
0x70: {  	_ =	shalt  }
0x71: {  	_ =	shalt  }
0x72: {  	_ =	shalt  }
0x73: {  	_ =	shalt  }
0x74: {  	_ =	shalt  }
0x75: {  	_ =	shalt  }
0x76: {  	_ =	shalt  }
0x77: {  	_ =	shalt  }
0x78: {  	_ =	shalt  }
0x79: {  	_ =	shalt  }
0x7a: {  	_ =	shalt  }
0x7b: {  	_ =	shalt  }
0x7c: {  	_ =	shalt  }
0x7d: {  	_ =	shalt  }
0x7e: {  	_ =	shalt  }
0x7f: {  	_ =	shalt  }
0x80: {  	_ =	shalt  }
0x81: {  	_ =	shalt  }
0x82: {  	_ =	shalt  }
0x83: {  	_ =	shalt  }
0x84: {  	_ =	shalt  }
0x85: {  	_ =	shalt  }
0x86: {  	_ =	shalt  }
0x87: {  	_ =	shalt  }
.Lfunc_end0:
.L_simem_size_0:
called_computation_lowered:
.L_overlay_start_0:
0x88: {  	s2 =	sld [smem:$0x3FD9]  }
0x89: {  	s3 =	sld [smem:$0x3FFE];
	_ =	sdelay $0x1  }
0x8a: {  	s1 =	srdreg.scid  }
0x8b: {  	s0 =	sand.u32 $0x1, s1  }
0x8c: {  	s17 =	sshll.u32 s0, $0xA;
	s2 =	sadd.s32 s3, s2  }
0x8d: {  	s2 =	sadd.s32 s2, s17  }
0x8e: {  	[smem:$0x3FC2] =	sst s2  }
0x8f: {  	_ = 	snop  }
0x90: {  	s18 =	sld [smem:$0x3FD0];
	(tm) =	ssettm $0x1  }
0x91: {  	s19 =	sld [smem:$0x3FFB];
	_ =	sdelay $0x3  }
0x92: {  	_ =	strace s19  }
0x93: {  	s2 =	sld [smem:$0x3FFC];
	_ =	sdelay $0x3  }
0x94: {  	_ =	strace s2  }
0x95: {  	s2 =	sld [smem:$0x3FFD];
	_ =	sdelay $0x3  }
0x96: {  	_ =	strace s2  }
0x97: {  	_ =	strace $0x8FFFFFFF  }
0x98: {  	s20 =	sld [smem:$0x3FDB];
	_ =	sdelay $0x1  }
0x99: {  	s4 =	simm.s32 $_scs_section_size  }
0x9a: {  	s5 =	simm.s32 $_size__tile_overlayer_lowered;
	s6 =	simm.s32 $_tile_overlayer_lowered  }
0x9b: {  	s7 =	simm.s32 $0x1BFF;
	s21 =	sshll.u32 s6, $0x1;
	s4 =	sadd.s32 s4, s20  }
0x9c: {  	s22 =	simm.s32 $0x0;
	s5 =	sshll.u32 s5, $0x1;
	s6 =	sadd.s32 s21, s4  }
0x9d: {  	[timem:s22], [sflag:s7] =	dma.local [hbm:s6], s5  }
0x9e: {  	_ =	swait.ge [sflag:s7], s5  }
0x9f: {  	s5 =	ssub.s32 $0x0, s5;
	[sflag:s7] =	ssyncset.done $0x0  }
0xa0: {  	[sflag:s7] =	ssyncadd.s32 s5;
	_ =	sdelay $0x1  }
0xa1: {  	s23 =	simm.s32 $0x1B8B  }
0xa2: {  	_ =	swait.ge [sflag:s23], $0x1  }
0xa3: {  	[sflag:s23] =	ssyncset.done $0x0  }
0xa4: {  	[sflag:s23] =	ssyncadd.s32 $0xFFFFFFFF  }
0xa5: {  	s5 =	sld [smem:$0x0]  }
0xa6: {  	s6 =	sand.u32 $0xFFFFFFFE, s1  }
0xa7: {  	p0 =	sne.s32 s1, s6  }
0xa8: {  	s6 =	sshll.u32 @p0 s6, $0xE  }
0xa9: {  	s6 =	sadd.s32 @p0 $0x11B8D, s6;
	s7 =	sshll.u32 @p0 s5, $0x11  }
0xaa: {  	s6 =	sor.u32 @p0 s7, s6  }
0xab: {  	[sflag:s6] =	ssyncadd.remote.s32 @p0 $0x1;
	_ =	sdelay $0x1  }
0xac: {  	s6 =	simm.s32 @p0 $0x1B8D  }
0xad: {  	_ =	swait.eq @p0 [sflag:s6], $0x1  }
0xae: {  	[sflag:s6] =	ssyncadd.s32 @p0 $0xFFFFFFFF  }
0xaf: {  	s7 =	sshll.u32 @!p0 s1, $0xE  }
0xb0: {  	s7 =	sor.u32 @!p0 $0x4000, s7;
	s6 =	simm.s32 @!p0 $0x1B8D  }
0xb1: {  	s5 =	sshll.u32 @!p0 s5, $0x11;
	s7 =	sadd.s32 @!p0 $0x11B8D, s7;
	_ =	swait.eq @!p0 [sflag:s6], $0x1  }
0xb2: {  	s5 =	sor.u32 @!p0 s5, s7;
	[sflag:s6] =	ssyncadd.s32 @!p0 $0xFFFFFFFF  }
0xb3: {  	s25 =	simm.s32 $0x1B8E;
	s24 =	sld [smem:$0x3FFE];
	[sflag:s5] =	ssyncadd.remote.s32 @!p0 $0x1  }
0xb4: {  	s26 =	simm.s32 $execute0_lowered;
	[smem:$0x3FD2] =	sst s25  }
0xb5: {  	s6 =	sshll.u32 s26, $0x1;
	_ =	strace $0x80000049;
	[dreg:$0x1] =	wrdreg $0xFFFFFFFF  }
0xb6: {  	s28 =	simm.s32 $_size_execute0_lowered;
	s4 =	sadd.s32 s4, s6;
	[dreg:$0x0] =	wrdreg $0x0  }
0xb7: {  	s6 =	sshll.u32 s28, $0x1;
	[dreg:$0x2] =	wrdreg s4  }
0xb8: {  	[dreg:$0x3] =	wrdreg s6  }
0xb9: {  	[dreg:$0x4] =	wrdreg $0xC0  }
0xba: {  	_ =	task [dreg:s22], $0x5FFFF  }
0xbb: {  	[dreg:$0x1] =	wrdreg $0xFFFFFFFF  }
0xbc: {  	[dreg:$0x0] =	wrdreg $0x60  }
0xbd: {  	[dreg:$0x2] =	wrdreg s24  }
0xbe: {  	[dreg:$0x3] =	wrdreg s18  }
0xbf: {  	[dreg:$0x4] =	wrdreg $0x44000  }
0xc0: {  	[dreg:$0x5] =	wrdreg $0x9  }
0xc1: {  	_ =	task.clear_ibuf [dreg:s22], $0x6FFFF;
	_ =	strace $0x90000049  }
0xc2: {  	s29 =	simm.s32 $0x9;
	_ =	strace $0x8000004B  }
0xc3: {  	_ =	swait.ge [sflag:s29], $0x1  }
0xc4: {  	[sflag:s29] =	ssyncadd.s32 $0xFFFFFFFF  }
0xc5: {  	_ =	strace $0x9000004B  }
0xc6: {  	_ =	sfence  }
0xc7: {  	s30 =	sld [smem:$0x0];
	_ =	sdelay $0x2  }
0xc8: {  	s31 =	sshll.u32 s1, $0xD;
	s1 =	sshrl.u32 s1, $0x2  }
0xc9: {  	s4 =	sand.u32 $0x4000, s31;
	s1 =	sadd.s32 s1, s30  }
0xca: {  	s0 =	sor.u32 s4, s0;
	s1 =	sshll.u32 s1, $0x11  }
0xcb: {  	s0 =	sor.u32 s1, s0  }
0xcc: {  	s0 =	sadd.s32 $0x8F2B, s0  }
0xcd: {  	[sflag:s0] =	ssyncadd.remote.s32 $0x1  }
0xce: {  	_ =	sfence.sel $0xFFFF  }
0xcf: {  	[dreg:$0x0] =	wrdreg $0xFFFFFFFF;
	(pc) =	sbr.abs _section_cstart, $3  }
0xd0: {  	[dreg:$0x1] =	wrdreg $0xFFFFFFFF  }
0xd1: {  	_ =	task.clear_ibuf [dreg:s22], $0x2FFFF;
	_ =	strace $0x9FFFFFFF  }
0xd2: {  	(tm) =	ssettm $0x7FFFFFFF  }
0xd3: {  	_ =	shalt  }
tec
execute0_lowered:
.L_overlay_start_1:
0x0: {  	(tag) =	ssettag $0x1  }
0x1: {  	s0 =	rddreg [dreg:$0x0]  }
0x2: {  	s1 =	rddreg [dreg:$0x1]  }
0x3: {  	s2 =	rddreg [dreg:$0x2];
	s3 =	simm.s32 $0x0;
	s6 =	srdreg.scid  }
0x4: {  	s20 =	stileid.u32;
	s22 =	simm.s32 $0x80;
	s23 =	simm.s32 $0x100  }
0x5: {  	s28 =	simm.s32 $0x300;
	s29 =	simm.s32 $0x380;
	s30 =	simm.s32 $0x2  }
0x6: {  	s31 =	simm.s32 $0x0;
	[smem:$0x7FF] =	sst s3;
	s7 =	smul.u32 $0x50000, s20  }
0x7: {  	s4 =	sadd.s32 $0x2800, s0;
	s5 =	sadd.s32 $0x16800, s0;
	s10 =	smul.u32 $0x14000, s20  }
0x8: {  	s13 =	sand.u32 $0x1, s6;
	s9 =	sshll.u32 s20, $0x1;
	s20 =	smul.u32 $0x14, s20  }
0x9: {  	s0 =	sadd.s32 $0x67000, s0;
	_ =	strace $0x8000004A;
	s16 =	smul.u32 $0x140000, s13  }
0xa: {  	s6 =	ssub.s32 $0x2, s13;
	s9 =	sor.u32 s13, s9;
	s21 =	smul.u32 $0xA, s13  }
0xb: {  	s8 =	sshrl.u32 s6, $0x1;
	s24 =	sshrl.u32 s7, $0x2;
	s14 =	sadd.s32 $0x4000, s10  }
0xc: {  	s15 =	sadd.s32 $0x8000, s10;
	s18 =	sadd.s32 $0xC000, s10;
	s11 =	smul.u32 $0x500, s9  }
0xd: {  	s19 =	sadd.s32 $0x10000, s10;
	s17 =	ssub.s32 s6, s8;
	s6 =	sadd.s32 s24, s2  }
0xe: {  	s7 =	sadd.s32 s14, s2;
	s8 =	sadd.s32 s15, s2;
	s12 =	sadd.s32 s10, s16  }
0xf: {  	s9 =	sadd.s32 s18, s2;
	s10 =	sadd.s32 s19, s2;
	s14 =	sadd.s32 s16, s14  }
0x10: {  	s15 =	sadd.s32 s16, s15;
	s25 =	sadd.s32 s16, s18;
	s16 =	sadd.s32 s16, s19  }
0x11: {  	s26 =	sadd.s32 s21, s20;
	s19 =	simm.s32 $0x400;
	s20 =	simm.s32 $0x3  }
0x12: {  	s21 =	simm.s32 $0x1;
	s24 =	simm.s32 $0x180;
	s12 =	sshrl.u32 s12, $0x3  }
0x13: {  	s11 =	sadd.s32 s4, s11;
	s14 =	sshrl.u32 s14, $0x3;
	s15 =	sshrl.u32 s15, $0x3  }
0x14: {  	s16 =	sshrl.u32 s16, $0x3;
	s18 =	sshll.u32 s26, $0x7;
	s17 =	smax.u32 s17, $0x1  }
0x15: {  	s26 =	simm.s32 $0x280;
	s12 =	sadd.s32 s0, s12;
	s13 =	sadd.s32 s0, s14  }
0x16: {  	s14 =	sadd.s32 s0, s15;
	s15 =	sshrl.u32 s25, $0x3;
	s16 =	sadd.s32 s0, s16  }
0x17: {  	s18 =	sadd.s32 s18, s4;
	s25 =	simm.s32 $0x200;
	s15 =	sadd.s32 s0, s15  }
.LBB2_1:
0x18: {  	[tilespmem:s19], [sflag:$0x3] =	stream.linear.gather [hbm4b:s5+s3], $0x4000, $0x38;
	[tilespmem:$0x18400] =	vst v63  }
0x19: {  	_ =	swait.ge [sflag:s20], $0x4000  }
0x1a: {  	[sflag:s20] =	ssyncset.done $0x0  }
0x1b: {  	[sflag:s20] =	ssyncadd.s32 $0xFFFFC000  }
0x1c: {  	[spmem:s6] =	stream.linear.scatter [tilespmem:s19], [sflag:$0x3], $0x4000, $0x38;
	[tilespmem:$0x18400] =	vst v63  }
0x1d: {  	_ =	swait.ge [sflag:s20], $0x4000  }
0x1e: {  	[sflag:s20] =	ssyncset.done $0x0  }
0x1f: {  	[sflag:s20] =	ssyncadd.s32 $0xFFFFC000  }
0x20: {  	[spmem:s7] =	stream.linear.scatter [tilespmem:s19], [sflag:$0x3], $0x4000, $0x38;
	[tilespmem:$0x18400] =	vst v63  }
0x21: {  	_ =	swait.ge [sflag:s20], $0x4000  }
0x22: {  	[sflag:s20] =	ssyncset.done $0x0  }
0x23: {  	[sflag:s20] =	ssyncadd.s32 $0xFFFFC000  }
0x24: {  	[spmem:s8] =	stream.linear.scatter [tilespmem:s19], [sflag:$0x3], $0x4000, $0x38;
	[tilespmem:$0x18400] =	vst v63  }
0x25: {  	_ =	swait.ge [sflag:s20], $0x4000  }
0x26: {  	[sflag:s20] =	ssyncset.done $0x0  }
0x27: {  	[sflag:s20] =	ssyncadd.s32 $0xFFFFC000  }
0x28: {  	[spmem:s9] =	stream.linear.scatter [tilespmem:s19], [sflag:$0x3], $0x4000, $0x38;
	[tilespmem:$0x18400] =	vst v63  }
0x29: {  	_ =	swait.ge [sflag:s20], $0x4000  }
0x2a: {  	[sflag:s20] =	ssyncset.done $0x0  }
0x2b: {  	[sflag:s20] =	ssyncadd.s32 $0xFFFFC000  }
0x2c: {  	[spmem:s10] =	stream.linear.scatter [tilespmem:s19], [sflag:$0x3], $0x4000, $0x38;
	[tilespmem:$0x18400] =	vst v63  }
0x2d: {  	_ =	swait.ge [sflag:s20], $0x4000  }
0x2e: {  	[sflag:s20] =	ssyncset.done $0x0  }
0x2f: {  	[sflag:s20] =	ssyncadd.s32 $0xFFFFC000  }
0x30: {  	[bflag:$0x0] =	sbarrier.arrive $0xFFFF  }
0x31: {  	[tilespmem:s19], [sflag:$0x3] =	stream.linear.gather [hbm4b:s1+s3], $0x4000, $0x38;
	[tilespmem:$0x18400] =	vst v63  }
0x32: {  	_ =	swait.ge [sflag:s20], $0x4000  }
0x33: {  	[sflag:s20] =	ssyncset.done $0x0  }
0x34: {  	[sflag:s20] =	ssyncadd.s32 $0xFFFFC000  }
0x35: {  	[tilespmem:s3], [sflag:$0x1] =	stream.linear.gather [hbm4b:s11+s3], $0x400, $0x38;
	[tilespmem:$0x18400] =	vst v63  }
0x36: {  	_ =	swait.ge [sflag:s21], $0x400  }
0x37: {  	[sflag:s21] =	ssyncset.done $0x0  }
0x38: {  	[sflag:s21] =	ssyncadd.s32 $0xFFFFFC00  }
0x39: {  	[spmem:s2] =	stream.indirect.scatter.add.f32 [tilespmem:s19], [sflag:$0x2], $0x80, s3, s22, $0xb8;
	[tilespmem:$0x18400] =	vst v63  }
0x3a: {  	_ = 	snop  }
0x3b: {  	[spmem:s2] =	stream.indirect.scatter.add.f32 [tilespmem:s19], [sflag:$0x2], $0x80, s22, s22, $0xb8;
	[tilespmem:$0x18400] =	vst v63  }
0x3c: {  	_ = 	snop  }
0x3d: {  	[spmem:s2] =	stream.indirect.scatter.add.f32 [tilespmem:s19], [sflag:$0x2], $0x80, s23, s22, $0xb8;
	[tilespmem:$0x18400] =	vst v63  }
0x3e: {  	_ = 	snop  }
0x3f: {  	[spmem:s2] =	stream.indirect.scatter.add.f32 [tilespmem:s19], [sflag:$0x2], $0x80, s24, s22, $0xb8;
	[tilespmem:$0x18400] =	vst v63  }
0x40: {  	_ = 	snop  }
0x41: {  	[spmem:s2] =	stream.indirect.scatter.add.f32 [tilespmem:s19], [sflag:$0x2], $0x80, s25, s22, $0xb8;
	[tilespmem:$0x18400] =	vst v63  }
0x42: {  	_ = 	snop  }
0x43: {  	[spmem:s2] =	stream.indirect.scatter.add.f32 [tilespmem:s19], [sflag:$0x2], $0x80, s26, s22, $0xb8;
	[tilespmem:$0x18400] =	vst v63  }
0x44: {  	_ = 	snop  }
0x45: {  	[spmem:s2] =	stream.indirect.scatter.add.f32 [tilespmem:s19], [sflag:$0x2], $0x80, s28, s22, $0xb8;
	[tilespmem:$0x18400] =	vst v63  }
0x46: {  	_ = 	snop  }
0x47: {  	[spmem:s2] =	stream.indirect.scatter.add.f32 [tilespmem:s19], [sflag:$0x2], $0x80, s29, s22, $0xb8;
	[tilespmem:$0x18400] =	vst v63  }
0x48: {  	_ =	swait.ge [sflag:s30], $0x4000  }
0x49: {  	[sflag:s30] =	ssyncset.done $0x0  }
0x4a: {  	[sflag:s30] =	ssyncadd.s32 $0xFFFFC000  }
0x4b: {  	_ =	swait.ge [sflag:s30], $0x4000  }
0x4c: {  	[sflag:s30] =	ssyncset.done $0x0  }
0x4d: {  	[sflag:s30] =	ssyncadd.s32 $0xFFFFC000  }
0x4e: {  	_ =	swait.ge [sflag:s30], $0x4000  }
0x4f: {  	[sflag:s30] =	ssyncset.done $0x0  }
0x50: {  	[sflag:s30] =	ssyncadd.s32 $0xFFFFC000  }
0x51: {  	_ =	swait.ge [sflag:s30], $0x4000  }
0x52: {  	[sflag:s30] =	ssyncset.done $0x0  }
0x53: {  	[sflag:s30] =	ssyncadd.s32 $0xFFFFC000  }
0x54: {  	_ =	swait.ge [sflag:s30], $0x4000  }
0x55: {  	[sflag:s30] =	ssyncset.done $0x0  }
0x56: {  	[sflag:s30] =	ssyncadd.s32 $0xFFFFC000  }
0x57: {  	_ =	swait.ge [sflag:s30], $0x4000  }
0x58: {  	[sflag:s30] =	ssyncset.done $0x0  }
0x59: {  	[sflag:s30] =	ssyncadd.s32 $0xFFFFC000  }
0x5a: {  	_ =	swait.ge [sflag:s30], $0x4000  }
0x5b: {  	[sflag:s30] =	ssyncset.done $0x0  }
0x5c: {  	[sflag:s30] =	ssyncadd.s32 $0xFFFFC000  }
0x5d: {  	_ =	swait.ge [sflag:s30], $0x4000  }
0x5e: {  	[sflag:s30] =	ssyncset.done $0x0  }
0x5f: {  	s0 =	simm.s32 $0x100;
	s4 =	sadd.s32 $0x80, s18;
	[sflag:s30] =	ssyncadd.s32 $0xFFFFC000  }
.LBB2_2:
0x60: {  	[tilespmem:s3], [sflag:$0x1] =	stream.linear.gather [hbm4b:s4+s3], $0x400, $0x38;
	[tilespmem:$0x18400] =	vst v63  }
0x61: {  	s4 =	smov.u32 s0  }
0x62: {  	p0 =	sne.s32 s0, $0x480;
	s0 =	sadd.s32 $0x80, s0;
	_ =	swait.ge [sflag:s21], $0x400  }
0x63: {  	[sflag:s21] =	ssyncset.done $0x0  }
0x64: {  	[sflag:s21] =	ssyncadd.s32 $0xFFFFFC00  }
0x65: {  	[spmem:s2] =	stream.indirect.scatter.add.f32 [tilespmem:s19], [sflag:$0x2], $0x80, s3, s22, $0xb8;
	[tilespmem:$0x18400] =	vst v63  }
0x66: {  	_ = 	snop  }
0x67: {  	[spmem:s2] =	stream.indirect.scatter.add.f32 [tilespmem:s19], [sflag:$0x2], $0x80, s22, s22, $0xb8;
	[tilespmem:$0x18400] =	vst v63  }
0x68: {  	_ = 	snop  }
0x69: {  	[spmem:s2] =	stream.indirect.scatter.add.f32 [tilespmem:s19], [sflag:$0x2], $0x80, s23, s22, $0xb8;
	[tilespmem:$0x18400] =	vst v63  }
0x6a: {  	_ = 	snop  }
0x6b: {  	[spmem:s2] =	stream.indirect.scatter.add.f32 [tilespmem:s19], [sflag:$0x2], $0x80, s24, s22, $0xb8;
	[tilespmem:$0x18400] =	vst v63  }
0x6c: {  	_ = 	snop  }
0x6d: {  	[spmem:s2] =	stream.indirect.scatter.add.f32 [tilespmem:s19], [sflag:$0x2], $0x80, s25, s22, $0xb8;
	[tilespmem:$0x18400] =	vst v63  }
0x6e: {  	_ = 	snop  }
0x6f: {  	[spmem:s2] =	stream.indirect.scatter.add.f32 [tilespmem:s19], [sflag:$0x2], $0x80, s26, s22, $0xb8;
	[tilespmem:$0x18400] =	vst v63  }
0x70: {  	_ = 	snop  }
0x71: {  	[spmem:s2] =	stream.indirect.scatter.add.f32 [tilespmem:s19], [sflag:$0x2], $0x80, s28, s22, $0xb8;
	[tilespmem:$0x18400] =	vst v63  }
0x72: {  	_ = 	snop  }
0x73: {  	[spmem:s2] =	stream.indirect.scatter.add.f32 [tilespmem:s19], [sflag:$0x2], $0x80, s29, s22, $0xb8;
	[tilespmem:$0x18400] =	vst v63  }
0x74: {  	_ =	swait.ge [sflag:s30], $0x4000  }
0x75: {  	[sflag:s30] =	ssyncset.done $0x0  }
0x76: {  	[sflag:s30] =	ssyncadd.s32 $0xFFFFC000  }
0x77: {  	_ =	swait.ge [sflag:s30], $0x4000  }
0x78: {  	[sflag:s30] =	ssyncset.done $0x0  }
0x79: {  	[sflag:s30] =	ssyncadd.s32 $0xFFFFC000  }
0x7a: {  	_ =	swait.ge [sflag:s30], $0x4000  }
0x7b: {  	[sflag:s30] =	ssyncset.done $0x0  }
0x7c: {  	[sflag:s30] =	ssyncadd.s32 $0xFFFFC000  }
0x7d: {  	_ =	swait.ge [sflag:s30], $0x4000  }
0x7e: {  	[sflag:s30] =	ssyncset.done $0x0  }
0x7f: {  	[sflag:s30] =	ssyncadd.s32 $0xFFFFC000  }
0x80: {  	_ =	swait.ge [sflag:s30], $0x4000  }
0x81: {  	[sflag:s30] =	ssyncset.done $0x0  }
0x82: {  	[sflag:s30] =	ssyncadd.s32 $0xFFFFC000  }
0x83: {  	_ =	swait.ge [sflag:s30], $0x4000  }
0x84: {  	[sflag:s30] =	ssyncset.done $0x0  }
0x85: {  	[sflag:s30] =	ssyncadd.s32 $0xFFFFC000  }
0x86: {  	_ =	swait.ge [sflag:s30], $0x4000  }
.Ltmp0:
0x87: {  	[sflag:s30] =	ssyncset.done $0x0;
	(pc) =	sbr.rel @p0 .LBB2_2-.Ltmp0, $4  }
0x88: {  	[sflag:s30] =	ssyncadd.s32 $0xFFFFC000  }
0x89: {  	_ =	swait.ge [sflag:s30], $0x4000  }
0x8a: {  	[sflag:s30] =	ssyncset.done $0x0  }
0x8b: {  	s4 =	sadd.s32 s4, s18;
	[sflag:s30] =	ssyncadd.s32 $0xFFFFC000  }
0x8c: {  	[tilespmem:s3], [sflag:$0x1] =	stream.linear.gather [hbm4b:s4+s3], $0x400, $0x38;
	[tilespmem:$0x18400] =	vst v63  }
0x8d: {  	_ =	swait.ge [sflag:s21], $0x400  }
0x8e: {  	[sflag:s21] =	ssyncset.done $0x0  }
0x8f: {  	[sflag:s21] =	ssyncadd.s32 $0xFFFFFC00  }
0x90: {  	[spmem:s2] =	stream.indirect.scatter.add.f32 [tilespmem:s19], [sflag:$0x2], $0x80, s3, s22, $0xb8;
	[tilespmem:$0x18400] =	vst v63  }
0x91: {  	_ = 	snop  }
0x92: {  	[spmem:s2] =	stream.indirect.scatter.add.f32 [tilespmem:s19], [sflag:$0x2], $0x80, s22, s22, $0xb8;
	[tilespmem:$0x18400] =	vst v63  }
0x93: {  	_ = 	snop  }
0x94: {  	[spmem:s2] =	stream.indirect.scatter.add.f32 [tilespmem:s19], [sflag:$0x2], $0x80, s23, s22, $0xb8;
	[tilespmem:$0x18400] =	vst v63  }
0x95: {  	_ = 	snop  }
0x96: {  	[spmem:s2] =	stream.indirect.scatter.add.f32 [tilespmem:s19], [sflag:$0x2], $0x80, s24, s22, $0xb8;
	[tilespmem:$0x18400] =	vst v63  }
0x97: {  	_ = 	snop  }
0x98: {  	[spmem:s2] =	stream.indirect.scatter.add.f32 [tilespmem:s19], [sflag:$0x2], $0x80, s25, s22, $0xb8;
	[tilespmem:$0x18400] =	vst v63  }
0x99: {  	_ = 	snop  }
0x9a: {  	[spmem:s2] =	stream.indirect.scatter.add.f32 [tilespmem:s19], [sflag:$0x2], $0x80, s26, s22, $0xb8;
	[tilespmem:$0x18400] =	vst v63  }
0x9b: {  	_ = 	snop  }
0x9c: {  	[spmem:s2] =	stream.indirect.scatter.add.f32 [tilespmem:s19], [sflag:$0x2], $0x80, s28, s22, $0xb8;
	[tilespmem:$0x18400] =	vst v63  }
0x9d: {  	_ = 	snop  }
0x9e: {  	[spmem:s2] =	stream.indirect.scatter.add.f32 [tilespmem:s19], [sflag:$0x2], $0x80, s29, s22, $0xb8;
	[tilespmem:$0x18400] =	vst v63  }
0x9f: {  	_ =	swait.ge [sflag:s30], $0x4000  }
0xa0: {  	[sflag:s30] =	ssyncset.done $0x0  }
0xa1: {  	[sflag:s30] =	ssyncadd.s32 $0xFFFFC000  }
0xa2: {  	_ =	swait.ge [sflag:s30], $0x4000  }
0xa3: {  	[sflag:s30] =	ssyncset.done $0x0  }
0xa4: {  	[sflag:s30] =	ssyncadd.s32 $0xFFFFC000  }
0xa5: {  	_ =	swait.ge [sflag:s30], $0x4000  }
0xa6: {  	[sflag:s30] =	ssyncset.done $0x0  }
0xa7: {  	[sflag:s30] =	ssyncadd.s32 $0xFFFFC000  }
0xa8: {  	_ =	swait.ge [sflag:s30], $0x4000  }
0xa9: {  	[sflag:s30] =	ssyncset.done $0x0  }
0xaa: {  	[sflag:s30] =	ssyncadd.s32 $0xFFFFC000  }
0xab: {  	_ =	swait.ge [sflag:s30], $0x4000  }
0xac: {  	[sflag:s30] =	ssyncset.done $0x0  }
0xad: {  	[sflag:s30] =	ssyncadd.s32 $0xFFFFC000  }
0xae: {  	_ =	swait.ge [sflag:s30], $0x4000  }
0xaf: {  	[sflag:s30] =	ssyncset.done $0x0  }
0xb0: {  	[sflag:s30] =	ssyncadd.s32 $0xFFFFC000  }
0xb1: {  	_ =	swait.ge [sflag:s30], $0x4000  }
0xb2: {  	[sflag:s30] =	ssyncset.done $0x0  }
0xb3: {  	[sflag:s30] =	ssyncadd.s32 $0xFFFFC000  }
0xb4: {  	_ =	swait.ge [sflag:s30], $0x4000  }
0xb5: {  	[sflag:s30] =	ssyncset.done $0x0  }
0xb6: {  	[sflag:s30] =	ssyncadd.s32 $0xFFFFC000  }
0xb7: {  	[bflag:$0x0] =	sbarrier.arrive $0xFFFF  }
0xb8: {  	[tilespmem:s19], [sflag:$0x3] =	stream.linear.gather [spmem:s6], $0x4000, $0x38;
	[tilespmem:$0x18400] =	vst v63  }
0xb9: {  	_ =	swait.ge [sflag:s20], $0x4000  }
0xba: {  	[sflag:s20] =	ssyncset.done $0x0  }
0xbb: {  	[sflag:s20] =	ssyncadd.s32 $0xFFFFC000  }
0xbc: {  	[hbm4b:s12+s3] =	stream.linear.scatter [tilespmem:s19], [sflag:$0x3], $0x4000, $0x38;
	[tilespmem:$0x18400] =	vst v63  }
0xbd: {  	_ =	swait.ge [sflag:s20], $0x4000  }
0xbe: {  	[sflag:s20] =	ssyncset.done $0x0  }
0xbf: {  	[sflag:s20] =	ssyncadd.s32 $0xFFFFC000  }
0xc0: {  	[tilespmem:s19], [sflag:$0x3] =	stream.linear.gather [spmem:s7], $0x4000, $0x38;
	[tilespmem:$0x18400] =	vst v63  }
0xc1: {  	_ =	swait.ge [sflag:s20], $0x4000  }
0xc2: {  	[sflag:s20] =	ssyncset.done $0x0  }
0xc3: {  	[sflag:s20] =	ssyncadd.s32 $0xFFFFC000  }
0xc4: {  	[hbm4b:s13+s3] =	stream.linear.scatter [tilespmem:s19], [sflag:$0x3], $0x4000, $0x38;
	[tilespmem:$0x18400] =	vst v63  }
0xc5: {  	_ =	swait.ge [sflag:s20], $0x4000  }
0xc6: {  	[sflag:s20] =	ssyncset.done $0x0  }
0xc7: {  	[sflag:s20] =	ssyncadd.s32 $0xFFFFC000  }
0xc8: {  	[tilespmem:s19], [sflag:$0x3] =	stream.linear.gather [spmem:s8], $0x4000, $0x38;
	[tilespmem:$0x18400] =	vst v63  }
0xc9: {  	_ =	swait.ge [sflag:s20], $0x4000  }
0xca: {  	[sflag:s20] =	ssyncset.done $0x0  }
0xcb: {  	[sflag:s20] =	ssyncadd.s32 $0xFFFFC000  }
0xcc: {  	[hbm4b:s14+s3] =	stream.linear.scatter [tilespmem:s19], [sflag:$0x3], $0x4000, $0x38;
	[tilespmem:$0x18400] =	vst v63  }
0xcd: {  	_ =	swait.ge [sflag:s20], $0x4000  }
0xce: {  	[sflag:s20] =	ssyncset.done $0x0  }
0xcf: {  	[sflag:s20] =	ssyncadd.s32 $0xFFFFC000  }
0xd0: {  	[tilespmem:s19], [sflag:$0x3] =	stream.linear.gather [spmem:s9], $0x4000, $0x38;
	[tilespmem:$0x18400] =	vst v63  }
0xd1: {  	_ =	swait.ge [sflag:s20], $0x4000  }
0xd2: {  	[sflag:s20] =	ssyncset.done $0x0  }
0xd3: {  	[sflag:s20] =	ssyncadd.s32 $0xFFFFC000  }
0xd4: {  	[hbm4b:s15+s3] =	stream.linear.scatter [tilespmem:s19], [sflag:$0x3], $0x4000, $0x38;
	[tilespmem:$0x18400] =	vst v63  }
0xd5: {  	_ =	swait.ge [sflag:s20], $0x4000  }
0xd6: {  	[sflag:s20] =	ssyncset.done $0x0  }
0xd7: {  	[sflag:s20] =	ssyncadd.s32 $0xFFFFC000  }
0xd8: {  	[tilespmem:s19], [sflag:$0x3] =	stream.linear.gather [spmem:s10], $0x4000, $0x38;
	[tilespmem:$0x18400] =	vst v63  }
0xd9: {  	s31 =	sadd.s32 $0x1, s31;
	_ =	swait.ge [sflag:s20], $0x4000  }
0xda: {  	p0 =	sne.s32 s31, s17;
	[sflag:s20] =	ssyncset.done $0x0  }
.Ltmp1:
0xdb: {  	[sflag:s20] =	ssyncadd.s32 $0xFFFFC000;
	(pc) =	sbr.rel @p0 .LBB2_1-.Ltmp1, $4  }
0xdc: {  	[hbm4b:s16+s3] =	stream.linear.scatter [tilespmem:s19], [sflag:$0x3], $0x4000, $0x38;
	[tilespmem:$0x18400] =	vst v63  }
0xdd: {  	_ =	swait.ge [sflag:s20], $0x4000  }
0xde: {  	[sflag:s20] =	ssyncset.done $0x0  }
0xdf: {  	[sflag:s20] =	ssyncadd.s32 $0xFFFFC000  }
0xe0: {  	_ =	sfence.sel $0x180000  }
0xe1: {  	[bflag:$0x0] =	sbarrier.arrive $0xFFFF  }
0xe2: {  	_ =	strace $0x9000004A  }
0xe3: {  	s0 =	stileid.u32;
	[bflag:$0x2] =	sbarrier.arrive $0xFFFF  }
0xe4: {  	p0 =	sne.s32 s0, $0x0;
	s0 =	rddreg [dreg:$0x3]  }
0xe5: {  	s0 =	sadd.s32 @!p0 $0x100000, s0  }
0xe6: {  	[sflag:s0] =	ssyncadd.tile.s32 @!p0 $0x1;
	_ =	shalt  }
.Lfunc_end2:
_tile_overlayer_lowered:
.L_overlay_start_2:
0xe7: {  	(tag) =	ssettag $0x2  }
0xe8: {  	s0 =	rddreg [dreg:$0x0];
	s2 =	stileid.u32  }
0xe9: {  	s1 =	rddreg [dreg:$0x1];
	p0 =	sne.s32 s2, $0x0  }
0xea: {  	s3 =	rddreg [dreg:$0x2];
	[bflag:$0x3] =	sbarrier.arrive $0xFFFF;
	s2 =	simm.s32 @!p0 $0x1C03  }
0xeb: {  	[timem:s3], [sflag:s2] =	dma.local @!p0 [hbm:s0], s1  }
0xec: {  	s0 =	simm.s32 @!p0 $0x3  }
0xed: {  	_ =	swait.ge @!p0 [sflag:s0], s1  }
0xee: {  	s1 =	ssub.s32 @!p0 $0x0, s1;
	[sflag:s0] =	ssyncset.done @!p0 $0x0  }
0xef: {  	[sflag:s0] =	ssyncadd.s32 @!p0 s1  }
0xf0: {  	[bflag:$0x3] =	sbarrier.arrive $0xFFFF  }
0xf1: {  	_ =	shalt  }

</sc_bundles>
